<compile_context>
chip_gen: v7x
topology: tpu7x:2x2x1
jax: 0.10.2.dev20260603
libtpu: 0.0.44.dev20260713+nightly
codegen_flags: <defaults>
</compile_context>

<pallas_src>
import functools
import jax
import jax.numpy as jnp
from jax import lax
from jax.experimental import pallas as pl
from jax.experimental.pallas import tpu as pltpu
from jax.experimental.pallas import tpu_sc as plsc

N = 10000
E = 320000
F = 128
H = 4
HF = 512
D_EDGE = 16
EHAT = E + N
EP = 335872
KCH = 64
TPW_A = EP // 32
TPW_E = EP // 16
NCH_E = TPW_E // KCH
SEG_C = 256
NSEG_C = TPW_A // SEG_C
SEG_E = 512
NSEG_E = TPW_E // SEG_E
NB = 10240
EBLK = 512
NBLK = 400

_mesh = plsc.VectorSubcoreMesh(core_axis_name="c", subcore_axis_name="s")



def _k1_body(x_ref, eW_ref, eb_ref, elnw_ref, elnb_ref, Wl_ref, bl_ref,
             Wr_ref, br_ref, h0_ref, xl_ref, xr_ref, xlb_ref, xrb_ref):
    x = x_ref[...]
    h = jnp.dot(x, eW_ref[...], preferred_element_type=jnp.float32) + eb_ref[...]
    m = jnp.mean(h, axis=-1, keepdims=True)
    v = jnp.mean((h - m) ** 2, axis=-1, keepdims=True)
    h = (h - m) * lax.rsqrt(v + 1e-5) * elnw_ref[...] + elnb_ref[...]
    h0 = jnp.maximum(h, 0.0)
    h0_ref[...] = h0
    xl = jnp.dot(h0, Wl_ref[...], preferred_element_type=jnp.float32) + bl_ref[...]
    xr = jnp.dot(h0, Wr_ref[...], preferred_element_type=jnp.float32) + br_ref[...]
    xl_ref[...] = xl
    xr_ref[...] = xr
    def tobf(xf):
        u = lax.bitcast_convert_type(xf, jnp.uint32)
        return (u + jnp.uint32(0x8000)) >> 16

    def pack(r):
        w = (r[:, HF // 2:] << 16) | r[:, : HF // 2]
        return lax.bitcast_convert_type(w, jnp.int32)

    xlb_ref[...] = pack(tobf(xl))
    xrb_ref[...] = pack(tobf(xr))


def _pre(x, embed_W, embed_b, embed_ln_w, embed_ln_b, Wl, bl, Wr, br):
    row = lambda i: (i, 0)
    fixed = lambda i: (0, 0)
    return pl.pallas_call(
        _k1_body,
        grid=(N // NBLK,),
        in_specs=[
            pl.BlockSpec((NBLK, F), row),
            pl.BlockSpec((F, F), fixed),
            pl.BlockSpec((1, F), fixed),
            pl.BlockSpec((1, F), fixed),
            pl.BlockSpec((1, F), fixed),
            pl.BlockSpec((F, HF), fixed),
            pl.BlockSpec((1, HF), fixed),
            pl.BlockSpec((F, HF), fixed),
            pl.BlockSpec((1, HF), fixed),
        ],
        out_specs=[
            pl.BlockSpec((NBLK, F), row),
            pl.BlockSpec((NBLK, HF), row),
            pl.BlockSpec((NBLK, HF), row),
            pl.BlockSpec((NBLK, HF // 2), lambda i: (i, 0)),
            pl.BlockSpec((NBLK, HF // 2), lambda i: (i, 0)),
        ],
        out_shape=[
            jax.ShapeDtypeStruct((N, F), jnp.float32),
            jax.ShapeDtypeStruct((N, HF), jnp.float32),
            jax.ShapeDtypeStruct((N, HF), jnp.float32),
            jax.ShapeDtypeStruct((N, HF // 2), jnp.int32),
            jax.ShapeDtypeStruct((N, HF // 2), jnp.int32),
        ],
    )(x, embed_W, embed_b.reshape(1, F), embed_ln_w.reshape(1, F),
      embed_ln_b.reshape(1, F), Wl, bl.reshape(1, HF), Wr, br.reshape(1, HF))



KA = 64
NCHA = TPW_A // KA
HW = HF // 2

@functools.partial(
    pl.kernel, mesh=_mesh,
    compiler_params=pltpu.CompilerParams(needs_layout_passes=False),
    out_type=jax.ShapeDtypeStruct((EP, HW), jnp.int32),
    scratch_types=[
        pltpu.VMEM((TPW_A,), jnp.int32),
        pltpu.VMEM((TPW_A,), jnp.int32),
        pltpu.VMEM((KA, HW), jnp.int32),
        pltpu.VMEM((KA, HW), jnp.int32),
        pltpu.SemaphoreType.DMA,
        pltpu.SemaphoreType.DMA,
    ],
)
def _sc_gsum(xlb_hbm, xrb_hbm, src_hbm, dst_hbm, out_hbm,
             src_v, dst_v, bufL, bufR, sem1, sem2):
    wid = lax.axis_index("s") * 2 + lax.axis_index("c")
    base = wid * TPW_A
    pltpu.sync_copy(src_hbm.at[pl.ds(base, TPW_A)], src_v)
    pltpu.sync_copy(dst_hbm.at[pl.ds(base, TPW_A)], dst_v)

    def chunk(i, carry):
        cpL = pltpu.async_copy(
            xlb_hbm.at[src_v.at[pl.ds(i * KA, KA)]], bufL, sem1)
        cpR = pltpu.async_copy(
            xrb_hbm.at[dst_v.at[pl.ds(i * KA, KA)]], bufR, sem2)
        cpL.wait()
        cpR.wait()

        def addrow(k, c2):
            for q in range(HW // 16):
                sq = pl.ds(q * 16, 16)
                a = plsc.bitcast(bufL[k, sq], jnp.bfloat16)
                b = plsc.bitcast(bufR[k, sq], jnp.bfloat16)
                bufL[k, sq] = plsc.bitcast(a + b, jnp.int32)
            return c2
        lax.fori_loop(0, KA, addrow, 0)
        pltpu.sync_copy(bufL, out_hbm.at[pl.ds(base + i * KA, KA), :])
        return carry

    lax.fori_loop(0, NCHA, chunk, 0)



def _k3_body(gs_ref, ea_ref, We_ref, att8_ref, ex_ref):
    i = pl.program_id(0)
    w = lax.bitcast_convert_type(gs_ref[...], jnp.uint32)
    f_lo = lax.bitcast_convert_type(w << 16, jnp.float32)
    f_hi = lax.bitcast_convert_type(w & jnp.uint32(0xFFFF0000), jnp.float32)
    gs = jnp.concatenate([f_lo, f_hi], axis=1)
    z = gs + jnp.dot(ea_ref[...], We_ref[...],
                     preferred_element_type=jnp.float32)
    zl = jnp.maximum(z, 0.2 * z)
    alphaT = lax.dot_general(att8_ref[...], zl, (((1,), (1,)), ((), ())),
                             preferred_element_type=jnp.float32)
    pos = i * EBLK + lax.broadcasted_iota(jnp.int32, (8, EBLK), 1)
    hrow = lax.broadcasted_iota(jnp.int32, (8, EBLK), 0)
    valid = (pos < EHAT) & (hrow < H)
    ex_ref[0] = jnp.where(valid, jnp.exp(alphaT), 0.0)


def _edge_alpha(gsum, eap, We, att8):
    fixed = lambda i: (0, 0)
    return pl.pallas_call(
        _k3_body,
        grid=(EP // EBLK,),
        in_specs=[
            pl.BlockSpec((EBLK, HF // 2), lambda i: (i, 0)),
            pl.BlockSpec((EBLK, D_EDGE), lambda i: (i, 0)),
            pl.BlockSpec((D_EDGE, HF), fixed),
            pl.BlockSpec((8, HF), fixed),
        ],
        out_specs=pl.BlockSpec((1, 8, EBLK), lambda i: (0, 0, i)),
        out_shape=jax.ShapeDtypeStruct((1, 8, EP), jnp.float32),
    )(gsum, eap, We, att8)



@functools.partial(
    pl.kernel, mesh=_mesh,
    compiler_params=pltpu.CompilerParams(needs_layout_passes=False),
    out_type=jax.ShapeDtypeStruct((2, 1, H * NB), jnp.float32),
    scratch_types=[
        pltpu.VMEM((H * NB,), jnp.float32),
        pltpu.VMEM((TPW_A,), jnp.int32),
        pltpu.VMEM((H, SEG_C), jnp.float32),
        pltpu.VMEM((H * NB // 16,), jnp.float32),
        pltpu.VMEM((H * NB // 16,), jnp.float32),
        pltpu.VMEM_SHARED((16, H * NB), jnp.float32),
        pltpu.SemaphoreType.DMA,
    ],
)
def _sc_den(dst_hbm, ex_hbm, den_hbm, bins, dst_v, exs, acc, tmp, shared, sem):
    cid = lax.axis_index("c")
    sid = lax.axis_index("s")
    wid = sid * 2 + cid
    base = wid * TPW_A
    pltpu.sync_copy(dst_hbm.at[pl.ds(base, TPW_A)], dst_v)

    zeros16 = jnp.zeros((16,), jnp.float32)

    def zero(i, c):
        bins[pl.ds(i * 16, 16)] = zeros16
        return c
    lax.fori_loop(0, H * NB // 16, zero, 0)

    def seg(t, c):
        for h in range(H):
            pltpu.sync_copy(ex_hbm.at[0, h, pl.ds(base + t * SEG_C, SEG_C)],
                            exs.at[h])

        def grp(g, c2):
            idx = dst_v[pl.ds(t * SEG_C + g * 16, 16)]
            for h in range(H):
                vals = exs[h, pl.ds(g * 16, 16)]
                plsc.addupdate_scatter(bins, [idx + (h * NB)], vals)
            return c2
        lax.fori_loop(0, SEG_C // 16, grp, 0)
        return c
    lax.fori_loop(0, NSEG_C, seg, 0)

    pltpu.sync_copy(bins, shared.at[sid])
    plsc.subcore_barrier()
    W = H * NB // 16
    pltpu.sync_copy(shared.at[0, pl.ds(sid * W, W)], acc)
    for p in range(1, 16):
        pltpu.sync_copy(shared.at[p, pl.ds(sid * W, W)], tmp)

        def addv(i, c):
            s_ = pl.ds(i * 16, 16)
            acc[s_] = acc[s_] + tmp[s_]
            return c
        lax.fori_loop(0, W // 16, addv, 0)
    pltpu.sync_copy(acc, den_hbm.at[cid, 0, pl.ds(sid * W, W)])



N2 = 10240
CPS = SEG_E // KCH
NPAIR_E = CPS // 2

@functools.partial(
    pl.kernel, mesh=_mesh,
    compiler_params=pltpu.CompilerParams(needs_layout_passes=False),
    out_type=jax.ShapeDtypeStruct((H, N2, F), jnp.float32),
    scratch_types=[
        pltpu.VMEM((CPS, KCH), jnp.int32),
        pltpu.VMEM((CPS, KCH), jnp.int32),
        pltpu.VMEM((SEG_E,), jnp.float32),
        pltpu.VMEM((NB,), jnp.float32),
        pltpu.VMEM((NB,), jnp.float32),
        pltpu.VMEM((KCH, F), jnp.float32),
        pltpu.VMEM((KCH, F), jnp.float32),
        pltpu.VMEM_SHARED((N2, F), jnp.float32),
        pltpu.SemaphoreType.DMA,
        pltpu.SemaphoreType.DMA,
        pltpu.SemaphoreType.DMA,
        pltpu.SemaphoreType.DMA,
    ],
)
def _sc_msg(xlT_hbm, src2_hbm, dst2_hbm, ex_hbm, den_hbm, out_hbm,
            src_v, dst_v, wts, den_v, dtmp, rows0, rows1, bins,
            sg0, sg1, ss0, ss1):
    cid = lax.axis_index("c")
    sid = lax.axis_index("s")

    rowbase = sid * NCH_E
    exbase = sid * TPW_E

    zeros16 = jnp.zeros((16,), jnp.float32)

    for p in range(2):
        h = cid * 2 + p
        pltpu.sync_copy(den_hbm.at[0, 0, pl.ds(h * NB, NB)], den_v)
        pltpu.sync_copy(den_hbm.at[1, 0, pl.ds(h * NB, NB)], dtmp)

        def addden(i, c):
            s_ = pl.ds(i * 16, 16)
            den_v[s_] = den_v[s_] + dtmp[s_] + 1e-16
            return c
        lax.fori_loop(0, NB // 16, addden, 0)

        def zrow(i, c):
            for j in range(F // 16):
                rows0[i, pl.ds(j * 16, 16)] = zeros16
            return c
        lax.fori_loop(0, KCH, zrow, 0)
        for q in range(10):
            pltpu.sync_copy(rows0, bins.at[pl.ds(sid * 640 + q * 64, 64), :])
        plsc.subcore_barrier()

        def gath(i, rows, sg):
            pltpu.async_copy(xlT_hbm.at[h].at[src_v.at[i]], rows, sg)

        def consume(i, rows, sg, ss):
            pltpu.make_async_copy(
                xlT_hbm.at[h].at[pl.ds(0, KCH), :], rows, sg).wait()

            def scale(k, c):
                w = plsc.load_gather(wts, [jnp.full((16,), i * KCH + k,
                                                    jnp.int32)])
                for j in range(F // 16):
                    s_ = pl.ds(j * 16, 16)
                    rows[k, s_] = rows[k, s_] * w
                return c
            lax.fori_loop(0, KCH, scale, 0)
            pltpu.async_copy(rows, bins.at[dst_v.at[i]], ss, add=True)

        def waits(rows, ss):
            pltpu.make_async_copy(rows, bins.at[pl.ds(0, KCH), :], ss).wait()

        def seg(t, carry):
            pltpu.sync_copy(
                src2_hbm.at[pl.ds(rowbase + t * CPS, CPS), :], src_v)
            pltpu.sync_copy(
                dst2_hbm.at[pl.ds(rowbase + t * CPS, CPS), :], dst_v)
            pltpu.sync_copy(
                ex_hbm.at[0, h, pl.ds(exbase + t * SEG_E, SEG_E)], wts)

            def wcalc(g, c):
                s_ = pl.ds(g * 16, 16)
                idx = dst_v[g // (KCH // 16), pl.ds((g % (KCH // 16)) * 16, 16)]
                denv = plsc.load_gather(den_v, [idx])
                wts[s_] = wts[s_] / denv
                return c
            lax.fori_loop(0, SEG_E // 16, wcalc, 0)

            gath(0, rows0, sg0)

            def pair(u, carry2):
                @pl.when(u > 0)
                def _():
                    waits(rows1, ss1)
                gath(2 * u + 1, rows1, sg1)
                consume(2 * u, rows0, sg0, ss0)
                consume(2 * u + 1, rows1, sg1, ss1)
                waits(rows0, ss0)

                @pl.when(u < NPAIR_E - 1)
                def _():
                    gath(2 * u + 2, rows0, sg0)
                return carry2

            lax.fori_loop(0, NPAIR_E, pair, 0)
            waits(rows1, ss1)
            return carry

        lax.fori_loop(0, NSEG_E, seg, 0)
        plsc.subcore_barrier()
        for q in range(10):
            r0 = sid * 640 + q * 64
            pltpu.sync_copy(bins.at[pl.ds(r0, 64), :],
                            out_hbm.at[h].at[pl.ds(r0, 64), :])
        plsc.subcore_barrier()



def _k6a_body(o_ref, b_ref, acc_ref):
    i = pl.program_id(0)
    o = o_ref[...] + b_ref[...]

    @pl.when(i == 0)
    def _init():
        acc_ref[0] = 0.0
        acc_ref[1] = 0.0
    acc_ref[0] += jnp.sum(o)
    acc_ref[1] += jnp.sum(o * o)


def _k6b_body(o_ref, b_ref, stats_ref, glnw_ref, glnb_ref, pW_ref, pb_ref,
              plnw_ref, plnb_ref, h0_ref, out_ref):
    cnt = float(N * HF)
    mu = stats_ref[0] / cnt
    ms2 = stats_ref[1] / cnt
    sd = jnp.sqrt(jnp.maximum(ms2 - mu * mu, 0.0)) + 1e-5
    o = (o_ref[...] + b_ref[...] - mu) / sd * glnw_ref[...] + glnb_ref[...]
    o = jnp.maximum(o, 0.0)
    h = jnp.dot(o, pW_ref[...], preferred_element_type=jnp.float32) + pb_ref[...]
    m = jnp.mean(h, axis=-1, keepdims=True)
    v = jnp.mean((h - m) ** 2, axis=-1, keepdims=True)
    h = (h - m) * lax.rsqrt(v + 1e-5) * plnw_ref[...] + plnb_ref[...]
    out_ref[...] = jnp.maximum(h0_ref[...], jnp.maximum(h, 0.0))


def _post(out512, gat_bias, gln_w, gln_b, postW, postb, post_ln_w, post_ln_b, h0):
    fixed = lambda i: (0, 0)
    stats = pl.pallas_call(
        _k6a_body,
        grid=(N // NBLK,),
        in_specs=[pl.BlockSpec((NBLK, HF), lambda i: (i, 0)),
                  pl.BlockSpec((1, HF), fixed)],
        out_specs=pl.BlockSpec(memory_space=pltpu.SMEM),
        out_shape=jax.ShapeDtypeStruct((2,), jnp.float32),
    )(out512, gat_bias.reshape(1, HF))
    return pl.pallas_call(
        _k6b_body,
        grid=(N // NBLK,),
        in_specs=[
            pl.BlockSpec((NBLK, HF), lambda i: (i, 0)),
            pl.BlockSpec((1, HF), fixed),
            pl.BlockSpec(memory_space=pltpu.SMEM),
            pl.BlockSpec((1, HF), fixed),
            pl.BlockSpec((1, HF), fixed),
            pl.BlockSpec((HF, F), fixed),
            pl.BlockSpec((1, F), fixed),
            pl.BlockSpec((1, F), fixed),
            pl.BlockSpec((1, F), fixed),
            pl.BlockSpec((NBLK, F), lambda i: (i, 0)),
        ],
        out_specs=pl.BlockSpec((NBLK, F), lambda i: (i, 0)),
        out_shape=jax.ShapeDtypeStruct((N, F), jnp.float32),
    )(out512, gat_bias.reshape(1, HF), stats, gln_w.reshape(1, HF),
      gln_b.reshape(1, HF), postW, postb.reshape(1, F),
      post_ln_w.reshape(1, F), post_ln_b.reshape(1, F), h0)



def kernel(x, edge_index, edge_attr, embed_W, embed_b, embed_ln_w, embed_ln_b,
           Wl, bl, Wr, br, We, att, gat_bias, gln_w, gln_b,
           postW, postb, post_ln_w, post_ln_b):
    h0, xl, xr, xlb, xrb = _pre(x, embed_W, embed_b, embed_ln_w, embed_ln_b,
                                Wl, bl, Wr, br)

    loop = jnp.arange(N, dtype=jnp.int32)
    pad = jnp.zeros((EP - EHAT,), jnp.int32)
    srcp = jnp.concatenate([edge_index[0].astype(jnp.int32), loop, pad])
    dstp = jnp.concatenate([edge_index[1].astype(jnp.int32), loop, pad])
    eap = jnp.concatenate(
        [edge_attr, jnp.zeros((EP - E, D_EDGE), edge_attr.dtype)], axis=0)

    gsum = _sc_gsum(xlb, xrb, srcp, dstp)

    att_flat = att.reshape(1, HF)
    hsel = (jnp.arange(HF) // F)[None, :] == jnp.arange(8)[:, None]
    att8 = jnp.where(hsel, att_flat, 0.0).astype(jnp.float32)
    exT = _edge_alpha(gsum, eap, We, att8)

    den2 = _sc_den(dstp, exT)

    xlT = xl.reshape(N, H, F).transpose(1, 0, 2)
    src2 = srcp.reshape(EP // KCH, KCH)
    dst2 = dstp.reshape(EP // KCH, KCH)
    outT = _sc_msg(xlT, src2, dst2, exT, den2)

    out512 = outT[:, :N, :].transpose(1, 0, 2).reshape(N, HF)
    return _post(out512, gat_bias, gln_w, gln_b, postW, postb,
                 post_ln_w, post_ln_b, h0)

# --- scband reference (transcript-rebuilt; emitter-appended) ---
"""Pipeline reference for scband-graph-learning-27281632264514 (READ-ONLY COPY).

The authoritative reference and input builder live on the scoring server;
editing this copy changes nothing except your own understanding.
"""

import jax, jax.numpy as jnp
import numpy as np

N = 10000
E = 320000
F_IN = 128
F_EMB = 128
H = 4
D_EDGE = 16


def _ln(x, w, b, eps=1e-5):
    m = jnp.mean(x, axis=-1, keepdims=True)
    v = jnp.mean((x - m) ** 2, axis=-1, keepdims=True)
    return (x - m) / jnp.sqrt(v + eps) * w + b


def setup_inputs(seed: int = 0):
    key = jax.random.key(seed)
    ks = jax.random.split(key, 12)
    g = lambda k, sh: jax.random.normal(k, sh, dtype=jnp.float32) * 0.05
    inp = {}
    inp["x"] = jax.random.normal(ks[0], (N, F_IN), dtype=jnp.float32)
    inp["edge_index"] = jax.random.randint(ks[1], (2, E), 0, N, dtype=jnp.int32)
    inp["edge_attr"] = jax.random.normal(ks[2], (E, D_EDGE), dtype=jnp.float32)
    inp["embed_W"] = g(ks[3], (F_IN, F_EMB))
    inp["embed_b"] = jnp.zeros((F_EMB,), jnp.float32)
    inp["embed_ln_w"] = jnp.ones((F_EMB,), jnp.float32)
    inp["embed_ln_b"] = jnp.zeros((F_EMB,), jnp.float32)
    inp["Wl"] = g(ks[4], (F_EMB, H * F_EMB))
    inp["bl"] = jnp.zeros((H * F_EMB,), jnp.float32)
    inp["Wr"] = g(ks[5], (F_EMB, H * F_EMB))
    inp["br"] = jnp.zeros((H * F_EMB,), jnp.float32)
    inp["We"] = g(ks[6], (D_EDGE, H * F_EMB))
    inp["att"] = g(ks[7], (H, F_EMB))
    inp["gat_bias"] = jnp.zeros((H * F_EMB,), jnp.float32)
    inp["gln_w"] = jnp.ones((H * F_EMB,), jnp.float32)
    inp["gln_b"] = jnp.zeros((H * F_EMB,), jnp.float32)
    inp["postW"] = g(ks[8], (H * F_EMB, F_EMB))
    inp["postb"] = jnp.zeros((F_EMB,), jnp.float32)
    inp["post_ln_w"] = jnp.ones((F_EMB,), jnp.float32)
    inp["post_ln_b"] = jnp.zeros((F_EMB,), jnp.float32)
    return inp


def reference(x, edge_index, edge_attr, embed_W, embed_b, embed_ln_w, embed_ln_b,
              Wl, bl, Wr, br, We, att, gat_bias, gln_w, gln_b,
              postW, postb, post_ln_w, post_ln_b):
    # Dropout layers are in eval mode (identity).
    n = x.shape[0]
    # node_embed: Linear -> LayerNorm(node) -> ReLU
    h0 = jax.nn.relu(_ln(x @ embed_W + embed_b, embed_ln_w, embed_ln_b))
    # GATv2Conv with add_self_loops=True, fill_value=0.0 for self-loop edge_attr
    loop = jnp.arange(n, dtype=edge_index.dtype)
    src = jnp.concatenate([edge_index[0], loop])
    dst = jnp.concatenate([edge_index[1], loop])
    ea = jnp.concatenate([edge_attr, jnp.zeros((n, edge_attr.shape[1]), edge_attr.dtype)], axis=0)
    xl = (h0 @ Wl + bl).reshape(n, H, F_EMB)
    xr = (h0 @ Wr + br).reshape(n, H, F_EMB)
    ee = (ea @ We).reshape(-1, H, F_EMB)
    m = xl[src] + xr[dst] + ee
    m = jax.nn.leaky_relu(m, 0.2)
    alpha = jnp.sum(m * att, axis=-1)  # [E+N, H]
    amax = jax.ops.segment_max(alpha, dst, num_segments=n)
    ex = jnp.exp(alpha - amax[dst])
    den = jax.ops.segment_sum(ex, dst, num_segments=n)
    a = ex / (den[dst] + 1e-16)
    out = jax.ops.segment_sum(xl[src] * a[:, :, None], dst, num_segments=n)
    out = out.reshape(n, H * F_EMB) + gat_bias
    # torch_geometric LayerNorm (mode='graph'): normalize over all nodes & channels
    mu = jnp.mean(out)
    c = out - mu
    out = c / (jnp.sqrt(jnp.mean(c * c)) + 1e-5) * gln_w + gln_b
    out = jax.nn.relu(out)
    # heads>1 branch: Linear(H*C -> C) -> LayerNorm(node) -> ReLU
    h1 = jax.nn.relu(_ln(out @ postW + postb, post_ln_w, post_ln_b))
    # JumpingKnowledge(mode='max') over [h0, h1]
    return jnp.maximum(h0, h1)

if __name__ == "__main__":
    import jax
    _d = setup_inputs()
    print(jax.jit(kernel)(*tuple(_d.values())))

</pallas_src>

<mosaic_0001>
#map = affine_map<(d0, d1) -> (0, 0)>
#map1 = affine_map<(d0, d1) -> (0)>
module attributes {stable_mosaic.version = 14 : i64} {
  func.func @_sc_gsum(%arg0: i32, %arg1: i32, %arg2: memref<10000x256xi32, #tpu.memory_space<hbm>>, %arg3: memref<10000x256xi32, #tpu.memory_space<hbm>>, %arg4: memref<335872xi32, #tpu.memory_space<hbm>>, %arg5: memref<335872xi32, #tpu.memory_space<hbm>>, %arg6: memref<335872x256xi32, #tpu.memory_space<hbm>>, %arg7: memref<10496xi32, #tpu.memory_space<vmem>>, %arg8: memref<10496xi32, #tpu.memory_space<vmem>>, %arg9: memref<64x256xi32, #tpu.memory_space<vmem>>, %arg10: memref<64x256xi32, #tpu.memory_space<vmem>>, %arg11: memref<!tpu.dma_semaphore, #tpu.memory_space<semaphore_mem>>, %arg12: memref<!tpu.dma_semaphore, #tpu.memory_space<semaphore_mem>>) attributes {dimension_semantics = [#tpu.dimension_semantics<core_parallel>, #tpu.dimension_semantics<subcore_parallel>], iteration_bounds = array<i64: 2, 16>, scalar_prefetch = 0 : i64, scratch_operands = 6 : i64, tpu.core_type = #tpu.core_type<sc_vector_subcore>, window_params = [{transform_indices = #map}, {transform_indices = #map}, {transform_indices = #map1}, {transform_indices = #map1}, {transform_indices = #map}]} {
    %mul3A = arith.constant 2 : i32
    %mul3A_0 = arith.muli %arg1, %mul3A : i32
    %add3A = arith.addi %mul3A_0, %arg0 : i32
    %mul3A_1 = arith.constant 10496 : i32
    %mul3A_2 = arith.muli %add3A, %mul3A_1 : i32
    "tpu.region"() ({
      %run_scoped3A = tpu.sem_alloc : memref<!tpu.dma_semaphore, #tpu.memory_space<semaphore_mem>>
      %dma_start3A = tpu.memref_slice %arg4[%mul3A_2] : memref<335872xi32, #tpu.memory_space<hbm>> -> memref<10496xi32, #tpu.memory_space<hbm>>
      %dma_start3A_8 = tpu.memref_slice %arg4[%mul3A_2] : memref<335872xi32, #tpu.memory_space<hbm>> -> memref<10496xi32, #tpu.memory_space<hbm>>
      tpu.enqueue_dma source(%dma_start3A_8 : memref<10496xi32, #tpu.memory_space<hbm>>) target(%arg7 : memref<10496xi32, #tpu.memory_space<vmem>>) target_semaphore(%run_scoped3A : memref<!tpu.dma_semaphore, #tpu.memory_space<semaphore_mem>>)
      %dma_wait3A = tpu.memref_slice %arg4[%mul3A_2] : memref<335872xi32, #tpu.memory_space<hbm>> -> memref<10496xi32, #tpu.memory_space<hbm>>
      %dma_wait3A_9 = tpu.memref_slice %arg4[%mul3A_2] : memref<335872xi32, #tpu.memory_space<hbm>> -> memref<10496xi32, #tpu.memory_space<hbm>>
      tpu.wait_dma2 semaphore(%run_scoped3A : memref<!tpu.dma_semaphore, #tpu.memory_space<semaphore_mem>>) src(%dma_wait3A_9 : memref<10496xi32, #tpu.memory_space<hbm>>) dst(%arg7 : memref<10496xi32, #tpu.memory_space<vmem>>)
      tpu.yield
    }) : () -> ()
    "tpu.region"() ({
      %run_scoped3A = tpu.sem_alloc : memref<!tpu.dma_semaphore, #tpu.memory_space<semaphore_mem>>
      %dma_start3A = tpu.memref_slice %arg5[%mul3A_2] : memref<335872xi32, #tpu.memory_space<hbm>> -> memref<10496xi32, #tpu.memory_space<hbm>>
      %dma_start3A_8 = tpu.memref_slice %arg5[%mul3A_2] : memref<335872xi32, #tpu.memory_space<hbm>> -> memref<10496xi32, #tpu.memory_space<hbm>>
      tpu.enqueue_dma source(%dma_start3A_8 : memref<10496xi32, #tpu.memory_space<hbm>>) target(%arg8 : memref<10496xi32, #tpu.memory_space<vmem>>) target_semaphore(%run_scoped3A : memref<!tpu.dma_semaphore, #tpu.memory_space<semaphore_mem>>)
      %dma_wait3A = tpu.memref_slice %arg5[%mul3A_2] : memref<335872xi32, #tpu.memory_space<hbm>> -> memref<10496xi32, #tpu.memory_space<hbm>>
      %dma_wait3A_9 = tpu.memref_slice %arg5[%mul3A_2] : memref<335872xi32, #tpu.memory_space<hbm>> -> memref<10496xi32, #tpu.memory_space<hbm>>
      tpu.wait_dma2 semaphore(%run_scoped3A : memref<!tpu.dma_semaphore, #tpu.memory_space<semaphore_mem>>) src(%dma_wait3A_9 : memref<10496xi32, #tpu.memory_space<hbm>>) dst(%arg8 : memref<10496xi32, #tpu.memory_space<vmem>>)
      tpu.yield
    }) : () -> ()
    %scan3A = arith.constant 0 : i32
    %scan3A_3 = arith.constant 0 : i32
    %scan3A_4 = arith.constant 164 : i32
    %scan3A_5 = arith.addi %scan3A_3, %scan3A_4 : i32
    %scan3A_6 = arith.constant 1 : i32
    scf.for %scan3A_8 = %scan3A_3 to %scan3A_5 step %scan3A_6  : i32 {
      %mul3A_9 = arith.constant 64 : i32
      %mul3A_10 = arith.muli %scan3A_8, %mul3A_9 : i32
      %dma_start3A = tpu.memref_slice %arg7[%mul3A_10] : memref<10496xi32, #tpu.memory_space<vmem>> -> memref<64xi32, #tpu.memory_space<vmem>>
      %dma_start3A_11 = arith.constant 0 : i32
      %dma_start3A_12 = arith.constant 0 : i32
      %dma_start3A_13 = tpu.memref_slice %arg2[%dma_start3A_11, %dma_start3A_12] : memref<10000x256xi32, #tpu.memory_space<hbm>> -> memref<10000x256xi32, #tpu.memory_space<hbm>>
      tpu.enqueue_indirect_dma source(%dma_start3A_13 : memref<10000x256xi32, #tpu.memory_space<hbm>>) target(%arg9 : memref<64x256xi32, #tpu.memory_space<vmem>>) offsets(%dma_start3A : memref<64xi32, #tpu.memory_space<vmem>>) semaphore(%arg11 : memref<!tpu.dma_semaphore, #tpu.memory_space<semaphore_mem>>)
      %mul3A_14 = arith.constant 64 : i32
      %mul3A_15 = arith.muli %scan3A_8, %mul3A_14 : i32
      %dma_start3A_16 = tpu.memref_slice %arg8[%mul3A_15] : memref<10496xi32, #tpu.memory_space<vmem>> -> memref<64xi32, #tpu.memory_space<vmem>>
      %dma_start3A_17 = arith.constant 0 : i32
      %dma_start3A_18 = arith.constant 0 : i32
      %dma_start3A_19 = tpu.memref_slice %arg3[%dma_start3A_17, %dma_start3A_18] : memref<10000x256xi32, #tpu.memory_space<hbm>> -> memref<10000x256xi32, #tpu.memory_space<hbm>>
      tpu.enqueue_indirect_dma source(%dma_start3A_19 : memref<10000x256xi32, #tpu.memory_space<hbm>>) target(%arg10 : memref<64x256xi32, #tpu.memory_space<vmem>>) offsets(%dma_start3A_16 : memref<64xi32, #tpu.memory_space<vmem>>) semaphore(%arg12 : memref<!tpu.dma_semaphore, #tpu.memory_space<semaphore_mem>>)
      %dma_wait3A = tpu.memref_slice %arg7[%mul3A_10] : memref<10496xi32, #tpu.memory_space<vmem>> -> memref<64xi32, #tpu.memory_space<vmem>>
      %dma_wait3A_20 = arith.constant 0 : i32
      %dma_wait3A_21 = arith.constant 0 : i32
      %dma_wait3A_22 = tpu.memref_slice %arg2[%dma_wait3A_20, %dma_wait3A_21] : memref<10000x256xi32, #tpu.memory_space<hbm>> -> memref<10000x256xi32, #tpu.memory_space<hbm>>
      tpu.wait_indirect_dma semaphore(%arg11 : memref<!tpu.dma_semaphore, #tpu.memory_space<semaphore_mem>>) src(%dma_wait3A_22 : memref<10000x256xi32, #tpu.memory_space<hbm>>) dst(%arg9 : memref<64x256xi32, #tpu.memory_space<vmem>>)
      %dma_wait3A_23 = tpu.memref_slice %arg8[%mul3A_15] : memref<10496xi32, #tpu.memory_space<vmem>> -> memref<64xi32, #tpu.memory_space<vmem>>
      %dma_wait3A_24 = arith.constant 0 : i32
      %dma_wait3A_25 = arith.constant 0 : i32
      %dma_wait3A_26 = tpu.memref_slice %arg3[%dma_wait3A_24, %dma_wait3A_25] : memref<10000x256xi32, #tpu.memory_space<hbm>> -> memref<10000x256xi32, #tpu.memory_space<hbm>>
      tpu.wait_indirect_dma semaphore(%arg12 : memref<!tpu.dma_semaphore, #tpu.memory_space<semaphore_mem>>) src(%dma_wait3A_26 : memref<10000x256xi32, #tpu.memory_space<hbm>>) dst(%arg10 : memref<64x256xi32, #tpu.memory_space<vmem>>)
      %scan3A_27 = arith.constant 0 : i32
      %scan3A_28 = arith.constant 0 : i32
      %scan3A_29 = arith.constant 64 : i32
      %scan3A_30 = arith.addi %scan3A_28, %scan3A_29 : i32
      %scan3A_31 = arith.constant 1 : i32
      scf.for %scan3A_36 = %scan3A_28 to %scan3A_30 step %scan3A_31  : i32 {
        %get3A = arith.index_cast %scan3A_36 : i32 to index
        %get3A_37 = arith.constant 0 : index
        %get3A_38 = tpu.vector_load %arg9[%get3A, %get3A_37] {strides = array<i32>} : memref<64x256xi32, #tpu.memory_space<vmem>>, vector<16xi32>,
        %bitcast3A = vector.bitcast %get3A_38 : vector<16xi32> to vector<32xbf16>
        %get3A_39 = arith.index_cast %scan3A_36 : i32 to index
        %get3A_40 = arith.constant 0 : index
        %get3A_41 = tpu.vector_load %arg10[%get3A_39, %get3A_40] {strides = array<i32>} : memref<64x256xi32, #tpu.memory_space<vmem>>, vector<16xi32>,
        %bitcast3A_42 = vector.bitcast %get3A_41 : vector<16xi32> to vector<32xbf16>
        %add3A_43 = arith.addf %bitcast3A, %bitcast3A_42 : vector<32xbf16>
        %bitcast3A_44 = vector.bitcast %add3A_43 : vector<32xbf16> to vector<16xi32>
        %swap3A = arith.index_cast %scan3A_36 : i32 to index
        %swap3A_45 = arith.constant 0 : index
        %swap3A_46 = tpu.vector_load %arg9[%swap3A, %swap3A_45] {strides = array<i32>} : memref<64x256xi32, #tpu.memory_space<vmem>>, vector<16xi32>,
        tpu.vector_store %arg9[%swap3A, %swap3A_45], %bitcast3A_44 {strides = array<i32>} : memref<64x256xi32, #tpu.memory_space<vmem>>, vector<16xi32>,
        %get3A_47 = arith.index_cast %scan3A_36 : i32 to index
        %get3A_48 = arith.constant 16 : index
        %get3A_49 = tpu.vector_load %arg9[%get3A_47, %get3A_48] {strides = array<i32>} : memref<64x256xi32, #tpu.memory_space<vmem>>, vector<16xi32>,
        %bitcast3A_50 = vector.bitcast %get3A_49 : vector<16xi32> to vector<32xbf16>
        %get3A_51 = arith.index_cast %scan3A_36 : i32 to index
        %get3A_52 = arith.constant 16 : index
        %get3A_53 = tpu.vector_load %arg10[%get3A_51, %get3A_52] {strides = array<i32>} : memref<64x256xi32, #tpu.memory_space<vmem>>, vector<16xi32>,
        %bitcast3A_54 = vector.bitcast %get3A_53 : vector<16xi32> to vector<32xbf16>
        %add3A_55 = arith.addf %bitcast3A_50, %bitcast3A_54 : vector<32xbf16>
        %bitcast3A_56 = vector.bitcast %add3A_55 : vector<32xbf16> to vector<16xi32>
        %swap3A_57 = arith.index_cast %scan3A_36 : i32 to index
        %swap3A_58 = arith.constant 16 : index
        %swap3A_59 = tpu.vector_load %arg9[%swap3A_57, %swap3A_58] {strides = array<i32>} : memref<64x256xi32, #tpu.memory_space<vmem>>, vector<16xi32>,
        tpu.vector_store %arg9[%swap3A_57, %swap3A_58], %bitcast3A_56 {strides = array<i32>} : memref<64x256xi32, #tpu.memory_space<vmem>>, vector<16xi32>,
        %get3A_60 = arith.index_cast %scan3A_36 : i32 to index
        %get3A_61 = arith.constant 32 : index
        %get3A_62 = tpu.vector_load %arg9[%get3A_60, %get3A_61] {strides = array<i32>} : memref<64x256xi32, #tpu.memory_space<vmem>>, vector<16xi32>,
        %bitcast3A_63 = vector.bitcast %get3A_62 : vector<16xi32> to vector<32xbf16>
        %get3A_64 = arith.index_cast %scan3A_36 : i32 to index
        %get3A_65 = arith.constant 32 : index
        %get3A_66 = tpu.vector_load %arg10[%get3A_64, %get3A_65] {strides = array<i32>} : memref<64x256xi32, #tpu.memory_space<vmem>>, vector<16xi32>,
        %bitcast3A_67 = vector.bitcast %get3A_66 : vector<16xi32> to vector<32xbf16>
        %add3A_68 = arith.addf %bitcast3A_63, %bitcast3A_67 : vector<32xbf16>
        %bitcast3A_69 = vector.bitcast %add3A_68 : vector<32xbf16> to vector<16xi32>
        %swap3A_70 = arith.index_cast %scan3A_36 : i32 to index
        %swap3A_71 = arith.constant 32 : index
        %swap3A_72 = tpu.vector_load %arg9[%swap3A_70, %swap3A_71] {strides = array<i32>} : memref<64x256xi32, #tpu.memory_space<vmem>>, vector<16xi32>,
        tpu.vector_store %arg9[%swap3A_70, %swap3A_71], %bitcast3A_69 {strides = array<i32>} : memref<64x256xi32, #tpu.memory_space<vmem>>, vector<16xi32>,
        %get3A_73 = arith.index_cast %scan3A_36 : i32 to index
        %get3A_74 = arith.constant 48 : index
        %get3A_75 = tpu.vector_load %arg9[%get3A_73, %get3A_74] {strides = array<i32>} : memref<64x256xi32, #tpu.memory_space<vmem>>, vector<16xi32>,
        %bitcast3A_76 = vector.bitcast %get3A_75 : vector<16xi32> to vector<32xbf16>
        %get3A_77 = arith.index_cast %scan3A_36 : i32 to index
        %get3A_78 = arith.constant 48 : index
        %get3A_79 = tpu.vector_load %arg10[%get3A_77, %get3A_78] {strides = array<i32>} : memref<64x256xi32, #tpu.memory_space<vmem>>, vector<16xi32>,
        %bitcast3A_80 = vector.bitcast %get3A_79 : vector<16xi32> to vector<32xbf16>
        %add3A_81 = arith.addf %bitcast3A_76, %bitcast3A_80 : vector<32xbf16>
        %bitcast3A_82 = vector.bitcast %add3A_81 : vector<32xbf16> to vector<16xi32>
        %swap3A_83 = arith.index_cast %scan3A_36 : i32 to index
        %swap3A_84 = arith.constant 48 : index
        %swap3A_85 = tpu.vector_load %arg9[%swap3A_83, %swap3A_84] {strides = array<i32>} : memref<64x256xi32, #tpu.memory_space<vmem>>, vector<16xi32>,
        tpu.vector_store %arg9[%swap3A_83, %swap3A_84], %bitcast3A_82 {strides = array<i32>} : memref<64x256xi32, #tpu.memory_space<vmem>>, vector<16xi32>,
        %get3A_86 = arith.index_cast %scan3A_36 : i32 to index
        %get3A_87 = arith.constant 64 : index
        %get3A_88 = tpu.vector_load %arg9[%get3A_86, %get3A_87] {strides = array<i32>} : memref<64x256xi32, #tpu.memory_space<vmem>>, vector<16xi32>,
        %bitcast3A_89 = vector.bitcast %get3A_88 : vector<16xi32> to vector<32xbf16>
        %get3A_90 = arith.index_cast %scan3A_36 : i32 to index
        %get3A_91 = arith.constant 64 : index
        %get3A_92 = tpu.vector_load %arg10[%get3A_90, %get3A_91] {strides = array<i32>} : memref<64x256xi32, #tpu.memory_space<vmem>>, vector<16xi32>,
        %bitcast3A_93 = vector.bitcast %get3A_92 : vector<16xi32> to vector<32xbf16>
        %add3A_94 = arith.addf %bitcast3A_89, %bitcast3A_93 : vector<32xbf16>
        %bitcast3A_95 = vector.bitcast %add3A_94 : vector<32xbf16> to vector<16xi32>
        %swap3A_96 = arith.index_cast %scan3A_36 : i32 to index
        %swap3A_97 = arith.constant 64 : index
        %swap3A_98 = tpu.vector_load %arg9[%swap3A_96, %swap3A_97] {strides = array<i32>} : memref<64x256xi32, #tpu.memory_space<vmem>>, vector<16xi32>,
        tpu.vector_store %arg9[%swap3A_96, %swap3A_97], %bitcast3A_95 {strides = array<i32>} : memref<64x256xi32, #tpu.memory_space<vmem>>, vector<16xi32>,
        %get3A_99 = arith.index_cast %scan3A_36 : i32 to index
        %get3A_100 = arith.constant 80 : index
        %get3A_101 = tpu.vector_load %arg9[%get3A_99, %get3A_100] {strides = array<i32>} : memref<64x256xi32, #tpu.memory_space<vmem>>, vector<16xi32>,
        %bitcast3A_102 = vector.bitcast %get3A_101 : vector<16xi32> to vector<32xbf16>
        %get3A_103 = arith.index_cast %scan3A_36 : i32 to index
        %get3A_104 = arith.constant 80 : index
        %get3A_105 = tpu.vector_load %arg10[%get3A_103, %get3A_104] {strides = array<i32>} : memref<64x256xi32, #tpu.memory_space<vmem>>, vector<16xi32>,
        %bitcast3A_106 = vector.bitcast %get3A_105 : vector<16xi32> to vector<32xbf16>
        %add3A_107 = arith.addf %bitcast3A_102, %bitcast3A_106 : vector<32xbf16>
        %bitcast3A_108 = vector.bitcast %add3A_107 : vector<32xbf16> to vector<16xi32>
        %swap3A_109 = arith.index_cast %scan3A_36 : i32 to index
        %swap3A_110 = arith.constant 80 : index
        %swap3A_111 = tpu.vector_load %arg9[%swap3A_109, %swap3A_110] {strides = array<i32>} : memref<64x256xi32, #tpu.memory_space<vmem>>, vector<16xi32>,
        tpu.vector_store %arg9[%swap3A_109, %swap3A_110], %bitcast3A_108 {strides = array<i32>} : memref<64x256xi32, #tpu.memory_space<vmem>>, vector<16xi32>,
        %get3A_112 = arith.index_cast %scan3A_36 : i32 to index
        %get3A_113 = arith.constant 96 : index
        %get3A_114 = tpu.vector_load %arg9[%get3A_112, %get3A_113] {strides = array<i32>} : memref<64x256xi32, #tpu.memory_space<vmem>>, vector<16xi32>,
        %bitcast3A_115 = vector.bitcast %get3A_114 : vector<16xi32> to vector<32xbf16>
        %get3A_116 = arith.index_cast %scan3A_36 : i32 to index
        %get3A_117 = arith.constant 96 : index
        %get3A_118 = tpu.vector_load %arg10[%get3A_116, %get3A_117] {strides = array<i32>} : memref<64x256xi32, #tpu.memory_space<vmem>>, vector<16xi32>,
        %bitcast3A_119 = vector.bitcast %get3A_118 : vector<16xi32> to vector<32xbf16>
        %add3A_120 = arith.addf %bitcast3A_115, %bitcast3A_119 : vector<32xbf16>
        %bitcast3A_121 = vector.bitcast %add3A_120 : vector<32xbf16> to vector<16xi32>
        %swap3A_122 = arith.index_cast %scan3A_36 : i32 to index
        %swap3A_123 = arith.constant 96 : index
        %swap3A_124 = tpu.vector_load %arg9[%swap3A_122, %swap3A_123] {strides = array<i32>} : memref<64x256xi32, #tpu.memory_space<vmem>>, vector<16xi32>,
        tpu.vector_store %arg9[%swap3A_122, %swap3A_123], %bitcast3A_121 {strides = array<i32>} : memref<64x256xi32, #tpu.memory_space<vmem>>, vector<16xi32>,
        %get3A_125 = arith.index_cast %scan3A_36 : i32 to index
        %get3A_126 = arith.constant 112 : index
        %get3A_127 = tpu.vector_load %arg9[%get3A_125, %get3A_126] {strides = array<i32>} : memref<64x256xi32, #tpu.memory_space<vmem>>, vector<16xi32>,
        %bitcast3A_128 = vector.bitcast %get3A_127 : vector<16xi32> to vector<32xbf16>
        %get3A_129 = arith.index_cast %scan3A_36 : i32 to index
        %get3A_130 = arith.constant 112 : index
        %get3A_131 = tpu.vector_load %arg10[%get3A_129, %get3A_130] {strides = array<i32>} : memref<64x256xi32, #tpu.memory_space<vmem>>, vector<16xi32>,
        %bitcast3A_132 = vector.bitcast %get3A_131 : vector<16xi32> to vector<32xbf16>
        %add3A_133 = arith.addf %bitcast3A_128, %bitcast3A_132 : vector<32xbf16>
        %bitcast3A_134 = vector.bitcast %add3A_133 : vector<32xbf16> to vector<16xi32>
        %swap3A_135 = arith.index_cast %scan3A_36 : i32 to index
        %swap3A_136 = arith.constant 112 : index
        %swap3A_137 = tpu.vector_load %arg9[%swap3A_135, %swap3A_136] {strides = array<i32>} : memref<64x256xi32, #tpu.memory_space<vmem>>, vector<16xi32>,
        tpu.vector_store %arg9[%swap3A_135, %swap3A_136], %bitcast3A_134 {strides = array<i32>} : memref<64x256xi32, #tpu.memory_space<vmem>>, vector<16xi32>,
        %get3A_138 = arith.index_cast %scan3A_36 : i32 to index
        %get3A_139 = arith.constant 128 : index
        %get3A_140 = tpu.vector_load %arg9[%get3A_138, %get3A_139] {strides = array<i32>} : memref<64x256xi32, #tpu.memory_space<vmem>>, vector<16xi32>,
        %bitcast3A_141 = vector.bitcast %get3A_140 : vector<16xi32> to vector<32xbf16>
        %get3A_142 = arith.index_cast %scan3A_36 : i32 to index
        %get3A_143 = arith.constant 128 : index
        %get3A_144 = tpu.vector_load %arg10[%get3A_142, %get3A_143] {strides = array<i32>} : memref<64x256xi32, #tpu.memory_space<vmem>>, vector<16xi32>,
        %bitcast3A_145 = vector.bitcast %get3A_144 : vector<16xi32> to vector<32xbf16>
        %add3A_146 = arith.addf %bitcast3A_141, %bitcast3A_145 : vector<32xbf16>
        %bitcast3A_147 = vector.bitcast %add3A_146 : vector<32xbf16> to vector<16xi32>
        %swap3A_148 = arith.index_cast %scan3A_36 : i32 to index
        %swap3A_149 = arith.constant 128 : index
        %swap3A_150 = tpu.vector_load %arg9[%swap3A_148, %swap3A_149] {strides = array<i32>} : memref<64x256xi32, #tpu.memory_space<vmem>>, vector<16xi32>,
        tpu.vector_store %arg9[%swap3A_148, %swap3A_149], %bitcast3A_147 {strides = array<i32>} : memref<64x256xi32, #tpu.memory_space<vmem>>, vector<16xi32>,
        %get3A_151 = arith.index_cast %scan3A_36 : i32 to index
        %get3A_152 = arith.constant 144 : index
        %get3A_153 = tpu.vector_load %arg9[%get3A_151, %get3A_152] {strides = array<i32>} : memref<64x256xi32, #tpu.memory_space<vmem>>, vector<16xi32>,
        %bitcast3A_154 = vector.bitcast %get3A_153 : vector<16xi32> to vector<32xbf16>
        %get3A_155 = arith.index_cast %scan3A_36 : i32 to index
        %get3A_156 = arith.constant 144 : index
        %get3A_157 = tpu.vector_load %arg10[%get3A_155, %get3A_156] {strides = array<i32>} : memref<64x256xi32, #tpu.memory_space<vmem>>, vector<16xi32>,
        %bitcast3A_158 = vector.bitcast %get3A_157 : vector<16xi32> to vector<32xbf16>
        %add3A_159 = arith.addf %bitcast3A_154, %bitcast3A_158 : vector<32xbf16>
        %bitcast3A_160 = vector.bitcast %add3A_159 : vector<32xbf16> to vector<16xi32>
        %swap3A_161 = arith.index_cast %scan3A_36 : i32 to index
        %swap3A_162 = arith.constant 144 : index
        %swap3A_163 = tpu.vector_load %arg9[%swap3A_161, %swap3A_162] {strides = array<i32>} : memref<64x256xi32, #tpu.memory_space<vmem>>, vector<16xi32>,
        tpu.vector_store %arg9[%swap3A_161, %swap3A_162], %bitcast3A_160 {strides = array<i32>} : memref<64x256xi32, #tpu.memory_space<vmem>>, vector<16xi32>,
        %get3A_164 = arith.index_cast %scan3A_36 : i32 to index
        %get3A_165 = arith.constant 160 : index
        %get3A_166 = tpu.vector_load %arg9[%get3A_164, %get3A_165] {strides = array<i32>} : memref<64x256xi32, #tpu.memory_space<vmem>>, vector<16xi32>,
        %bitcast3A_167 = vector.bitcast %get3A_166 : vector<16xi32> to vector<32xbf16>
        %get3A_168 = arith.index_cast %scan3A_36 : i32 to index
        %get3A_169 = arith.constant 160 : index
        %get3A_170 = tpu.vector_load %arg10[%get3A_168, %get3A_169] {strides = array<i32>} : memref<64x256xi32, #tpu.memory_space<vmem>>, vector<16xi32>,
        %bitcast3A_171 = vector.bitcast %get3A_170 : vector<16xi32> to vector<32xbf16>
        %add3A_172 = arith.addf %bitcast3A_167, %bitcast3A_171 : vector<32xbf16>
        %bitcast3A_173 = vector.bitcast %add3A_172 : vector<32xbf16> to vector<16xi32>
        %swap3A_174 = arith.index_cast %scan3A_36 : i32 to index
        %swap3A_175 = arith.constant 160 : index
        %swap3A_176 = tpu.vector_load %arg9[%swap3A_174, %swap3A_175] {strides = array<i32>} : memref<64x256xi32, #tpu.memory_space<vmem>>, vector<16xi32>,
        tpu.vector_store %arg9[%swap3A_174, %swap3A_175], %bitcast3A_173 {strides = array<i32>} : memref<64x256xi32, #tpu.memory_space<vmem>>, vector<16xi32>,
        %get3A_177 = arith.index_cast %scan3A_36 : i32 to index
        %get3A_178 = arith.constant 176 : index
        %get3A_179 = tpu.vector_load %arg9[%get3A_177, %get3A_178] {strides = array<i32>} : memref<64x256xi32, #tpu.memory_space<vmem>>, vector<16xi32>,
        %bitcast3A_180 = vector.bitcast %get3A_179 : vector<16xi32> to vector<32xbf16>
        %get3A_181 = arith.index_cast %scan3A_36 : i32 to index
        %get3A_182 = arith.constant 176 : index
        %get3A_183 = tpu.vector_load %arg10[%get3A_181, %get3A_182] {strides = array<i32>} : memref<64x256xi32, #tpu.memory_space<vmem>>, vector<16xi32>,
        %bitcast3A_184 = vector.bitcast %get3A_183 : vector<16xi32> to vector<32xbf16>
        %add3A_185 = arith.addf %bitcast3A_180, %bitcast3A_184 : vector<32xbf16>
        %bitcast3A_186 = vector.bitcast %add3A_185 : vector<32xbf16> to vector<16xi32>
        %swap3A_187 = arith.index_cast %scan3A_36 : i32 to index
        %swap3A_188 = arith.constant 176 : index
        %swap3A_189 = tpu.vector_load %arg9[%swap3A_187, %swap3A_188] {strides = array<i32>} : memref<64x256xi32, #tpu.memory_space<vmem>>, vector<16xi32>,
        tpu.vector_store %arg9[%swap3A_187, %swap3A_188], %bitcast3A_186 {strides = array<i32>} : memref<64x256xi32, #tpu.memory_space<vmem>>, vector<16xi32>,
        %get3A_190 = arith.index_cast %scan3A_36 : i32 to index
        %get3A_191 = arith.constant 192 : index
        %get3A_192 = tpu.vector_load %arg9[%get3A_190, %get3A_191] {strides = array<i32>} : memref<64x256xi32, #tpu.memory_space<vmem>>, vector<16xi32>,
        %bitcast3A_193 = vector.bitcast %get3A_192 : vector<16xi32> to vector<32xbf16>
        %get3A_194 = arith.index_cast %scan3A_36 : i32 to index
        %get3A_195 = arith.constant 192 : index
        %get3A_196 = tpu.vector_load %arg10[%get3A_194, %get3A_195] {strides = array<i32>} : memref<64x256xi32, #tpu.memory_space<vmem>>, vector<16xi32>,
        %bitcast3A_197 = vector.bitcast %get3A_196 : vector<16xi32> to vector<32xbf16>
        %add3A_198 = arith.addf %bitcast3A_193, %bitcast3A_197 : vector<32xbf16>
        %bitcast3A_199 = vector.bitcast %add3A_198 : vector<32xbf16> to vector<16xi32>
        %swap3A_200 = arith.index_cast %scan3A_36 : i32 to index
        %swap3A_201 = arith.constant 192 : index
        %swap3A_202 = tpu.vector_load %arg9[%swap3A_200, %swap3A_201] {strides = array<i32>} : memref<64x256xi32, #tpu.memory_space<vmem>>, vector<16xi32>,
        tpu.vector_store %arg9[%swap3A_200, %swap3A_201], %bitcast3A_199 {strides = array<i32>} : memref<64x256xi32, #tpu.memory_space<vmem>>, vector<16xi32>,
        %get3A_203 = arith.index_cast %scan3A_36 : i32 to index
        %get3A_204 = arith.constant 208 : index
        %get3A_205 = tpu.vector_load %arg9[%get3A_203, %get3A_204] {strides = array<i32>} : memref<64x256xi32, #tpu.memory_space<vmem>>, vector<16xi32>,
        %bitcast3A_206 = vector.bitcast %get3A_205 : vector<16xi32> to vector<32xbf16>
        %get3A_207 = arith.index_cast %scan3A_36 : i32 to index
        %get3A_208 = arith.constant 208 : index
        %get3A_209 = tpu.vector_load %arg10[%get3A_207, %get3A_208] {strides = array<i32>} : memref<64x256xi32, #tpu.memory_space<vmem>>, vector<16xi32>,
        %bitcast3A_210 = vector.bitcast %get3A_209 : vector<16xi32> to vector<32xbf16>
        %add3A_211 = arith.addf %bitcast3A_206, %bitcast3A_210 : vector<32xbf16>
        %bitcast3A_212 = vector.bitcast %add3A_211 : vector<32xbf16> to vector<16xi32>
        %swap3A_213 = arith.index_cast %scan3A_36 : i32 to index
        %swap3A_214 = arith.constant 208 : index
        %swap3A_215 = tpu.vector_load %arg9[%swap3A_213, %swap3A_214] {strides = array<i32>} : memref<64x256xi32, #tpu.memory_space<vmem>>, vector<16xi32>,
        tpu.vector_store %arg9[%swap3A_213, %swap3A_214], %bitcast3A_212 {strides = array<i32>} : memref<64x256xi32, #tpu.memory_space<vmem>>, vector<16xi32>,
        %get3A_216 = arith.index_cast %scan3A_36 : i32 to index
        %get3A_217 = arith.constant 224 : index
        %get3A_218 = tpu.vector_load %arg9[%get3A_216, %get3A_217] {strides = array<i32>} : memref<64x256xi32, #tpu.memory_space<vmem>>, vector<16xi32>,
        %bitcast3A_219 = vector.bitcast %get3A_218 : vector<16xi32> to vector<32xbf16>
        %get3A_220 = arith.index_cast %scan3A_36 : i32 to index
        %get3A_221 = arith.constant 224 : index
        %get3A_222 = tpu.vector_load %arg10[%get3A_220, %get3A_221] {strides = array<i32>} : memref<64x256xi32, #tpu.memory_space<vmem>>, vector<16xi32>,
        %bitcast3A_223 = vector.bitcast %get3A_222 : vector<16xi32> to vector<32xbf16>
        %add3A_224 = arith.addf %bitcast3A_219, %bitcast3A_223 : vector<32xbf16>
        %bitcast3A_225 = vector.bitcast %add3A_224 : vector<32xbf16> to vector<16xi32>
        %swap3A_226 = arith.index_cast %scan3A_36 : i32 to index
        %swap3A_227 = arith.constant 224 : index
        %swap3A_228 = tpu.vector_load %arg9[%swap3A_226, %swap3A_227] {strides = array<i32>} : memref<64x256xi32, #tpu.memory_space<vmem>>, vector<16xi32>,
        tpu.vector_store %arg9[%swap3A_226, %swap3A_227], %bitcast3A_225 {strides = array<i32>} : memref<64x256xi32, #tpu.memory_space<vmem>>, vector<16xi32>,
        %get3A_229 = arith.index_cast %scan3A_36 : i32 to index
        %get3A_230 = arith.constant 240 : index
        %get3A_231 = tpu.vector_load %arg9[%get3A_229, %get3A_230] {strides = array<i32>} : memref<64x256xi32, #tpu.memory_space<vmem>>, vector<16xi32>,
        %bitcast3A_232 = vector.bitcast %get3A_231 : vector<16xi32> to vector<32xbf16>
        %get3A_233 = arith.index_cast %scan3A_36 : i32 to index
        %get3A_234 = arith.constant 240 : index
        %get3A_235 = tpu.vector_load %arg10[%get3A_233, %get3A_234] {strides = array<i32>} : memref<64x256xi32, #tpu.memory_space<vmem>>, vector<16xi32>,
        %bitcast3A_236 = vector.bitcast %get3A_235 : vector<16xi32> to vector<32xbf16>
        %add3A_237 = arith.addf %bitcast3A_232, %bitcast3A_236 : vector<32xbf16>
        %bitcast3A_238 = vector.bitcast %add3A_237 : vector<32xbf16> to vector<16xi32>
        %swap3A_239 = arith.index_cast %scan3A_36 : i32 to index
        %swap3A_240 = arith.constant 240 : index
        %swap3A_241 = tpu.vector_load %arg9[%swap3A_239, %swap3A_240] {strides = array<i32>} : memref<64x256xi32, #tpu.memory_space<vmem>>, vector<16xi32>,
        tpu.vector_store %arg9[%swap3A_239, %swap3A_240], %bitcast3A_238 {strides = array<i32>} : memref<64x256xi32, #tpu.memory_space<vmem>>, vector<16xi32>,
      }
      %scan3A_32 = arith.constant 64 : i32
      %mul3A_33 = arith.constant 64 : i32
      %mul3A_34 = arith.muli %scan3A_8, %mul3A_33 : i32
      %add3A_35 = arith.addi %mul3A_2, %mul3A_34 : i32
      "tpu.region"() ({
        %run_scoped3A = tpu.sem_alloc : memref<!tpu.dma_semaphore, #tpu.memory_space<semaphore_mem>>
        %dma_start3A_36 = arith.constant 0 : i32
        %dma_start3A_37 = tpu.memref_slice %arg6[%add3A_35, %dma_start3A_36] : memref<335872x256xi32, #tpu.memory_space<hbm>> -> memref<64x256xi32, #tpu.memory_space<hbm>>
        %dma_start3A_38 = arith.constant 0 : i32
        %dma_start3A_39 = tpu.memref_slice %arg6[%add3A_35, %dma_start3A_38] : memref<335872x256xi32, #tpu.memory_space<hbm>> -> memref<64x256xi32, #tpu.memory_space<hbm>>
        tpu.enqueue_dma source(%arg9 : memref<64x256xi32, #tpu.memory_space<vmem>>) target(%dma_start3A_39 : memref<64x256xi32, #tpu.memory_space<hbm>>) target_semaphore(%run_scoped3A : memref<!tpu.dma_semaphore, #tpu.memory_space<semaphore_mem>>)
        %dma_wait3A_40 = arith.constant 0 : i32
        %dma_wait3A_41 = tpu.memref_slice %arg6[%add3A_35, %dma_wait3A_40] : memref<335872x256xi32, #tpu.memory_space<hbm>> -> memref<64x256xi32, #tpu.memory_space<hbm>>
        %dma_wait3A_42 = arith.constant 0 : i32
        %dma_wait3A_43 = tpu.memref_slice %arg6[%add3A_35, %dma_wait3A_42] : memref<335872x256xi32, #tpu.memory_space<hbm>> -> memref<64x256xi32, #tpu.memory_space<hbm>>
        tpu.wait_dma2 semaphore(%run_scoped3A : memref<!tpu.dma_semaphore, #tpu.memory_space<semaphore_mem>>) src(%arg9 : memref<64x256xi32, #tpu.memory_space<vmem>>) dst(%dma_wait3A_43 : memref<64x256xi32, #tpu.memory_space<hbm>>)
        tpu.yield
      }) : () -> ()
    }
    %scan3A_7 = arith.constant 164 : i32
    return
  }
}

#map = affine_map<(d0, d1) -> (0)>
#map1 = affine_map<(d0, d1) -> (0, 0, 0)>
module attributes {stable_mosaic.version = 14 : i64} {
  func.func @_sc_den(%arg0: i32, %arg1: i32, %arg2: memref<335872xi32, #tpu.memory_space<hbm>>, %arg3: memref<1x8x335872xf32, #tpu.memory_space<hbm>>, %arg4: memref<2x1x40960xf32, #tpu.memory_space<hbm>>, %arg5: memref<40960xf32, #tpu.memory_space<vmem>>, %arg6: memref<10496xi32, #tpu.memory_space<vmem>>, %arg7: memref<4x256xf32, #tpu.memory_space<vmem>>, %arg8: memref<2560xf32, #tpu.memory_space<vmem>>, %arg9: memref<2560xf32, #tpu.memory_space<vmem>>, %arg10: memref<16x40960xf32, #tpu.memory_space<vmem_shared>>, %arg11: memref<!tpu.dma_semaphore, #tpu.memory_space<semaphore_mem>>) attributes {dimension_semantics = [#tpu.dimension_semantics<core_parallel>, #tpu.dimension_semantics<subcore_parallel>], iteration_bounds = array<i64: 2, 16>, scalar_prefetch = 0 : i64, scratch_operands = 7 : i64, tpu.core_type = #tpu.core_type<sc_vector_subcore>, window_params = [{transform_indices = #map}, {transform_indices = #map1}, {transform_indices = #map1}]} {
    %mul3A = arith.constant 2 : i32
    %mul3A_0 = arith.muli %arg1, %mul3A : i32
    %add3A = arith.addi %mul3A_0, %arg0 : i32
    %mul3A_1 = arith.constant 10496 : i32
    %mul3A_2 = arith.muli %add3A, %mul3A_1 : i32
    "tpu.region"() ({
      %run_scoped3A_155 = tpu.sem_alloc : memref<!tpu.dma_semaphore, #tpu.memory_space<semaphore_mem>>
      %dma_start3A = tpu.memref_slice %arg2[%mul3A_2] : memref<335872xi32, #tpu.memory_space<hbm>> -> memref<10496xi32, #tpu.memory_space<hbm>>
      %dma_start3A_156 = tpu.memref_slice %arg2[%mul3A_2] : memref<335872xi32, #tpu.memory_space<hbm>> -> memref<10496xi32, #tpu.memory_space<hbm>>
      tpu.enqueue_dma source(%dma_start3A_156 : memref<10496xi32, #tpu.memory_space<hbm>>) target(%arg6 : memref<10496xi32, #tpu.memory_space<vmem>>) target_semaphore(%run_scoped3A_155 : memref<!tpu.dma_semaphore, #tpu.memory_space<semaphore_mem>>)
      %dma_wait3A = tpu.memref_slice %arg2[%mul3A_2] : memref<335872xi32, #tpu.memory_space<hbm>> -> memref<10496xi32, #tpu.memory_space<hbm>>
      %dma_wait3A_157 = tpu.memref_slice %arg2[%mul3A_2] : memref<335872xi32, #tpu.memory_space<hbm>> -> memref<10496xi32, #tpu.memory_space<hbm>>
      tpu.wait_dma2 semaphore(%run_scoped3A_155 : memref<!tpu.dma_semaphore, #tpu.memory_space<semaphore_mem>>) src(%dma_wait3A_157 : memref<10496xi32, #tpu.memory_space<hbm>>) dst(%arg6 : memref<10496xi32, #tpu.memory_space<vmem>>)
      tpu.yield
    }) : () -> ()
    %broadcast_in_dim3A = arith.constant 0.000000e+00 : f32
    %broadcast_in_dim3A_3 = vector.broadcast %broadcast_in_dim3A : f32 to vector<16xf32>
    %scan3A = arith.constant 0 : i32
    %scan3A_4 = arith.constant 0 : i32
    %scan3A_5 = arith.constant 2560 : i32
    %scan3A_6 = arith.addi %scan3A_4, %scan3A_5 : i32
    %scan3A_7 = arith.constant 1 : i32
    scf.for %scan3A_155 = %scan3A_4 to %scan3A_6 step %scan3A_7  : i32 {
      %mul3A_156 = arith.constant 16 : i32
      %mul3A_157 = arith.muli %scan3A_155, %mul3A_156 : i32
      %swap3A = arith.index_cast %mul3A_157 : i32 to index
      %swap3A_158 = tpu.vector_load %arg5[%swap3A] {strides = array<i32>} : memref<40960xf32, #tpu.memory_space<vmem>>, vector<16xf32>,
      tpu.vector_store %arg5[%swap3A], %broadcast_in_dim3A_3 {strides = array<i32>} : memref<40960xf32, #tpu.memory_space<vmem>>, vector<16xf32>,
    }
    %scan3A_8 = arith.constant 2560 : i32
    %scan3A_9 = arith.constant 0 : i32
    %scan3A_10 = arith.constant 0 : i32
    %scan3A_11 = arith.constant 41 : i32
    %scan3A_12 = arith.addi %scan3A_10, %scan3A_11 : i32
    %scan3A_13 = arith.constant 1 : i32
    scf.for %scan3A_155 = %scan3A_10 to %scan3A_12 step %scan3A_13  : i32 {
      %mul3A_156 = arith.constant 256 : i32
      %mul3A_157 = arith.muli %scan3A_155, %mul3A_156 : i32
      %add3A_158 = arith.addi %mul3A_2, %mul3A_157 : i32
      %run_scoped3A_159 = arith.constant 0 : i32
      %run_scoped3A_160 = arith.constant 0 : i32
      %run_scoped3A_161 = arith.constant 0 : i32
      "tpu.region"() ({
        %run_scoped3A_186 = tpu.sem_alloc : memref<!tpu.dma_semaphore, #tpu.memory_space<semaphore_mem>>
        %dma_start3A = arith.constant 0 : i32
        %dma_start3A_187 = tpu.memref_slice %arg7[%run_scoped3A_161, %dma_start3A] : memref<4x256xf32, #tpu.memory_space<vmem>> -> memref<1x256xf32, #tpu.memory_space<vmem>>
        %dma_start3A_188 = tpu.memref_squeeze %dma_start3A_187 : memref<1x256xf32, #tpu.memory_space<vmem>> -> memref<256xf32, #tpu.memory_space<vmem>>
        %dma_start3A_189 = tpu.memref_slice %arg3[%run_scoped3A_159, %run_scoped3A_160, %add3A_158] : memref<1x8x335872xf32, #tpu.memory_space<hbm>> -> memref<1x1x256xf32, #tpu.memory_space<hbm>>
        %dma_start3A_190 = tpu.memref_squeeze %dma_start3A_189 : memref<1x1x256xf32, #tpu.memory_space<hbm>> -> memref<256xf32, #tpu.memory_space<hbm>>
        %dma_start3A_191 = arith.constant 0 : i32
        %dma_start3A_192 = tpu.memref_slice %arg7[%run_scoped3A_161, %dma_start3A_191] : memref<4x256xf32, #tpu.memory_space<vmem>> -> memref<1x256xf32, #tpu.memory_space<vmem>>
        %dma_start3A_193 = tpu.memref_squeeze %dma_start3A_192 : memref<1x256xf32, #tpu.memory_space<vmem>> -> memref<256xf32, #tpu.memory_space<vmem>>
        %dma_start3A_194 = tpu.memref_slice %arg3[%run_scoped3A_159, %run_scoped3A_160, %add3A_158] : memref<1x8x335872xf32, #tpu.memory_space<hbm>> -> memref<1x1x256xf32, #tpu.memory_space<hbm>>
        %dma_start3A_195 = tpu.memref_squeeze %dma_start3A_194 : memref<1x1x256xf32, #tpu.memory_space<hbm>> -> memref<256xf32, #tpu.memory_space<hbm>>
        tpu.enqueue_dma source(%dma_start3A_195 : memref<256xf32, #tpu.memory_space<hbm>>) target(%dma_start3A_193 : memref<256xf32, #tpu.memory_space<vmem>>) target_semaphore(%run_scoped3A_186 : memref<!tpu.dma_semaphore, #tpu.memory_space<semaphore_mem>>)
        %dma_wait3A = arith.constant 0 : i32
        %dma_wait3A_196 = tpu.memref_slice %arg7[%run_scoped3A_161, %dma_wait3A] : memref<4x256xf32, #tpu.memory_space<vmem>> -> memref<1x256xf32, #tpu.memory_space<vmem>>
        %dma_wait3A_197 = tpu.memref_squeeze %dma_wait3A_196 : memref<1x256xf32, #tpu.memory_space<vmem>> -> memref<256xf32, #tpu.memory_space<vmem>>
        %dma_wait3A_198 = tpu.memref_slice %arg3[%run_scoped3A_159, %run_scoped3A_160, %add3A_158] : memref<1x8x335872xf32, #tpu.memory_space<hbm>> -> memref<1x1x256xf32, #tpu.memory_space<hbm>>
        %dma_wait3A_199 = tpu.memref_squeeze %dma_wait3A_198 : memref<1x1x256xf32, #tpu.memory_space<hbm>> -> memref<256xf32, #tpu.memory_space<hbm>>
        %dma_wait3A_200 = arith.constant 0 : i32
        %dma_wait3A_201 = tpu.memref_slice %arg7[%run_scoped3A_161, %dma_wait3A_200] : memref<4x256xf32, #tpu.memory_space<vmem>> -> memref<1x256xf32, #tpu.memory_space<vmem>>
        %dma_wait3A_202 = tpu.memref_squeeze %dma_wait3A_201 : memref<1x256xf32, #tpu.memory_space<vmem>> -> memref<256xf32, #tpu.memory_space<vmem>>
        %dma_wait3A_203 = tpu.memref_slice %arg3[%run_scoped3A_159, %run_scoped3A_160, %add3A_158] : memref<1x8x335872xf32, #tpu.memory_space<hbm>> -> memref<1x1x256xf32, #tpu.memory_space<hbm>>
        %dma_wait3A_204 = tpu.memref_squeeze %dma_wait3A_203 : memref<1x1x256xf32, #tpu.memory_space<hbm>> -> memref<256xf32, #tpu.memory_space<hbm>>
        tpu.wait_dma2 semaphore(%run_scoped3A_186 : memref<!tpu.dma_semaphore, #tpu.memory_space<semaphore_mem>>) src(%dma_wait3A_204 : memref<256xf32, #tpu.memory_space<hbm>>) dst(%dma_wait3A_202 : memref<256xf32, #tpu.memory_space<vmem>>)
        tpu.yield
      }) : () -> ()
      %mul3A_162 = arith.constant 256 : i32
      %mul3A_163 = arith.muli %scan3A_155, %mul3A_162 : i32
      %add3A_164 = arith.addi %mul3A_2, %mul3A_163 : i32
      %run_scoped3A_165 = arith.constant 0 : i32
      %run_scoped3A_166 = arith.constant 1 : i32
      %run_scoped3A_167 = arith.constant 1 : i32
      "tpu.region"() ({
        %run_scoped3A_186 = tpu.sem_alloc : memref<!tpu.dma_semaphore, #tpu.memory_space<semaphore_mem>>
        %dma_start3A = arith.constant 0 : i32
        %dma_start3A_187 = tpu.memref_slice %arg7[%run_scoped3A_167, %dma_start3A] : memref<4x256xf32, #tpu.memory_space<vmem>> -> memref<1x256xf32, #tpu.memory_space<vmem>>
        %dma_start3A_188 = tpu.memref_squeeze %dma_start3A_187 : memref<1x256xf32, #tpu.memory_space<vmem>> -> memref<256xf32, #tpu.memory_space<vmem>>
        %dma_start3A_189 = tpu.memref_slice %arg3[%run_scoped3A_165, %run_scoped3A_166, %add3A_164] : memref<1x8x335872xf32, #tpu.memory_space<hbm>> -> memref<1x1x256xf32, #tpu.memory_space<hbm>>
        %dma_start3A_190 = tpu.memref_squeeze %dma_start3A_189 : memref<1x1x256xf32, #tpu.memory_space<hbm>> -> memref<256xf32, #tpu.memory_space<hbm>>
        %dma_start3A_191 = arith.constant 0 : i32
        %dma_start3A_192 = tpu.memref_slice %arg7[%run_scoped3A_167, %dma_start3A_191] : memref<4x256xf32, #tpu.memory_space<vmem>> -> memref<1x256xf32, #tpu.memory_space<vmem>>
        %dma_start3A_193 = tpu.memref_squeeze %dma_start3A_192 : memref<1x256xf32, #tpu.memory_space<vmem>> -> memref<256xf32, #tpu.memory_space<vmem>>
        %dma_start3A_194 = tpu.memref_slice %arg3[%run_scoped3A_165, %run_scoped3A_166, %add3A_164] : memref<1x8x335872xf32, #tpu.memory_space<hbm>> -> memref<1x1x256xf32, #tpu.memory_space<hbm>>
        %dma_start3A_195 = tpu.memref_squeeze %dma_start3A_194 : memref<1x1x256xf32, #tpu.memory_space<hbm>> -> memref<256xf32, #tpu.memory_space<hbm>>
        tpu.enqueue_dma source(%dma_start3A_195 : memref<256xf32, #tpu.memory_space<hbm>>) target(%dma_start3A_193 : memref<256xf32, #tpu.memory_space<vmem>>) target_semaphore(%run_scoped3A_186 : memref<!tpu.dma_semaphore, #tpu.memory_space<semaphore_mem>>)
        %dma_wait3A = arith.constant 0 : i32
        %dma_wait3A_196 = tpu.memref_slice %arg7[%run_scoped3A_167, %dma_wait3A] : memref<4x256xf32, #tpu.memory_space<vmem>> -> memref<1x256xf32, #tpu.memory_space<vmem>>
        %dma_wait3A_197 = tpu.memref_squeeze %dma_wait3A_196 : memref<1x256xf32, #tpu.memory_space<vmem>> -> memref<256xf32, #tpu.memory_space<vmem>>
        %dma_wait3A_198 = tpu.memref_slice %arg3[%run_scoped3A_165, %run_scoped3A_166, %add3A_164] : memref<1x8x335872xf32, #tpu.memory_space<hbm>> -> memref<1x1x256xf32, #tpu.memory_space<hbm>>
        %dma_wait3A_199 = tpu.memref_squeeze %dma_wait3A_198 : memref<1x1x256xf32, #tpu.memory_space<hbm>> -> memref<256xf32, #tpu.memory_space<hbm>>
        %dma_wait3A_200 = arith.constant 0 : i32
        %dma_wait3A_201 = tpu.memref_slice %arg7[%run_scoped3A_167, %dma_wait3A_200] : memref<4x256xf32, #tpu.memory_space<vmem>> -> memref<1x256xf32, #tpu.memory_space<vmem>>
        %dma_wait3A_202 = tpu.memref_squeeze %dma_wait3A_201 : memref<1x256xf32, #tpu.memory_space<vmem>> -> memref<256xf32, #tpu.memory_space<vmem>>
        %dma_wait3A_203 = tpu.memref_slice %arg3[%run_scoped3A_165, %run_scoped3A_166, %add3A_164] : memref<1x8x335872xf32, #tpu.memory_space<hbm>> -> memref<1x1x256xf32, #tpu.memory_space<hbm>>
        %dma_wait3A_204 = tpu.memref_squeeze %dma_wait3A_203 : memref<1x1x256xf32, #tpu.memory_space<hbm>> -> memref<256xf32, #tpu.memory_space<hbm>>
        tpu.wait_dma2 semaphore(%run_scoped3A_186 : memref<!tpu.dma_semaphore, #tpu.memory_space<semaphore_mem>>) src(%dma_wait3A_204 : memref<256xf32, #tpu.memory_space<hbm>>) dst(%dma_wait3A_202 : memref<256xf32, #tpu.memory_space<vmem>>)
        tpu.yield
      }) : () -> ()
      %mul3A_168 = arith.constant 256 : i32
      %mul3A_169 = arith.muli %scan3A_155, %mul3A_168 : i32
      %add3A_170 = arith.addi %mul3A_2, %mul3A_169 : i32
      %run_scoped3A_171 = arith.constant 0 : i32
      %run_scoped3A_172 = arith.constant 2 : i32
      %run_scoped3A_173 = arith.constant 2 : i32
      "tpu.region"() ({
        %run_scoped3A_186 = tpu.sem_alloc : memref<!tpu.dma_semaphore, #tpu.memory_space<semaphore_mem>>
        %dma_start3A = arith.constant 0 : i32
        %dma_start3A_187 = tpu.memref_slice %arg7[%run_scoped3A_173, %dma_start3A] : memref<4x256xf32, #tpu.memory_space<vmem>> -> memref<1x256xf32, #tpu.memory_space<vmem>>
        %dma_start3A_188 = tpu.memref_squeeze %dma_start3A_187 : memref<1x256xf32, #tpu.memory_space<vmem>> -> memref<256xf32, #tpu.memory_space<vmem>>
        %dma_start3A_189 = tpu.memref_slice %arg3[%run_scoped3A_171, %run_scoped3A_172, %add3A_170] : memref<1x8x335872xf32, #tpu.memory_space<hbm>> -> memref<1x1x256xf32, #tpu.memory_space<hbm>>
        %dma_start3A_190 = tpu.memref_squeeze %dma_start3A_189 : memref<1x1x256xf32, #tpu.memory_space<hbm>> -> memref<256xf32, #tpu.memory_space<hbm>>
        %dma_start3A_191 = arith.constant 0 : i32
        %dma_start3A_192 = tpu.memref_slice %arg7[%run_scoped3A_173, %dma_start3A_191] : memref<4x256xf32, #tpu.memory_space<vmem>> -> memref<1x256xf32, #tpu.memory_space<vmem>>
        %dma_start3A_193 = tpu.memref_squeeze %dma_start3A_192 : memref<1x256xf32, #tpu.memory_space<vmem>> -> memref<256xf32, #tpu.memory_space<vmem>>
        %dma_start3A_194 = tpu.memref_slice %arg3[%run_scoped3A_171, %run_scoped3A_172, %add3A_170] : memref<1x8x335872xf32, #tpu.memory_space<hbm>> -> memref<1x1x256xf32, #tpu.memory_space<hbm>>
        %dma_start3A_195 = tpu.memref_squeeze %dma_start3A_194 : memref<1x1x256xf32, #tpu.memory_space<hbm>> -> memref<256xf32, #tpu.memory_space<hbm>>
        tpu.enqueue_dma source(%dma_start3A_195 : memref<256xf32, #tpu.memory_space<hbm>>) target(%dma_start3A_193 : memref<256xf32, #tpu.memory_space<vmem>>) target_semaphore(%run_scoped3A_186 : memref<!tpu.dma_semaphore, #tpu.memory_space<semaphore_mem>>)
        %dma_wait3A = arith.constant 0 : i32
        %dma_wait3A_196 = tpu.memref_slice %arg7[%run_scoped3A_173, %dma_wait3A] : memref<4x256xf32, #tpu.memory_space<vmem>> -> memref<1x256xf32, #tpu.memory_space<vmem>>
        %dma_wait3A_197 = tpu.memref_squeeze %dma_wait3A_196 : memref<1x256xf32, #tpu.memory_space<vmem>> -> memref<256xf32, #tpu.memory_space<vmem>>
        %dma_wait3A_198 = tpu.memref_slice %arg3[%run_scoped3A_171, %run_scoped3A_172, %add3A_170] : memref<1x8x335872xf32, #tpu.memory_space<hbm>> -> memref<1x1x256xf32, #tpu.memory_space<hbm>>
        %dma_wait3A_199 = tpu.memref_squeeze %dma_wait3A_198 : memref<1x1x256xf32, #tpu.memory_space<hbm>> -> memref<256xf32, #tpu.memory_space<hbm>>
        %dma_wait3A_200 = arith.constant 0 : i32
        %dma_wait3A_201 = tpu.memref_slice %arg7[%run_scoped3A_173, %dma_wait3A_200] : memref<4x256xf32, #tpu.memory_space<vmem>> -> memref<1x256xf32, #tpu.memory_space<vmem>>
        %dma_wait3A_202 = tpu.memref_squeeze %dma_wait3A_201 : memref<1x256xf32, #tpu.memory_space<vmem>> -> memref<256xf32, #tpu.memory_space<vmem>>
        %dma_wait3A_203 = tpu.memref_slice %arg3[%run_scoped3A_171, %run_scoped3A_172, %add3A_170] : memref<1x8x335872xf32, #tpu.memory_space<hbm>> -> memref<1x1x256xf32, #tpu.memory_space<hbm>>
        %dma_wait3A_204 = tpu.memref_squeeze %dma_wait3A_203 : memref<1x1x256xf32, #tpu.memory_space<hbm>> -> memref<256xf32, #tpu.memory_space<hbm>>
        tpu.wait_dma2 semaphore(%run_scoped3A_186 : memref<!tpu.dma_semaphore, #tpu.memory_space<semaphore_mem>>) src(%dma_wait3A_204 : memref<256xf32, #tpu.memory_space<hbm>>) dst(%dma_wait3A_202 : memref<256xf32, #tpu.memory_space<vmem>>)
        tpu.yield
      }) : () -> ()
      %mul3A_174 = arith.constant 256 : i32
      %mul3A_175 = arith.muli %scan3A_155, %mul3A_174 : i32
      %add3A_176 = arith.addi %mul3A_2, %mul3A_175 : i32
      %run_scoped3A_177 = arith.constant 0 : i32
      %run_scoped3A_178 = arith.constant 3 : i32
      %run_scoped3A_179 = arith.constant 3 : i32
      "tpu.region"() ({
        %run_scoped3A_186 = tpu.sem_alloc : memref<!tpu.dma_semaphore, #tpu.memory_space<semaphore_mem>>
        %dma_start3A = arith.constant 0 : i32
        %dma_start3A_187 = tpu.memref_slice %arg7[%run_scoped3A_179, %dma_start3A] : memref<4x256xf32, #tpu.memory_space<vmem>> -> memref<1x256xf32, #tpu.memory_space<vmem>>
        %dma_start3A_188 = tpu.memref_squeeze %dma_start3A_187 : memref<1x256xf32, #tpu.memory_space<vmem>> -> memref<256xf32, #tpu.memory_space<vmem>>
        %dma_start3A_189 = tpu.memref_slice %arg3[%run_scoped3A_177, %run_scoped3A_178, %add3A_176] : memref<1x8x335872xf32, #tpu.memory_space<hbm>> -> memref<1x1x256xf32, #tpu.memory_space<hbm>>
        %dma_start3A_190 = tpu.memref_squeeze %dma_start3A_189 : memref<1x1x256xf32, #tpu.memory_space<hbm>> -> memref<256xf32, #tpu.memory_space<hbm>>
        %dma_start3A_191 = arith.constant 0 : i32
        %dma_start3A_192 = tpu.memref_slice %arg7[%run_scoped3A_179, %dma_start3A_191] : memref<4x256xf32, #tpu.memory_space<vmem>> -> memref<1x256xf32, #tpu.memory_space<vmem>>
        %dma_start3A_193 = tpu.memref_squeeze %dma_start3A_192 : memref<1x256xf32, #tpu.memory_space<vmem>> -> memref<256xf32, #tpu.memory_space<vmem>>
        %dma_start3A_194 = tpu.memref_slice %arg3[%run_scoped3A_177, %run_scoped3A_178, %add3A_176] : memref<1x8x335872xf32, #tpu.memory_space<hbm>> -> memref<1x1x256xf32, #tpu.memory_space<hbm>>
        %dma_start3A_195 = tpu.memref_squeeze %dma_start3A_194 : memref<1x1x256xf32, #tpu.memory_space<hbm>> -> memref<256xf32, #tpu.memory_space<hbm>>
        tpu.enqueue_dma source(%dma_start3A_195 : memref<256xf32, #tpu.memory_space<hbm>>) target(%dma_start3A_193 : memref<256xf32, #tpu.memory_space<vmem>>) target_semaphore(%run_scoped3A_186 : memref<!tpu.dma_semaphore, #tpu.memory_space<semaphore_mem>>)
        %dma_wait3A = arith.constant 0 : i32
        %dma_wait3A_196 = tpu.memref_slice %arg7[%run_scoped3A_179, %dma_wait3A] : memref<4x256xf32, #tpu.memory_space<vmem>> -> memref<1x256xf32, #tpu.memory_space<vmem>>
        %dma_wait3A_197 = tpu.memref_squeeze %dma_wait3A_196 : memref<1x256xf32, #tpu.memory_space<vmem>> -> memref<256xf32, #tpu.memory_space<vmem>>
        %dma_wait3A_198 = tpu.memref_slice %arg3[%run_scoped3A_177, %run_scoped3A_178, %add3A_176] : memref<1x8x335872xf32, #tpu.memory_space<hbm>> -> memref<1x1x256xf32, #tpu.memory_space<hbm>>
        %dma_wait3A_199 = tpu.memref_squeeze %dma_wait3A_198 : memref<1x1x256xf32, #tpu.memory_space<hbm>> -> memref<256xf32, #tpu.memory_space<hbm>>
        %dma_wait3A_200 = arith.constant 0 : i32
        %dma_wait3A_201 = tpu.memref_slice %arg7[%run_scoped3A_179, %dma_wait3A_200] : memref<4x256xf32, #tpu.memory_space<vmem>> -> memref<1x256xf32, #tpu.memory_space<vmem>>
        %dma_wait3A_202 = tpu.memref_squeeze %dma_wait3A_201 : memref<1x256xf32, #tpu.memory_space<vmem>> -> memref<256xf32, #tpu.memory_space<vmem>>
        %dma_wait3A_203 = tpu.memref_slice %arg3[%run_scoped3A_177, %run_scoped3A_178, %add3A_176] : memref<1x8x335872xf32, #tpu.memory_space<hbm>> -> memref<1x1x256xf32, #tpu.memory_space<hbm>>
        %dma_wait3A_204 = tpu.memref_squeeze %dma_wait3A_203 : memref<1x1x256xf32, #tpu.memory_space<hbm>> -> memref<256xf32, #tpu.memory_space<hbm>>
        tpu.wait_dma2 semaphore(%run_scoped3A_186 : memref<!tpu.dma_semaphore, #tpu.memory_space<semaphore_mem>>) src(%dma_wait3A_204 : memref<256xf32, #tpu.memory_space<hbm>>) dst(%dma_wait3A_202 : memref<256xf32, #tpu.memory_space<vmem>>)
        tpu.yield
      }) : () -> ()
      %scan3A_180 = arith.constant 0 : i32
      %scan3A_181 = arith.constant 0 : i32
      %scan3A_182 = arith.constant 16 : i32
      %scan3A_183 = arith.addi %scan3A_181, %scan3A_182 : i32
      %scan3A_184 = arith.constant 1 : i32
      scf.for %scan3A_186 = %scan3A_181 to %scan3A_183 step %scan3A_184  : i32 {
        %mul3A_187 = arith.constant 256 : i32
        %mul3A_188 = arith.muli %scan3A_155, %mul3A_187 : i32
        %mul3A_189 = arith.constant 16 : i32
        %mul3A_190 = arith.muli %scan3A_186, %mul3A_189 : i32
        %add3A_191 = arith.addi %mul3A_188, %mul3A_190 : i32
        %get3A = arith.index_cast %add3A_191 : i32 to index
        %get3A_192 = tpu.vector_load %arg6[%get3A] {strides = array<i32>} : memref<10496xi32, #tpu.memory_space<vmem>>, vector<16xi32>,
        %mul3A_193 = arith.constant 16 : i32
        %mul3A_194 = arith.muli %scan3A_186, %mul3A_193 : i32
        %get3A_195 = arith.constant 0 : i32
        %get3A_196 = arith.index_cast %get3A_195 : i32 to index
        %get3A_197 = arith.index_cast %mul3A_194 : i32 to index
        %get3A_198 = tpu.vector_load %arg7[%get3A_196, %get3A_197] {strides = array<i32>} : memref<4x256xf32, #tpu.memory_space<vmem>>, vector<16xf32>,
        %add3A_199 = arith.constant 0 : i32
        %add3A_200 = vector.broadcast %add3A_199 : i32 to vector<16xi32>
        %add3A_201 = arith.addi %get3A_192, %add3A_200 : vector<16xi32>
        tpu.vector_store_idx %arg5[%add3A_201], %get3A_198 {add = true} : memref<40960xf32, #tpu.memory_space<vmem>>[vector<16xi32>], vector<16xf32>,
        %mul3A_202 = arith.constant 16 : i32
        %mul3A_203 = arith.muli %scan3A_186, %mul3A_202 : i32
        %get3A_204 = arith.constant 1 : i32
        %get3A_205 = arith.index_cast %get3A_204 : i32 to index
        %get3A_206 = arith.index_cast %mul3A_203 : i32 to index
        %get3A_207 = tpu.vector_load %arg7[%get3A_205, %get3A_206] {strides = array<i32>} : memref<4x256xf32, #tpu.memory_space<vmem>>, vector<16xf32>,
        %add3A_208 = arith.constant 10240 : i32
        %add3A_209 = vector.broadcast %add3A_208 : i32 to vector<16xi32>
        %add3A_210 = arith.addi %get3A_192, %add3A_209 : vector<16xi32>
        tpu.vector_store_idx %arg5[%add3A_210], %get3A_207 {add = true} : memref<40960xf32, #tpu.memory_space<vmem>>[vector<16xi32>], vector<16xf32>,
        %mul3A_211 = arith.constant 16 : i32
        %mul3A_212 = arith.muli %scan3A_186, %mul3A_211 : i32
        %get3A_213 = arith.constant 2 : i32
        %get3A_214 = arith.index_cast %get3A_213 : i32 to index
        %get3A_215 = arith.index_cast %mul3A_212 : i32 to index
        %get3A_216 = tpu.vector_load %arg7[%get3A_214, %get3A_215] {strides = array<i32>} : memref<4x256xf32, #tpu.memory_space<vmem>>, vector<16xf32>,
        %add3A_217 = arith.constant 20480 : i32
        %add3A_218 = vector.broadcast %add3A_217 : i32 to vector<16xi32>
        %add3A_219 = arith.addi %get3A_192, %add3A_218 : vector<16xi32>
        tpu.vector_store_idx %arg5[%add3A_219], %get3A_216 {add = true} : memref<40960xf32, #tpu.memory_space<vmem>>[vector<16xi32>], vector<16xf32>,
        %mul3A_220 = arith.constant 16 : i32
        %mul3A_221 = arith.muli %scan3A_186, %mul3A_220 : i32
        %get3A_222 = arith.constant 3 : i32
        %get3A_223 = arith.index_cast %get3A_222 : i32 to index
        %get3A_224 = arith.index_cast %mul3A_221 : i32 to index
        %get3A_225 = tpu.vector_load %arg7[%get3A_223, %get3A_224] {strides = array<i32>} : memref<4x256xf32, #tpu.memory_space<vmem>>, vector<16xf32>,
        %add3A_226 = arith.constant 30720 : i32
        %add3A_227 = vector.broadcast %add3A_226 : i32 to vector<16xi32>
        %add3A_228 = arith.addi %get3A_192, %add3A_227 : vector<16xi32>
        tpu.vector_store_idx %arg5[%add3A_228], %get3A_225 {add = true} : memref<40960xf32, #tpu.memory_space<vmem>>[vector<16xi32>], vector<16xf32>,
      }
      %scan3A_185 = arith.constant 16 : i32
    }
    %scan3A_14 = arith.constant 41 : i32
    "tpu.region"() ({
      %run_scoped3A_155 = tpu.sem_alloc : memref<!tpu.dma_semaphore, #tpu.memory_space<semaphore_mem>>
      %dma_start3A = arith.constant 0 : i32
      %dma_start3A_156 = tpu.memref_slice %arg10[%arg1, %dma_start3A] : memref<16x40960xf32, #tpu.memory_space<vmem_shared>> -> memref<1x40960xf32, #tpu.memory_space<vmem_shared>>
      %dma_start3A_157 = tpu.memref_squeeze %dma_start3A_156 : memref<1x40960xf32, #tpu.memory_space<vmem_shared>> -> memref<40960xf32, #tpu.memory_space<vmem_shared>>
      %dma_start3A_158 = arith.constant 0 : i32
      %dma_start3A_159 = tpu.memref_slice %arg10[%arg1, %dma_start3A_158] : memref<16x40960xf32, #tpu.memory_space<vmem_shared>> -> memref<1x40960xf32, #tpu.memory_space<vmem_shared>>
      %dma_start3A_160 = tpu.memref_squeeze %dma_start3A_159 : memref<1x40960xf32, #tpu.memory_space<vmem_shared>> -> memref<40960xf32, #tpu.memory_space<vmem_shared>>
      tpu.enqueue_dma source(%arg5 : memref<40960xf32, #tpu.memory_space<vmem>>) target(%dma_start3A_160 : memref<40960xf32, #tpu.memory_space<vmem_shared>>) target_semaphore(%run_scoped3A_155 : memref<!tpu.dma_semaphore, #tpu.memory_space<semaphore_mem>>)
      %dma_wait3A = arith.constant 0 : i32
      %dma_wait3A_161 = tpu.memref_slice %arg10[%arg1, %dma_wait3A] : memref<16x40960xf32, #tpu.memory_space<vmem_shared>> -> memref<1x40960xf32, #tpu.memory_space<vmem_shared>>
      %dma_wait3A_162 = tpu.memref_squeeze %dma_wait3A_161 : memref<1x40960xf32, #tpu.memory_space<vmem_shared>> -> memref<40960xf32, #tpu.memory_space<vmem_shared>>
      %dma_wait3A_163 = arith.constant 0 : i32
      %dma_wait3A_164 = tpu.memref_slice %arg10[%arg1, %dma_wait3A_163] : memref<16x40960xf32, #tpu.memory_space<vmem_shared>> -> memref<1x40960xf32, #tpu.memory_space<vmem_shared>>
      %dma_wait3A_165 = tpu.memref_squeeze %dma_wait3A_164 : memref<1x40960xf32, #tpu.memory_space<vmem_shared>> -> memref<40960xf32, #tpu.memory_space<vmem_shared>>
      tpu.wait_dma2 semaphore(%run_scoped3A_155 : memref<!tpu.dma_semaphore, #tpu.memory_space<semaphore_mem>>) src(%arg5 : memref<40960xf32, #tpu.memory_space<vmem>>) dst(%dma_wait3A_165 : memref<40960xf32, #tpu.memory_space<vmem_shared>>)
      tpu.yield
    }) : () -> ()
    %barrier3A = arith.constant 0 : index
    tpu.barrier barrier_id(%barrier3A)
    %mul3A_15 = arith.constant 2560 : i32
    %mul3A_16 = arith.muli %arg1, %mul3A_15 : i32
    %run_scoped3A = arith.constant 0 : i32
    "tpu.region"() ({
      %run_scoped3A_155 = tpu.sem_alloc : memref<!tpu.dma_semaphore, #tpu.memory_space<semaphore_mem>>
      %dma_start3A = tpu.memref_slice %arg10[%run_scoped3A, %mul3A_16] : memref<16x40960xf32, #tpu.memory_space<vmem_shared>> -> memref<1x2560xf32, #tpu.memory_space<vmem_shared>>
      %dma_start3A_156 = tpu.memref_squeeze %dma_start3A : memref<1x2560xf32, #tpu.memory_space<vmem_shared>> -> memref<2560xf32, #tpu.memory_space<vmem_shared>>
      %dma_start3A_157 = tpu.memref_slice %arg10[%run_scoped3A, %mul3A_16] : memref<16x40960xf32, #tpu.memory_space<vmem_shared>> -> memref<1x2560xf32, #tpu.memory_space<vmem_shared>>
      %dma_start3A_158 = tpu.memref_squeeze %dma_start3A_157 : memref<1x2560xf32, #tpu.memory_space<vmem_shared>> -> memref<2560xf32, #tpu.memory_space<vmem_shared>>
      tpu.enqueue_dma source(%dma_start3A_158 : memref<2560xf32, #tpu.memory_space<vmem_shared>>) target(%arg8 : memref<2560xf32, #tpu.memory_space<vmem>>) target_semaphore(%run_scoped3A_155 : memref<!tpu.dma_semaphore, #tpu.memory_space<semaphore_mem>>)
      %dma_wait3A = tpu.memref_slice %arg10[%run_scoped3A, %mul3A_16] : memref<16x40960xf32, #tpu.memory_space<vmem_shared>> -> memref<1x2560xf32, #tpu.memory_space<vmem_shared>>
      %dma_wait3A_159 = tpu.memref_squeeze %dma_wait3A : memref<1x2560xf32, #tpu.memory_space<vmem_shared>> -> memref<2560xf32, #tpu.memory_space<vmem_shared>>
      %dma_wait3A_160 = tpu.memref_slice %arg10[%run_scoped3A, %mul3A_16] : memref<16x40960xf32, #tpu.memory_space<vmem_shared>> -> memref<1x2560xf32, #tpu.memory_space<vmem_shared>>
      %dma_wait3A_161 = tpu.memref_squeeze %dma_wait3A_160 : memref<1x2560xf32, #tpu.memory_space<vmem_shared>> -> memref<2560xf32, #tpu.memory_space<vmem_shared>>
      tpu.wait_dma2 semaphore(%run_scoped3A_155 : memref<!tpu.dma_semaphore, #tpu.memory_space<semaphore_mem>>) src(%dma_wait3A_161 : memref<2560xf32, #tpu.memory_space<vmem_shared>>) dst(%arg8 : memref<2560xf32, #tpu.memory_space<vmem>>)
      tpu.yield
    }) : () -> ()
    %mul3A_17 = arith.constant 2560 : i32
    %mul3A_18 = arith.muli %arg1, %mul3A_17 : i32
    %run_scoped3A_19 = arith.constant 1 : i32
    "tpu.region"() ({
      %run_scoped3A_155 = tpu.sem_alloc : memref<!tpu.dma_semaphore, #tpu.memory_space<semaphore_mem>>
      %dma_start3A = tpu.memref_slice %arg10[%run_scoped3A_19, %mul3A_18] : memref<16x40960xf32, #tpu.memory_space<vmem_shared>> -> memref<1x2560xf32, #tpu.memory_space<vmem_shared>>
      %dma_start3A_156 = tpu.memref_squeeze %dma_start3A : memref<1x2560xf32, #tpu.memory_space<vmem_shared>> -> memref<2560xf32, #tpu.memory_space<vmem_shared>>
      %dma_start3A_157 = tpu.memref_slice %arg10[%run_scoped3A_19, %mul3A_18] : memref<16x40960xf32, #tpu.memory_space<vmem_shared>> -> memref<1x2560xf32, #tpu.memory_space<vmem_shared>>
      %dma_start3A_158 = tpu.memref_squeeze %dma_start3A_157 : memref<1x2560xf32, #tpu.memory_space<vmem_shared>> -> memref<2560xf32, #tpu.memory_space<vmem_shared>>
      tpu.enqueue_dma source(%dma_start3A_158 : memref<2560xf32, #tpu.memory_space<vmem_shared>>) target(%arg9 : memref<2560xf32, #tpu.memory_space<vmem>>) target_semaphore(%run_scoped3A_155 : memref<!tpu.dma_semaphore, #tpu.memory_space<semaphore_mem>>)
      %dma_wait3A = tpu.memref_slice %arg10[%run_scoped3A_19, %mul3A_18] : memref<16x40960xf32, #tpu.memory_space<vmem_shared>> -> memref<1x2560xf32, #tpu.memory_space<vmem_shared>>
      %dma_wait3A_159 = tpu.memref_squeeze %dma_wait3A : memref<1x2560xf32, #tpu.memory_space<vmem_shared>> -> memref<2560xf32, #tpu.memory_space<vmem_shared>>
      %dma_wait3A_160 = tpu.memref_slice %arg10[%run_scoped3A_19, %mul3A_18] : memref<16x40960xf32, #tpu.memory_space<vmem_shared>> -> memref<1x2560xf32, #tpu.memory_space<vmem_shared>>
      %dma_wait3A_161 = tpu.memref_squeeze %dma_wait3A_160 : memref<1x2560xf32, #tpu.memory_space<vmem_shared>> -> memref<2560xf32, #tpu.memory_space<vmem_shared>>
      tpu.wait_dma2 semaphore(%run_scoped3A_155 : memref<!tpu.dma_semaphore, #tpu.memory_space<semaphore_mem>>) src(%dma_wait3A_161 : memref<2560xf32, #tpu.memory_space<vmem_shared>>) dst(%arg9 : memref<2560xf32, #tpu.memory_space<vmem>>)
      tpu.yield
    }) : () -> ()
    %scan3A_20 = arith.constant 0 : i32
    %scan3A_21 = arith.constant 0 : i32
    %scan3A_22 = arith.constant 160 : i32
    %scan3A_23 = arith.addi %scan3A_21, %scan3A_22 : i32
    %scan3A_24 = arith.constant 1 : i32
    scf.for %scan3A_155 = %scan3A_21 to %scan3A_23 step %scan3A_24  : i32 {
      %mul3A_156 = arith.constant 16 : i32
      %mul3A_157 = arith.muli %scan3A_155, %mul3A_156 : i32
      %get3A = arith.index_cast %mul3A_157 : i32 to index
      %get3A_158 = tpu.vector_load %arg8[%get3A] {strides = array<i32>} : memref<2560xf32, #tpu.memory_space<vmem>>, vector<16xf32>,
      %get3A_159 = arith.index_cast %mul3A_157 : i32 to index
      %get3A_160 = tpu.vector_load %arg9[%get3A_159] {strides = array<i32>} : memref<2560xf32, #tpu.memory_space<vmem>>, vector<16xf32>,
      %add3A_161 = arith.addf %get3A_158, %get3A_160 : vector<16xf32>
      %swap3A = arith.index_cast %mul3A_157 : i32 to index
      %swap3A_162 = tpu.vector_load %arg8[%swap3A] {strides = array<i32>} : memref<2560xf32, #tpu.memory_space<vmem>>, vector<16xf32>,
      tpu.vector_store %arg8[%swap3A], %add3A_161 {strides = array<i32>} : memref<2560xf32, #tpu.memory_space<vmem>>, vector<16xf32>,
    }
    %scan3A_25 = arith.constant 160 : i32
    %mul3A_26 = arith.constant 2560 : i32
    %mul3A_27 = arith.muli %arg1, %mul3A_26 : i32
    %run_scoped3A_28 = arith.constant 2 : i32
    "tpu.region"() ({
      %run_scoped3A_155 = tpu.sem_alloc : memref<!tpu.dma_semaphore, #tpu.memory_space<semaphore_mem>>
      %dma_start3A = tpu.memref_slice %arg10[%run_scoped3A_28, %mul3A_27] : memref<16x40960xf32, #tpu.memory_space<vmem_shared>> -> memref<1x2560xf32, #tpu.memory_space<vmem_shared>>
      %dma_start3A_156 = tpu.memref_squeeze %dma_start3A : memref<1x2560xf32, #tpu.memory_space<vmem_shared>> -> memref<2560xf32, #tpu.memory_space<vmem_shared>>
      %dma_start3A_157 = tpu.memref_slice %arg10[%run_scoped3A_28, %mul3A_27] : memref<16x40960xf32, #tpu.memory_space<vmem_shared>> -> memref<1x2560xf32, #tpu.memory_space<vmem_shared>>
      %dma_start3A_158 = tpu.memref_squeeze %dma_start3A_157 : memref<1x2560xf32, #tpu.memory_space<vmem_shared>> -> memref<2560xf32, #tpu.memory_space<vmem_shared>>
      tpu.enqueue_dma source(%dma_start3A_158 : memref<2560xf32, #tpu.memory_space<vmem_shared>>) target(%arg9 : memref<2560xf32, #tpu.memory_space<vmem>>) target_semaphore(%run_scoped3A_155 : memref<!tpu.dma_semaphore, #tpu.memory_space<semaphore_mem>>)
      %dma_wait3A = tpu.memref_slice %arg10[%run_scoped3A_28, %mul3A_27] : memref<16x40960xf32, #tpu.memory_space<vmem_shared>> -> memref<1x2560xf32, #tpu.memory_space<vmem_shared>>
      %dma_wait3A_159 = tpu.memref_squeeze %dma_wait3A : memref<1x2560xf32, #tpu.memory_space<vmem_shared>> -> memref<2560xf32, #tpu.memory_space<vmem_shared>>
      %dma_wait3A_160 = tpu.memref_slice %arg10[%run_scoped3A_28, %mul3A_27] : memref<16x40960xf32, #tpu.memory_space<vmem_shared>> -> memref<1x2560xf32, #tpu.memory_space<vmem_shared>>
      %dma_wait3A_161 = tpu.memref_squeeze %dma_wait3A_160 : memref<1x2560xf32, #tpu.memory_space<vmem_shared>> -> memref<2560xf32, #tpu.memory_space<vmem_shared>>
      tpu.wait_dma2 semaphore(%run_scoped3A_155 : memref<!tpu.dma_semaphore, #tpu.memory_space<semaphore_mem>>) src(%dma_wait3A_161 : memref<2560xf32, #tpu.memory_space<vmem_shared>>) dst(%arg9 : memref<2560xf32, #tpu.memory_space<vmem>>)
      tpu.yield
    }) : () -> ()
    %scan3A_29 = arith.constant 0 : i32
    %scan3A_30 = arith.constant 0 : i32
    %scan3A_31 = arith.constant 160 : i32
    %scan3A_32 = arith.addi %scan3A_30, %scan3A_31 : i32
    %scan3A_33 = arith.constant 1 : i32
    scf.for %scan3A_155 = %scan3A_30 to %scan3A_32 step %scan3A_33  : i32 {
      %mul3A_156 = arith.constant 16 : i32
      %mul3A_157 = arith.muli %scan3A_155, %mul3A_156 : i32
      %get3A = arith.index_cast %mul3A_157 : i32 to index
      %get3A_158 = tpu.vector_load %arg8[%get3A] {strides = array<i32>} : memref<2560xf32, #tpu.memory_space<vmem>>, vector<16xf32>,
      %get3A_159 = arith.index_cast %mul3A_157 : i32 to index
      %get3A_160 = tpu.vector_load %arg9[%get3A_159] {strides = array<i32>} : memref<2560xf32, #tpu.memory_space<vmem>>, vector<16xf32>,
      %add3A_161 = arith.addf %get3A_158, %get3A_160 : vector<16xf32>
      %swap3A = arith.index_cast %mul3A_157 : i32 to index
      %swap3A_162 = tpu.vector_load %arg8[%swap3A] {strides = array<i32>} : memref<2560xf32, #tpu.memory_space<vmem>>, vector<16xf32>,
      tpu.vector_store %arg8[%swap3A], %add3A_161 {strides = array<i32>} : memref<2560xf32, #tpu.memory_space<vmem>>, vector<16xf32>,
    }
    %scan3A_34 = arith.constant 160 : i32
    %mul3A_35 = arith.constant 2560 : i32
    %mul3A_36 = arith.muli %arg1, %mul3A_35 : i32
    %run_scoped3A_37 = arith.constant 3 : i32
    "tpu.region"() ({
      %run_scoped3A_155 = tpu.sem_alloc : memref<!tpu.dma_semaphore, #tpu.memory_space<semaphore_mem>>
      %dma_start3A = tpu.memref_slice %arg10[%run_scoped3A_37, %mul3A_36] : memref<16x40960xf32, #tpu.memory_space<vmem_shared>> -> memref<1x2560xf32, #tpu.memory_space<vmem_shared>>
      %dma_start3A_156 = tpu.memref_squeeze %dma_start3A : memref<1x2560xf32, #tpu.memory_space<vmem_shared>> -> memref<2560xf32, #tpu.memory_space<vmem_shared>>
      %dma_start3A_157 = tpu.memref_slice %arg10[%run_scoped3A_37, %mul3A_36] : memref<16x40960xf32, #tpu.memory_space<vmem_shared>> -> memref<1x2560xf32, #tpu.memory_space<vmem_shared>>
      %dma_start3A_158 = tpu.memref_squeeze %dma_start3A_157 : memref<1x2560xf32, #tpu.memory_space<vmem_shared>> -> memref<2560xf32, #tpu.memory_space<vmem_shared>>
      tpu.enqueue_dma source(%dma_start3A_158 : memref<2560xf32, #tpu.memory_space<vmem_shared>>) target(%arg9 : memref<2560xf32, #tpu.memory_space<vmem>>) target_semaphore(%run_scoped3A_155 : memref<!tpu.dma_semaphore, #tpu.memory_space<semaphore_mem>>)
      %dma_wait3A = tpu.memref_slice %arg10[%run_scoped3A_37, %mul3A_36] : memref<16x40960xf32, #tpu.memory_space<vmem_shared>> -> memref<1x2560xf32, #tpu.memory_space<vmem_shared>>
      %dma_wait3A_159 = tpu.memref_squeeze %dma_wait3A : memref<1x2560xf32, #tpu.memory_space<vmem_shared>> -> memref<2560xf32, #tpu.memory_space<vmem_shared>>
      %dma_wait3A_160 = tpu.memref_slice %arg10[%run_scoped3A_37, %mul3A_36] : memref<16x40960xf32, #tpu.memory_space<vmem_shared>> -> memref<1x2560xf32, #tpu.memory_space<vmem_shared>>
      %dma_wait3A_161 = tpu.memref_squeeze %dma_wait3A_160 : memref<1x2560xf32, #tpu.memory_space<vmem_shared>> -> memref<2560xf32, #tpu.memory_space<vmem_shared>>
      tpu.wait_dma2 semaphore(%run_scoped3A_155 : memref<!tpu.dma_semaphore, #tpu.memory_space<semaphore_mem>>) src(%dma_wait3A_161 : memref<2560xf32, #tpu.memory_space<vmem_shared>>) dst(%arg9 : memref<2560xf32, #tpu.memory_space<vmem>>)
      tpu.yield
    }) : () -> ()
    %scan3A_38 = arith.constant 0 : i32
    %scan3A_39 = arith.constant 0 : i32
    %scan3A_40 = arith.constant 160 : i32
    %scan3A_41 = arith.addi %scan3A_39, %scan3A_40 : i32
    %scan3A_42 = arith.constant 1 : i32
    scf.for %scan3A_155 = %scan3A_39 to %scan3A_41 step %scan3A_42  : i32 {
      %mul3A_156 = arith.constant 16 : i32
      %mul3A_157 = arith.muli %scan3A_155, %mul3A_156 : i32
      %get3A = arith.index_cast %mul3A_157 : i32 to index
      %get3A_158 = tpu.vector_load %arg8[%get3A] {strides = array<i32>} : memref<2560xf32, #tpu.memory_space<vmem>>, vector<16xf32>,
      %get3A_159 = arith.index_cast %mul3A_157 : i32 to index
      %get3A_160 = tpu.vector_load %arg9[%get3A_159] {strides = array<i32>} : memref<2560xf32, #tpu.memory_space<vmem>>, vector<16xf32>,
      %add3A_161 = arith.addf %get3A_158, %get3A_160 : vector<16xf32>
      %swap3A = arith.index_cast %mul3A_157 : i32 to index
      %swap3A_162 = tpu.vector_load %arg8[%swap3A] {strides = array<i32>} : memref<2560xf32, #tpu.memory_space<vmem>>, vector<16xf32>,
      tpu.vector_store %arg8[%swap3A], %add3A_161 {strides = array<i32>} : memref<2560xf32, #tpu.memory_space<vmem>>, vector<16xf32>,
    }
    %scan3A_43 = arith.constant 160 : i32
    %mul3A_44 = arith.constant 2560 : i32
    %mul3A_45 = arith.muli %arg1, %mul3A_44 : i32
    %run_scoped3A_46 = arith.constant 4 : i32
    "tpu.region"() ({
      %run_scoped3A_155 = tpu.sem_alloc : memref<!tpu.dma_semaphore, #tpu.memory_space<semaphore_mem>>
      %dma_start3A = tpu.memref_slice %arg10[%run_scoped3A_46, %mul3A_45] : memref<16x40960xf32, #tpu.memory_space<vmem_shared>> -> memref<1x2560xf32, #tpu.memory_space<vmem_shared>>
      %dma_start3A_156 = tpu.memref_squeeze %dma_start3A : memref<1x2560xf32, #tpu.memory_space<vmem_shared>> -> memref<2560xf32, #tpu.memory_space<vmem_shared>>
      %dma_start3A_157 = tpu.memref_slice %arg10[%run_scoped3A_46, %mul3A_45] : memref<16x40960xf32, #tpu.memory_space<vmem_shared>> -> memref<1x2560xf32, #tpu.memory_space<vmem_shared>>
      %dma_start3A_158 = tpu.memref_squeeze %dma_start3A_157 : memref<1x2560xf32, #tpu.memory_space<vmem_shared>> -> memref<2560xf32, #tpu.memory_space<vmem_shared>>
      tpu.enqueue_dma source(%dma_start3A_158 : memref<2560xf32, #tpu.memory_space<vmem_shared>>) target(%arg9 : memref<2560xf32, #tpu.memory_space<vmem>>) target_semaphore(%run_scoped3A_155 : memref<!tpu.dma_semaphore, #tpu.memory_space<semaphore_mem>>)
      %dma_wait3A = tpu.memref_slice %arg10[%run_scoped3A_46, %mul3A_45] : memref<16x40960xf32, #tpu.memory_space<vmem_shared>> -> memref<1x2560xf32, #tpu.memory_space<vmem_shared>>
      %dma_wait3A_159 = tpu.memref_squeeze %dma_wait3A : memref<1x2560xf32, #tpu.memory_space<vmem_shared>> -> memref<2560xf32, #tpu.memory_space<vmem_shared>>
      %dma_wait3A_160 = tpu.memref_slice %arg10[%run_scoped3A_46, %mul3A_45] : memref<16x40960xf32, #tpu.memory_space<vmem_shared>> -> memref<1x2560xf32, #tpu.memory_space<vmem_shared>>
      %dma_wait3A_161 = tpu.memref_squeeze %dma_wait3A_160 : memref<1x2560xf32, #tpu.memory_space<vmem_shared>> -> memref<2560xf32, #tpu.memory_space<vmem_shared>>
      tpu.wait_dma2 semaphore(%run_scoped3A_155 : memref<!tpu.dma_semaphore, #tpu.memory_space<semaphore_mem>>) src(%dma_wait3A_161 : memref<2560xf32, #tpu.memory_space<vmem_shared>>) dst(%arg9 : memref<2560xf32, #tpu.memory_space<vmem>>)
      tpu.yield
    }) : () -> ()
    %scan3A_47 = arith.constant 0 : i32
    %scan3A_48 = arith.constant 0 : i32
    %scan3A_49 = arith.constant 160 : i32
    %scan3A_50 = arith.addi %scan3A_48, %scan3A_49 : i32
    %scan3A_51 = arith.constant 1 : i32
    scf.for %scan3A_155 = %scan3A_48 to %scan3A_50 step %scan3A_51  : i32 {
      %mul3A_156 = arith.constant 16 : i32
      %mul3A_157 = arith.muli %scan3A_155, %mul3A_156 : i32
      %get3A = arith.index_cast %mul3A_157 : i32 to index
      %get3A_158 = tpu.vector_load %arg8[%get3A] {strides = array<i32>} : memref<2560xf32, #tpu.memory_space<vmem>>, vector<16xf32>,
      %get3A_159 = arith.index_cast %mul3A_157 : i32 to index
      %get3A_160 = tpu.vector_load %arg9[%get3A_159] {strides = array<i32>} : memref<2560xf32, #tpu.memory_space<vmem>>, vector<16xf32>,
      %add3A_161 = arith.addf %get3A_158, %get3A_160 : vector<16xf32>
      %swap3A = arith.index_cast %mul3A_157 : i32 to index
      %swap3A_162 = tpu.vector_load %arg8[%swap3A] {strides = array<i32>} : memref<2560xf32, #tpu.memory_space<vmem>>, vector<16xf32>,
      tpu.vector_store %arg8[%swap3A], %add3A_161 {strides = array<i32>} : memref<2560xf32, #tpu.memory_space<vmem>>, vector<16xf32>,
    }
    %scan3A_52 = arith.constant 160 : i32
    %mul3A_53 = arith.constant 2560 : i32
    %mul3A_54 = arith.muli %arg1, %mul3A_53 : i32
    %run_scoped3A_55 = arith.constant 5 : i32
    "tpu.region"() ({
      %run_scoped3A_155 = tpu.sem_alloc : memref<!tpu.dma_semaphore, #tpu.memory_space<semaphore_mem>>
      %dma_start3A = tpu.memref_slice %arg10[%run_scoped3A_55, %mul3A_54] : memref<16x40960xf32, #tpu.memory_space<vmem_shared>> -> memref<1x2560xf32, #tpu.memory_space<vmem_shared>>
      %dma_start3A_156 = tpu.memref_squeeze %dma_start3A : memref<1x2560xf32, #tpu.memory_space<vmem_shared>> -> memref<2560xf32, #tpu.memory_space<vmem_shared>>
      %dma_start3A_157 = tpu.memref_slice %arg10[%run_scoped3A_55, %mul3A_54] : memref<16x40960xf32, #tpu.memory_space<vmem_shared>> -> memref<1x2560xf32, #tpu.memory_space<vmem_shared>>
      %dma_start3A_158 = tpu.memref_squeeze %dma_start3A_157 : memref<1x2560xf32, #tpu.memory_space<vmem_shared>> -> memref<2560xf32, #tpu.memory_space<vmem_shared>>
      tpu.enqueue_dma source(%dma_start3A_158 : memref<2560xf32, #tpu.memory_space<vmem_shared>>) target(%arg9 : memref<2560xf32, #tpu.memory_space<vmem>>) target_semaphore(%run_scoped3A_155 : memref<!tpu.dma_semaphore, #tpu.memory_space<semaphore_mem>>)
      %dma_wait3A = tpu.memref_slice %arg10[%run_scoped3A_55, %mul3A_54] : memref<16x40960xf32, #tpu.memory_space<vmem_shared>> -> memref<1x2560xf32, #tpu.memory_space<vmem_shared>>
      %dma_wait3A_159 = tpu.memref_squeeze %dma_wait3A : memref<1x2560xf32, #tpu.memory_space<vmem_shared>> -> memref<2560xf32, #tpu.memory_space<vmem_shared>>
      %dma_wait3A_160 = tpu.memref_slice %arg10[%run_scoped3A_55, %mul3A_54] : memref<16x40960xf32, #tpu.memory_space<vmem_shared>> -> memref<1x2560xf32, #tpu.memory_space<vmem_shared>>
      %dma_wait3A_161 = tpu.memref_squeeze %dma_wait3A_160 : memref<1x2560xf32, #tpu.memory_space<vmem_shared>> -> memref<2560xf32, #tpu.memory_space<vmem_shared>>
      tpu.wait_dma2 semaphore(%run_scoped3A_155 : memref<!tpu.dma_semaphore, #tpu.memory_space<semaphore_mem>>) src(%dma_wait3A_161 : memref<2560xf32, #tpu.memory_space<vmem_shared>>) dst(%arg9 : memref<2560xf32, #tpu.memory_space<vmem>>)
      tpu.yield
    }) : () -> ()
    %scan3A_56 = arith.constant 0 : i32
    %scan3A_57 = arith.constant 0 : i32
    %scan3A_58 = arith.constant 160 : i32
    %scan3A_59 = arith.addi %scan3A_57, %scan3A_58 : i32
    %scan3A_60 = arith.constant 1 : i32
    scf.for %scan3A_155 = %scan3A_57 to %scan3A_59 step %scan3A_60  : i32 {
      %mul3A_156 = arith.constant 16 : i32
      %mul3A_157 = arith.muli %scan3A_155, %mul3A_156 : i32
      %get3A = arith.index_cast %mul3A_157 : i32 to index
      %get3A_158 = tpu.vector_load %arg8[%get3A] {strides = array<i32>} : memref<2560xf32, #tpu.memory_space<vmem>>, vector<16xf32>,
      %get3A_159 = arith.index_cast %mul3A_157 : i32 to index
      %get3A_160 = tpu.vector_load %arg9[%get3A_159] {strides = array<i32>} : memref<2560xf32, #tpu.memory_space<vmem>>, vector<16xf32>,
      %add3A_161 = arith.addf %get3A_158, %get3A_160 : vector<16xf32>
      %swap3A = arith.index_cast %mul3A_157 : i32 to index
      %swap3A_162 = tpu.vector_load %arg8[%swap3A] {strides = array<i32>} : memref<2560xf32, #tpu.memory_space<vmem>>, vector<16xf32>,
      tpu.vector_store %arg8[%swap3A], %add3A_161 {strides = array<i32>} : memref<2560xf32, #tpu.memory_space<vmem>>, vector<16xf32>,
    }
    %scan3A_61 = arith.constant 160 : i32
    %mul3A_62 = arith.constant 2560 : i32
    %mul3A_63 = arith.muli %arg1, %mul3A_62 : i32
    %run_scoped3A_64 = arith.constant 6 : i32
    "tpu.region"() ({
      %run_scoped3A_155 = tpu.sem_alloc : memref<!tpu.dma_semaphore, #tpu.memory_space<semaphore_mem>>
      %dma_start3A = tpu.memref_slice %arg10[%run_scoped3A_64, %mul3A_63] : memref<16x40960xf32, #tpu.memory_space<vmem_shared>> -> memref<1x2560xf32, #tpu.memory_space<vmem_shared>>
      %dma_start3A_156 = tpu.memref_squeeze %dma_start3A : memref<1x2560xf32, #tpu.memory_space<vmem_shared>> -> memref<2560xf32, #tpu.memory_space<vmem_shared>>
      %dma_start3A_157 = tpu.memref_slice %arg10[%run_scoped3A_64, %mul3A_63] : memref<16x40960xf32, #tpu.memory_space<vmem_shared>> -> memref<1x2560xf32, #tpu.memory_space<vmem_shared>>
      %dma_start3A_158 = tpu.memref_squeeze %dma_start3A_157 : memref<1x2560xf32, #tpu.memory_space<vmem_shared>> -> memref<2560xf32, #tpu.memory_space<vmem_shared>>
      tpu.enqueue_dma source(%dma_start3A_158 : memref<2560xf32, #tpu.memory_space<vmem_shared>>) target(%arg9 : memref<2560xf32, #tpu.memory_space<vmem>>) target_semaphore(%run_scoped3A_155 : memref<!tpu.dma_semaphore, #tpu.memory_space<semaphore_mem>>)
      %dma_wait3A = tpu.memref_slice %arg10[%run_scoped3A_64, %mul3A_63] : memref<16x40960xf32, #tpu.memory_space<vmem_shared>> -> memref<1x2560xf32, #tpu.memory_space<vmem_shared>>
      %dma_wait3A_159 = tpu.memref_squeeze %dma_wait3A : memref<1x2560xf32, #tpu.memory_space<vmem_shared>> -> memref<2560xf32, #tpu.memory_space<vmem_shared>>
      %dma_wait3A_160 = tpu.memref_slice %arg10[%run_scoped3A_64, %mul3A_63] : memref<16x40960xf32, #tpu.memory_space<vmem_shared>> -> memref<1x2560xf32, #tpu.memory_space<vmem_shared>>
      %dma_wait3A_161 = tpu.memref_squeeze %dma_wait3A_160 : memref<1x2560xf32, #tpu.memory_space<vmem_shared>> -> memref<2560xf32, #tpu.memory_space<vmem_shared>>
      tpu.wait_dma2 semaphore(%run_scoped3A_155 : memref<!tpu.dma_semaphore, #tpu.memory_space<semaphore_mem>>) src(%dma_wait3A_161 : memref<2560xf32, #tpu.memory_space<vmem_shared>>) dst(%arg9 : memref<2560xf32, #tpu.memory_space<vmem>>)
      tpu.yield
    }) : () -> ()
    %scan3A_65 = arith.constant 0 : i32
    %scan3A_66 = arith.constant 0 : i32
    %scan3A_67 = arith.constant 160 : i32
    %scan3A_68 = arith.addi %scan3A_66, %scan3A_67 : i32
    %scan3A_69 = arith.constant 1 : i32
    scf.for %scan3A_155 = %scan3A_66 to %scan3A_68 step %scan3A_69  : i32 {
      %mul3A_156 = arith.constant 16 : i32
      %mul3A_157 = arith.muli %scan3A_155, %mul3A_156 : i32
      %get3A = arith.index_cast %mul3A_157 : i32 to index
      %get3A_158 = tpu.vector_load %arg8[%get3A] {strides = array<i32>} : memref<2560xf32, #tpu.memory_space<vmem>>, vector<16xf32>,
      %get3A_159 = arith.index_cast %mul3A_157 : i32 to index
      %get3A_160 = tpu.vector_load %arg9[%get3A_159] {strides = array<i32>} : memref<2560xf32, #tpu.memory_space<vmem>>, vector<16xf32>,
      %add3A_161 = arith.addf %get3A_158, %get3A_160 : vector<16xf32>
      %swap3A = arith.index_cast %mul3A_157 : i32 to index
      %swap3A_162 = tpu.vector_load %arg8[%swap3A] {strides = array<i32>} : memref<2560xf32, #tpu.memory_space<vmem>>, vector<16xf32>,
      tpu.vector_store %arg8[%swap3A], %add3A_161 {strides = array<i32>} : memref<2560xf32, #tpu.memory_space<vmem>>, vector<16xf32>,
    }
    %scan3A_70 = arith.constant 160 : i32
    %mul3A_71 = arith.constant 2560 : i32
    %mul3A_72 = arith.muli %arg1, %mul3A_71 : i32
    %run_scoped3A_73 = arith.constant 7 : i32
    "tpu.region"() ({
      %run_scoped3A_155 = tpu.sem_alloc : memref<!tpu.dma_semaphore, #tpu.memory_space<semaphore_mem>>
      %dma_start3A = tpu.memref_slice %arg10[%run_scoped3A_73, %mul3A_72] : memref<16x40960xf32, #tpu.memory_space<vmem_shared>> -> memref<1x2560xf32, #tpu.memory_space<vmem_shared>>
      %dma_start3A_156 = tpu.memref_squeeze %dma_start3A : memref<1x2560xf32, #tpu.memory_space<vmem_shared>> -> memref<2560xf32, #tpu.memory_space<vmem_shared>>
      %dma_start3A_157 = tpu.memref_slice %arg10[%run_scoped3A_73, %mul3A_72] : memref<16x40960xf32, #tpu.memory_space<vmem_shared>> -> memref<1x2560xf32, #tpu.memory_space<vmem_shared>>
      %dma_start3A_158 = tpu.memref_squeeze %dma_start3A_157 : memref<1x2560xf32, #tpu.memory_space<vmem_shared>> -> memref<2560xf32, #tpu.memory_space<vmem_shared>>
      tpu.enqueue_dma source(%dma_start3A_158 : memref<2560xf32, #tpu.memory_space<vmem_shared>>) target(%arg9 : memref<2560xf32, #tpu.memory_space<vmem>>) target_semaphore(%run_scoped3A_155 : memref<!tpu.dma_semaphore, #tpu.memory_space<semaphore_mem>>)
      %dma_wait3A = tpu.memref_slice %arg10[%run_scoped3A_73, %mul3A_72] : memref<16x40960xf32, #tpu.memory_space<vmem_shared>> -> memref<1x2560xf32, #tpu.memory_space<vmem_shared>>
      %dma_wait3A_159 = tpu.memref_squeeze %dma_wait3A : memref<1x2560xf32, #tpu.memory_space<vmem_shared>> -> memref<2560xf32, #tpu.memory_space<vmem_shared>>
      %dma_wait3A_160 = tpu.memref_slice %arg10[%run_scoped3A_73, %mul3A_72] : memref<16x40960xf32, #tpu.memory_space<vmem_shared>> -> memref<1x2560xf32, #tpu.memory_space<vmem_shared>>
      %dma_wait3A_161 = tpu.memref_squeeze %dma_wait3A_160 : memref<1x2560xf32, #tpu.memory_space<vmem_shared>> -> memref<2560xf32, #tpu.memory_space<vmem_shared>>
      tpu.wait_dma2 semaphore(%run_scoped3A_155 : memref<!tpu.dma_semaphore, #tpu.memory_space<semaphore_mem>>) src(%dma_wait3A_161 : memref<2560xf32, #tpu.memory_space<vmem_shared>>) dst(%arg9 : memref<2560xf32, #tpu.memory_space<vmem>>)
      tpu.yield
    }) : () -> ()
    %scan3A_74 = arith.constant 0 : i32
    %scan3A_75 = arith.constant 0 : i32
    %scan3A_76 = arith.constant 160 : i32
    %scan3A_77 = arith.addi %scan3A_75, %scan3A_76 : i32
    %scan3A_78 = arith.constant 1 : i32
    scf.for %scan3A_155 = %scan3A_75 to %scan3A_77 step %scan3A_78  : i32 {
      %mul3A_156 = arith.constant 16 : i32
      %mul3A_157 = arith.muli %scan3A_155, %mul3A_156 : i32
      %get3A = arith.index_cast %mul3A_157 : i32 to index
      %get3A_158 = tpu.vector_load %arg8[%get3A] {strides = array<i32>} : memref<2560xf32, #tpu.memory_space<vmem>>, vector<16xf32>,
      %get3A_159 = arith.index_cast %mul3A_157 : i32 to index
      %get3A_160 = tpu.vector_load %arg9[%get3A_159] {strides = array<i32>} : memref<2560xf32, #tpu.memory_space<vmem>>, vector<16xf32>,
      %add3A_161 = arith.addf %get3A_158, %get3A_160 : vector<16xf32>
      %swap3A = arith.index_cast %mul3A_157 : i32 to index
      %swap3A_162 = tpu.vector_load %arg8[%swap3A] {strides = array<i32>} : memref<2560xf32, #tpu.memory_space<vmem>>, vector<16xf32>,
      tpu.vector_store %arg8[%swap3A], %add3A_161 {strides = array<i32>} : memref<2560xf32, #tpu.memory_space<vmem>>, vector<16xf32>,
    }
    %scan3A_79 = arith.constant 160 : i32
    %mul3A_80 = arith.constant 2560 : i32
    %mul3A_81 = arith.muli %arg1, %mul3A_80 : i32
    %run_scoped3A_82 = arith.constant 8 : i32
    "tpu.region"() ({
      %run_scoped3A_155 = tpu.sem_alloc : memref<!tpu.dma_semaphore, #tpu.memory_space<semaphore_mem>>
      %dma_start3A = tpu.memref_slice %arg10[%run_scoped3A_82, %mul3A_81] : memref<16x40960xf32, #tpu.memory_space<vmem_shared>> -> memref<1x2560xf32, #tpu.memory_space<vmem_shared>>
      %dma_start3A_156 = tpu.memref_squeeze %dma_start3A : memref<1x2560xf32, #tpu.memory_space<vmem_shared>> -> memref<2560xf32, #tpu.memory_space<vmem_shared>>
      %dma_start3A_157 = tpu.memref_slice %arg10[%run_scoped3A_82, %mul3A_81] : memref<16x40960xf32, #tpu.memory_space<vmem_shared>> -> memref<1x2560xf32, #tpu.memory_space<vmem_shared>>
      %dma_start3A_158 = tpu.memref_squeeze %dma_start3A_157 : memref<1x2560xf32, #tpu.memory_space<vmem_shared>> -> memref<2560xf32, #tpu.memory_space<vmem_shared>>
      tpu.enqueue_dma source(%dma_start3A_158 : memref<2560xf32, #tpu.memory_space<vmem_shared>>) target(%arg9 : memref<2560xf32, #tpu.memory_space<vmem>>) target_semaphore(%run_scoped3A_155 : memref<!tpu.dma_semaphore, #tpu.memory_space<semaphore_mem>>)
      %dma_wait3A = tpu.memref_slice %arg10[%run_scoped3A_82, %mul3A_81] : memref<16x40960xf32, #tpu.memory_space<vmem_shared>> -> memref<1x2560xf32, #tpu.memory_space<vmem_shared>>
      %dma_wait3A_159 = tpu.memref_squeeze %dma_wait3A : memref<1x2560xf32, #tpu.memory_space<vmem_shared>> -> memref<2560xf32, #tpu.memory_space<vmem_shared>>
      %dma_wait3A_160 = tpu.memref_slice %arg10[%run_scoped3A_82, %mul3A_81] : memref<16x40960xf32, #tpu.memory_space<vmem_shared>> -> memref<1x2560xf32, #tpu.memory_space<vmem_shared>>
      %dma_wait3A_161 = tpu.memref_squeeze %dma_wait3A_160 : memref<1x2560xf32, #tpu.memory_space<vmem_shared>> -> memref<2560xf32, #tpu.memory_space<vmem_shared>>
      tpu.wait_dma2 semaphore(%run_scoped3A_155 : memref<!tpu.dma_semaphore, #tpu.memory_space<semaphore_mem>>) src(%dma_wait3A_161 : memref<2560xf32, #tpu.memory_space<vmem_shared>>) dst(%arg9 : memref<2560xf32, #tpu.memory_space<vmem>>)
      tpu.yield
    }) : () -> ()
    %scan3A_83 = arith.constant 0 : i32
    %scan3A_84 = arith.constant 0 : i32
    %scan3A_85 = arith.constant 160 : i32
    %scan3A_86 = arith.addi %scan3A_84, %scan3A_85 : i32
    %scan3A_87 = arith.constant 1 : i32
    scf.for %scan3A_155 = %scan3A_84 to %scan3A_86 step %scan3A_87  : i32 {
      %mul3A_156 = arith.constant 16 : i32
      %mul3A_157 = arith.muli %scan3A_155, %mul3A_156 : i32
      %get3A = arith.index_cast %mul3A_157 : i32 to index
      %get3A_158 = tpu.vector_load %arg8[%get3A] {strides = array<i32>} : memref<2560xf32, #tpu.memory_space<vmem>>, vector<16xf32>,
      %get3A_159 = arith.index_cast %mul3A_157 : i32 to index
      %get3A_160 = tpu.vector_load %arg9[%get3A_159] {strides = array<i32>} : memref<2560xf32, #tpu.memory_space<vmem>>, vector<16xf32>,
      %add3A_161 = arith.addf %get3A_158, %get3A_160 : vector<16xf32>
      %swap3A = arith.index_cast %mul3A_157 : i32 to index
      %swap3A_162 = tpu.vector_load %arg8[%swap3A] {strides = array<i32>} : memref<2560xf32, #tpu.memory_space<vmem>>, vector<16xf32>,
      tpu.vector_store %arg8[%swap3A], %add3A_161 {strides = array<i32>} : memref<2560xf32, #tpu.memory_space<vmem>>, vector<16xf32>,
    }
    %scan3A_88 = arith.constant 160 : i32
    %mul3A_89 = arith.constant 2560 : i32
    %mul3A_90 = arith.muli %arg1, %mul3A_89 : i32
    %run_scoped3A_91 = arith.constant 9 : i32
    "tpu.region"() ({
      %run_scoped3A_155 = tpu.sem_alloc : memref<!tpu.dma_semaphore, #tpu.memory_space<semaphore_mem>>
      %dma_start3A = tpu.memref_slice %arg10[%run_scoped3A_91, %mul3A_90] : memref<16x40960xf32, #tpu.memory_space<vmem_shared>> -> memref<1x2560xf32, #tpu.memory_space<vmem_shared>>
      %dma_start3A_156 = tpu.memref_squeeze %dma_start3A : memref<1x2560xf32, #tpu.memory_space<vmem_shared>> -> memref<2560xf32, #tpu.memory_space<vmem_shared>>
      %dma_start3A_157 = tpu.memref_slice %arg10[%run_scoped3A_91, %mul3A_90] : memref<16x40960xf32, #tpu.memory_space<vmem_shared>> -> memref<1x2560xf32, #tpu.memory_space<vmem_shared>>
      %dma_start3A_158 = tpu.memref_squeeze %dma_start3A_157 : memref<1x2560xf32, #tpu.memory_space<vmem_shared>> -> memref<2560xf32, #tpu.memory_space<vmem_shared>>
      tpu.enqueue_dma source(%dma_start3A_158 : memref<2560xf32, #tpu.memory_space<vmem_shared>>) target(%arg9 : memref<2560xf32, #tpu.memory_space<vmem>>) target_semaphore(%run_scoped3A_155 : memref<!tpu.dma_semaphore, #tpu.memory_space<semaphore_mem>>)
      %dma_wait3A = tpu.memref_slice %arg10[%run_scoped3A_91, %mul3A_90] : memref<16x40960xf32, #tpu.memory_space<vmem_shared>> -> memref<1x2560xf32, #tpu.memory_space<vmem_shared>>
      %dma_wait3A_159 = tpu.memref_squeeze %dma_wait3A : memref<1x2560xf32, #tpu.memory_space<vmem_shared>> -> memref<2560xf32, #tpu.memory_space<vmem_shared>>
      %dma_wait3A_160 = tpu.memref_slice %arg10[%run_scoped3A_91, %mul3A_90] : memref<16x40960xf32, #tpu.memory_space<vmem_shared>> -> memref<1x2560xf32, #tpu.memory_space<vmem_shared>>
      %dma_wait3A_161 = tpu.memref_squeeze %dma_wait3A_160 : memref<1x2560xf32, #tpu.memory_space<vmem_shared>> -> memref<2560xf32, #tpu.memory_space<vmem_shared>>
      tpu.wait_dma2 semaphore(%run_scoped3A_155 : memref<!tpu.dma_semaphore, #tpu.memory_space<semaphore_mem>>) src(%dma_wait3A_161 : memref<2560xf32, #tpu.memory_space<vmem_shared>>) dst(%arg9 : memref<2560xf32, #tpu.memory_space<vmem>>)
      tpu.yield
    }) : () -> ()
    %scan3A_92 = arith.constant 0 : i32
    %scan3A_93 = arith.constant 0 : i32
    %scan3A_94 = arith.constant 160 : i32
    %scan3A_95 = arith.addi %scan3A_93, %scan3A_94 : i32
    %scan3A_96 = arith.constant 1 : i32
    scf.for %scan3A_155 = %scan3A_93 to %scan3A_95 step %scan3A_96  : i32 {
      %mul3A_156 = arith.constant 16 : i32
      %mul3A_157 = arith.muli %scan3A_155, %mul3A_156 : i32
      %get3A = arith.index_cast %mul3A_157 : i32 to index
      %get3A_158 = tpu.vector_load %arg8[%get3A] {strides = array<i32>} : memref<2560xf32, #tpu.memory_space<vmem>>, vector<16xf32>,
      %get3A_159 = arith.index_cast %mul3A_157 : i32 to index
      %get3A_160 = tpu.vector_load %arg9[%get3A_159] {strides = array<i32>} : memref<2560xf32, #tpu.memory_space<vmem>>, vector<16xf32>,
      %add3A_161 = arith.addf %get3A_158, %get3A_160 : vector<16xf32>
      %swap3A = arith.index_cast %mul3A_157 : i32 to index
      %swap3A_162 = tpu.vector_load %arg8[%swap3A] {strides = array<i32>} : memref<2560xf32, #tpu.memory_space<vmem>>, vector<16xf32>,
      tpu.vector_store %arg8[%swap3A], %add3A_161 {strides = array<i32>} : memref<2560xf32, #tpu.memory_space<vmem>>, vector<16xf32>,
    }
    %scan3A_97 = arith.constant 160 : i32
    %mul3A_98 = arith.constant 2560 : i32
    %mul3A_99 = arith.muli %arg1, %mul3A_98 : i32
    %run_scoped3A_100 = arith.constant 10 : i32
    "tpu.region"() ({
      %run_scoped3A_155 = tpu.sem_alloc : memref<!tpu.dma_semaphore, #tpu.memory_space<semaphore_mem>>
      %dma_start3A = tpu.memref_slice %arg10[%run_scoped3A_100, %mul3A_99] : memref<16x40960xf32, #tpu.memory_space<vmem_shared>> -> memref<1x2560xf32, #tpu.memory_space<vmem_shared>>
      %dma_start3A_156 = tpu.memref_squeeze %dma_start3A : memref<1x2560xf32, #tpu.memory_space<vmem_shared>> -> memref<2560xf32, #tpu.memory_space<vmem_shared>>
      %dma_start3A_157 = tpu.memref_slice %arg10[%run_scoped3A_100, %mul3A_99] : memref<16x40960xf32, #tpu.memory_space<vmem_shared>> -> memref<1x2560xf32, #tpu.memory_space<vmem_shared>>
      %dma_start3A_158 = tpu.memref_squeeze %dma_start3A_157 : memref<1x2560xf32, #tpu.memory_space<vmem_shared>> -> memref<2560xf32, #tpu.memory_space<vmem_shared>>
      tpu.enqueue_dma source(%dma_start3A_158 : memref<2560xf32, #tpu.memory_space<vmem_shared>>) target(%arg9 : memref<2560xf32, #tpu.memory_space<vmem>>) target_semaphore(%run_scoped3A_155 : memref<!tpu.dma_semaphore, #tpu.memory_space<semaphore_mem>>)
      %dma_wait3A = tpu.memref_slice %arg10[%run_scoped3A_100, %mul3A_99] : memref<16x40960xf32, #tpu.memory_space<vmem_shared>> -> memref<1x2560xf32, #tpu.memory_space<vmem_shared>>
      %dma_wait3A_159 = tpu.memref_squeeze %dma_wait3A : memref<1x2560xf32, #tpu.memory_space<vmem_shared>> -> memref<2560xf32, #tpu.memory_space<vmem_shared>>
      %dma_wait3A_160 = tpu.memref_slice %arg10[%run_scoped3A_100, %mul3A_99] : memref<16x40960xf32, #tpu.memory_space<vmem_shared>> -> memref<1x2560xf32, #tpu.memory_space<vmem_shared>>
      %dma_wait3A_161 = tpu.memref_squeeze %dma_wait3A_160 : memref<1x2560xf32, #tpu.memory_space<vmem_shared>> -> memref<2560xf32, #tpu.memory_space<vmem_shared>>
      tpu.wait_dma2 semaphore(%run_scoped3A_155 : memref<!tpu.dma_semaphore, #tpu.memory_space<semaphore_mem>>) src(%dma_wait3A_161 : memref<2560xf32, #tpu.memory_space<vmem_shared>>) dst(%arg9 : memref<2560xf32, #tpu.memory_space<vmem>>)
      tpu.yield
    }) : () -> ()
    %scan3A_101 = arith.constant 0 : i32
    %scan3A_102 = arith.constant 0 : i32
    %scan3A_103 = arith.constant 160 : i32
    %scan3A_104 = arith.addi %scan3A_102, %scan3A_103 : i32
    %scan3A_105 = arith.constant 1 : i32
    scf.for %scan3A_155 = %scan3A_102 to %scan3A_104 step %scan3A_105  : i32 {
      %mul3A_156 = arith.constant 16 : i32
      %mul3A_157 = arith.muli %scan3A_155, %mul3A_156 : i32
      %get3A = arith.index_cast %mul3A_157 : i32 to index
      %get3A_158 = tpu.vector_load %arg8[%get3A] {strides = array<i32>} : memref<2560xf32, #tpu.memory_space<vmem>>, vector<16xf32>,
      %get3A_159 = arith.index_cast %mul3A_157 : i32 to index
      %get3A_160 = tpu.vector_load %arg9[%get3A_159] {strides = array<i32>} : memref<2560xf32, #tpu.memory_space<vmem>>, vector<16xf32>,
      %add3A_161 = arith.addf %get3A_158, %get3A_160 : vector<16xf32>
      %swap3A = arith.index_cast %mul3A_157 : i32 to index
      %swap3A_162 = tpu.vector_load %arg8[%swap3A] {strides = array<i32>} : memref<2560xf32, #tpu.memory_space<vmem>>, vector<16xf32>,
      tpu.vector_store %arg8[%swap3A], %add3A_161 {strides = array<i32>} : memref<2560xf32, #tpu.memory_space<vmem>>, vector<16xf32>,
    }
    %scan3A_106 = arith.constant 160 : i32
    %mul3A_107 = arith.constant 2560 : i32
    %mul3A_108 = arith.muli %arg1, %mul3A_107 : i32
    %run_scoped3A_109 = arith.constant 11 : i32
    "tpu.region"() ({
      %run_scoped3A_155 = tpu.sem_alloc : memref<!tpu.dma_semaphore, #tpu.memory_space<semaphore_mem>>
      %dma_start3A = tpu.memref_slice %arg10[%run_scoped3A_109, %mul3A_108] : memref<16x40960xf32, #tpu.memory_space<vmem_shared>> -> memref<1x2560xf32, #tpu.memory_space<vmem_shared>>
      %dma_start3A_156 = tpu.memref_squeeze %dma_start3A : memref<1x2560xf32, #tpu.memory_space<vmem_shared>> -> memref<2560xf32, #tpu.memory_space<vmem_shared>>
      %dma_start3A_157 = tpu.memref_slice %arg10[%run_scoped3A_109, %mul3A_108] : memref<16x40960xf32, #tpu.memory_space<vmem_shared>> -> memref<1x2560xf32, #tpu.memory_space<vmem_shared>>
      %dma_start3A_158 = tpu.memref_squeeze %dma_start3A_157 : memref<1x2560xf32, #tpu.memory_space<vmem_shared>> -> memref<2560xf32, #tpu.memory_space<vmem_shared>>
      tpu.enqueue_dma source(%dma_start3A_158 : memref<2560xf32, #tpu.memory_space<vmem_shared>>) target(%arg9 : memref<2560xf32, #tpu.memory_space<vmem>>) target_semaphore(%run_scoped3A_155 : memref<!tpu.dma_semaphore, #tpu.memory_space<semaphore_mem>>)
      %dma_wait3A = tpu.memref_slice %arg10[%run_scoped3A_109, %mul3A_108] : memref<16x40960xf32, #tpu.memory_space<vmem_shared>> -> memref<1x2560xf32, #tpu.memory_space<vmem_shared>>
      %dma_wait3A_159 = tpu.memref_squeeze %dma_wait3A : memref<1x2560xf32, #tpu.memory_space<vmem_shared>> -> memref<2560xf32, #tpu.memory_space<vmem_shared>>
      %dma_wait3A_160 = tpu.memref_slice %arg10[%run_scoped3A_109, %mul3A_108] : memref<16x40960xf32, #tpu.memory_space<vmem_shared>> -> memref<1x2560xf32, #tpu.memory_space<vmem_shared>>
      %dma_wait3A_161 = tpu.memref_squeeze %dma_wait3A_160 : memref<1x2560xf32, #tpu.memory_space<vmem_shared>> -> memref<2560xf32, #tpu.memory_space<vmem_shared>>
      tpu.wait_dma2 semaphore(%run_scoped3A_155 : memref<!tpu.dma_semaphore, #tpu.memory_space<semaphore_mem>>) src(%dma_wait3A_161 : memref<2560xf32, #tpu.memory_space<vmem_shared>>) dst(%arg9 : memref<2560xf32, #tpu.memory_space<vmem>>)
      tpu.yield
    }) : () -> ()
    %scan3A_110 = arith.constant 0 : i32
    %scan3A_111 = arith.constant 0 : i32
    %scan3A_112 = arith.constant 160 : i32
    %scan3A_113 = arith.addi %scan3A_111, %scan3A_112 : i32
    %scan3A_114 = arith.constant 1 : i32
    scf.for %scan3A_155 = %scan3A_111 to %scan3A_113 step %scan3A_114  : i32 {
      %mul3A_156 = arith.constant 16 : i32
      %mul3A_157 = arith.muli %scan3A_155, %mul3A_156 : i32
      %get3A = arith.index_cast %mul3A_157 : i32 to index
      %get3A_158 = tpu.vector_load %arg8[%get3A] {strides = array<i32>} : memref<2560xf32, #tpu.memory_space<vmem>>, vector<16xf32>,
      %get3A_159 = arith.index_cast %mul3A_157 : i32 to index
      %get3A_160 = tpu.vector_load %arg9[%get3A_159] {strides = array<i32>} : memref<2560xf32, #tpu.memory_space<vmem>>, vector<16xf32>,
      %add3A_161 = arith.addf %get3A_158, %get3A_160 : vector<16xf32>
      %swap3A = arith.index_cast %mul3A_157 : i32 to index
      %swap3A_162 = tpu.vector_load %arg8[%swap3A] {strides = array<i32>} : memref<2560xf32, #tpu.memory_space<vmem>>, vector<16xf32>,
      tpu.vector_store %arg8[%swap3A], %add3A_161 {strides = array<i32>} : memref<2560xf32, #tpu.memory_space<vmem>>, vector<16xf32>,
    }
    %scan3A_115 = arith.constant 160 : i32
    %mul3A_116 = arith.constant 2560 : i32
    %mul3A_117 = arith.muli %arg1, %mul3A_116 : i32
    %run_scoped3A_118 = arith.constant 12 : i32
    "tpu.region"() ({
      %run_scoped3A_155 = tpu.sem_alloc : memref<!tpu.dma_semaphore, #tpu.memory_space<semaphore_mem>>
      %dma_start3A = tpu.memref_slice %arg10[%run_scoped3A_118, %mul3A_117] : memref<16x40960xf32, #tpu.memory_space<vmem_shared>> -> memref<1x2560xf32, #tpu.memory_space<vmem_shared>>
      %dma_start3A_156 = tpu.memref_squeeze %dma_start3A : memref<1x2560xf32, #tpu.memory_space<vmem_shared>> -> memref<2560xf32, #tpu.memory_space<vmem_shared>>
      %dma_start3A_157 = tpu.memref_slice %arg10[%run_scoped3A_118, %mul3A_117] : memref<16x40960xf32, #tpu.memory_space<vmem_shared>> -> memref<1x2560xf32, #tpu.memory_space<vmem_shared>>
      %dma_start3A_158 = tpu.memref_squeeze %dma_start3A_157 : memref<1x2560xf32, #tpu.memory_space<vmem_shared>> -> memref<2560xf32, #tpu.memory_space<vmem_shared>>
      tpu.enqueue_dma source(%dma_start3A_158 : memref<2560xf32, #tpu.memory_space<vmem_shared>>) target(%arg9 : memref<2560xf32, #tpu.memory_space<vmem>>) target_semaphore(%run_scoped3A_155 : memref<!tpu.dma_semaphore, #tpu.memory_space<semaphore_mem>>)
      %dma_wait3A = tpu.memref_slice %arg10[%run_scoped3A_118, %mul3A_117] : memref<16x40960xf32, #tpu.memory_space<vmem_shared>> -> memref<1x2560xf32, #tpu.memory_space<vmem_shared>>
      %dma_wait3A_159 = tpu.memref_squeeze %dma_wait3A : memref<1x2560xf32, #tpu.memory_space<vmem_shared>> -> memref<2560xf32, #tpu.memory_space<vmem_shared>>
      %dma_wait3A_160 = tpu.memref_slice %arg10[%run_scoped3A_118, %mul3A_117] : memref<16x40960xf32, #tpu.memory_space<vmem_shared>> -> memref<1x2560xf32, #tpu.memory_space<vmem_shared>>
      %dma_wait3A_161 = tpu.memref_squeeze %dma_wait3A_160 : memref<1x2560xf32, #tpu.memory_space<vmem_shared>> -> memref<2560xf32, #tpu.memory_space<vmem_shared>>
      tpu.wait_dma2 semaphore(%run_scoped3A_155 : memref<!tpu.dma_semaphore, #tpu.memory_space<semaphore_mem>>) src(%dma_wait3A_161 : memref<2560xf32, #tpu.memory_space<vmem_shared>>) dst(%arg9 : memref<2560xf32, #tpu.memory_space<vmem>>)
      tpu.yield
    }) : () -> ()
    %scan3A_119 = arith.constant 0 : i32
    %scan3A_120 = arith.constant 0 : i32
    %scan3A_121 = arith.constant 160 : i32
    %scan3A_122 = arith.addi %scan3A_120, %scan3A_121 : i32
    %scan3A_123 = arith.constant 1 : i32
    scf.for %scan3A_155 = %scan3A_120 to %scan3A_122 step %scan3A_123  : i32 {
      %mul3A_156 = arith.constant 16 : i32
      %mul3A_157 = arith.muli %scan3A_155, %mul3A_156 : i32
      %get3A = arith.index_cast %mul3A_157 : i32 to index
      %get3A_158 = tpu.vector_load %arg8[%get3A] {strides = array<i32>} : memref<2560xf32, #tpu.memory_space<vmem>>, vector<16xf32>,
      %get3A_159 = arith.index_cast %mul3A_157 : i32 to index
      %get3A_160 = tpu.vector_load %arg9[%get3A_159] {strides = array<i32>} : memref<2560xf32, #tpu.memory_space<vmem>>, vector<16xf32>,
      %add3A_161 = arith.addf %get3A_158, %get3A_160 : vector<16xf32>
      %swap3A = arith.index_cast %mul3A_157 : i32 to index
      %swap3A_162 = tpu.vector_load %arg8[%swap3A] {strides = array<i32>} : memref<2560xf32, #tpu.memory_space<vmem>>, vector<16xf32>,
      tpu.vector_store %arg8[%swap3A], %add3A_161 {strides = array<i32>} : memref<2560xf32, #tpu.memory_space<vmem>>, vector<16xf32>,
    }
    %scan3A_124 = arith.constant 160 : i32
    %mul3A_125 = arith.constant 2560 : i32
    %mul3A_126 = arith.muli %arg1, %mul3A_125 : i32
    %run_scoped3A_127 = arith.constant 13 : i32
    "tpu.region"() ({
      %run_scoped3A_155 = tpu.sem_alloc : memref<!tpu.dma_semaphore, #tpu.memory_space<semaphore_mem>>
      %dma_start3A = tpu.memref_slice %arg10[%run_scoped3A_127, %mul3A_126] : memref<16x40960xf32, #tpu.memory_space<vmem_shared>> -> memref<1x2560xf32, #tpu.memory_space<vmem_shared>>
      %dma_start3A_156 = tpu.memref_squeeze %dma_start3A : memref<1x2560xf32, #tpu.memory_space<vmem_shared>> -> memref<2560xf32, #tpu.memory_space<vmem_shared>>
      %dma_start3A_157 = tpu.memref_slice %arg10[%run_scoped3A_127, %mul3A_126] : memref<16x40960xf32, #tpu.memory_space<vmem_shared>> -> memref<1x2560xf32, #tpu.memory_space<vmem_shared>>
      %dma_start3A_158 = tpu.memref_squeeze %dma_start3A_157 : memref<1x2560xf32, #tpu.memory_space<vmem_shared>> -> memref<2560xf32, #tpu.memory_space<vmem_shared>>
      tpu.enqueue_dma source(%dma_start3A_158 : memref<2560xf32, #tpu.memory_space<vmem_shared>>) target(%arg9 : memref<2560xf32, #tpu.memory_space<vmem>>) target_semaphore(%run_scoped3A_155 : memref<!tpu.dma_semaphore, #tpu.memory_space<semaphore_mem>>)
      %dma_wait3A = tpu.memref_slice %arg10[%run_scoped3A_127, %mul3A_126] : memref<16x40960xf32, #tpu.memory_space<vmem_shared>> -> memref<1x2560xf32, #tpu.memory_space<vmem_shared>>
      %dma_wait3A_159 = tpu.memref_squeeze %dma_wait3A : memref<1x2560xf32, #tpu.memory_space<vmem_shared>> -> memref<2560xf32, #tpu.memory_space<vmem_shared>>
      %dma_wait3A_160 = tpu.memref_slice %arg10[%run_scoped3A_127, %mul3A_126] : memref<16x40960xf32, #tpu.memory_space<vmem_shared>> -> memref<1x2560xf32, #tpu.memory_space<vmem_shared>>
      %dma_wait3A_161 = tpu.memref_squeeze %dma_wait3A_160 : memref<1x2560xf32, #tpu.memory_space<vmem_shared>> -> memref<2560xf32, #tpu.memory_space<vmem_shared>>
      tpu.wait_dma2 semaphore(%run_scoped3A_155 : memref<!tpu.dma_semaphore, #tpu.memory_space<semaphore_mem>>) src(%dma_wait3A_161 : memref<2560xf32, #tpu.memory_space<vmem_shared>>) dst(%arg9 : memref<2560xf32, #tpu.memory_space<vmem>>)
      tpu.yield
    }) : () -> ()
    %scan3A_128 = arith.constant 0 : i32
    %scan3A_129 = arith.constant 0 : i32
    %scan3A_130 = arith.constant 160 : i32
    %scan3A_131 = arith.addi %scan3A_129, %scan3A_130 : i32
    %scan3A_132 = arith.constant 1 : i32
    scf.for %scan3A_155 = %scan3A_129 to %scan3A_131 step %scan3A_132  : i32 {
      %mul3A_156 = arith.constant 16 : i32
      %mul3A_157 = arith.muli %scan3A_155, %mul3A_156 : i32
      %get3A = arith.index_cast %mul3A_157 : i32 to index
      %get3A_158 = tpu.vector_load %arg8[%get3A] {strides = array<i32>} : memref<2560xf32, #tpu.memory_space<vmem>>, vector<16xf32>,
      %get3A_159 = arith.index_cast %mul3A_157 : i32 to index
      %get3A_160 = tpu.vector_load %arg9[%get3A_159] {strides = array<i32>} : memref<2560xf32, #tpu.memory_space<vmem>>, vector<16xf32>,
      %add3A_161 = arith.addf %get3A_158, %get3A_160 : vector<16xf32>
      %swap3A = arith.index_cast %mul3A_157 : i32 to index
      %swap3A_162 = tpu.vector_load %arg8[%swap3A] {strides = array<i32>} : memref<2560xf32, #tpu.memory_space<vmem>>, vector<16xf32>,
      tpu.vector_store %arg8[%swap3A], %add3A_161 {strides = array<i32>} : memref<2560xf32, #tpu.memory_space<vmem>>, vector<16xf32>,
    }
    %scan3A_133 = arith.constant 160 : i32
    %mul3A_134 = arith.constant 2560 : i32
    %mul3A_135 = arith.muli %arg1, %mul3A_134 : i32
    %run_scoped3A_136 = arith.constant 14 : i32
    "tpu.region"() ({
      %run_scoped3A_155 = tpu.sem_alloc : memref<!tpu.dma_semaphore, #tpu.memory_space<semaphore_mem>>
      %dma_start3A = tpu.memref_slice %arg10[%run_scoped3A_136, %mul3A_135] : memref<16x40960xf32, #tpu.memory_space<vmem_shared>> -> memref<1x2560xf32, #tpu.memory_space<vmem_shared>>
      %dma_start3A_156 = tpu.memref_squeeze %dma_start3A : memref<1x2560xf32, #tpu.memory_space<vmem_shared>> -> memref<2560xf32, #tpu.memory_space<vmem_shared>>
      %dma_start3A_157 = tpu.memref_slice %arg10[%run_scoped3A_136, %mul3A_135] : memref<16x40960xf32, #tpu.memory_space<vmem_shared>> -> memref<1x2560xf32, #tpu.memory_space<vmem_shared>>
      %dma_start3A_158 = tpu.memref_squeeze %dma_start3A_157 : memref<1x2560xf32, #tpu.memory_space<vmem_shared>> -> memref<2560xf32, #tpu.memory_space<vmem_shared>>
      tpu.enqueue_dma source(%dma_start3A_158 : memref<2560xf32, #tpu.memory_space<vmem_shared>>) target(%arg9 : memref<2560xf32, #tpu.memory_space<vmem>>) target_semaphore(%run_scoped3A_155 : memref<!tpu.dma_semaphore, #tpu.memory_space<semaphore_mem>>)
      %dma_wait3A = tpu.memref_slice %arg10[%run_scoped3A_136, %mul3A_135] : memref<16x40960xf32, #tpu.memory_space<vmem_shared>> -> memref<1x2560xf32, #tpu.memory_space<vmem_shared>>
      %dma_wait3A_159 = tpu.memref_squeeze %dma_wait3A : memref<1x2560xf32, #tpu.memory_space<vmem_shared>> -> memref<2560xf32, #tpu.memory_space<vmem_shared>>
      %dma_wait3A_160 = tpu.memref_slice %arg10[%run_scoped3A_136, %mul3A_135] : memref<16x40960xf32, #tpu.memory_space<vmem_shared>> -> memref<1x2560xf32, #tpu.memory_space<vmem_shared>>
      %dma_wait3A_161 = tpu.memref_squeeze %dma_wait3A_160 : memref<1x2560xf32, #tpu.memory_space<vmem_shared>> -> memref<2560xf32, #tpu.memory_space<vmem_shared>>
      tpu.wait_dma2 semaphore(%run_scoped3A_155 : memref<!tpu.dma_semaphore, #tpu.memory_space<semaphore_mem>>) src(%dma_wait3A_161 : memref<2560xf32, #tpu.memory_space<vmem_shared>>) dst(%arg9 : memref<2560xf32, #tpu.memory_space<vmem>>)
      tpu.yield
    }) : () -> ()
    %scan3A_137 = arith.constant 0 : i32
    %scan3A_138 = arith.constant 0 : i32
    %scan3A_139 = arith.constant 160 : i32
    %scan3A_140 = arith.addi %scan3A_138, %scan3A_139 : i32
    %scan3A_141 = arith.constant 1 : i32
    scf.for %scan3A_155 = %scan3A_138 to %scan3A_140 step %scan3A_141  : i32 {
      %mul3A_156 = arith.constant 16 : i32
      %mul3A_157 = arith.muli %scan3A_155, %mul3A_156 : i32
      %get3A = arith.index_cast %mul3A_157 : i32 to index
      %get3A_158 = tpu.vector_load %arg8[%get3A] {strides = array<i32>} : memref<2560xf32, #tpu.memory_space<vmem>>, vector<16xf32>,
      %get3A_159 = arith.index_cast %mul3A_157 : i32 to index
      %get3A_160 = tpu.vector_load %arg9[%get3A_159] {strides = array<i32>} : memref<2560xf32, #tpu.memory_space<vmem>>, vector<16xf32>,
      %add3A_161 = arith.addf %get3A_158, %get3A_160 : vector<16xf32>
      %swap3A = arith.index_cast %mul3A_157 : i32 to index
      %swap3A_162 = tpu.vector_load %arg8[%swap3A] {strides = array<i32>} : memref<2560xf32, #tpu.memory_space<vmem>>, vector<16xf32>,
      tpu.vector_store %arg8[%swap3A], %add3A_161 {strides = array<i32>} : memref<2560xf32, #tpu.memory_space<vmem>>, vector<16xf32>,
    }
    %scan3A_142 = arith.constant 160 : i32
    %mul3A_143 = arith.constant 2560 : i32
    %mul3A_144 = arith.muli %arg1, %mul3A_143 : i32
    %run_scoped3A_145 = arith.constant 15 : i32
    "tpu.region"() ({
      %run_scoped3A_155 = tpu.sem_alloc : memref<!tpu.dma_semaphore, #tpu.memory_space<semaphore_mem>>
      %dma_start3A = tpu.memref_slice %arg10[%run_scoped3A_145, %mul3A_144] : memref<16x40960xf32, #tpu.memory_space<vmem_shared>> -> memref<1x2560xf32, #tpu.memory_space<vmem_shared>>
      %dma_start3A_156 = tpu.memref_squeeze %dma_start3A : memref<1x2560xf32, #tpu.memory_space<vmem_shared>> -> memref<2560xf32, #tpu.memory_space<vmem_shared>>
      %dma_start3A_157 = tpu.memref_slice %arg10[%run_scoped3A_145, %mul3A_144] : memref<16x40960xf32, #tpu.memory_space<vmem_shared>> -> memref<1x2560xf32, #tpu.memory_space<vmem_shared>>
      %dma_start3A_158 = tpu.memref_squeeze %dma_start3A_157 : memref<1x2560xf32, #tpu.memory_space<vmem_shared>> -> memref<2560xf32, #tpu.memory_space<vmem_shared>>
      tpu.enqueue_dma source(%dma_start3A_158 : memref<2560xf32, #tpu.memory_space<vmem_shared>>) target(%arg9 : memref<2560xf32, #tpu.memory_space<vmem>>) target_semaphore(%run_scoped3A_155 : memref<!tpu.dma_semaphore, #tpu.memory_space<semaphore_mem>>)
      %dma_wait3A = tpu.memref_slice %arg10[%run_scoped3A_145, %mul3A_144] : memref<16x40960xf32, #tpu.memory_space<vmem_shared>> -> memref<1x2560xf32, #tpu.memory_space<vmem_shared>>
      %dma_wait3A_159 = tpu.memref_squeeze %dma_wait3A : memref<1x2560xf32, #tpu.memory_space<vmem_shared>> -> memref<2560xf32, #tpu.memory_space<vmem_shared>>
      %dma_wait3A_160 = tpu.memref_slice %arg10[%run_scoped3A_145, %mul3A_144] : memref<16x40960xf32, #tpu.memory_space<vmem_shared>> -> memref<1x2560xf32, #tpu.memory_space<vmem_shared>>
      %dma_wait3A_161 = tpu.memref_squeeze %dma_wait3A_160 : memref<1x2560xf32, #tpu.memory_space<vmem_shared>> -> memref<2560xf32, #tpu.memory_space<vmem_shared>>
      tpu.wait_dma2 semaphore(%run_scoped3A_155 : memref<!tpu.dma_semaphore, #tpu.memory_space<semaphore_mem>>) src(%dma_wait3A_161 : memref<2560xf32, #tpu.memory_space<vmem_shared>>) dst(%arg9 : memref<2560xf32, #tpu.memory_space<vmem>>)
      tpu.yield
    }) : () -> ()
    %scan3A_146 = arith.constant 0 : i32
    %scan3A_147 = arith.constant 0 : i32
    %scan3A_148 = arith.constant 160 : i32
    %scan3A_149 = arith.addi %scan3A_147, %scan3A_148 : i32
    %scan3A_150 = arith.constant 1 : i32
    scf.for %scan3A_155 = %scan3A_147 to %scan3A_149 step %scan3A_150  : i32 {
      %mul3A_156 = arith.constant 16 : i32
      %mul3A_157 = arith.muli %scan3A_155, %mul3A_156 : i32
      %get3A = arith.index_cast %mul3A_157 : i32 to index
      %get3A_158 = tpu.vector_load %arg8[%get3A] {strides = array<i32>} : memref<2560xf32, #tpu.memory_space<vmem>>, vector<16xf32>,
      %get3A_159 = arith.index_cast %mul3A_157 : i32 to index
      %get3A_160 = tpu.vector_load %arg9[%get3A_159] {strides = array<i32>} : memref<2560xf32, #tpu.memory_space<vmem>>, vector<16xf32>,
      %add3A_161 = arith.addf %get3A_158, %get3A_160 : vector<16xf32>
      %swap3A = arith.index_cast %mul3A_157 : i32 to index
      %swap3A_162 = tpu.vector_load %arg8[%swap3A] {strides = array<i32>} : memref<2560xf32, #tpu.memory_space<vmem>>, vector<16xf32>,
      tpu.vector_store %arg8[%swap3A], %add3A_161 {strides = array<i32>} : memref<2560xf32, #tpu.memory_space<vmem>>, vector<16xf32>,
    }
    %scan3A_151 = arith.constant 160 : i32
    %mul3A_152 = arith.constant 2560 : i32
    %mul3A_153 = arith.muli %arg1, %mul3A_152 : i32
    %run_scoped3A_154 = arith.constant 0 : i32
    "tpu.region"() ({
      %run_scoped3A_155 = tpu.sem_alloc : memref<!tpu.dma_semaphore, #tpu.memory_space<semaphore_mem>>
      %dma_start3A = tpu.memref_slice %arg4[%arg0, %run_scoped3A_154, %mul3A_153] : memref<2x1x40960xf32, #tpu.memory_space<hbm>> -> memref<1x1x2560xf32, #tpu.memory_space<hbm>>
      %dma_start3A_156 = tpu.memref_squeeze %dma_start3A : memref<1x1x2560xf32, #tpu.memory_space<hbm>> -> memref<2560xf32, #tpu.memory_space<hbm>>
      %dma_start3A_157 = tpu.memref_slice %arg4[%arg0, %run_scoped3A_154, %mul3A_153] : memref<2x1x40960xf32, #tpu.memory_space<hbm>> -> memref<1x1x2560xf32, #tpu.memory_space<hbm>>
      %dma_start3A_158 = tpu.memref_squeeze %dma_start3A_157 : memref<1x1x2560xf32, #tpu.memory_space<hbm>> -> memref<2560xf32, #tpu.memory_space<hbm>>
      tpu.enqueue_dma source(%arg8 : memref<2560xf32, #tpu.memory_space<vmem>>) target(%dma_start3A_158 : memref<2560xf32, #tpu.memory_space<hbm>>) target_semaphore(%run_scoped3A_155 : memref<!tpu.dma_semaphore, #tpu.memory_space<semaphore_mem>>)
      %dma_wait3A = tpu.memref_slice %arg4[%arg0, %run_scoped3A_154, %mul3A_153] : memref<2x1x40960xf32, #tpu.memory_space<hbm>> -> memref<1x1x2560xf32, #tpu.memory_space<hbm>>
      %dma_wait3A_159 = tpu.memref_squeeze %dma_wait3A : memref<1x1x2560xf32, #tpu.memory_space<hbm>> -> memref<2560xf32, #tpu.memory_space<hbm>>
      %dma_wait3A_160 = tpu.memref_slice %arg4[%arg0, %run_scoped3A_154, %mul3A_153] : memref<2x1x40960xf32, #tpu.memory_space<hbm>> -> memref<1x1x2560xf32, #tpu.memory_space<hbm>>
      %dma_wait3A_161 = tpu.memref_squeeze %dma_wait3A_160 : memref<1x1x2560xf32, #tpu.memory_space<hbm>> -> memref<2560xf32, #tpu.memory_space<hbm>>
      tpu.wait_dma2 semaphore(%run_scoped3A_155 : memref<!tpu.dma_semaphore, #tpu.memory_space<semaphore_mem>>) src(%arg8 : memref<2560xf32, #tpu.memory_space<vmem>>) dst(%dma_wait3A_161 : memref<2560xf32, #tpu.memory_space<hbm>>)
      tpu.yield
    }) : () -> ()
    return
  }
}

#map = affine_map<(d0, d1) -> (0, 0, 0)>
#map1 = affine_map<(d0, d1) -> (0, 0)>
module attributes {stable_mosaic.version = 14 : i64} {
  func.func @_sc_msg(%arg0: i32, %arg1: i32, %arg2: memref<4x10000x128xf32, #tpu.memory_space<hbm>>, %arg3: memref<5248x64xi32, #tpu.memory_space<hbm>>, %arg4: memref<5248x64xi32, #tpu.memory_space<hbm>>, %arg5: memref<1x8x335872xf32, #tpu.memory_space<hbm>>, %arg6: memref<2x1x40960xf32, #tpu.memory_space<hbm>>, %arg7: memref<4x10240x128xf32, #tpu.memory_space<hbm>>, %arg8: memref<8x64xi32, #tpu.memory_space<vmem>>, %arg9: memref<8x64xi32, #tpu.memory_space<vmem>>, %arg10: memref<512xf32, #tpu.memory_space<vmem>>, %arg11: memref<10240xf32, #tpu.memory_space<vmem>>, %arg12: memref<10240xf32, #tpu.memory_space<vmem>>, %arg13: memref<64x128xf32, #tpu.memory_space<vmem>>, %arg14: memref<64x128xf32, #tpu.memory_space<vmem>>, %arg15: memref<10240x128xf32, #tpu.memory_space<vmem_shared>>, %arg16: memref<!tpu.dma_semaphore, #tpu.memory_space<semaphore_mem>>, %arg17: memref<!tpu.dma_semaphore, #tpu.memory_space<semaphore_mem>>, %arg18: memref<!tpu.dma_semaphore, #tpu.memory_space<semaphore_mem>>, %arg19: memref<!tpu.dma_semaphore, #tpu.memory_space<semaphore_mem>>) attributes {dimension_semantics = [#tpu.dimension_semantics<core_parallel>, #tpu.dimension_semantics<subcore_parallel>], iteration_bounds = array<i64: 2, 16>, scalar_prefetch = 0 : i64, scratch_operands = 12 : i64, tpu.core_type = #tpu.core_type<sc_vector_subcore>, window_params = [{transform_indices = #map}, {transform_indices = #map1}, {transform_indices = #map1}, {transform_indices = #map}, {transform_indices = #map}, {transform_indices = #map}]} {
    %mul3A = arith.constant 328 : i32
    %mul3A_0 = arith.muli %arg1, %mul3A : i32
    %mul3A_1 = arith.constant 20992 : i32
    %mul3A_2 = arith.muli %arg1, %mul3A_1 : i32
    %broadcast_in_dim3A = arith.constant 0.000000e+00 : f32
    %broadcast_in_dim3A_3 = vector.broadcast %broadcast_in_dim3A : f32 to vector<16xf32>
    %mul3A_4 = arith.constant 2 : i32
    %mul3A_5 = arith.muli %arg0, %mul3A_4 : i32
    %add3A = arith.constant 0 : i32
    %add3A_6 = arith.addi %mul3A_5, %add3A : i32
    %mul3A_7 = arith.constant 10240 : i32
    %mul3A_8 = arith.muli %add3A_6, %mul3A_7 : i32
    %run_scoped3A = arith.constant 0 : i32
    %run_scoped3A_9 = arith.constant 0 : i32
    "tpu.region"() ({
      %run_scoped3A_226 = tpu.sem_alloc : memref<!tpu.dma_semaphore, #tpu.memory_space<semaphore_mem>>
      %dma_start3A = tpu.memref_slice %arg6[%run_scoped3A, %run_scoped3A_9, %mul3A_8] : memref<2x1x40960xf32, #tpu.memory_space<hbm>> -> memref<1x1x10240xf32, #tpu.memory_space<hbm>>
      %dma_start3A_227 = tpu.memref_squeeze %dma_start3A : memref<1x1x10240xf32, #tpu.memory_space<hbm>> -> memref<10240xf32, #tpu.memory_space<hbm>>
      %dma_start3A_228 = tpu.memref_slice %arg6[%run_scoped3A, %run_scoped3A_9, %mul3A_8] : memref<2x1x40960xf32, #tpu.memory_space<hbm>> -> memref<1x1x10240xf32, #tpu.memory_space<hbm>>
      %dma_start3A_229 = tpu.memref_squeeze %dma_start3A_228 : memref<1x1x10240xf32, #tpu.memory_space<hbm>> -> memref<10240xf32, #tpu.memory_space<hbm>>
      tpu.enqueue_dma source(%dma_start3A_229 : memref<10240xf32, #tpu.memory_space<hbm>>) target(%arg11 : memref<10240xf32, #tpu.memory_space<vmem>>) target_semaphore(%run_scoped3A_226 : memref<!tpu.dma_semaphore, #tpu.memory_space<semaphore_mem>>)
      %dma_wait3A = tpu.memref_slice %arg6[%run_scoped3A, %run_scoped3A_9, %mul3A_8] : memref<2x1x40960xf32, #tpu.memory_space<hbm>> -> memref<1x1x10240xf32, #tpu.memory_space<hbm>>
      %dma_wait3A_230 = tpu.memref_squeeze %dma_wait3A : memref<1x1x10240xf32, #tpu.memory_space<hbm>> -> memref<10240xf32, #tpu.memory_space<hbm>>
      %dma_wait3A_231 = tpu.memref_slice %arg6[%run_scoped3A, %run_scoped3A_9, %mul3A_8] : memref<2x1x40960xf32, #tpu.memory_space<hbm>> -> memref<1x1x10240xf32, #tpu.memory_space<hbm>>
      %dma_wait3A_232 = tpu.memref_squeeze %dma_wait3A_231 : memref<1x1x10240xf32, #tpu.memory_space<hbm>> -> memref<10240xf32, #tpu.memory_space<hbm>>
      tpu.wait_dma2 semaphore(%run_scoped3A_226 : memref<!tpu.dma_semaphore, #tpu.memory_space<semaphore_mem>>) src(%dma_wait3A_232 : memref<10240xf32, #tpu.memory_space<hbm>>) dst(%arg11 : memref<10240xf32, #tpu.memory_space<vmem>>)
      tpu.yield
    }) : () -> ()
    %mul3A_10 = arith.constant 10240 : i32
    %mul3A_11 = arith.muli %add3A_6, %mul3A_10 : i32
    %run_scoped3A_12 = arith.constant 1 : i32
    %run_scoped3A_13 = arith.constant 0 : i32
    "tpu.region"() ({
      %run_scoped3A_226 = tpu.sem_alloc : memref<!tpu.dma_semaphore, #tpu.memory_space<semaphore_mem>>
      %dma_start3A = tpu.memref_slice %arg6[%run_scoped3A_12, %run_scoped3A_13, %mul3A_11] : memref<2x1x40960xf32, #tpu.memory_space<hbm>> -> memref<1x1x10240xf32, #tpu.memory_space<hbm>>
      %dma_start3A_227 = tpu.memref_squeeze %dma_start3A : memref<1x1x10240xf32, #tpu.memory_space<hbm>> -> memref<10240xf32, #tpu.memory_space<hbm>>
      %dma_start3A_228 = tpu.memref_slice %arg6[%run_scoped3A_12, %run_scoped3A_13, %mul3A_11] : memref<2x1x40960xf32, #tpu.memory_space<hbm>> -> memref<1x1x10240xf32, #tpu.memory_space<hbm>>
      %dma_start3A_229 = tpu.memref_squeeze %dma_start3A_228 : memref<1x1x10240xf32, #tpu.memory_space<hbm>> -> memref<10240xf32, #tpu.memory_space<hbm>>
      tpu.enqueue_dma source(%dma_start3A_229 : memref<10240xf32, #tpu.memory_space<hbm>>) target(%arg12 : memref<10240xf32, #tpu.memory_space<vmem>>) target_semaphore(%run_scoped3A_226 : memref<!tpu.dma_semaphore, #tpu.memory_space<semaphore_mem>>)
      %dma_wait3A = tpu.memref_slice %arg6[%run_scoped3A_12, %run_scoped3A_13, %mul3A_11] : memref<2x1x40960xf32, #tpu.memory_space<hbm>> -> memref<1x1x10240xf32, #tpu.memory_space<hbm>>
      %dma_wait3A_230 = tpu.memref_squeeze %dma_wait3A : memref<1x1x10240xf32, #tpu.memory_space<hbm>> -> memref<10240xf32, #tpu.memory_space<hbm>>
      %dma_wait3A_231 = tpu.memref_slice %arg6[%run_scoped3A_12, %run_scoped3A_13, %mul3A_11] : memref<2x1x40960xf32, #tpu.memory_space<hbm>> -> memref<1x1x10240xf32, #tpu.memory_space<hbm>>
      %dma_wait3A_232 = tpu.memref_squeeze %dma_wait3A_231 : memref<1x1x10240xf32, #tpu.memory_space<hbm>> -> memref<10240xf32, #tpu.memory_space<hbm>>
      tpu.wait_dma2 semaphore(%run_scoped3A_226 : memref<!tpu.dma_semaphore, #tpu.memory_space<semaphore_mem>>) src(%dma_wait3A_232 : memref<10240xf32, #tpu.memory_space<hbm>>) dst(%arg12 : memref<10240xf32, #tpu.memory_space<vmem>>)
      tpu.yield
    }) : () -> ()
    %scan3A = arith.constant 0 : i32
    %scan3A_14 = arith.constant 0 : i32
    %scan3A_15 = arith.constant 640 : i32
    %scan3A_16 = arith.addi %scan3A_14, %scan3A_15 : i32
    %scan3A_17 = arith.constant 1 : i32
    scf.for %scan3A_226 = %scan3A_14 to %scan3A_16 step %scan3A_17  : i32 {
      %mul3A_227 = arith.constant 16 : i32
      %mul3A_228 = arith.muli %scan3A_226, %mul3A_227 : i32
      %get3A = arith.index_cast %mul3A_228 : i32 to index
      %get3A_229 = tpu.vector_load %arg11[%get3A] {strides = array<i32>} : memref<10240xf32, #tpu.memory_space<vmem>>, vector<16xf32>,
      %get3A_230 = arith.index_cast %mul3A_228 : i32 to index
      %get3A_231 = tpu.vector_load %arg12[%get3A_230] {strides = array<i32>} : memref<10240xf32, #tpu.memory_space<vmem>>, vector<16xf32>,
      %add3A_232 = arith.addf %get3A_229, %get3A_231 : vector<16xf32>
      %add3A_233 = arith.constant 1.000000e-16 : f32
      %add3A_234 = vector.broadcast %add3A_233 : f32 to vector<16xf32>
      %add3A_235 = arith.addf %add3A_232, %add3A_234 : vector<16xf32>
      %swap3A = arith.index_cast %mul3A_228 : i32 to index
      %swap3A_236 = tpu.vector_load %arg11[%swap3A] {strides = array<i32>} : memref<10240xf32, #tpu.memory_space<vmem>>, vector<16xf32>,
      tpu.vector_store %arg11[%swap3A], %add3A_235 {strides = array<i32>} : memref<10240xf32, #tpu.memory_space<vmem>>, vector<16xf32>,
    }
    %scan3A_18 = arith.constant 640 : i32
    %scan3A_19 = arith.constant 0 : i32
    %scan3A_20 = arith.constant 0 : i32
    %scan3A_21 = arith.constant 64 : i32
    %scan3A_22 = arith.addi %scan3A_20, %scan3A_21 : i32
    %scan3A_23 = arith.constant 1 : i32
    scf.for %scan3A_226 = %scan3A_20 to %scan3A_22 step %scan3A_23  : i32 {
      %swap3A = arith.index_cast %scan3A_226 : i32 to index
      %swap3A_227 = arith.constant 0 : index
      %swap3A_228 = tpu.vector_load %arg13[%swap3A, %swap3A_227] {strides = array<i32>} : memref<64x128xf32, #tpu.memory_space<vmem>>, vector<16xf32>,
      tpu.vector_store %arg13[%swap3A, %swap3A_227], %broadcast_in_dim3A_3 {strides = array<i32>} : memref<64x128xf32, #tpu.memory_space<vmem>>, vector<16xf32>,
      %swap3A_229 = arith.index_cast %scan3A_226 : i32 to index
      %swap3A_230 = arith.constant 16 : index
      %swap3A_231 = tpu.vector_load %arg13[%swap3A_229, %swap3A_230] {strides = array<i32>} : memref<64x128xf32, #tpu.memory_space<vmem>>, vector<16xf32>,
      tpu.vector_store %arg13[%swap3A_229, %swap3A_230], %broadcast_in_dim3A_3 {strides = array<i32>} : memref<64x128xf32, #tpu.memory_space<vmem>>, vector<16xf32>,
      %swap3A_232 = arith.index_cast %scan3A_226 : i32 to index
      %swap3A_233 = arith.constant 32 : index
      %swap3A_234 = tpu.vector_load %arg13[%swap3A_232, %swap3A_233] {strides = array<i32>} : memref<64x128xf32, #tpu.memory_space<vmem>>, vector<16xf32>,
      tpu.vector_store %arg13[%swap3A_232, %swap3A_233], %broadcast_in_dim3A_3 {strides = array<i32>} : memref<64x128xf32, #tpu.memory_space<vmem>>, vector<16xf32>,
      %swap3A_235 = arith.index_cast %scan3A_226 : i32 to index
      %swap3A_236 = arith.constant 48 : index
      %swap3A_237 = tpu.vector_load %arg13[%swap3A_235, %swap3A_236] {strides = array<i32>} : memref<64x128xf32, #tpu.memory_space<vmem>>, vector<16xf32>,
      tpu.vector_store %arg13[%swap3A_235, %swap3A_236], %broadcast_in_dim3A_3 {strides = array<i32>} : memref<64x128xf32, #tpu.memory_space<vmem>>, vector<16xf32>,
      %swap3A_238 = arith.index_cast %scan3A_226 : i32 to index
      %swap3A_239 = arith.constant 64 : index
      %swap3A_240 = tpu.vector_load %arg13[%swap3A_238, %swap3A_239] {strides = array<i32>} : memref<64x128xf32, #tpu.memory_space<vmem>>, vector<16xf32>,
      tpu.vector_store %arg13[%swap3A_238, %swap3A_239], %broadcast_in_dim3A_3 {strides = array<i32>} : memref<64x128xf32, #tpu.memory_space<vmem>>, vector<16xf32>,
      %swap3A_241 = arith.index_cast %scan3A_226 : i32 to index
      %swap3A_242 = arith.constant 80 : index
      %swap3A_243 = tpu.vector_load %arg13[%swap3A_241, %swap3A_242] {strides = array<i32>} : memref<64x128xf32, #tpu.memory_space<vmem>>, vector<16xf32>,
      tpu.vector_store %arg13[%swap3A_241, %swap3A_242], %broadcast_in_dim3A_3 {strides = array<i32>} : memref<64x128xf32, #tpu.memory_space<vmem>>, vector<16xf32>,
      %swap3A_244 = arith.index_cast %scan3A_226 : i32 to index
      %swap3A_245 = arith.constant 96 : index
      %swap3A_246 = tpu.vector_load %arg13[%swap3A_244, %swap3A_245] {strides = array<i32>} : memref<64x128xf32, #tpu.memory_space<vmem>>, vector<16xf32>,
      tpu.vector_store %arg13[%swap3A_244, %swap3A_245], %broadcast_in_dim3A_3 {strides = array<i32>} : memref<64x128xf32, #tpu.memory_space<vmem>>, vector<16xf32>,
      %swap3A_247 = arith.index_cast %scan3A_226 : i32 to index
      %swap3A_248 = arith.constant 112 : index
      %swap3A_249 = tpu.vector_load %arg13[%swap3A_247, %swap3A_248] {strides = array<i32>} : memref<64x128xf32, #tpu.memory_space<vmem>>, vector<16xf32>,
      tpu.vector_store %arg13[%swap3A_247, %swap3A_248], %broadcast_in_dim3A_3 {strides = array<i32>} : memref<64x128xf32, #tpu.memory_space<vmem>>, vector<16xf32>,
    }
    %scan3A_24 = arith.constant 64 : i32
    %mul3A_25 = arith.constant 640 : i32
    %mul3A_26 = arith.muli %arg1, %mul3A_25 : i32
    %add3A_27 = arith.constant 0 : i32
    %add3A_28 = arith.addi %mul3A_26, %add3A_27 : i32
    "tpu.region"() ({
      %run_scoped3A_226 = tpu.sem_alloc : memref<!tpu.dma_semaphore, #tpu.memory_space<semaphore_mem>>
      %dma_start3A = arith.constant 0 : i32
      %dma_start3A_227 = tpu.memref_slice %arg15[%add3A_28, %dma_start3A] : memref<10240x128xf32, #tpu.memory_space<vmem_shared>> -> memref<64x128xf32, #tpu.memory_space<vmem_shared>>
      %dma_start3A_228 = arith.constant 0 : i32
      %dma_start3A_229 = tpu.memref_slice %arg15[%add3A_28, %dma_start3A_228] : memref<10240x128xf32, #tpu.memory_space<vmem_shared>> -> memref<64x128xf32, #tpu.memory_space<vmem_shared>>
      tpu.enqueue_dma source(%arg13 : memref<64x128xf32, #tpu.memory_space<vmem>>) target(%dma_start3A_229 : memref<64x128xf32, #tpu.memory_space<vmem_shared>>) target_semaphore(%run_scoped3A_226 : memref<!tpu.dma_semaphore, #tpu.memory_space<semaphore_mem>>)
      %dma_wait3A = arith.constant 0 : i32
      %dma_wait3A_230 = tpu.memref_slice %arg15[%add3A_28, %dma_wait3A] : memref<10240x128xf32, #tpu.memory_space<vmem_shared>> -> memref<64x128xf32, #tpu.memory_space<vmem_shared>>
      %dma_wait3A_231 = arith.constant 0 : i32
      %dma_wait3A_232 = tpu.memref_slice %arg15[%add3A_28, %dma_wait3A_231] : memref<10240x128xf32, #tpu.memory_space<vmem_shared>> -> memref<64x128xf32, #tpu.memory_space<vmem_shared>>
      tpu.wait_dma2 semaphore(%run_scoped3A_226 : memref<!tpu.dma_semaphore, #tpu.memory_space<semaphore_mem>>) src(%arg13 : memref<64x128xf32, #tpu.memory_space<vmem>>) dst(%dma_wait3A_232 : memref<64x128xf32, #tpu.memory_space<vmem_shared>>)
      tpu.yield
    }) : () -> ()
    %mul3A_29 = arith.constant 640 : i32
    %mul3A_30 = arith.muli %arg1, %mul3A_29 : i32
    %add3A_31 = arith.constant 64 : i32
    %add3A_32 = arith.addi %mul3A_30, %add3A_31 : i32
    "tpu.region"() ({
      %run_scoped3A_226 = tpu.sem_alloc : memref<!tpu.dma_semaphore, #tpu.memory_space<semaphore_mem>>
      %dma_start3A = arith.constant 0 : i32
      %dma_start3A_227 = tpu.memref_slice %arg15[%add3A_32, %dma_start3A] : memref<10240x128xf32, #tpu.memory_space<vmem_shared>> -> memref<64x128xf32, #tpu.memory_space<vmem_shared>>
      %dma_start3A_228 = arith.constant 0 : i32
      %dma_start3A_229 = tpu.memref_slice %arg15[%add3A_32, %dma_start3A_228] : memref<10240x128xf32, #tpu.memory_space<vmem_shared>> -> memref<64x128xf32, #tpu.memory_space<vmem_shared>>
      tpu.enqueue_dma source(%arg13 : memref<64x128xf32, #tpu.memory_space<vmem>>) target(%dma_start3A_229 : memref<64x128xf32, #tpu.memory_space<vmem_shared>>) target_semaphore(%run_scoped3A_226 : memref<!tpu.dma_semaphore, #tpu.memory_space<semaphore_mem>>)
      %dma_wait3A = arith.constant 0 : i32
      %dma_wait3A_230 = tpu.memref_slice %arg15[%add3A_32, %dma_wait3A] : memref<10240x128xf32, #tpu.memory_space<vmem_shared>> -> memref<64x128xf32, #tpu.memory_space<vmem_shared>>
      %dma_wait3A_231 = arith.constant 0 : i32
      %dma_wait3A_232 = tpu.memref_slice %arg15[%add3A_32, %dma_wait3A_231] : memref<10240x128xf32, #tpu.memory_space<vmem_shared>> -> memref<64x128xf32, #tpu.memory_space<vmem_shared>>
      tpu.wait_dma2 semaphore(%run_scoped3A_226 : memref<!tpu.dma_semaphore, #tpu.memory_space<semaphore_mem>>) src(%arg13 : memref<64x128xf32, #tpu.memory_space<vmem>>) dst(%dma_wait3A_232 : memref<64x128xf32, #tpu.memory_space<vmem_shared>>)
      tpu.yield
    }) : () -> ()
    %mul3A_33 = arith.constant 640 : i32
    %mul3A_34 = arith.muli %arg1, %mul3A_33 : i32
    %add3A_35 = arith.constant 128 : i32
    %add3A_36 = arith.addi %mul3A_34, %add3A_35 : i32
    "tpu.region"() ({
      %run_scoped3A_226 = tpu.sem_alloc : memref<!tpu.dma_semaphore, #tpu.memory_space<semaphore_mem>>
      %dma_start3A = arith.constant 0 : i32
      %dma_start3A_227 = tpu.memref_slice %arg15[%add3A_36, %dma_start3A] : memref<10240x128xf32, #tpu.memory_space<vmem_shared>> -> memref<64x128xf32, #tpu.memory_space<vmem_shared>>
      %dma_start3A_228 = arith.constant 0 : i32
      %dma_start3A_229 = tpu.memref_slice %arg15[%add3A_36, %dma_start3A_228] : memref<10240x128xf32, #tpu.memory_space<vmem_shared>> -> memref<64x128xf32, #tpu.memory_space<vmem_shared>>
      tpu.enqueue_dma source(%arg13 : memref<64x128xf32, #tpu.memory_space<vmem>>) target(%dma_start3A_229 : memref<64x128xf32, #tpu.memory_space<vmem_shared>>) target_semaphore(%run_scoped3A_226 : memref<!tpu.dma_semaphore, #tpu.memory_space<semaphore_mem>>)
      %dma_wait3A = arith.constant 0 : i32
      %dma_wait3A_230 = tpu.memref_slice %arg15[%add3A_36, %dma_wait3A] : memref<10240x128xf32, #tpu.memory_space<vmem_shared>> -> memref<64x128xf32, #tpu.memory_space<vmem_shared>>
      %dma_wait3A_231 = arith.constant 0 : i32
      %dma_wait3A_232 = tpu.memref_slice %arg15[%add3A_36, %dma_wait3A_231] : memref<10240x128xf32, #tpu.memory_space<vmem_shared>> -> memref<64x128xf32, #tpu.memory_space<vmem_shared>>
      tpu.wait_dma2 semaphore(%run_scoped3A_226 : memref<!tpu.dma_semaphore, #tpu.memory_space<semaphore_mem>>) src(%arg13 : memref<64x128xf32, #tpu.memory_space<vmem>>) dst(%dma_wait3A_232 : memref<64x128xf32, #tpu.memory_space<vmem_shared>>)
      tpu.yield
    }) : () -> ()
    %mul3A_37 = arith.constant 640 : i32
    %mul3A_38 = arith.muli %arg1, %mul3A_37 : i32
    %add3A_39 = arith.constant 192 : i32
    %add3A_40 = arith.addi %mul3A_38, %add3A_39 : i32
    "tpu.region"() ({
      %run_scoped3A_226 = tpu.sem_alloc : memref<!tpu.dma_semaphore, #tpu.memory_space<semaphore_mem>>
      %dma_start3A = arith.constant 0 : i32
      %dma_start3A_227 = tpu.memref_slice %arg15[%add3A_40, %dma_start3A] : memref<10240x128xf32, #tpu.memory_space<vmem_shared>> -> memref<64x128xf32, #tpu.memory_space<vmem_shared>>
      %dma_start3A_228 = arith.constant 0 : i32
      %dma_start3A_229 = tpu.memref_slice %arg15[%add3A_40, %dma_start3A_228] : memref<10240x128xf32, #tpu.memory_space<vmem_shared>> -> memref<64x128xf32, #tpu.memory_space<vmem_shared>>
      tpu.enqueue_dma source(%arg13 : memref<64x128xf32, #tpu.memory_space<vmem>>) target(%dma_start3A_229 : memref<64x128xf32, #tpu.memory_space<vmem_shared>>) target_semaphore(%run_scoped3A_226 : memref<!tpu.dma_semaphore, #tpu.memory_space<semaphore_mem>>)
      %dma_wait3A = arith.constant 0 : i32
      %dma_wait3A_230 = tpu.memref_slice %arg15[%add3A_40, %dma_wait3A] : memref<10240x128xf32, #tpu.memory_space<vmem_shared>> -> memref<64x128xf32, #tpu.memory_space<vmem_shared>>
      %dma_wait3A_231 = arith.constant 0 : i32
      %dma_wait3A_232 = tpu.memref_slice %arg15[%add3A_40, %dma_wait3A_231] : memref<10240x128xf32, #tpu.memory_space<vmem_shared>> -> memref<64x128xf32, #tpu.memory_space<vmem_shared>>
      tpu.wait_dma2 semaphore(%run_scoped3A_226 : memref<!tpu.dma_semaphore, #tpu.memory_space<semaphore_mem>>) src(%arg13 : memref<64x128xf32, #tpu.memory_space<vmem>>) dst(%dma_wait3A_232 : memref<64x128xf32, #tpu.memory_space<vmem_shared>>)
      tpu.yield
    }) : () -> ()
    %mul3A_41 = arith.constant 640 : i32
    %mul3A_42 = arith.muli %arg1, %mul3A_41 : i32
    %add3A_43 = arith.constant 256 : i32
    %add3A_44 = arith.addi %mul3A_42, %add3A_43 : i32
    "tpu.region"() ({
      %run_scoped3A_226 = tpu.sem_alloc : memref<!tpu.dma_semaphore, #tpu.memory_space<semaphore_mem>>
      %dma_start3A = arith.constant 0 : i32
      %dma_start3A_227 = tpu.memref_slice %arg15[%add3A_44, %dma_start3A] : memref<10240x128xf32, #tpu.memory_space<vmem_shared>> -> memref<64x128xf32, #tpu.memory_space<vmem_shared>>
      %dma_start3A_228 = arith.constant 0 : i32
      %dma_start3A_229 = tpu.memref_slice %arg15[%add3A_44, %dma_start3A_228] : memref<10240x128xf32, #tpu.memory_space<vmem_shared>> -> memref<64x128xf32, #tpu.memory_space<vmem_shared>>
      tpu.enqueue_dma source(%arg13 : memref<64x128xf32, #tpu.memory_space<vmem>>) target(%dma_start3A_229 : memref<64x128xf32, #tpu.memory_space<vmem_shared>>) target_semaphore(%run_scoped3A_226 : memref<!tpu.dma_semaphore, #tpu.memory_space<semaphore_mem>>)
      %dma_wait3A = arith.constant 0 : i32
      %dma_wait3A_230 = tpu.memref_slice %arg15[%add3A_44, %dma_wait3A] : memref<10240x128xf32, #tpu.memory_space<vmem_shared>> -> memref<64x128xf32, #tpu.memory_space<vmem_shared>>
      %dma_wait3A_231 = arith.constant 0 : i32
      %dma_wait3A_232 = tpu.memref_slice %arg15[%add3A_44, %dma_wait3A_231] : memref<10240x128xf32, #tpu.memory_space<vmem_shared>> -> memref<64x128xf32, #tpu.memory_space<vmem_shared>>
      tpu.wait_dma2 semaphore(%run_scoped3A_226 : memref<!tpu.dma_semaphore, #tpu.memory_space<semaphore_mem>>) src(%arg13 : memref<64x128xf32, #tpu.memory_space<vmem>>) dst(%dma_wait3A_232 : memref<64x128xf32, #tpu.memory_space<vmem_shared>>)
      tpu.yield
    }) : () -> ()
    %mul3A_45 = arith.constant 640 : i32
    %mul3A_46 = arith.muli %arg1, %mul3A_45 : i32
    %add3A_47 = arith.constant 320 : i32
    %add3A_48 = arith.addi %mul3A_46, %add3A_47 : i32
    "tpu.region"() ({
      %run_scoped3A_226 = tpu.sem_alloc : memref<!tpu.dma_semaphore, #tpu.memory_space<semaphore_mem>>
      %dma_start3A = arith.constant 0 : i32
      %dma_start3A_227 = tpu.memref_slice %arg15[%add3A_48, %dma_start3A] : memref<10240x128xf32, #tpu.memory_space<vmem_shared>> -> memref<64x128xf32, #tpu.memory_space<vmem_shared>>
      %dma_start3A_228 = arith.constant 0 : i32
      %dma_start3A_229 = tpu.memref_slice %arg15[%add3A_48, %dma_start3A_228] : memref<10240x128xf32, #tpu.memory_space<vmem_shared>> -> memref<64x128xf32, #tpu.memory_space<vmem_shared>>
      tpu.enqueue_dma source(%arg13 : memref<64x128xf32, #tpu.memory_space<vmem>>) target(%dma_start3A_229 : memref<64x128xf32, #tpu.memory_space<vmem_shared>>) target_semaphore(%run_scoped3A_226 : memref<!tpu.dma_semaphore, #tpu.memory_space<semaphore_mem>>)
      %dma_wait3A = arith.constant 0 : i32
      %dma_wait3A_230 = tpu.memref_slice %arg15[%add3A_48, %dma_wait3A] : memref<10240x128xf32, #tpu.memory_space<vmem_shared>> -> memref<64x128xf32, #tpu.memory_space<vmem_shared>>
      %dma_wait3A_231 = arith.constant 0 : i32
      %dma_wait3A_232 = tpu.memref_slice %arg15[%add3A_48, %dma_wait3A_231] : memref<10240x128xf32, #tpu.memory_space<vmem_shared>> -> memref<64x128xf32, #tpu.memory_space<vmem_shared>>
      tpu.wait_dma2 semaphore(%run_scoped3A_226 : memref<!tpu.dma_semaphore, #tpu.memory_space<semaphore_mem>>) src(%arg13 : memref<64x128xf32, #tpu.memory_space<vmem>>) dst(%dma_wait3A_232 : memref<64x128xf32, #tpu.memory_space<vmem_shared>>)
      tpu.yield
    }) : () -> ()
    %mul3A_49 = arith.constant 640 : i32
    %mul3A_50 = arith.muli %arg1, %mul3A_49 : i32
    %add3A_51 = arith.constant 384 : i32
    %add3A_52 = arith.addi %mul3A_50, %add3A_51 : i32
    "tpu.region"() ({
      %run_scoped3A_226 = tpu.sem_alloc : memref<!tpu.dma_semaphore, #tpu.memory_space<semaphore_mem>>
      %dma_start3A = arith.constant 0 : i32
      %dma_start3A_227 = tpu.memref_slice %arg15[%add3A_52, %dma_start3A] : memref<10240x128xf32, #tpu.memory_space<vmem_shared>> -> memref<64x128xf32, #tpu.memory_space<vmem_shared>>
      %dma_start3A_228 = arith.constant 0 : i32
      %dma_start3A_229 = tpu.memref_slice %arg15[%add3A_52, %dma_start3A_228] : memref<10240x128xf32, #tpu.memory_space<vmem_shared>> -> memref<64x128xf32, #tpu.memory_space<vmem_shared>>
      tpu.enqueue_dma source(%arg13 : memref<64x128xf32, #tpu.memory_space<vmem>>) target(%dma_start3A_229 : memref<64x128xf32, #tpu.memory_space<vmem_shared>>) target_semaphore(%run_scoped3A_226 : memref<!tpu.dma_semaphore, #tpu.memory_space<semaphore_mem>>)
      %dma_wait3A = arith.constant 0 : i32
      %dma_wait3A_230 = tpu.memref_slice %arg15[%add3A_52, %dma_wait3A] : memref<10240x128xf32, #tpu.memory_space<vmem_shared>> -> memref<64x128xf32, #tpu.memory_space<vmem_shared>>
      %dma_wait3A_231 = arith.constant 0 : i32
      %dma_wait3A_232 = tpu.memref_slice %arg15[%add3A_52, %dma_wait3A_231] : memref<10240x128xf32, #tpu.memory_space<vmem_shared>> -> memref<64x128xf32, #tpu.memory_space<vmem_shared>>
      tpu.wait_dma2 semaphore(%run_scoped3A_226 : memref<!tpu.dma_semaphore, #tpu.memory_space<semaphore_mem>>) src(%arg13 : memref<64x128xf32, #tpu.memory_space<vmem>>) dst(%dma_wait3A_232 : memref<64x128xf32, #tpu.memory_space<vmem_shared>>)
      tpu.yield
    }) : () -> ()
    %mul3A_53 = arith.constant 640 : i32
    %mul3A_54 = arith.muli %arg1, %mul3A_53 : i32
    %add3A_55 = arith.constant 448 : i32
    %add3A_56 = arith.addi %mul3A_54, %add3A_55 : i32
    "tpu.region"() ({
      %run_scoped3A_226 = tpu.sem_alloc : memref<!tpu.dma_semaphore, #tpu.memory_space<semaphore_mem>>
      %dma_start3A = arith.constant 0 : i32
      %dma_start3A_227 = tpu.memref_slice %arg15[%add3A_56, %dma_start3A] : memref<10240x128xf32, #tpu.memory_space<vmem_shared>> -> memref<64x128xf32, #tpu.memory_space<vmem_shared>>
      %dma_start3A_228 = arith.constant 0 : i32
      %dma_start3A_229 = tpu.memref_slice %arg15[%add3A_56, %dma_start3A_228] : memref<10240x128xf32, #tpu.memory_space<vmem_shared>> -> memref<64x128xf32, #tpu.memory_space<vmem_shared>>
      tpu.enqueue_dma source(%arg13 : memref<64x128xf32, #tpu.memory_space<vmem>>) target(%dma_start3A_229 : memref<64x128xf32, #tpu.memory_space<vmem_shared>>) target_semaphore(%run_scoped3A_226 : memref<!tpu.dma_semaphore, #tpu.memory_space<semaphore_mem>>)
      %dma_wait3A = arith.constant 0 : i32
      %dma_wait3A_230 = tpu.memref_slice %arg15[%add3A_56, %dma_wait3A] : memref<10240x128xf32, #tpu.memory_space<vmem_shared>> -> memref<64x128xf32, #tpu.memory_space<vmem_shared>>
      %dma_wait3A_231 = arith.constant 0 : i32
      %dma_wait3A_232 = tpu.memref_slice %arg15[%add3A_56, %dma_wait3A_231] : memref<10240x128xf32, #tpu.memory_space<vmem_shared>> -> memref<64x128xf32, #tpu.memory_space<vmem_shared>>
      tpu.wait_dma2 semaphore(%run_scoped3A_226 : memref<!tpu.dma_semaphore, #tpu.memory_space<semaphore_mem>>) src(%arg13 : memref<64x128xf32, #tpu.memory_space<vmem>>) dst(%dma_wait3A_232 : memref<64x128xf32, #tpu.memory_space<vmem_shared>>)
      tpu.yield
    }) : () -> ()
    %mul3A_57 = arith.constant 640 : i32
    %mul3A_58 = arith.muli %arg1, %mul3A_57 : i32
    %add3A_59 = arith.constant 512 : i32
    %add3A_60 = arith.addi %mul3A_58, %add3A_59 : i32
    "tpu.region"() ({
      %run_scoped3A_226 = tpu.sem_alloc : memref<!tpu.dma_semaphore, #tpu.memory_space<semaphore_mem>>
      %dma_start3A = arith.constant 0 : i32
      %dma_start3A_227 = tpu.memref_slice %arg15[%add3A_60, %dma_start3A] : memref<10240x128xf32, #tpu.memory_space<vmem_shared>> -> memref<64x128xf32, #tpu.memory_space<vmem_shared>>
      %dma_start3A_228 = arith.constant 0 : i32
      %dma_start3A_229 = tpu.memref_slice %arg15[%add3A_60, %dma_start3A_228] : memref<10240x128xf32, #tpu.memory_space<vmem_shared>> -> memref<64x128xf32, #tpu.memory_space<vmem_shared>>
      tpu.enqueue_dma source(%arg13 : memref<64x128xf32, #tpu.memory_space<vmem>>) target(%dma_start3A_229 : memref<64x128xf32, #tpu.memory_space<vmem_shared>>) target_semaphore(%run_scoped3A_226 : memref<!tpu.dma_semaphore, #tpu.memory_space<semaphore_mem>>)
      %dma_wait3A = arith.constant 0 : i32
      %dma_wait3A_230 = tpu.memref_slice %arg15[%add3A_60, %dma_wait3A] : memref<10240x128xf32, #tpu.memory_space<vmem_shared>> -> memref<64x128xf32, #tpu.memory_space<vmem_shared>>
      %dma_wait3A_231 = arith.constant 0 : i32
      %dma_wait3A_232 = tpu.memref_slice %arg15[%add3A_60, %dma_wait3A_231] : memref<10240x128xf32, #tpu.memory_space<vmem_shared>> -> memref<64x128xf32, #tpu.memory_space<vmem_shared>>
      tpu.wait_dma2 semaphore(%run_scoped3A_226 : memref<!tpu.dma_semaphore, #tpu.memory_space<semaphore_mem>>) src(%arg13 : memref<64x128xf32, #tpu.memory_space<vmem>>) dst(%dma_wait3A_232 : memref<64x128xf32, #tpu.memory_space<vmem_shared>>)
      tpu.yield
    }) : () -> ()
    %mul3A_61 = arith.constant 640 : i32
    %mul3A_62 = arith.muli %arg1, %mul3A_61 : i32
    %add3A_63 = arith.constant 576 : i32
    %add3A_64 = arith.addi %mul3A_62, %add3A_63 : i32
    "tpu.region"() ({
      %run_scoped3A_226 = tpu.sem_alloc : memref<!tpu.dma_semaphore, #tpu.memory_space<semaphore_mem>>
      %dma_start3A = arith.constant 0 : i32
      %dma_start3A_227 = tpu.memref_slice %arg15[%add3A_64, %dma_start3A] : memref<10240x128xf32, #tpu.memory_space<vmem_shared>> -> memref<64x128xf32, #tpu.memory_space<vmem_shared>>
      %dma_start3A_228 = arith.constant 0 : i32
      %dma_start3A_229 = tpu.memref_slice %arg15[%add3A_64, %dma_start3A_228] : memref<10240x128xf32, #tpu.memory_space<vmem_shared>> -> memref<64x128xf32, #tpu.memory_space<vmem_shared>>
      tpu.enqueue_dma source(%arg13 : memref<64x128xf32, #tpu.memory_space<vmem>>) target(%dma_start3A_229 : memref<64x128xf32, #tpu.memory_space<vmem_shared>>) target_semaphore(%run_scoped3A_226 : memref<!tpu.dma_semaphore, #tpu.memory_space<semaphore_mem>>)
      %dma_wait3A = arith.constant 0 : i32
      %dma_wait3A_230 = tpu.memref_slice %arg15[%add3A_64, %dma_wait3A] : memref<10240x128xf32, #tpu.memory_space<vmem_shared>> -> memref<64x128xf32, #tpu.memory_space<vmem_shared>>
      %dma_wait3A_231 = arith.constant 0 : i32
      %dma_wait3A_232 = tpu.memref_slice %arg15[%add3A_64, %dma_wait3A_231] : memref<10240x128xf32, #tpu.memory_space<vmem_shared>> -> memref<64x128xf32, #tpu.memory_space<vmem_shared>>
      tpu.wait_dma2 semaphore(%run_scoped3A_226 : memref<!tpu.dma_semaphore, #tpu.memory_space<semaphore_mem>>) src(%arg13 : memref<64x128xf32, #tpu.memory_space<vmem>>) dst(%dma_wait3A_232 : memref<64x128xf32, #tpu.memory_space<vmem_shared>>)
      tpu.yield
    }) : () -> ()
    %barrier3A = arith.constant 0 : index
    tpu.barrier barrier_id(%barrier3A)
    %scan3A_65 = arith.constant 0 : i32
    %scan3A_66 = arith.constant 0 : i32
    %scan3A_67 = arith.constant 41 : i32
    %scan3A_68 = arith.addi %scan3A_66, %scan3A_67 : i32
    %scan3A_69 = arith.constant 1 : i32
    scf.for %scan3A_226 = %scan3A_66 to %scan3A_68 step %scan3A_69  : i32 {
      %mul3A_227 = arith.constant 8 : i32
      %mul3A_228 = arith.muli %scan3A_226, %mul3A_227 : i32
      %add3A_229 = arith.addi %mul3A_0, %mul3A_228 : i32
      "tpu.region"() ({
        %run_scoped3A_264 = tpu.sem_alloc : memref<!tpu.dma_semaphore, #tpu.memory_space<semaphore_mem>>
        %dma_start3A_265 = arith.constant 0 : i32
        %dma_start3A_266 = tpu.memref_slice %arg3[%add3A_229, %dma_start3A_265] : memref<5248x64xi32, #tpu.memory_space<hbm>> -> memref<8x64xi32, #tpu.memory_space<hbm>>
        %dma_start3A_267 = arith.constant 0 : i32
        %dma_start3A_268 = tpu.memref_slice %arg3[%add3A_229, %dma_start3A_267] : memref<5248x64xi32, #tpu.memory_space<hbm>> -> memref<8x64xi32, #tpu.memory_space<hbm>>
        tpu.enqueue_dma source(%dma_start3A_268 : memref<8x64xi32, #tpu.memory_space<hbm>>) target(%arg8 : memref<8x64xi32, #tpu.memory_space<vmem>>) target_semaphore(%run_scoped3A_264 : memref<!tpu.dma_semaphore, #tpu.memory_space<semaphore_mem>>)
        %dma_wait3A_269 = arith.constant 0 : i32
        %dma_wait3A_270 = tpu.memref_slice %arg3[%add3A_229, %dma_wait3A_269] : memref<5248x64xi32, #tpu.memory_space<hbm>> -> memref<8x64xi32, #tpu.memory_space<hbm>>
        %dma_wait3A_271 = arith.constant 0 : i32
        %dma_wait3A_272 = tpu.memref_slice %arg3[%add3A_229, %dma_wait3A_271] : memref<5248x64xi32, #tpu.memory_space<hbm>> -> memref<8x64xi32, #tpu.memory_space<hbm>>
        tpu.wait_dma2 semaphore(%run_scoped3A_264 : memref<!tpu.dma_semaphore, #tpu.memory_space<semaphore_mem>>) src(%dma_wait3A_272 : memref<8x64xi32, #tpu.memory_space<hbm>>) dst(%arg8 : memref<8x64xi32, #tpu.memory_space<vmem>>)
        tpu.yield
      }) : () -> ()
      %mul3A_230 = arith.constant 8 : i32
      %mul3A_231 = arith.muli %scan3A_226, %mul3A_230 : i32
      %add3A_232 = arith.addi %mul3A_0, %mul3A_231 : i32
      "tpu.region"() ({
        %run_scoped3A_264 = tpu.sem_alloc : memref<!tpu.dma_semaphore, #tpu.memory_space<semaphore_mem>>
        %dma_start3A_265 = arith.constant 0 : i32
        %dma_start3A_266 = tpu.memref_slice %arg4[%add3A_232, %dma_start3A_265] : memref<5248x64xi32, #tpu.memory_space<hbm>> -> memref<8x64xi32, #tpu.memory_space<hbm>>
        %dma_start3A_267 = arith.constant 0 : i32
        %dma_start3A_268 = tpu.memref_slice %arg4[%add3A_232, %dma_start3A_267] : memref<5248x64xi32, #tpu.memory_space<hbm>> -> memref<8x64xi32, #tpu.memory_space<hbm>>
        tpu.enqueue_dma source(%dma_start3A_268 : memref<8x64xi32, #tpu.memory_space<hbm>>) target(%arg9 : memref<8x64xi32, #tpu.memory_space<vmem>>) target_semaphore(%run_scoped3A_264 : memref<!tpu.dma_semaphore, #tpu.memory_space<semaphore_mem>>)
        %dma_wait3A_269 = arith.constant 0 : i32
        %dma_wait3A_270 = tpu.memref_slice %arg4[%add3A_232, %dma_wait3A_269] : memref<5248x64xi32, #tpu.memory_space<hbm>> -> memref<8x64xi32, #tpu.memory_space<hbm>>
        %dma_wait3A_271 = arith.constant 0 : i32
        %dma_wait3A_272 = tpu.memref_slice %arg4[%add3A_232, %dma_wait3A_271] : memref<5248x64xi32, #tpu.memory_space<hbm>> -> memref<8x64xi32, #tpu.memory_space<hbm>>
        tpu.wait_dma2 semaphore(%run_scoped3A_264 : memref<!tpu.dma_semaphore, #tpu.memory_space<semaphore_mem>>) src(%dma_wait3A_272 : memref<8x64xi32, #tpu.memory_space<hbm>>) dst(%arg9 : memref<8x64xi32, #tpu.memory_space<vmem>>)
        tpu.yield
      }) : () -> ()
      %mul3A_233 = arith.constant 512 : i32
      %mul3A_234 = arith.muli %scan3A_226, %mul3A_233 : i32
      %add3A_235 = arith.addi %mul3A_2, %mul3A_234 : i32
      %run_scoped3A_236 = arith.constant 0 : i32
      "tpu.region"() ({
        %run_scoped3A_264 = tpu.sem_alloc : memref<!tpu.dma_semaphore, #tpu.memory_space<semaphore_mem>>
        %dma_start3A_265 = tpu.memref_slice %arg5[%run_scoped3A_236, %add3A_6, %add3A_235] : memref<1x8x335872xf32, #tpu.memory_space<hbm>> -> memref<1x1x512xf32, #tpu.memory_space<hbm>>
        %dma_start3A_266 = tpu.memref_squeeze %dma_start3A_265 : memref<1x1x512xf32, #tpu.memory_space<hbm>> -> memref<512xf32, #tpu.memory_space<hbm>>
        %dma_start3A_267 = tpu.memref_slice %arg5[%run_scoped3A_236, %add3A_6, %add3A_235] : memref<1x8x335872xf32, #tpu.memory_space<hbm>> -> memref<1x1x512xf32, #tpu.memory_space<hbm>>
        %dma_start3A_268 = tpu.memref_squeeze %dma_start3A_267 : memref<1x1x512xf32, #tpu.memory_space<hbm>> -> memref<512xf32, #tpu.memory_space<hbm>>
        tpu.enqueue_dma source(%dma_start3A_268 : memref<512xf32, #tpu.memory_space<hbm>>) target(%arg10 : memref<512xf32, #tpu.memory_space<vmem>>) target_semaphore(%run_scoped3A_264 : memref<!tpu.dma_semaphore, #tpu.memory_space<semaphore_mem>>)
        %dma_wait3A_269 = tpu.memref_slice %arg5[%run_scoped3A_236, %add3A_6, %add3A_235] : memref<1x8x335872xf32, #tpu.memory_space<hbm>> -> memref<1x1x512xf32, #tpu.memory_space<hbm>>
        %dma_wait3A_270 = tpu.memref_squeeze %dma_wait3A_269 : memref<1x1x512xf32, #tpu.memory_space<hbm>> -> memref<512xf32, #tpu.memory_space<hbm>>
        %dma_wait3A_271 = tpu.memref_slice %arg5[%run_scoped3A_236, %add3A_6, %add3A_235] : memref<1x8x335872xf32, #tpu.memory_space<hbm>> -> memref<1x1x512xf32, #tpu.memory_space<hbm>>
        %dma_wait3A_272 = tpu.memref_squeeze %dma_wait3A_271 : memref<1x1x512xf32, #tpu.memory_space<hbm>> -> memref<512xf32, #tpu.memory_space<hbm>>
        tpu.wait_dma2 semaphore(%run_scoped3A_264 : memref<!tpu.dma_semaphore, #tpu.memory_space<semaphore_mem>>) src(%dma_wait3A_272 : memref<512xf32, #tpu.memory_space<hbm>>) dst(%arg10 : memref<512xf32, #tpu.memory_space<vmem>>)
        tpu.yield
      }) : () -> ()
      %scan3A_237 = arith.constant 0 : i32
      %scan3A_238 = arith.constant 0 : i32
      %scan3A_239 = arith.constant 32 : i32
      %scan3A_240 = arith.addi %scan3A_238, %scan3A_239 : i32
      %scan3A_241 = arith.constant 1 : i32
      scf.for %scan3A_264 = %scan3A_238 to %scan3A_240 step %scan3A_241  : i32 {
        %mul3A_265 = arith.constant 16 : i32
        %mul3A_266 = arith.muli %scan3A_264, %mul3A_265 : i32
        %jit3A = arith.constant 4 : i32
        %div3A = arith.divsi %scan3A_264, %jit3A : i32
        %sign3A = arith.constant 0 : i32
        %sign3A_267 = arith.cmpi sgt, %scan3A_264, %sign3A : i32
        %sign3A_268 = arith.extui %sign3A_267 : i1 to i32
        %sign3A_269 = arith.constant 0 : i32
        %sign3A_270 = arith.cmpi slt, %scan3A_264, %sign3A_269 : i32
        %sign3A_271 = arith.extui %sign3A_270 : i1 to i32
        %sign3A_272 = arith.subi %sign3A_268, %sign3A_271 : i32
        %sign3A_273 = arith.constant 0 : i32
        %sign3A_274 = arith.cmpi sgt, %jit3A, %sign3A_273 : i32
        %sign3A_275 = arith.extui %sign3A_274 : i1 to i32
        %sign3A_276 = arith.constant 0 : i32
        %sign3A_277 = arith.cmpi slt, %jit3A, %sign3A_276 : i32
        %sign3A_278 = arith.extui %sign3A_277 : i1 to i32
        %sign3A_279 = arith.subi %sign3A_275, %sign3A_278 : i32
        %ne3A = arith.cmpi ne, %sign3A_272, %sign3A_279 : i32
        %rem3A = arith.remsi %scan3A_264, %jit3A : i32
        %ne3A_280 = arith.constant 0 : i32
        %ne3A_281 = arith.cmpi ne, %rem3A, %ne3A_280 : i32
        %and3A = arith.andi %ne3A, %ne3A_281 : i1
        %sub3A = arith.constant 1 : i32
        %sub3A_282 = arith.subi %div3A, %sub3A : i32
        %select_n3A = arith.select %and3A, %sub3A_282, %div3A : i32
        %jit3A_283 = arith.constant 4 : i32
        %eq3A = arith.constant 0 : i32
        %eq3A_284 = arith.cmpi eq, %jit3A_283, %eq3A : i32
        %jit3A_285 = arith.constant 1 : i32
        %select_n3A_286 = arith.select %eq3A_284, %jit3A_285, %jit3A_283 : i32
        %rem3A_287 = arith.remsi %scan3A_264, %select_n3A_286 : i32
        %ne3A_288 = arith.constant 0 : i32
        %ne3A_289 = arith.cmpi ne, %rem3A_287, %ne3A_288 : i32
        %lt3A = arith.constant 0 : i32
        %lt3A_290 = arith.cmpi slt, %rem3A_287, %lt3A : i32
        %lt3A_291 = arith.constant 0 : i32
        %lt3A_292 = arith.cmpi slt, %select_n3A_286, %lt3A_291 : i32
        %ne3A_293 = arith.xori %lt3A_290, %lt3A_292 : i1
        %and3A_294 = arith.andi %ne3A_293, %ne3A_289 : i1
        %add3A_295 = arith.addi %rem3A_287, %select_n3A_286 : i32
        %select_n3A_296 = arith.select %and3A_294, %add3A_295, %rem3A_287 : i32
        %mul3A_297 = arith.constant 16 : i32
        %mul3A_298 = arith.muli %select_n3A_296, %mul3A_297 : i32
        %get3A = arith.index_cast %select_n3A : i32 to index
        %get3A_299 = arith.index_cast %mul3A_298 : i32 to index
        %get3A_300 = tpu.vector_load %arg9[%get3A, %get3A_299] {strides = array<i32>} : memref<8x64xi32, #tpu.memory_space<vmem>>, vector<16xi32>,
        %gather3A = tpu.vector_load_idx %arg11[%get3A_300] : memref<10240xf32, #tpu.memory_space<vmem>>[vector<16xi32>], vector<16xf32>,
        %get3A_301 = arith.index_cast %mul3A_266 : i32 to index
        %get3A_302 = tpu.vector_load %arg10[%get3A_301] {strides = array<i32>} : memref<512xf32, #tpu.memory_space<vmem>>, vector<16xf32>,
        %div3A_303 = arith.divf %get3A_302, %gather3A : vector<16xf32>
        %swap3A = arith.index_cast %mul3A_266 : i32 to index
        %swap3A_304 = tpu.vector_load %arg10[%swap3A] {strides = array<i32>} : memref<512xf32, #tpu.memory_space<vmem>>, vector<16xf32>,
        tpu.vector_store %arg10[%swap3A], %div3A_303 {strides = array<i32>} : memref<512xf32, #tpu.memory_space<vmem>>, vector<16xf32>,
      }
      %scan3A_242 = arith.constant 32 : i32
      %dma_start3A = arith.constant 0 : i32
      %dma_start3A_243 = arith.constant 0 : i32
      %dma_start3A_244 = tpu.memref_slice %arg8[%dma_start3A, %dma_start3A_243] : memref<8x64xi32, #tpu.memory_space<vmem>> -> memref<1x64xi32, #tpu.memory_space<vmem>>
      %dma_start3A_245 = tpu.memref_squeeze %dma_start3A_244 : memref<1x64xi32, #tpu.memory_space<vmem>> -> memref<64xi32, #tpu.memory_space<vmem>>
      %dma_start3A_246 = arith.constant 0 : i32
      %dma_start3A_247 = arith.constant 0 : i32
      %dma_start3A_248 = tpu.memref_slice %arg2[%add3A_6, %dma_start3A_246, %dma_start3A_247] : memref<4x10000x128xf32, #tpu.memory_space<hbm>> -> memref<1x10000x128xf32, #tpu.memory_space<hbm>>
      %dma_start3A_249 = tpu.memref_squeeze %dma_start3A_248 : memref<1x10000x128xf32, #tpu.memory_space<hbm>> -> memref<10000x128xf32, #tpu.memory_space<hbm>>
      %dma_start3A_250 = arith.constant 0 : i32
      %dma_start3A_251 = arith.constant 0 : i32
      %dma_start3A_252 = tpu.memref_slice %dma_start3A_249[%dma_start3A_250, %dma_start3A_251] : memref<10000x128xf32, #tpu.memory_space<hbm>> -> memref<10000x128xf32, #tpu.memory_space<hbm>>
      tpu.enqueue_indirect_dma source(%dma_start3A_252 : memref<10000x128xf32, #tpu.memory_space<hbm>>) target(%arg13 : memref<64x128xf32, #tpu.memory_space<vmem>>) offsets(%dma_start3A_245 : memref<64xi32, #tpu.memory_space<vmem>>) semaphore(%arg16 : memref<!tpu.dma_semaphore, #tpu.memory_space<semaphore_mem>>)
      %scan3A_253 = arith.constant 0 : i32
      %scan3A_254 = arith.constant 0 : i32
      %scan3A_255 = arith.constant 4 : i32
      %scan3A_256 = arith.addi %scan3A_254, %scan3A_255 : i32
      %scan3A_257 = arith.constant 1 : i32
      scf.for %scan3A_264 = %scan3A_254 to %scan3A_256 step %scan3A_257  : i32 {
        %gt3A = arith.constant 0 : i32
        %gt3A_265 = arith.cmpi sgt, %scan3A_264, %gt3A : i32
        %convert_element_type3A = arith.extui %gt3A_265 : i1 to i32
        %cond3A = arith.constant 0 : i32
        %cond3A_266 = arith.cmpi ne, %convert_element_type3A, %cond3A : i32
        scf.if %cond3A_266 {
          %dma_wait3A_349 = arith.constant 0 : i32
          %dma_wait3A_350 = arith.constant 0 : i32
          %dma_wait3A_351 = tpu.memref_slice %arg15[%dma_wait3A_349, %dma_wait3A_350] : memref<10240x128xf32, #tpu.memory_space<vmem_shared>> -> memref<64x128xf32, #tpu.memory_space<vmem_shared>>
          %dma_wait3A_352 = arith.constant 0 : i32
          %dma_wait3A_353 = arith.constant 0 : i32
          %dma_wait3A_354 = tpu.memref_slice %arg15[%dma_wait3A_352, %dma_wait3A_353] : memref<10240x128xf32, #tpu.memory_space<vmem_shared>> -> memref<64x128xf32, #tpu.memory_space<vmem_shared>>
          tpu.wait_dma2 semaphore(%arg19 : memref<!tpu.dma_semaphore, #tpu.memory_space<semaphore_mem>>) src(%arg14 : memref<64x128xf32, #tpu.memory_space<vmem>>) dst(%dma_wait3A_354 : memref<64x128xf32, #tpu.memory_space<vmem_shared>>)
        } else {
        }
        %mul3A_267 = arith.constant 2 : i32
        %mul3A_268 = arith.muli %mul3A_267, %scan3A_264 : i32
        %add3A_269 = arith.constant 1 : i32
        %add3A_270 = arith.addi %mul3A_268, %add3A_269 : i32
        %dma_start3A_271 = arith.constant 0 : i32
        %dma_start3A_272 = tpu.memref_slice %arg8[%add3A_270, %dma_start3A_271] : memref<8x64xi32, #tpu.memory_space<vmem>> -> memref<1x64xi32, #tpu.memory_space<vmem>>
        %dma_start3A_273 = tpu.memref_squeeze %dma_start3A_272 : memref<1x64xi32, #tpu.memory_space<vmem>> -> memref<64xi32, #tpu.memory_space<vmem>>
        %dma_start3A_274 = arith.constant 0 : i32
        %dma_start3A_275 = arith.constant 0 : i32
        %dma_start3A_276 = tpu.memref_slice %arg2[%add3A_6, %dma_start3A_274, %dma_start3A_275] : memref<4x10000x128xf32, #tpu.memory_space<hbm>> -> memref<1x10000x128xf32, #tpu.memory_space<hbm>>
        %dma_start3A_277 = tpu.memref_squeeze %dma_start3A_276 : memref<1x10000x128xf32, #tpu.memory_space<hbm>> -> memref<10000x128xf32, #tpu.memory_space<hbm>>
        %dma_start3A_278 = arith.constant 0 : i32
        %dma_start3A_279 = arith.constant 0 : i32
        %dma_start3A_280 = tpu.memref_slice %dma_start3A_277[%dma_start3A_278, %dma_start3A_279] : memref<10000x128xf32, #tpu.memory_space<hbm>> -> memref<10000x128xf32, #tpu.memory_space<hbm>>
        tpu.enqueue_indirect_dma source(%dma_start3A_280 : memref<10000x128xf32, #tpu.memory_space<hbm>>) target(%arg14 : memref<64x128xf32, #tpu.memory_space<vmem>>) offsets(%dma_start3A_273 : memref<64xi32, #tpu.memory_space<vmem>>) semaphore(%arg17 : memref<!tpu.dma_semaphore, #tpu.memory_space<semaphore_mem>>)
        %mul3A_281 = arith.constant 2 : i32
        %mul3A_282 = arith.muli %mul3A_281, %scan3A_264 : i32
        %dma_wait3A_283 = arith.constant 0 : i32
        %dma_wait3A_284 = arith.constant 0 : i32
        %dma_wait3A_285 = tpu.memref_slice %arg2[%add3A_6, %dma_wait3A_283, %dma_wait3A_284] : memref<4x10000x128xf32, #tpu.memory_space<hbm>> -> memref<1x10000x128xf32, #tpu.memory_space<hbm>>
        %dma_wait3A_286 = tpu.memref_squeeze %dma_wait3A_285 : memref<1x10000x128xf32, #tpu.memory_space<hbm>> -> memref<10000x128xf32, #tpu.memory_space<hbm>>
        %dma_wait3A_287 = arith.constant 0 : i32
        %dma_wait3A_288 = arith.constant 0 : i32
        %dma_wait3A_289 = tpu.memref_slice %dma_wait3A_286[%dma_wait3A_287, %dma_wait3A_288] : memref<10000x128xf32, #tpu.memory_space<hbm>> -> memref<64x128xf32, #tpu.memory_space<hbm>>
        %dma_wait3A_290 = arith.constant 0 : i32
        %dma_wait3A_291 = arith.constant 0 : i32
        %dma_wait3A_292 = tpu.memref_slice %arg2[%add3A_6, %dma_wait3A_290, %dma_wait3A_291] : memref<4x10000x128xf32, #tpu.memory_space<hbm>> -> memref<1x10000x128xf32, #tpu.memory_space<hbm>>
        %dma_wait3A_293 = tpu.memref_squeeze %dma_wait3A_292 : memref<1x10000x128xf32, #tpu.memory_space<hbm>> -> memref<10000x128xf32, #tpu.memory_space<hbm>>
        %dma_wait3A_294 = arith.constant 0 : i32
        %dma_wait3A_295 = arith.constant 0 : i32
        %dma_wait3A_296 = tpu.memref_slice %dma_wait3A_293[%dma_wait3A_294, %dma_wait3A_295] : memref<10000x128xf32, #tpu.memory_space<hbm>> -> memref<64x128xf32, #tpu.memory_space<hbm>>
        tpu.wait_dma2 semaphore(%arg16 : memref<!tpu.dma_semaphore, #tpu.memory_space<semaphore_mem>>) src(%dma_wait3A_296 : memref<64x128xf32, #tpu.memory_space<hbm>>) dst(%arg13 : memref<64x128xf32, #tpu.memory_space<vmem>>)
        %scan3A_297 = arith.constant 0 : i32
        %scan3A_298 = arith.constant 0 : i32
        %scan3A_299 = arith.constant 64 : i32
        %scan3A_300 = arith.addi %scan3A_298, %scan3A_299 : i32
        %scan3A_301 = arith.constant 1 : i32
        scf.for %scan3A_349 = %scan3A_298 to %scan3A_300 step %scan3A_301  : i32 {
          %mul3A_350 = arith.constant 64 : i32
          %mul3A_351 = arith.muli %mul3A_282, %mul3A_350 : i32
          %add3A_352 = arith.addi %mul3A_351, %scan3A_349 : i32
          %broadcast_in_dim3A_353 = vector.broadcast %add3A_352 : i32 to vector<16xi32>
          %gather3A = tpu.vector_load_idx %arg10[%broadcast_in_dim3A_353] : memref<512xf32, #tpu.memory_space<vmem>>[vector<16xi32>], vector<16xf32>,
          %get3A = arith.index_cast %scan3A_349 : i32 to index
          %get3A_354 = arith.constant 0 : index
          %get3A_355 = tpu.vector_load %arg13[%get3A, %get3A_354] {strides = array<i32>} : memref<64x128xf32, #tpu.memory_space<vmem>>, vector<16xf32>,
          %mul3A_356 = arith.mulf %get3A_355, %gather3A : vector<16xf32>
          %swap3A = arith.index_cast %scan3A_349 : i32 to index
          %swap3A_357 = arith.constant 0 : index
          %swap3A_358 = tpu.vector_load %arg13[%swap3A, %swap3A_357] {strides = array<i32>} : memref<64x128xf32, #tpu.memory_space<vmem>>, vector<16xf32>,
          tpu.vector_store %arg13[%swap3A, %swap3A_357], %mul3A_356 {strides = array<i32>} : memref<64x128xf32, #tpu.memory_space<vmem>>, vector<16xf32>,
          %get3A_359 = arith.index_cast %scan3A_349 : i32 to index
          %get3A_360 = arith.constant 16 : index
          %get3A_361 = tpu.vector_load %arg13[%get3A_359, %get3A_360] {strides = array<i32>} : memref<64x128xf32, #tpu.memory_space<vmem>>, vector<16xf32>,
          %mul3A_362 = arith.mulf %get3A_361, %gather3A : vector<16xf32>
          %swap3A_363 = arith.index_cast %scan3A_349 : i32 to index
          %swap3A_364 = arith.constant 16 : index
          %swap3A_365 = tpu.vector_load %arg13[%swap3A_363, %swap3A_364] {strides = array<i32>} : memref<64x128xf32, #tpu.memory_space<vmem>>, vector<16xf32>,
          tpu.vector_store %arg13[%swap3A_363, %swap3A_364], %mul3A_362 {strides = array<i32>} : memref<64x128xf32, #tpu.memory_space<vmem>>, vector<16xf32>,
          %get3A_366 = arith.index_cast %scan3A_349 : i32 to index
          %get3A_367 = arith.constant 32 : index
          %get3A_368 = tpu.vector_load %arg13[%get3A_366, %get3A_367] {strides = array<i32>} : memref<64x128xf32, #tpu.memory_space<vmem>>, vector<16xf32>,
          %mul3A_369 = arith.mulf %get3A_368, %gather3A : vector<16xf32>
          %swap3A_370 = arith.index_cast %scan3A_349 : i32 to index
          %swap3A_371 = arith.constant 32 : index
          %swap3A_372 = tpu.vector_load %arg13[%swap3A_370, %swap3A_371] {strides = array<i32>} : memref<64x128xf32, #tpu.memory_space<vmem>>, vector<16xf32>,
          tpu.vector_store %arg13[%swap3A_370, %swap3A_371], %mul3A_369 {strides = array<i32>} : memref<64x128xf32, #tpu.memory_space<vmem>>, vector<16xf32>,
          %get3A_373 = arith.index_cast %scan3A_349 : i32 to index
          %get3A_374 = arith.constant 48 : index
          %get3A_375 = tpu.vector_load %arg13[%get3A_373, %get3A_374] {strides = array<i32>} : memref<64x128xf32, #tpu.memory_space<vmem>>, vector<16xf32>,
          %mul3A_376 = arith.mulf %get3A_375, %gather3A : vector<16xf32>
          %swap3A_377 = arith.index_cast %scan3A_349 : i32 to index
          %swap3A_378 = arith.constant 48 : index
          %swap3A_379 = tpu.vector_load %arg13[%swap3A_377, %swap3A_378] {strides = array<i32>} : memref<64x128xf32, #tpu.memory_space<vmem>>, vector<16xf32>,
          tpu.vector_store %arg13[%swap3A_377, %swap3A_378], %mul3A_376 {strides = array<i32>} : memref<64x128xf32, #tpu.memory_space<vmem>>, vector<16xf32>,
          %get3A_380 = arith.index_cast %scan3A_349 : i32 to index
          %get3A_381 = arith.constant 64 : index
          %get3A_382 = tpu.vector_load %arg13[%get3A_380, %get3A_381] {strides = array<i32>} : memref<64x128xf32, #tpu.memory_space<vmem>>, vector<16xf32>,
          %mul3A_383 = arith.mulf %get3A_382, %gather3A : vector<16xf32>
          %swap3A_384 = arith.index_cast %scan3A_349 : i32 to index
          %swap3A_385 = arith.constant 64 : index
          %swap3A_386 = tpu.vector_load %arg13[%swap3A_384, %swap3A_385] {strides = array<i32>} : memref<64x128xf32, #tpu.memory_space<vmem>>, vector<16xf32>,
          tpu.vector_store %arg13[%swap3A_384, %swap3A_385], %mul3A_383 {strides = array<i32>} : memref<64x128xf32, #tpu.memory_space<vmem>>, vector<16xf32>,
          %get3A_387 = arith.index_cast %scan3A_349 : i32 to index
          %get3A_388 = arith.constant 80 : index
          %get3A_389 = tpu.vector_load %arg13[%get3A_387, %get3A_388] {strides = array<i32>} : memref<64x128xf32, #tpu.memory_space<vmem>>, vector<16xf32>,
          %mul3A_390 = arith.mulf %get3A_389, %gather3A : vector<16xf32>
          %swap3A_391 = arith.index_cast %scan3A_349 : i32 to index
          %swap3A_392 = arith.constant 80 : index
          %swap3A_393 = tpu.vector_load %arg13[%swap3A_391, %swap3A_392] {strides = array<i32>} : memref<64x128xf32, #tpu.memory_space<vmem>>, vector<16xf32>,
          tpu.vector_store %arg13[%swap3A_391, %swap3A_392], %mul3A_390 {strides = array<i32>} : memref<64x128xf32, #tpu.memory_space<vmem>>, vector<16xf32>,
          %get3A_394 = arith.index_cast %scan3A_349 : i32 to index
          %get3A_395 = arith.constant 96 : index
          %get3A_396 = tpu.vector_load %arg13[%get3A_394, %get3A_395] {strides = array<i32>} : memref<64x128xf32, #tpu.memory_space<vmem>>, vector<16xf32>,
          %mul3A_397 = arith.mulf %get3A_396, %gather3A : vector<16xf32>
          %swap3A_398 = arith.index_cast %scan3A_349 : i32 to index
          %swap3A_399 = arith.constant 96 : index
          %swap3A_400 = tpu.vector_load %arg13[%swap3A_398, %swap3A_399] {strides = array<i32>} : memref<64x128xf32, #tpu.memory_space<vmem>>, vector<16xf32>,
          tpu.vector_store %arg13[%swap3A_398, %swap3A_399], %mul3A_397 {strides = array<i32>} : memref<64x128xf32, #tpu.memory_space<vmem>>, vector<16xf32>,
          %get3A_401 = arith.index_cast %scan3A_349 : i32 to index
          %get3A_402 = arith.constant 112 : index
          %get3A_403 = tpu.vector_load %arg13[%get3A_401, %get3A_402] {strides = array<i32>} : memref<64x128xf32, #tpu.memory_space<vmem>>, vector<16xf32>,
          %mul3A_404 = arith.mulf %get3A_403, %gather3A : vector<16xf32>
          %swap3A_405 = arith.index_cast %scan3A_349 : i32 to index
          %swap3A_406 = arith.constant 112 : index
          %swap3A_407 = tpu.vector_load %arg13[%swap3A_405, %swap3A_406] {strides = array<i32>} : memref<64x128xf32, #tpu.memory_space<vmem>>, vector<16xf32>,
          tpu.vector_store %arg13[%swap3A_405, %swap3A_406], %mul3A_404 {strides = array<i32>} : memref<64x128xf32, #tpu.memory_space<vmem>>, vector<16xf32>,
        }
        %scan3A_302 = arith.constant 64 : i32
        %dma_start3A_303 = arith.constant 0 : i32
        %dma_start3A_304 = tpu.memref_slice %arg9[%mul3A_282, %dma_start3A_303] : memref<8x64xi32, #tpu.memory_space<vmem>> -> memref<1x64xi32, #tpu.memory_space<vmem>>
        %dma_start3A_305 = tpu.memref_squeeze %dma_start3A_304 : memref<1x64xi32, #tpu.memory_space<vmem>> -> memref<64xi32, #tpu.memory_space<vmem>>
        %dma_start3A_306 = arith.constant 0 : i32
        %dma_start3A_307 = arith.constant 0 : i32
        %dma_start3A_308 = tpu.memref_slice %arg15[%dma_start3A_306, %dma_start3A_307] : memref<10240x128xf32, #tpu.memory_space<vmem_shared>> -> memref<10240x128xf32, #tpu.memory_space<vmem_shared>>
        tpu.enqueue_indirect_dma source(%arg13 : memref<64x128xf32, #tpu.memory_space<vmem>>) target(%dma_start3A_308 : memref<10240x128xf32, #tpu.memory_space<vmem_shared>>) offsets(%dma_start3A_305 : memref<64xi32, #tpu.memory_space<vmem>>) semaphore(%arg18 : memref<!tpu.dma_semaphore, #tpu.memory_space<semaphore_mem>>) {add = true}
        %mul3A_309 = arith.constant 2 : i32
        %mul3A_310 = arith.muli %mul3A_309, %scan3A_264 : i32
        %add3A_311 = arith.constant 1 : i32
        %add3A_312 = arith.addi %mul3A_310, %add3A_311 : i32
        %dma_wait3A_313 = arith.constant 0 : i32
        %dma_wait3A_314 = arith.constant 0 : i32
        %dma_wait3A_315 = tpu.memref_slice %arg2[%add3A_6, %dma_wait3A_313, %dma_wait3A_314] : memref<4x10000x128xf32, #tpu.memory_space<hbm>> -> memref<1x10000x128xf32, #tpu.memory_space<hbm>>
        %dma_wait3A_316 = tpu.memref_squeeze %dma_wait3A_315 : memref<1x10000x128xf32, #tpu.memory_space<hbm>> -> memref<10000x128xf32, #tpu.memory_space<hbm>>
        %dma_wait3A_317 = arith.constant 0 : i32
        %dma_wait3A_318 = arith.constant 0 : i32
        %dma_wait3A_319 = tpu.memref_slice %dma_wait3A_316[%dma_wait3A_317, %dma_wait3A_318] : memref<10000x128xf32, #tpu.memory_space<hbm>> -> memref<64x128xf32, #tpu.memory_space<hbm>>
        %dma_wait3A_320 = arith.constant 0 : i32
        %dma_wait3A_321 = arith.constant 0 : i32
        %dma_wait3A_322 = tpu.memref_slice %arg2[%add3A_6, %dma_wait3A_320, %dma_wait3A_321] : memref<4x10000x128xf32, #tpu.memory_space<hbm>> -> memref<1x10000x128xf32, #tpu.memory_space<hbm>>
        %dma_wait3A_323 = tpu.memref_squeeze %dma_wait3A_322 : memref<1x10000x128xf32, #tpu.memory_space<hbm>> -> memref<10000x128xf32, #tpu.memory_space<hbm>>
        %dma_wait3A_324 = arith.constant 0 : i32
        %dma_wait3A_325 = arith.constant 0 : i32
        %dma_wait3A_326 = tpu.memref_slice %dma_wait3A_323[%dma_wait3A_324, %dma_wait3A_325] : memref<10000x128xf32, #tpu.memory_space<hbm>> -> memref<64x128xf32, #tpu.memory_space<hbm>>
        tpu.wait_dma2 semaphore(%arg17 : memref<!tpu.dma_semaphore, #tpu.memory_space<semaphore_mem>>) src(%dma_wait3A_326 : memref<64x128xf32, #tpu.memory_space<hbm>>) dst(%arg14 : memref<64x128xf32, #tpu.memory_space<vmem>>)
        %scan3A_327 = arith.constant 0 : i32
        %scan3A_328 = arith.constant 0 : i32
        %scan3A_329 = arith.constant 64 : i32
        %scan3A_330 = arith.addi %scan3A_328, %scan3A_329 : i32
        %scan3A_331 = arith.constant 1 : i32
        scf.for %scan3A_349 = %scan3A_328 to %scan3A_330 step %scan3A_331  : i32 {
          %mul3A_350 = arith.constant 64 : i32
          %mul3A_351 = arith.muli %add3A_312, %mul3A_350 : i32
          %add3A_352 = arith.addi %mul3A_351, %scan3A_349 : i32
          %broadcast_in_dim3A_353 = vector.broadcast %add3A_352 : i32 to vector<16xi32>
          %gather3A = tpu.vector_load_idx %arg10[%broadcast_in_dim3A_353] : memref<512xf32, #tpu.memory_space<vmem>>[vector<16xi32>], vector<16xf32>,
          %get3A = arith.index_cast %scan3A_349 : i32 to index
          %get3A_354 = arith.constant 0 : index
          %get3A_355 = tpu.vector_load %arg14[%get3A, %get3A_354] {strides = array<i32>} : memref<64x128xf32, #tpu.memory_space<vmem>>, vector<16xf32>,
          %mul3A_356 = arith.mulf %get3A_355, %gather3A : vector<16xf32>
          %swap3A = arith.index_cast %scan3A_349 : i32 to index
          %swap3A_357 = arith.constant 0 : index
          %swap3A_358 = tpu.vector_load %arg14[%swap3A, %swap3A_357] {strides = array<i32>} : memref<64x128xf32, #tpu.memory_space<vmem>>, vector<16xf32>,
          tpu.vector_store %arg14[%swap3A, %swap3A_357], %mul3A_356 {strides = array<i32>} : memref<64x128xf32, #tpu.memory_space<vmem>>, vector<16xf32>,
          %get3A_359 = arith.index_cast %scan3A_349 : i32 to index
          %get3A_360 = arith.constant 16 : index
          %get3A_361 = tpu.vector_load %arg14[%get3A_359, %get3A_360] {strides = array<i32>} : memref<64x128xf32, #tpu.memory_space<vmem>>, vector<16xf32>,
          %mul3A_362 = arith.mulf %get3A_361, %gather3A : vector<16xf32>
          %swap3A_363 = arith.index_cast %scan3A_349 : i32 to index
          %swap3A_364 = arith.constant 16 : index
          %swap3A_365 = tpu.vector_load %arg14[%swap3A_363, %swap3A_364] {strides = array<i32>} : memref<64x128xf32, #tpu.memory_space<vmem>>, vector<16xf32>,
          tpu.vector_store %arg14[%swap3A_363, %swap3A_364], %mul3A_362 {strides = array<i32>} : memref<64x128xf32, #tpu.memory_space<vmem>>, vector<16xf32>,
          %get3A_366 = arith.index_cast %scan3A_349 : i32 to index
          %get3A_367 = arith.constant 32 : index
          %get3A_368 = tpu.vector_load %arg14[%get3A_366, %get3A_367] {strides = array<i32>} : memref<64x128xf32, #tpu.memory_space<vmem>>, vector<16xf32>,
          %mul3A_369 = arith.mulf %get3A_368, %gather3A : vector<16xf32>
          %swap3A_370 = arith.index_cast %scan3A_349 : i32 to index
          %swap3A_371 = arith.constant 32 : index
          %swap3A_372 = tpu.vector_load %arg14[%swap3A_370, %swap3A_371] {strides = array<i32>} : memref<64x128xf32, #tpu.memory_space<vmem>>, vector<16xf32>,
          tpu.vector_store %arg14[%swap3A_370, %swap3A_371], %mul3A_369 {strides = array<i32>} : memref<64x128xf32, #tpu.memory_space<vmem>>, vector<16xf32>,
          %get3A_373 = arith.index_cast %scan3A_349 : i32 to index
          %get3A_374 = arith.constant 48 : index
          %get3A_375 = tpu.vector_load %arg14[%get3A_373, %get3A_374] {strides = array<i32>} : memref<64x128xf32, #tpu.memory_space<vmem>>, vector<16xf32>,
          %mul3A_376 = arith.mulf %get3A_375, %gather3A : vector<16xf32>
          %swap3A_377 = arith.index_cast %scan3A_349 : i32 to index
          %swap3A_378 = arith.constant 48 : index
          %swap3A_379 = tpu.vector_load %arg14[%swap3A_377, %swap3A_378] {strides = array<i32>} : memref<64x128xf32, #tpu.memory_space<vmem>>, vector<16xf32>,
          tpu.vector_store %arg14[%swap3A_377, %swap3A_378], %mul3A_376 {strides = array<i32>} : memref<64x128xf32, #tpu.memory_space<vmem>>, vector<16xf32>,
          %get3A_380 = arith.index_cast %scan3A_349 : i32 to index
          %get3A_381 = arith.constant 64 : index
          %get3A_382 = tpu.vector_load %arg14[%get3A_380, %get3A_381] {strides = array<i32>} : memref<64x128xf32, #tpu.memory_space<vmem>>, vector<16xf32>,
          %mul3A_383 = arith.mulf %get3A_382, %gather3A : vector<16xf32>
          %swap3A_384 = arith.index_cast %scan3A_349 : i32 to index
          %swap3A_385 = arith.constant 64 : index
          %swap3A_386 = tpu.vector_load %arg14[%swap3A_384, %swap3A_385] {strides = array<i32>} : memref<64x128xf32, #tpu.memory_space<vmem>>, vector<16xf32>,
          tpu.vector_store %arg14[%swap3A_384, %swap3A_385], %mul3A_383 {strides = array<i32>} : memref<64x128xf32, #tpu.memory_space<vmem>>, vector<16xf32>,
          %get3A_387 = arith.index_cast %scan3A_349 : i32 to index
          %get3A_388 = arith.constant 80 : index
          %get3A_389 = tpu.vector_load %arg14[%get3A_387, %get3A_388] {strides = array<i32>} : memref<64x128xf32, #tpu.memory_space<vmem>>, vector<16xf32>,
          %mul3A_390 = arith.mulf %get3A_389, %gather3A : vector<16xf32>
          %swap3A_391 = arith.index_cast %scan3A_349 : i32 to index
          %swap3A_392 = arith.constant 80 : index
          %swap3A_393 = tpu.vector_load %arg14[%swap3A_391, %swap3A_392] {strides = array<i32>} : memref<64x128xf32, #tpu.memory_space<vmem>>, vector<16xf32>,
          tpu.vector_store %arg14[%swap3A_391, %swap3A_392], %mul3A_390 {strides = array<i32>} : memref<64x128xf32, #tpu.memory_space<vmem>>, vector<16xf32>,
          %get3A_394 = arith.index_cast %scan3A_349 : i32 to index
          %get3A_395 = arith.constant 96 : index
          %get3A_396 = tpu.vector_load %arg14[%get3A_394, %get3A_395] {strides = array<i32>} : memref<64x128xf32, #tpu.memory_space<vmem>>, vector<16xf32>,
          %mul3A_397 = arith.mulf %get3A_396, %gather3A : vector<16xf32>
          %swap3A_398 = arith.index_cast %scan3A_349 : i32 to index
          %swap3A_399 = arith.constant 96 : index
          %swap3A_400 = tpu.vector_load %arg14[%swap3A_398, %swap3A_399] {strides = array<i32>} : memref<64x128xf32, #tpu.memory_space<vmem>>, vector<16xf32>,
          tpu.vector_store %arg14[%swap3A_398, %swap3A_399], %mul3A_397 {strides = array<i32>} : memref<64x128xf32, #tpu.memory_space<vmem>>, vector<16xf32>,
          %get3A_401 = arith.index_cast %scan3A_349 : i32 to index
          %get3A_402 = arith.constant 112 : index
          %get3A_403 = tpu.vector_load %arg14[%get3A_401, %get3A_402] {strides = array<i32>} : memref<64x128xf32, #tpu.memory_space<vmem>>, vector<16xf32>,
          %mul3A_404 = arith.mulf %get3A_403, %gather3A : vector<16xf32>
          %swap3A_405 = arith.index_cast %scan3A_349 : i32 to index
          %swap3A_406 = arith.constant 112 : index
          %swap3A_407 = tpu.vector_load %arg14[%swap3A_405, %swap3A_406] {strides = array<i32>} : memref<64x128xf32, #tpu.memory_space<vmem>>, vector<16xf32>,
          tpu.vector_store %arg14[%swap3A_405, %swap3A_406], %mul3A_404 {strides = array<i32>} : memref<64x128xf32, #tpu.memory_space<vmem>>, vector<16xf32>,
        }
        %scan3A_332 = arith.constant 64 : i32
        %dma_start3A_333 = arith.constant 0 : i32
        %dma_start3A_334 = tpu.memref_slice %arg9[%add3A_312, %dma_start3A_333] : memref<8x64xi32, #tpu.memory_space<vmem>> -> memref<1x64xi32, #tpu.memory_space<vmem>>
        %dma_start3A_335 = tpu.memref_squeeze %dma_start3A_334 : memref<1x64xi32, #tpu.memory_space<vmem>> -> memref<64xi32, #tpu.memory_space<vmem>>
        %dma_start3A_336 = arith.constant 0 : i32
        %dma_start3A_337 = arith.constant 0 : i32
        %dma_start3A_338 = tpu.memref_slice %arg15[%dma_start3A_336, %dma_start3A_337] : memref<10240x128xf32, #tpu.memory_space<vmem_shared>> -> memref<10240x128xf32, #tpu.memory_space<vmem_shared>>
        tpu.enqueue_indirect_dma source(%arg14 : memref<64x128xf32, #tpu.memory_space<vmem>>) target(%dma_start3A_338 : memref<10240x128xf32, #tpu.memory_space<vmem_shared>>) offsets(%dma_start3A_335 : memref<64xi32, #tpu.memory_space<vmem>>) semaphore(%arg19 : memref<!tpu.dma_semaphore, #tpu.memory_space<semaphore_mem>>) {add = true}
        %dma_wait3A_339 = arith.constant 0 : i32
        %dma_wait3A_340 = arith.constant 0 : i32
        %dma_wait3A_341 = tpu.memref_slice %arg15[%dma_wait3A_339, %dma_wait3A_340] : memref<10240x128xf32, #tpu.memory_space<vmem_shared>> -> memref<64x128xf32, #tpu.memory_space<vmem_shared>>
        %dma_wait3A_342 = arith.constant 0 : i32
        %dma_wait3A_343 = arith.constant 0 : i32
        %dma_wait3A_344 = tpu.memref_slice %arg15[%dma_wait3A_342, %dma_wait3A_343] : memref<10240x128xf32, #tpu.memory_space<vmem_shared>> -> memref<64x128xf32, #tpu.memory_space<vmem_shared>>
        tpu.wait_dma2 semaphore(%arg18 : memref<!tpu.dma_semaphore, #tpu.memory_space<semaphore_mem>>) src(%arg13 : memref<64x128xf32, #tpu.memory_space<vmem>>) dst(%dma_wait3A_344 : memref<64x128xf32, #tpu.memory_space<vmem_shared>>)
        %lt3A = arith.constant 3 : i32
        %lt3A_345 = arith.cmpi slt, %scan3A_264, %lt3A : i32
        %convert_element_type3A_346 = arith.extui %lt3A_345 : i1 to i32
        %cond3A_347 = arith.constant 0 : i32
        %cond3A_348 = arith.cmpi ne, %convert_element_type3A_346, %cond3A_347 : i32
        scf.if %cond3A_348 {
          %mul3A_349 = arith.constant 2 : i32
          %mul3A_350 = arith.muli %mul3A_349, %scan3A_264 : i32
          %add3A_351 = arith.constant 2 : i32
          %add3A_352 = arith.addi %mul3A_350, %add3A_351 : i32
          %dma_start3A_353 = arith.constant 0 : i32
          %dma_start3A_354 = tpu.memref_slice %arg8[%add3A_352, %dma_start3A_353] : memref<8x64xi32, #tpu.memory_space<vmem>> -> memref<1x64xi32, #tpu.memory_space<vmem>>
          %dma_start3A_355 = tpu.memref_squeeze %dma_start3A_354 : memref<1x64xi32, #tpu.memory_space<vmem>> -> memref<64xi32, #tpu.memory_space<vmem>>
          %dma_start3A_356 = arith.constant 0 : i32
          %dma_start3A_357 = arith.constant 0 : i32
          %dma_start3A_358 = tpu.memref_slice %arg2[%add3A_6, %dma_start3A_356, %dma_start3A_357] : memref<4x10000x128xf32, #tpu.memory_space<hbm>> -> memref<1x10000x128xf32, #tpu.memory_space<hbm>>
          %dma_start3A_359 = tpu.memref_squeeze %dma_start3A_358 : memref<1x10000x128xf32, #tpu.memory_space<hbm>> -> memref<10000x128xf32, #tpu.memory_space<hbm>>
          %dma_start3A_360 = arith.constant 0 : i32
          %dma_start3A_361 = arith.constant 0 : i32
          %dma_start3A_362 = tpu.memref_slice %dma_start3A_359[%dma_start3A_360, %dma_start3A_361] : memref<10000x128xf32, #tpu.memory_space<hbm>> -> memref<10000x128xf32, #tpu.memory_space<hbm>>
          tpu.enqueue_indirect_dma source(%dma_start3A_362 : memref<10000x128xf32, #tpu.memory_space<hbm>>) target(%arg13 : memref<64x128xf32, #tpu.memory_space<vmem>>) offsets(%dma_start3A_355 : memref<64xi32, #tpu.memory_space<vmem>>) semaphore(%arg16 : memref<!tpu.dma_semaphore, #tpu.memory_space<semaphore_mem>>)
        } else {
        }
      }
      %scan3A_258 = arith.constant 4 : i32
      %dma_wait3A = arith.constant 0 : i32
      %dma_wait3A_259 = arith.constant 0 : i32
      %dma_wait3A_260 = tpu.memref_slice %arg15[%dma_wait3A, %dma_wait3A_259] : memref<10240x128xf32, #tpu.memory_space<vmem_shared>> -> memref<64x128xf32, #tpu.memory_space<vmem_shared>>
      %dma_wait3A_261 = arith.constant 0 : i32
      %dma_wait3A_262 = arith.constant 0 : i32
      %dma_wait3A_263 = tpu.memref_slice %arg15[%dma_wait3A_261, %dma_wait3A_262] : memref<10240x128xf32, #tpu.memory_space<vmem_shared>> -> memref<64x128xf32, #tpu.memory_space<vmem_shared>>
      tpu.wait_dma2 semaphore(%arg19 : memref<!tpu.dma_semaphore, #tpu.memory_space<semaphore_mem>>) src(%arg14 : memref<64x128xf32, #tpu.memory_space<vmem>>) dst(%dma_wait3A_263 : memref<64x128xf32, #tpu.memory_space<vmem_shared>>)
    }
    %scan3A_70 = arith.constant 41 : i32
    %barrier3A_71 = arith.constant 0 : index
    tpu.barrier barrier_id(%barrier3A_71)
    %mul3A_72 = arith.constant 640 : i32
    %mul3A_73 = arith.muli %arg1, %mul3A_72 : i32
    %add3A_74 = arith.constant 0 : i32
    %add3A_75 = arith.addi %mul3A_73, %add3A_74 : i32
    "tpu.region"() ({
      %run_scoped3A_226 = tpu.sem_alloc : memref<!tpu.dma_semaphore, #tpu.memory_space<semaphore_mem>>
      %dma_start3A = arith.constant 0 : i32
      %dma_start3A_227 = arith.constant 0 : i32
      %dma_start3A_228 = tpu.memref_slice %arg7[%add3A_6, %dma_start3A, %dma_start3A_227] : memref<4x10240x128xf32, #tpu.memory_space<hbm>> -> memref<1x10240x128xf32, #tpu.memory_space<hbm>>
      %dma_start3A_229 = tpu.memref_squeeze %dma_start3A_228 : memref<1x10240x128xf32, #tpu.memory_space<hbm>> -> memref<10240x128xf32, #tpu.memory_space<hbm>>
      %dma_start3A_230 = arith.constant 0 : i32
      %dma_start3A_231 = tpu.memref_slice %dma_start3A_229[%add3A_75, %dma_start3A_230] : memref<10240x128xf32, #tpu.memory_space<hbm>> -> memref<64x128xf32, #tpu.memory_space<hbm>>
      %dma_start3A_232 = arith.constant 0 : i32
      %dma_start3A_233 = tpu.memref_slice %arg15[%add3A_75, %dma_start3A_232] : memref<10240x128xf32, #tpu.memory_space<vmem_shared>> -> memref<64x128xf32, #tpu.memory_space<vmem_shared>>
      tpu.enqueue_dma source(%dma_start3A_233 : memref<64x128xf32, #tpu.memory_space<vmem_shared>>) target(%dma_start3A_231 : memref<64x128xf32, #tpu.memory_space<hbm>>) target_semaphore(%run_scoped3A_226 : memref<!tpu.dma_semaphore, #tpu.memory_space<semaphore_mem>>)
      %dma_wait3A = arith.constant 0 : i32
      %dma_wait3A_234 = arith.constant 0 : i32
      %dma_wait3A_235 = tpu.memref_slice %arg7[%add3A_6, %dma_wait3A, %dma_wait3A_234] : memref<4x10240x128xf32, #tpu.memory_space<hbm>> -> memref<1x10240x128xf32, #tpu.memory_space<hbm>>
      %dma_wait3A_236 = tpu.memref_squeeze %dma_wait3A_235 : memref<1x10240x128xf32, #tpu.memory_space<hbm>> -> memref<10240x128xf32, #tpu.memory_space<hbm>>
      %dma_wait3A_237 = arith.constant 0 : i32
      %dma_wait3A_238 = tpu.memref_slice %dma_wait3A_236[%add3A_75, %dma_wait3A_237] : memref<10240x128xf32, #tpu.memory_space<hbm>> -> memref<64x128xf32, #tpu.memory_space<hbm>>
      %dma_wait3A_239 = arith.constant 0 : i32
      %dma_wait3A_240 = tpu.memref_slice %arg15[%add3A_75, %dma_wait3A_239] : memref<10240x128xf32, #tpu.memory_space<vmem_shared>> -> memref<64x128xf32, #tpu.memory_space<vmem_shared>>
      tpu.wait_dma2 semaphore(%run_scoped3A_226 : memref<!tpu.dma_semaphore, #tpu.memory_space<semaphore_mem>>) src(%dma_wait3A_240 : memref<64x128xf32, #tpu.memory_space<vmem_shared>>) dst(%dma_wait3A_238 : memref<64x128xf32, #tpu.memory_space<hbm>>)
      tpu.yield
    }) : () -> ()
    %mul3A_76 = arith.constant 640 : i32
    %mul3A_77 = arith.muli %arg1, %mul3A_76 : i32
    %add3A_78 = arith.constant 64 : i32
    %add3A_79 = arith.addi %mul3A_77, %add3A_78 : i32
    "tpu.region"() ({
      %run_scoped3A_226 = tpu.sem_alloc : memref<!tpu.dma_semaphore, #tpu.memory_space<semaphore_mem>>
      %dma_start3A = arith.constant 0 : i32
      %dma_start3A_227 = arith.constant 0 : i32
      %dma_start3A_228 = tpu.memref_slice %arg7[%add3A_6, %dma_start3A, %dma_start3A_227] : memref<4x10240x128xf32, #tpu.memory_space<hbm>> -> memref<1x10240x128xf32, #tpu.memory_space<hbm>>
      %dma_start3A_229 = tpu.memref_squeeze %dma_start3A_228 : memref<1x10240x128xf32, #tpu.memory_space<hbm>> -> memref<10240x128xf32, #tpu.memory_space<hbm>>
      %dma_start3A_230 = arith.constant 0 : i32
      %dma_start3A_231 = tpu.memref_slice %dma_start3A_229[%add3A_79, %dma_start3A_230] : memref<10240x128xf32, #tpu.memory_space<hbm>> -> memref<64x128xf32, #tpu.memory_space<hbm>>
      %dma_start3A_232 = arith.constant 0 : i32
      %dma_start3A_233 = tpu.memref_slice %arg15[%add3A_79, %dma_start3A_232] : memref<10240x128xf32, #tpu.memory_space<vmem_shared>> -> memref<64x128xf32, #tpu.memory_space<vmem_shared>>
      tpu.enqueue_dma source(%dma_start3A_233 : memref<64x128xf32, #tpu.memory_space<vmem_shared>>) target(%dma_start3A_231 : memref<64x128xf32, #tpu.memory_space<hbm>>) target_semaphore(%run_scoped3A_226 : memref<!tpu.dma_semaphore, #tpu.memory_space<semaphore_mem>>)
      %dma_wait3A = arith.constant 0 : i32
      %dma_wait3A_234 = arith.constant 0 : i32
      %dma_wait3A_235 = tpu.memref_slice %arg7[%add3A_6, %dma_wait3A, %dma_wait3A_234] : memref<4x10240x128xf32, #tpu.memory_space<hbm>> -> memref<1x10240x128xf32, #tpu.memory_space<hbm>>
      %dma_wait3A_236 = tpu.memref_squeeze %dma_wait3A_235 : memref<1x10240x128xf32, #tpu.memory_space<hbm>> -> memref<10240x128xf32, #tpu.memory_space<hbm>>
      %dma_wait3A_237 = arith.constant 0 : i32
      %dma_wait3A_238 = tpu.memref_slice %dma_wait3A_236[%add3A_79, %dma_wait3A_237] : memref<10240x128xf32, #tpu.memory_space<hbm>> -> memref<64x128xf32, #tpu.memory_space<hbm>>
      %dma_wait3A_239 = arith.constant 0 : i32
      %dma_wait3A_240 = tpu.memref_slice %arg15[%add3A_79, %dma_wait3A_239] : memref<10240x128xf32, #tpu.memory_space<vmem_shared>> -> memref<64x128xf32, #tpu.memory_space<vmem_shared>>
      tpu.wait_dma2 semaphore(%run_scoped3A_226 : memref<!tpu.dma_semaphore, #tpu.memory_space<semaphore_mem>>) src(%dma_wait3A_240 : memref<64x128xf32, #tpu.memory_space<vmem_shared>>) dst(%dma_wait3A_238 : memref<64x128xf32, #tpu.memory_space<hbm>>)
      tpu.yield
    }) : () -> ()
    %mul3A_80 = arith.constant 640 : i32
    %mul3A_81 = arith.muli %arg1, %mul3A_80 : i32
    %add3A_82 = arith.constant 128 : i32
    %add3A_83 = arith.addi %mul3A_81, %add3A_82 : i32
    "tpu.region"() ({
      %run_scoped3A_226 = tpu.sem_alloc : memref<!tpu.dma_semaphore, #tpu.memory_space<semaphore_mem>>
      %dma_start3A = arith.constant 0 : i32
      %dma_start3A_227 = arith.constant 0 : i32
      %dma_start3A_228 = tpu.memref_slice %arg7[%add3A_6, %dma_start3A, %dma_start3A_227] : memref<4x10240x128xf32, #tpu.memory_space<hbm>> -> memref<1x10240x128xf32, #tpu.memory_space<hbm>>
      %dma_start3A_229 = tpu.memref_squeeze %dma_start3A_228 : memref<1x10240x128xf32, #tpu.memory_space<hbm>> -> memref<10240x128xf32, #tpu.memory_space<hbm>>
      %dma_start3A_230 = arith.constant 0 : i32
      %dma_start3A_231 = tpu.memref_slice %dma_start3A_229[%add3A_83, %dma_start3A_230] : memref<10240x128xf32, #tpu.memory_space<hbm>> -> memref<64x128xf32, #tpu.memory_space<hbm>>
      %dma_start3A_232 = arith.constant 0 : i32
      %dma_start3A_233 = tpu.memref_slice %arg15[%add3A_83, %dma_start3A_232] : memref<10240x128xf32, #tpu.memory_space<vmem_shared>> -> memref<64x128xf32, #tpu.memory_space<vmem_shared>>
      tpu.enqueue_dma source(%dma_start3A_233 : memref<64x128xf32, #tpu.memory_space<vmem_shared>>) target(%dma_start3A_231 : memref<64x128xf32, #tpu.memory_space<hbm>>) target_semaphore(%run_scoped3A_226 : memref<!tpu.dma_semaphore, #tpu.memory_space<semaphore_mem>>)
      %dma_wait3A = arith.constant 0 : i32
      %dma_wait3A_234 = arith.constant 0 : i32
      %dma_wait3A_235 = tpu.memref_slice %arg7[%add3A_6, %dma_wait3A, %dma_wait3A_234] : memref<4x10240x128xf32, #tpu.memory_space<hbm>> -> memref<1x10240x128xf32, #tpu.memory_space<hbm>>
      %dma_wait3A_236 = tpu.memref_squeeze %dma_wait3A_235 : memref<1x10240x128xf32, #tpu.memory_space<hbm>> -> memref<10240x128xf32, #tpu.memory_space<hbm>>
      %dma_wait3A_237 = arith.constant 0 : i32
      %dma_wait3A_238 = tpu.memref_slice %dma_wait3A_236[%add3A_83, %dma_wait3A_237] : memref<10240x128xf32, #tpu.memory_space<hbm>> -> memref<64x128xf32, #tpu.memory_space<hbm>>
      %dma_wait3A_239 = arith.constant 0 : i32
      %dma_wait3A_240 = tpu.memref_slice %arg15[%add3A_83, %dma_wait3A_239] : memref<10240x128xf32, #tpu.memory_space<vmem_shared>> -> memref<64x128xf32, #tpu.memory_space<vmem_shared>>
      tpu.wait_dma2 semaphore(%run_scoped3A_226 : memref<!tpu.dma_semaphore, #tpu.memory_space<semaphore_mem>>) src(%dma_wait3A_240 : memref<64x128xf32, #tpu.memory_space<vmem_shared>>) dst(%dma_wait3A_238 : memref<64x128xf32, #tpu.memory_space<hbm>>)
      tpu.yield
    }) : () -> ()
    %mul3A_84 = arith.constant 640 : i32
    %mul3A_85 = arith.muli %arg1, %mul3A_84 : i32
    %add3A_86 = arith.constant 192 : i32
    %add3A_87 = arith.addi %mul3A_85, %add3A_86 : i32
    "tpu.region"() ({
      %run_scoped3A_226 = tpu.sem_alloc : memref<!tpu.dma_semaphore, #tpu.memory_space<semaphore_mem>>
      %dma_start3A = arith.constant 0 : i32
      %dma_start3A_227 = arith.constant 0 : i32
      %dma_start3A_228 = tpu.memref_slice %arg7[%add3A_6, %dma_start3A, %dma_start3A_227] : memref<4x10240x128xf32, #tpu.memory_space<hbm>> -> memref<1x10240x128xf32, #tpu.memory_space<hbm>>
      %dma_start3A_229 = tpu.memref_squeeze %dma_start3A_228 : memref<1x10240x128xf32, #tpu.memory_space<hbm>> -> memref<10240x128xf32, #tpu.memory_space<hbm>>
      %dma_start3A_230 = arith.constant 0 : i32
      %dma_start3A_231 = tpu.memref_slice %dma_start3A_229[%add3A_87, %dma_start3A_230] : memref<10240x128xf32, #tpu.memory_space<hbm>> -> memref<64x128xf32, #tpu.memory_space<hbm>>
      %dma_start3A_232 = arith.constant 0 : i32
      %dma_start3A_233 = tpu.memref_slice %arg15[%add3A_87, %dma_start3A_232] : memref<10240x128xf32, #tpu.memory_space<vmem_shared>> -> memref<64x128xf32, #tpu.memory_space<vmem_shared>>
      tpu.enqueue_dma source(%dma_start3A_233 : memref<64x128xf32, #tpu.memory_space<vmem_shared>>) target(%dma_start3A_231 : memref<64x128xf32, #tpu.memory_space<hbm>>) target_semaphore(%run_scoped3A_226 : memref<!tpu.dma_semaphore, #tpu.memory_space<semaphore_mem>>)
      %dma_wait3A = arith.constant 0 : i32
      %dma_wait3A_234 = arith.constant 0 : i32
      %dma_wait3A_235 = tpu.memref_slice %arg7[%add3A_6, %dma_wait3A, %dma_wait3A_234] : memref<4x10240x128xf32, #tpu.memory_space<hbm>> -> memref<1x10240x128xf32, #tpu.memory_space<hbm>>
      %dma_wait3A_236 = tpu.memref_squeeze %dma_wait3A_235 : memref<1x10240x128xf32, #tpu.memory_space<hbm>> -> memref<10240x128xf32, #tpu.memory_space<hbm>>
      %dma_wait3A_237 = arith.constant 0 : i32
      %dma_wait3A_238 = tpu.memref_slice %dma_wait3A_236[%add3A_87, %dma_wait3A_237] : memref<10240x128xf32, #tpu.memory_space<hbm>> -> memref<64x128xf32, #tpu.memory_space<hbm>>
      %dma_wait3A_239 = arith.constant 0 : i32
      %dma_wait3A_240 = tpu.memref_slice %arg15[%add3A_87, %dma_wait3A_239] : memref<10240x128xf32, #tpu.memory_space<vmem_shared>> -> memref<64x128xf32, #tpu.memory_space<vmem_shared>>
      tpu.wait_dma2 semaphore(%run_scoped3A_226 : memref<!tpu.dma_semaphore, #tpu.memory_space<semaphore_mem>>) src(%dma_wait3A_240 : memref<64x128xf32, #tpu.memory_space<vmem_shared>>) dst(%dma_wait3A_238 : memref<64x128xf32, #tpu.memory_space<hbm>>)
      tpu.yield
    }) : () -> ()
    %mul3A_88 = arith.constant 640 : i32
    %mul3A_89 = arith.muli %arg1, %mul3A_88 : i32
    %add3A_90 = arith.constant 256 : i32
    %add3A_91 = arith.addi %mul3A_89, %add3A_90 : i32
    "tpu.region"() ({
      %run_scoped3A_226 = tpu.sem_alloc : memref<!tpu.dma_semaphore, #tpu.memory_space<semaphore_mem>>
      %dma_start3A = arith.constant 0 : i32
      %dma_start3A_227 = arith.constant 0 : i32
      %dma_start3A_228 = tpu.memref_slice %arg7[%add3A_6, %dma_start3A, %dma_start3A_227] : memref<4x10240x128xf32, #tpu.memory_space<hbm>> -> memref<1x10240x128xf32, #tpu.memory_space<hbm>>
      %dma_start3A_229 = tpu.memref_squeeze %dma_start3A_228 : memref<1x10240x128xf32, #tpu.memory_space<hbm>> -> memref<10240x128xf32, #tpu.memory_space<hbm>>
      %dma_start3A_230 = arith.constant 0 : i32
      %dma_start3A_231 = tpu.memref_slice %dma_start3A_229[%add3A_91, %dma_start3A_230] : memref<10240x128xf32, #tpu.memory_space<hbm>> -> memref<64x128xf32, #tpu.memory_space<hbm>>
      %dma_start3A_232 = arith.constant 0 : i32
      %dma_start3A_233 = tpu.memref_slice %arg15[%add3A_91, %dma_start3A_232] : memref<10240x128xf32, #tpu.memory_space<vmem_shared>> -> memref<64x128xf32, #tpu.memory_space<vmem_shared>>
      tpu.enqueue_dma source(%dma_start3A_233 : memref<64x128xf32, #tpu.memory_space<vmem_shared>>) target(%dma_start3A_231 : memref<64x128xf32, #tpu.memory_space<hbm>>) target_semaphore(%run_scoped3A_226 : memref<!tpu.dma_semaphore, #tpu.memory_space<semaphore_mem>>)
      %dma_wait3A = arith.constant 0 : i32
      %dma_wait3A_234 = arith.constant 0 : i32
      %dma_wait3A_235 = tpu.memref_slice %arg7[%add3A_6, %dma_wait3A, %dma_wait3A_234] : memref<4x10240x128xf32, #tpu.memory_space<hbm>> -> memref<1x10240x128xf32, #tpu.memory_space<hbm>>
      %dma_wait3A_236 = tpu.memref_squeeze %dma_wait3A_235 : memref<1x10240x128xf32, #tpu.memory_space<hbm>> -> memref<10240x128xf32, #tpu.memory_space<hbm>>
      %dma_wait3A_237 = arith.constant 0 : i32
      %dma_wait3A_238 = tpu.memref_slice %dma_wait3A_236[%add3A_91, %dma_wait3A_237] : memref<10240x128xf32, #tpu.memory_space<hbm>> -> memref<64x128xf32, #tpu.memory_space<hbm>>
      %dma_wait3A_239 = arith.constant 0 : i32
      %dma_wait3A_240 = tpu.memref_slice %arg15[%add3A_91, %dma_wait3A_239] : memref<10240x128xf32, #tpu.memory_space<vmem_shared>> -> memref<64x128xf32, #tpu.memory_space<vmem_shared>>
      tpu.wait_dma2 semaphore(%run_scoped3A_226 : memref<!tpu.dma_semaphore, #tpu.memory_space<semaphore_mem>>) src(%dma_wait3A_240 : memref<64x128xf32, #tpu.memory_space<vmem_shared>>) dst(%dma_wait3A_238 : memref<64x128xf32, #tpu.memory_space<hbm>>)
      tpu.yield
    }) : () -> ()
    %mul3A_92 = arith.constant 640 : i32
    %mul3A_93 = arith.muli %arg1, %mul3A_92 : i32
    %add3A_94 = arith.constant 320 : i32
    %add3A_95 = arith.addi %mul3A_93, %add3A_94 : i32
    "tpu.region"() ({
      %run_scoped3A_226 = tpu.sem_alloc : memref<!tpu.dma_semaphore, #tpu.memory_space<semaphore_mem>>
      %dma_start3A = arith.constant 0 : i32
      %dma_start3A_227 = arith.constant 0 : i32
      %dma_start3A_228 = tpu.memref_slice %arg7[%add3A_6, %dma_start3A, %dma_start3A_227] : memref<4x10240x128xf32, #tpu.memory_space<hbm>> -> memref<1x10240x128xf32, #tpu.memory_space<hbm>>
      %dma_start3A_229 = tpu.memref_squeeze %dma_start3A_228 : memref<1x10240x128xf32, #tpu.memory_space<hbm>> -> memref<10240x128xf32, #tpu.memory_space<hbm>>
      %dma_start3A_230 = arith.constant 0 : i32
      %dma_start3A_231 = tpu.memref_slice %dma_start3A_229[%add3A_95, %dma_start3A_230] : memref<10240x128xf32, #tpu.memory_space<hbm>> -> memref<64x128xf32, #tpu.memory_space<hbm>>
      %dma_start3A_232 = arith.constant 0 : i32
      %dma_start3A_233 = tpu.memref_slice %arg15[%add3A_95, %dma_start3A_232] : memref<10240x128xf32, #tpu.memory_space<vmem_shared>> -> memref<64x128xf32, #tpu.memory_space<vmem_shared>>
      tpu.enqueue_dma source(%dma_start3A_233 : memref<64x128xf32, #tpu.memory_space<vmem_shared>>) target(%dma_start3A_231 : memref<64x128xf32, #tpu.memory_space<hbm>>) target_semaphore(%run_scoped3A_226 : memref<!tpu.dma_semaphore, #tpu.memory_space<semaphore_mem>>)
      %dma_wait3A = arith.constant 0 : i32
      %dma_wait3A_234 = arith.constant 0 : i32
      %dma_wait3A_235 = tpu.memref_slice %arg7[%add3A_6, %dma_wait3A, %dma_wait3A_234] : memref<4x10240x128xf32, #tpu.memory_space<hbm>> -> memref<1x10240x128xf32, #tpu.memory_space<hbm>>
      %dma_wait3A_236 = tpu.memref_squeeze %dma_wait3A_235 : memref<1x10240x128xf32, #tpu.memory_space<hbm>> -> memref<10240x128xf32, #tpu.memory_space<hbm>>
      %dma_wait3A_237 = arith.constant 0 : i32
      %dma_wait3A_238 = tpu.memref_slice %dma_wait3A_236[%add3A_95, %dma_wait3A_237] : memref<10240x128xf32, #tpu.memory_space<hbm>> -> memref<64x128xf32, #tpu.memory_space<hbm>>
      %dma_wait3A_239 = arith.constant 0 : i32
      %dma_wait3A_240 = tpu.memref_slice %arg15[%add3A_95, %dma_wait3A_239] : memref<10240x128xf32, #tpu.memory_space<vmem_shared>> -> memref<64x128xf32, #tpu.memory_space<vmem_shared>>
      tpu.wait_dma2 semaphore(%run_scoped3A_226 : memref<!tpu.dma_semaphore, #tpu.memory_space<semaphore_mem>>) src(%dma_wait3A_240 : memref<64x128xf32, #tpu.memory_space<vmem_shared>>) dst(%dma_wait3A_238 : memref<64x128xf32, #tpu.memory_space<hbm>>)
      tpu.yield
    }) : () -> ()
    %mul3A_96 = arith.constant 640 : i32
    %mul3A_97 = arith.muli %arg1, %mul3A_96 : i32
    %add3A_98 = arith.constant 384 : i32
    %add3A_99 = arith.addi %mul3A_97, %add3A_98 : i32
    "tpu.region"() ({
      %run_scoped3A_226 = tpu.sem_alloc : memref<!tpu.dma_semaphore, #tpu.memory_space<semaphore_mem>>
      %dma_start3A = arith.constant 0 : i32
      %dma_start3A_227 = arith.constant 0 : i32
      %dma_start3A_228 = tpu.memref_slice %arg7[%add3A_6, %dma_start3A, %dma_start3A_227] : memref<4x10240x128xf32, #tpu.memory_space<hbm>> -> memref<1x10240x128xf32, #tpu.memory_space<hbm>>
      %dma_start3A_229 = tpu.memref_squeeze %dma_start3A_228 : memref<1x10240x128xf32, #tpu.memory_space<hbm>> -> memref<10240x128xf32, #tpu.memory_space<hbm>>
      %dma_start3A_230 = arith.constant 0 : i32
      %dma_start3A_231 = tpu.memref_slice %dma_start3A_229[%add3A_99, %dma_start3A_230] : memref<10240x128xf32, #tpu.memory_space<hbm>> -> memref<64x128xf32, #tpu.memory_space<hbm>>
      %dma_start3A_232 = arith.constant 0 : i32
      %dma_start3A_233 = tpu.memref_slice %arg15[%add3A_99, %dma_start3A_232] : memref<10240x128xf32, #tpu.memory_space<vmem_shared>> -> memref<64x128xf32, #tpu.memory_space<vmem_shared>>
      tpu.enqueue_dma source(%dma_start3A_233 : memref<64x128xf32, #tpu.memory_space<vmem_shared>>) target(%dma_start3A_231 : memref<64x128xf32, #tpu.memory_space<hbm>>) target_semaphore(%run_scoped3A_226 : memref<!tpu.dma_semaphore, #tpu.memory_space<semaphore_mem>>)
      %dma_wait3A = arith.constant 0 : i32
      %dma_wait3A_234 = arith.constant 0 : i32
      %dma_wait3A_235 = tpu.memref_slice %arg7[%add3A_6, %dma_wait3A, %dma_wait3A_234] : memref<4x10240x128xf32, #tpu.memory_space<hbm>> -> memref<1x10240x128xf32, #tpu.memory_space<hbm>>
      %dma_wait3A_236 = tpu.memref_squeeze %dma_wait3A_235 : memref<1x10240x128xf32, #tpu.memory_space<hbm>> -> memref<10240x128xf32, #tpu.memory_space<hbm>>
      %dma_wait3A_237 = arith.constant 0 : i32
      %dma_wait3A_238 = tpu.memref_slice %dma_wait3A_236[%add3A_99, %dma_wait3A_237] : memref<10240x128xf32, #tpu.memory_space<hbm>> -> memref<64x128xf32, #tpu.memory_space<hbm>>
      %dma_wait3A_239 = arith.constant 0 : i32
      %dma_wait3A_240 = tpu.memref_slice %arg15[%add3A_99, %dma_wait3A_239] : memref<10240x128xf32, #tpu.memory_space<vmem_shared>> -> memref<64x128xf32, #tpu.memory_space<vmem_shared>>
      tpu.wait_dma2 semaphore(%run_scoped3A_226 : memref<!tpu.dma_semaphore, #tpu.memory_space<semaphore_mem>>) src(%dma_wait3A_240 : memref<64x128xf32, #tpu.memory_space<vmem_shared>>) dst(%dma_wait3A_238 : memref<64x128xf32, #tpu.memory_space<hbm>>)
      tpu.yield
    }) : () -> ()
    %mul3A_100 = arith.constant 640 : i32
    %mul3A_101 = arith.muli %arg1, %mul3A_100 : i32
    %add3A_102 = arith.constant 448 : i32
    %add3A_103 = arith.addi %mul3A_101, %add3A_102 : i32
    "tpu.region"() ({
      %run_scoped3A_226 = tpu.sem_alloc : memref<!tpu.dma_semaphore, #tpu.memory_space<semaphore_mem>>
      %dma_start3A = arith.constant 0 : i32
      %dma_start3A_227 = arith.constant 0 : i32
      %dma_start3A_228 = tpu.memref_slice %arg7[%add3A_6, %dma_start3A, %dma_start3A_227] : memref<4x10240x128xf32, #tpu.memory_space<hbm>> -> memref<1x10240x128xf32, #tpu.memory_space<hbm>>
      %dma_start3A_229 = tpu.memref_squeeze %dma_start3A_228 : memref<1x10240x128xf32, #tpu.memory_space<hbm>> -> memref<10240x128xf32, #tpu.memory_space<hbm>>
      %dma_start3A_230 = arith.constant 0 : i32
      %dma_start3A_231 = tpu.memref_slice %dma_start3A_229[%add3A_103, %dma_start3A_230] : memref<10240x128xf32, #tpu.memory_space<hbm>> -> memref<64x128xf32, #tpu.memory_space<hbm>>
      %dma_start3A_232 = arith.constant 0 : i32
      %dma_start3A_233 = tpu.memref_slice %arg15[%add3A_103, %dma_start3A_232] : memref<10240x128xf32, #tpu.memory_space<vmem_shared>> -> memref<64x128xf32, #tpu.memory_space<vmem_shared>>
      tpu.enqueue_dma source(%dma_start3A_233 : memref<64x128xf32, #tpu.memory_space<vmem_shared>>) target(%dma_start3A_231 : memref<64x128xf32, #tpu.memory_space<hbm>>) target_semaphore(%run_scoped3A_226 : memref<!tpu.dma_semaphore, #tpu.memory_space<semaphore_mem>>)
      %dma_wait3A = arith.constant 0 : i32
      %dma_wait3A_234 = arith.constant 0 : i32
      %dma_wait3A_235 = tpu.memref_slice %arg7[%add3A_6, %dma_wait3A, %dma_wait3A_234] : memref<4x10240x128xf32, #tpu.memory_space<hbm>> -> memref<1x10240x128xf32, #tpu.memory_space<hbm>>
      %dma_wait3A_236 = tpu.memref_squeeze %dma_wait3A_235 : memref<1x10240x128xf32, #tpu.memory_space<hbm>> -> memref<10240x128xf32, #tpu.memory_space<hbm>>
      %dma_wait3A_237 = arith.constant 0 : i32
      %dma_wait3A_238 = tpu.memref_slice %dma_wait3A_236[%add3A_103, %dma_wait3A_237] : memref<10240x128xf32, #tpu.memory_space<hbm>> -> memref<64x128xf32, #tpu.memory_space<hbm>>
      %dma_wait3A_239 = arith.constant 0 : i32
      %dma_wait3A_240 = tpu.memref_slice %arg15[%add3A_103, %dma_wait3A_239] : memref<10240x128xf32, #tpu.memory_space<vmem_shared>> -> memref<64x128xf32, #tpu.memory_space<vmem_shared>>
      tpu.wait_dma2 semaphore(%run_scoped3A_226 : memref<!tpu.dma_semaphore, #tpu.memory_space<semaphore_mem>>) src(%dma_wait3A_240 : memref<64x128xf32, #tpu.memory_space<vmem_shared>>) dst(%dma_wait3A_238 : memref<64x128xf32, #tpu.memory_space<hbm>>)
      tpu.yield
    }) : () -> ()
    %mul3A_104 = arith.constant 640 : i32
    %mul3A_105 = arith.muli %arg1, %mul3A_104 : i32
    %add3A_106 = arith.constant 512 : i32
    %add3A_107 = arith.addi %mul3A_105, %add3A_106 : i32
    "tpu.region"() ({
      %run_scoped3A_226 = tpu.sem_alloc : memref<!tpu.dma_semaphore, #tpu.memory_space<semaphore_mem>>
      %dma_start3A = arith.constant 0 : i32
      %dma_start3A_227 = arith.constant 0 : i32
      %dma_start3A_228 = tpu.memref_slice %arg7[%add3A_6, %dma_start3A, %dma_start3A_227] : memref<4x10240x128xf32, #tpu.memory_space<hbm>> -> memref<1x10240x128xf32, #tpu.memory_space<hbm>>
      %dma_start3A_229 = tpu.memref_squeeze %dma_start3A_228 : memref<1x10240x128xf32, #tpu.memory_space<hbm>> -> memref<10240x128xf32, #tpu.memory_space<hbm>>
      %dma_start3A_230 = arith.constant 0 : i32
      %dma_start3A_231 = tpu.memref_slice %dma_start3A_229[%add3A_107, %dma_start3A_230] : memref<10240x128xf32, #tpu.memory_space<hbm>> -> memref<64x128xf32, #tpu.memory_space<hbm>>
      %dma_start3A_232 = arith.constant 0 : i32
      %dma_start3A_233 = tpu.memref_slice %arg15[%add3A_107, %dma_start3A_232] : memref<10240x128xf32, #tpu.memory_space<vmem_shared>> -> memref<64x128xf32, #tpu.memory_space<vmem_shared>>
      tpu.enqueue_dma source(%dma_start3A_233 : memref<64x128xf32, #tpu.memory_space<vmem_shared>>) target(%dma_start3A_231 : memref<64x128xf32, #tpu.memory_space<hbm>>) target_semaphore(%run_scoped3A_226 : memref<!tpu.dma_semaphore, #tpu.memory_space<semaphore_mem>>)
      %dma_wait3A = arith.constant 0 : i32
      %dma_wait3A_234 = arith.constant 0 : i32
      %dma_wait3A_235 = tpu.memref_slice %arg7[%add3A_6, %dma_wait3A, %dma_wait3A_234] : memref<4x10240x128xf32, #tpu.memory_space<hbm>> -> memref<1x10240x128xf32, #tpu.memory_space<hbm>>
      %dma_wait3A_236 = tpu.memref_squeeze %dma_wait3A_235 : memref<1x10240x128xf32, #tpu.memory_space<hbm>> -> memref<10240x128xf32, #tpu.memory_space<hbm>>
      %dma_wait3A_237 = arith.constant 0 : i32
      %dma_wait3A_238 = tpu.memref_slice %dma_wait3A_236[%add3A_107, %dma_wait3A_237] : memref<10240x128xf32, #tpu.memory_space<hbm>> -> memref<64x128xf32, #tpu.memory_space<hbm>>
      %dma_wait3A_239 = arith.constant 0 : i32
      %dma_wait3A_240 = tpu.memref_slice %arg15[%add3A_107, %dma_wait3A_239] : memref<10240x128xf32, #tpu.memory_space<vmem_shared>> -> memref<64x128xf32, #tpu.memory_space<vmem_shared>>
      tpu.wait_dma2 semaphore(%run_scoped3A_226 : memref<!tpu.dma_semaphore, #tpu.memory_space<semaphore_mem>>) src(%dma_wait3A_240 : memref<64x128xf32, #tpu.memory_space<vmem_shared>>) dst(%dma_wait3A_238 : memref<64x128xf32, #tpu.memory_space<hbm>>)
      tpu.yield
    }) : () -> ()
    %mul3A_108 = arith.constant 640 : i32
    %mul3A_109 = arith.muli %arg1, %mul3A_108 : i32
    %add3A_110 = arith.constant 576 : i32
    %add3A_111 = arith.addi %mul3A_109, %add3A_110 : i32
    "tpu.region"() ({
      %run_scoped3A_226 = tpu.sem_alloc : memref<!tpu.dma_semaphore, #tpu.memory_space<semaphore_mem>>
      %dma_start3A = arith.constant 0 : i32
      %dma_start3A_227 = arith.constant 0 : i32
      %dma_start3A_228 = tpu.memref_slice %arg7[%add3A_6, %dma_start3A, %dma_start3A_227] : memref<4x10240x128xf32, #tpu.memory_space<hbm>> -> memref<1x10240x128xf32, #tpu.memory_space<hbm>>
      %dma_start3A_229 = tpu.memref_squeeze %dma_start3A_228 : memref<1x10240x128xf32, #tpu.memory_space<hbm>> -> memref<10240x128xf32, #tpu.memory_space<hbm>>
      %dma_start3A_230 = arith.constant 0 : i32
      %dma_start3A_231 = tpu.memref_slice %dma_start3A_229[%add3A_111, %dma_start3A_230] : memref<10240x128xf32, #tpu.memory_space<hbm>> -> memref<64x128xf32, #tpu.memory_space<hbm>>
      %dma_start3A_232 = arith.constant 0 : i32
      %dma_start3A_233 = tpu.memref_slice %arg15[%add3A_111, %dma_start3A_232] : memref<10240x128xf32, #tpu.memory_space<vmem_shared>> -> memref<64x128xf32, #tpu.memory_space<vmem_shared>>
      tpu.enqueue_dma source(%dma_start3A_233 : memref<64x128xf32, #tpu.memory_space<vmem_shared>>) target(%dma_start3A_231 : memref<64x128xf32, #tpu.memory_space<hbm>>) target_semaphore(%run_scoped3A_226 : memref<!tpu.dma_semaphore, #tpu.memory_space<semaphore_mem>>)
      %dma_wait3A = arith.constant 0 : i32
      %dma_wait3A_234 = arith.constant 0 : i32
      %dma_wait3A_235 = tpu.memref_slice %arg7[%add3A_6, %dma_wait3A, %dma_wait3A_234] : memref<4x10240x128xf32, #tpu.memory_space<hbm>> -> memref<1x10240x128xf32, #tpu.memory_space<hbm>>
      %dma_wait3A_236 = tpu.memref_squeeze %dma_wait3A_235 : memref<1x10240x128xf32, #tpu.memory_space<hbm>> -> memref<10240x128xf32, #tpu.memory_space<hbm>>
      %dma_wait3A_237 = arith.constant 0 : i32
      %dma_wait3A_238 = tpu.memref_slice %dma_wait3A_236[%add3A_111, %dma_wait3A_237] : memref<10240x128xf32, #tpu.memory_space<hbm>> -> memref<64x128xf32, #tpu.memory_space<hbm>>
      %dma_wait3A_239 = arith.constant 0 : i32
      %dma_wait3A_240 = tpu.memref_slice %arg15[%add3A_111, %dma_wait3A_239] : memref<10240x128xf32, #tpu.memory_space<vmem_shared>> -> memref<64x128xf32, #tpu.memory_space<vmem_shared>>
      tpu.wait_dma2 semaphore(%run_scoped3A_226 : memref<!tpu.dma_semaphore, #tpu.memory_space<semaphore_mem>>) src(%dma_wait3A_240 : memref<64x128xf32, #tpu.memory_space<vmem_shared>>) dst(%dma_wait3A_238 : memref<64x128xf32, #tpu.memory_space<hbm>>)
      tpu.yield
    }) : () -> ()
    %barrier3A_112 = arith.constant 0 : index
    tpu.barrier barrier_id(%barrier3A_112)
    %mul3A_113 = arith.constant 2 : i32
    %mul3A_114 = arith.muli %arg0, %mul3A_113 : i32
    %add3A_115 = arith.constant 1 : i32
    %add3A_116 = arith.addi %mul3A_114, %add3A_115 : i32
    %mul3A_117 = arith.constant 10240 : i32
    %mul3A_118 = arith.muli %add3A_116, %mul3A_117 : i32
    %run_scoped3A_119 = arith.constant 0 : i32
    %run_scoped3A_120 = arith.constant 0 : i32
    "tpu.region"() ({
      %run_scoped3A_226 = tpu.sem_alloc : memref<!tpu.dma_semaphore, #tpu.memory_space<semaphore_mem>>
      %dma_start3A = tpu.memref_slice %arg6[%run_scoped3A_119, %run_scoped3A_120, %mul3A_118] : memref<2x1x40960xf32, #tpu.memory_space<hbm>> -> memref<1x1x10240xf32, #tpu.memory_space<hbm>>
      %dma_start3A_227 = tpu.memref_squeeze %dma_start3A : memref<1x1x10240xf32, #tpu.memory_space<hbm>> -> memref<10240xf32, #tpu.memory_space<hbm>>
      %dma_start3A_228 = tpu.memref_slice %arg6[%run_scoped3A_119, %run_scoped3A_120, %mul3A_118] : memref<2x1x40960xf32, #tpu.memory_space<hbm>> -> memref<1x1x10240xf32, #tpu.memory_space<hbm>>
      %dma_start3A_229 = tpu.memref_squeeze %dma_start3A_228 : memref<1x1x10240xf32, #tpu.memory_space<hbm>> -> memref<10240xf32, #tpu.memory_space<hbm>>
      tpu.enqueue_dma source(%dma_start3A_229 : memref<10240xf32, #tpu.memory_space<hbm>>) target(%arg11 : memref<10240xf32, #tpu.memory_space<vmem>>) target_semaphore(%run_scoped3A_226 : memref<!tpu.dma_semaphore, #tpu.memory_space<semaphore_mem>>)
      %dma_wait3A = tpu.memref_slice %arg6[%run_scoped3A_119, %run_scoped3A_120, %mul3A_118] : memref<2x1x40960xf32, #tpu.memory_space<hbm>> -> memref<1x1x10240xf32, #tpu.memory_space<hbm>>
      %dma_wait3A_230 = tpu.memref_squeeze %dma_wait3A : memref<1x1x10240xf32, #tpu.memory_space<hbm>> -> memref<10240xf32, #tpu.memory_space<hbm>>
      %dma_wait3A_231 = tpu.memref_slice %arg6[%run_scoped3A_119, %run_scoped3A_120, %mul3A_118] : memref<2x1x40960xf32, #tpu.memory_space<hbm>> -> memref<1x1x10240xf32, #tpu.memory_space<hbm>>
      %dma_wait3A_232 = tpu.memref_squeeze %dma_wait3A_231 : memref<1x1x10240xf32, #tpu.memory_space<hbm>> -> memref<10240xf32, #tpu.memory_space<hbm>>
      tpu.wait_dma2 semaphore(%run_scoped3A_226 : memref<!tpu.dma_semaphore, #tpu.memory_space<semaphore_mem>>) src(%dma_wait3A_232 : memref<10240xf32, #tpu.memory_space<hbm>>) dst(%arg11 : memref<10240xf32, #tpu.memory_space<vmem>>)
      tpu.yield
    }) : () -> ()
    %mul3A_121 = arith.constant 10240 : i32
    %mul3A_122 = arith.muli %add3A_116, %mul3A_121 : i32
    %run_scoped3A_123 = arith.constant 1 : i32
    %run_scoped3A_124 = arith.constant 0 : i32
    "tpu.region"() ({
      %run_scoped3A_226 = tpu.sem_alloc : memref<!tpu.dma_semaphore, #tpu.memory_space<semaphore_mem>>
      %dma_start3A = tpu.memref_slice %arg6[%run_scoped3A_123, %run_scoped3A_124, %mul3A_122] : memref<2x1x40960xf32, #tpu.memory_space<hbm>> -> memref<1x1x10240xf32, #tpu.memory_space<hbm>>
      %dma_start3A_227 = tpu.memref_squeeze %dma_start3A : memref<1x1x10240xf32, #tpu.memory_space<hbm>> -> memref<10240xf32, #tpu.memory_space<hbm>>
      %dma_start3A_228 = tpu.memref_slice %arg6[%run_scoped3A_123, %run_scoped3A_124, %mul3A_122] : memref<2x1x40960xf32, #tpu.memory_space<hbm>> -> memref<1x1x10240xf32, #tpu.memory_space<hbm>>
      %dma_start3A_229 = tpu.memref_squeeze %dma_start3A_228 : memref<1x1x10240xf32, #tpu.memory_space<hbm>> -> memref<10240xf32, #tpu.memory_space<hbm>>
      tpu.enqueue_dma source(%dma_start3A_229 : memref<10240xf32, #tpu.memory_space<hbm>>) target(%arg12 : memref<10240xf32, #tpu.memory_space<vmem>>) target_semaphore(%run_scoped3A_226 : memref<!tpu.dma_semaphore, #tpu.memory_space<semaphore_mem>>)
      %dma_wait3A = tpu.memref_slice %arg6[%run_scoped3A_123, %run_scoped3A_124, %mul3A_122] : memref<2x1x40960xf32, #tpu.memory_space<hbm>> -> memref<1x1x10240xf32, #tpu.memory_space<hbm>>
      %dma_wait3A_230 = tpu.memref_squeeze %dma_wait3A : memref<1x1x10240xf32, #tpu.memory_space<hbm>> -> memref<10240xf32, #tpu.memory_space<hbm>>
      %dma_wait3A_231 = tpu.memref_slice %arg6[%run_scoped3A_123, %run_scoped3A_124, %mul3A_122] : memref<2x1x40960xf32, #tpu.memory_space<hbm>> -> memref<1x1x10240xf32, #tpu.memory_space<hbm>>
      %dma_wait3A_232 = tpu.memref_squeeze %dma_wait3A_231 : memref<1x1x10240xf32, #tpu.memory_space<hbm>> -> memref<10240xf32, #tpu.memory_space<hbm>>
      tpu.wait_dma2 semaphore(%run_scoped3A_226 : memref<!tpu.dma_semaphore, #tpu.memory_space<semaphore_mem>>) src(%dma_wait3A_232 : memref<10240xf32, #tpu.memory_space<hbm>>) dst(%arg12 : memref<10240xf32, #tpu.memory_space<vmem>>)
      tpu.yield
    }) : () -> ()
    %scan3A_125 = arith.constant 0 : i32
    %scan3A_126 = arith.constant 0 : i32
    %scan3A_127 = arith.constant 640 : i32
    %scan3A_128 = arith.addi %scan3A_126, %scan3A_127 : i32
    %scan3A_129 = arith.constant 1 : i32
    scf.for %scan3A_226 = %scan3A_126 to %scan3A_128 step %scan3A_129  : i32 {
      %mul3A_227 = arith.constant 16 : i32
      %mul3A_228 = arith.muli %scan3A_226, %mul3A_227 : i32
      %get3A = arith.index_cast %mul3A_228 : i32 to index
      %get3A_229 = tpu.vector_load %arg11[%get3A] {strides = array<i32>} : memref<10240xf32, #tpu.memory_space<vmem>>, vector<16xf32>,
      %get3A_230 = arith.index_cast %mul3A_228 : i32 to index
      %get3A_231 = tpu.vector_load %arg12[%get3A_230] {strides = array<i32>} : memref<10240xf32, #tpu.memory_space<vmem>>, vector<16xf32>,
      %add3A_232 = arith.addf %get3A_229, %get3A_231 : vector<16xf32>
      %add3A_233 = arith.constant 1.000000e-16 : f32
      %add3A_234 = vector.broadcast %add3A_233 : f32 to vector<16xf32>
      %add3A_235 = arith.addf %add3A_232, %add3A_234 : vector<16xf32>
      %swap3A = arith.index_cast %mul3A_228 : i32 to index
      %swap3A_236 = tpu.vector_load %arg11[%swap3A] {strides = array<i32>} : memref<10240xf32, #tpu.memory_space<vmem>>, vector<16xf32>,
      tpu.vector_store %arg11[%swap3A], %add3A_235 {strides = array<i32>} : memref<10240xf32, #tpu.memory_space<vmem>>, vector<16xf32>,
    }
    %scan3A_130 = arith.constant 640 : i32
    %scan3A_131 = arith.constant 0 : i32
    %scan3A_132 = arith.constant 0 : i32
    %scan3A_133 = arith.constant 64 : i32
    %scan3A_134 = arith.addi %scan3A_132, %scan3A_133 : i32
    %scan3A_135 = arith.constant 1 : i32
    scf.for %scan3A_226 = %scan3A_132 to %scan3A_134 step %scan3A_135  : i32 {
      %swap3A = arith.index_cast %scan3A_226 : i32 to index
      %swap3A_227 = arith.constant 0 : index
      %swap3A_228 = tpu.vector_load %arg13[%swap3A, %swap3A_227] {strides = array<i32>} : memref<64x128xf32, #tpu.memory_space<vmem>>, vector<16xf32>,
      tpu.vector_store %arg13[%swap3A, %swap3A_227], %broadcast_in_dim3A_3 {strides = array<i32>} : memref<64x128xf32, #tpu.memory_space<vmem>>, vector<16xf32>,
      %swap3A_229 = arith.index_cast %scan3A_226 : i32 to index
      %swap3A_230 = arith.constant 16 : index
      %swap3A_231 = tpu.vector_load %arg13[%swap3A_229, %swap3A_230] {strides = array<i32>} : memref<64x128xf32, #tpu.memory_space<vmem>>, vector<16xf32>,
      tpu.vector_store %arg13[%swap3A_229, %swap3A_230], %broadcast_in_dim3A_3 {strides = array<i32>} : memref<64x128xf32, #tpu.memory_space<vmem>>, vector<16xf32>,
      %swap3A_232 = arith.index_cast %scan3A_226 : i32 to index
      %swap3A_233 = arith.constant 32 : index
      %swap3A_234 = tpu.vector_load %arg13[%swap3A_232, %swap3A_233] {strides = array<i32>} : memref<64x128xf32, #tpu.memory_space<vmem>>, vector<16xf32>,
      tpu.vector_store %arg13[%swap3A_232, %swap3A_233], %broadcast_in_dim3A_3 {strides = array<i32>} : memref<64x128xf32, #tpu.memory_space<vmem>>, vector<16xf32>,
      %swap3A_235 = arith.index_cast %scan3A_226 : i32 to index
      %swap3A_236 = arith.constant 48 : index
      %swap3A_237 = tpu.vector_load %arg13[%swap3A_235, %swap3A_236] {strides = array<i32>} : memref<64x128xf32, #tpu.memory_space<vmem>>, vector<16xf32>,
      tpu.vector_store %arg13[%swap3A_235, %swap3A_236], %broadcast_in_dim3A_3 {strides = array<i32>} : memref<64x128xf32, #tpu.memory_space<vmem>>, vector<16xf32>,
      %swap3A_238 = arith.index_cast %scan3A_226 : i32 to index
      %swap3A_239 = arith.constant 64 : index
      %swap3A_240 = tpu.vector_load %arg13[%swap3A_238, %swap3A_239] {strides = array<i32>} : memref<64x128xf32, #tpu.memory_space<vmem>>, vector<16xf32>,
      tpu.vector_store %arg13[%swap3A_238, %swap3A_239], %broadcast_in_dim3A_3 {strides = array<i32>} : memref<64x128xf32, #tpu.memory_space<vmem>>, vector<16xf32>,
      %swap3A_241 = arith.index_cast %scan3A_226 : i32 to index
      %swap3A_242 = arith.constant 80 : index
      %swap3A_243 = tpu.vector_load %arg13[%swap3A_241, %swap3A_242] {strides = array<i32>} : memref<64x128xf32, #tpu.memory_space<vmem>>, vector<16xf32>,
      tpu.vector_store %arg13[%swap3A_241, %swap3A_242], %broadcast_in_dim3A_3 {strides = array<i32>} : memref<64x128xf32, #tpu.memory_space<vmem>>, vector<16xf32>,
      %swap3A_244 = arith.index_cast %scan3A_226 : i32 to index
      %swap3A_245 = arith.constant 96 : index
      %swap3A_246 = tpu.vector_load %arg13[%swap3A_244, %swap3A_245] {strides = array<i32>} : memref<64x128xf32, #tpu.memory_space<vmem>>, vector<16xf32>,
      tpu.vector_store %arg13[%swap3A_244, %swap3A_245], %broadcast_in_dim3A_3 {strides = array<i32>} : memref<64x128xf32, #tpu.memory_space<vmem>>, vector<16xf32>,
      %swap3A_247 = arith.index_cast %scan3A_226 : i32 to index
      %swap3A_248 = arith.constant 112 : index
      %swap3A_249 = tpu.vector_load %arg13[%swap3A_247, %swap3A_248] {strides = array<i32>} : memref<64x128xf32, #tpu.memory_space<vmem>>, vector<16xf32>,
      tpu.vector_store %arg13[%swap3A_247, %swap3A_248], %broadcast_in_dim3A_3 {strides = array<i32>} : memref<64x128xf32, #tpu.memory_space<vmem>>, vector<16xf32>,
    }
    %scan3A_136 = arith.constant 64 : i32
    %mul3A_137 = arith.constant 640 : i32
    %mul3A_138 = arith.muli %arg1, %mul3A_137 : i32
    %add3A_139 = arith.constant 0 : i32
    %add3A_140 = arith.addi %mul3A_138, %add3A_139 : i32
    "tpu.region"() ({
      %run_scoped3A_226 = tpu.sem_alloc : memref<!tpu.dma_semaphore, #tpu.memory_space<semaphore_mem>>
      %dma_start3A = arith.constant 0 : i32
      %dma_start3A_227 = tpu.memref_slice %arg15[%add3A_140, %dma_start3A] : memref<10240x128xf32, #tpu.memory_space<vmem_shared>> -> memref<64x128xf32, #tpu.memory_space<vmem_shared>>
      %dma_start3A_228 = arith.constant 0 : i32
      %dma_start3A_229 = tpu.memref_slice %arg15[%add3A_140, %dma_start3A_228] : memref<10240x128xf32, #tpu.memory_space<vmem_shared>> -> memref<64x128xf32, #tpu.memory_space<vmem_shared>>
      tpu.enqueue_dma source(%arg13 : memref<64x128xf32, #tpu.memory_space<vmem>>) target(%dma_start3A_229 : memref<64x128xf32, #tpu.memory_space<vmem_shared>>) target_semaphore(%run_scoped3A_226 : memref<!tpu.dma_semaphore, #tpu.memory_space<semaphore_mem>>)
      %dma_wait3A = arith.constant 0 : i32
      %dma_wait3A_230 = tpu.memref_slice %arg15[%add3A_140, %dma_wait3A] : memref<10240x128xf32, #tpu.memory_space<vmem_shared>> -> memref<64x128xf32, #tpu.memory_space<vmem_shared>>
      %dma_wait3A_231 = arith.constant 0 : i32
      %dma_wait3A_232 = tpu.memref_slice %arg15[%add3A_140, %dma_wait3A_231] : memref<10240x128xf32, #tpu.memory_space<vmem_shared>> -> memref<64x128xf32, #tpu.memory_space<vmem_shared>>
      tpu.wait_dma2 semaphore(%run_scoped3A_226 : memref<!tpu.dma_semaphore, #tpu.memory_space<semaphore_mem>>) src(%arg13 : memref<64x128xf32, #tpu.memory_space<vmem>>) dst(%dma_wait3A_232 : memref<64x128xf32, #tpu.memory_space<vmem_shared>>)
      tpu.yield
    }) : () -> ()
    %mul3A_141 = arith.constant 640 : i32
    %mul3A_142 = arith.muli %arg1, %mul3A_141 : i32
    %add3A_143 = arith.constant 64 : i32
    %add3A_144 = arith.addi %mul3A_142, %add3A_143 : i32
    "tpu.region"() ({
      %run_scoped3A_226 = tpu.sem_alloc : memref<!tpu.dma_semaphore, #tpu.memory_space<semaphore_mem>>
      %dma_start3A = arith.constant 0 : i32
      %dma_start3A_227 = tpu.memref_slice %arg15[%add3A_144, %dma_start3A] : memref<10240x128xf32, #tpu.memory_space<vmem_shared>> -> memref<64x128xf32, #tpu.memory_space<vmem_shared>>
      %dma_start3A_228 = arith.constant 0 : i32
      %dma_start3A_229 = tpu.memref_slice %arg15[%add3A_144, %dma_start3A_228] : memref<10240x128xf32, #tpu.memory_space<vmem_shared>> -> memref<64x128xf32, #tpu.memory_space<vmem_shared>>
      tpu.enqueue_dma source(%arg13 : memref<64x128xf32, #tpu.memory_space<vmem>>) target(%dma_start3A_229 : memref<64x128xf32, #tpu.memory_space<vmem_shared>>) target_semaphore(%run_scoped3A_226 : memref<!tpu.dma_semaphore, #tpu.memory_space<semaphore_mem>>)
      %dma_wait3A = arith.constant 0 : i32
      %dma_wait3A_230 = tpu.memref_slice %arg15[%add3A_144, %dma_wait3A] : memref<10240x128xf32, #tpu.memory_space<vmem_shared>> -> memref<64x128xf32, #tpu.memory_space<vmem_shared>>
      %dma_wait3A_231 = arith.constant 0 : i32
      %dma_wait3A_232 = tpu.memref_slice %arg15[%add3A_144, %dma_wait3A_231] : memref<10240x128xf32, #tpu.memory_space<vmem_shared>> -> memref<64x128xf32, #tpu.memory_space<vmem_shared>>
      tpu.wait_dma2 semaphore(%run_scoped3A_226 : memref<!tpu.dma_semaphore, #tpu.memory_space<semaphore_mem>>) src(%arg13 : memref<64x128xf32, #tpu.memory_space<vmem>>) dst(%dma_wait3A_232 : memref<64x128xf32, #tpu.memory_space<vmem_shared>>)
      tpu.yield
    }) : () -> ()
    %mul3A_145 = arith.constant 640 : i32
    %mul3A_146 = arith.muli %arg1, %mul3A_145 : i32
    %add3A_147 = arith.constant 128 : i32
    %add3A_148 = arith.addi %mul3A_146, %add3A_147 : i32
    "tpu.region"() ({
      %run_scoped3A_226 = tpu.sem_alloc : memref<!tpu.dma_semaphore, #tpu.memory_space<semaphore_mem>>
      %dma_start3A = arith.constant 0 : i32
      %dma_start3A_227 = tpu.memref_slice %arg15[%add3A_148, %dma_start3A] : memref<10240x128xf32, #tpu.memory_space<vmem_shared>> -> memref<64x128xf32, #tpu.memory_space<vmem_shared>>
      %dma_start3A_228 = arith.constant 0 : i32
      %dma_start3A_229 = tpu.memref_slice %arg15[%add3A_148, %dma_start3A_228] : memref<10240x128xf32, #tpu.memory_space<vmem_shared>> -> memref<64x128xf32, #tpu.memory_space<vmem_shared>>
      tpu.enqueue_dma source(%arg13 : memref<64x128xf32, #tpu.memory_space<vmem>>) target(%dma_start3A_229 : memref<64x128xf32, #tpu.memory_space<vmem_shared>>) target_semaphore(%run_scoped3A_226 : memref<!tpu.dma_semaphore, #tpu.memory_space<semaphore_mem>>)
      %dma_wait3A = arith.constant 0 : i32
      %dma_wait3A_230 = tpu.memref_slice %arg15[%add3A_148, %dma_wait3A] : memref<10240x128xf32, #tpu.memory_space<vmem_shared>> -> memref<64x128xf32, #tpu.memory_space<vmem_shared>>
      %dma_wait3A_231 = arith.constant 0 : i32
      %dma_wait3A_232 = tpu.memref_slice %arg15[%add3A_148, %dma_wait3A_231] : memref<10240x128xf32, #tpu.memory_space<vmem_shared>> -> memref<64x128xf32, #tpu.memory_space<vmem_shared>>
      tpu.wait_dma2 semaphore(%run_scoped3A_226 : memref<!tpu.dma_semaphore, #tpu.memory_space<semaphore_mem>>) src(%arg13 : memref<64x128xf32, #tpu.memory_space<vmem>>) dst(%dma_wait3A_232 : memref<64x128xf32, #tpu.memory_space<vmem_shared>>)
      tpu.yield
    }) : () -> ()
    %mul3A_149 = arith.constant 640 : i32
    %mul3A_150 = arith.muli %arg1, %mul3A_149 : i32
    %add3A_151 = arith.constant 192 : i32
    %add3A_152 = arith.addi %mul3A_150, %add3A_151 : i32
    "tpu.region"() ({
      %run_scoped3A_226 = tpu.sem_alloc : memref<!tpu.dma_semaphore, #tpu.memory_space<semaphore_mem>>
      %dma_start3A = arith.constant 0 : i32
      %dma_start3A_227 = tpu.memref_slice %arg15[%add3A_152, %dma_start3A] : memref<10240x128xf32, #tpu.memory_space<vmem_shared>> -> memref<64x128xf32, #tpu.memory_space<vmem_shared>>
      %dma_start3A_228 = arith.constant 0 : i32
      %dma_start3A_229 = tpu.memref_slice %arg15[%add3A_152, %dma_start3A_228] : memref<10240x128xf32, #tpu.memory_space<vmem_shared>> -> memref<64x128xf32, #tpu.memory_space<vmem_shared>>
      tpu.enqueue_dma source(%arg13 : memref<64x128xf32, #tpu.memory_space<vmem>>) target(%dma_start3A_229 : memref<64x128xf32, #tpu.memory_space<vmem_shared>>) target_semaphore(%run_scoped3A_226 : memref<!tpu.dma_semaphore, #tpu.memory_space<semaphore_mem>>)
      %dma_wait3A = arith.constant 0 : i32
      %dma_wait3A_230 = tpu.memref_slice %arg15[%add3A_152, %dma_wait3A] : memref<10240x128xf32, #tpu.memory_space<vmem_shared>> -> memref<64x128xf32, #tpu.memory_space<vmem_shared>>
      %dma_wait3A_231 = arith.constant 0 : i32
      %dma_wait3A_232 = tpu.memref_slice %arg15[%add3A_152, %dma_wait3A_231] : memref<10240x128xf32, #tpu.memory_space<vmem_shared>> -> memref<64x128xf32, #tpu.memory_space<vmem_shared>>
      tpu.wait_dma2 semaphore(%run_scoped3A_226 : memref<!tpu.dma_semaphore, #tpu.memory_space<semaphore_mem>>) src(%arg13 : memref<64x128xf32, #tpu.memory_space<vmem>>) dst(%dma_wait3A_232 : memref<64x128xf32, #tpu.memory_space<vmem_shared>>)
      tpu.yield
    }) : () -> ()
    %mul3A_153 = arith.constant 640 : i32
    %mul3A_154 = arith.muli %arg1, %mul3A_153 : i32
    %add3A_155 = arith.constant 256 : i32
    %add3A_156 = arith.addi %mul3A_154, %add3A_155 : i32
    "tpu.region"() ({
      %run_scoped3A_226 = tpu.sem_alloc : memref<!tpu.dma_semaphore, #tpu.memory_space<semaphore_mem>>
      %dma_start3A = arith.constant 0 : i32
      %dma_start3A_227 = tpu.memref_slice %arg15[%add3A_156, %dma_start3A] : memref<10240x128xf32, #tpu.memory_space<vmem_shared>> -> memref<64x128xf32, #tpu.memory_space<vmem_shared>>
      %dma_start3A_228 = arith.constant 0 : i32
      %dma_start3A_229 = tpu.memref_slice %arg15[%add3A_156, %dma_start3A_228] : memref<10240x128xf32, #tpu.memory_space<vmem_shared>> -> memref<64x128xf32, #tpu.memory_space<vmem_shared>>
      tpu.enqueue_dma source(%arg13 : memref<64x128xf32, #tpu.memory_space<vmem>>) target(%dma_start3A_229 : memref<64x128xf32, #tpu.memory_space<vmem_shared>>) target_semaphore(%run_scoped3A_226 : memref<!tpu.dma_semaphore, #tpu.memory_space<semaphore_mem>>)
      %dma_wait3A = arith.constant 0 : i32
      %dma_wait3A_230 = tpu.memref_slice %arg15[%add3A_156, %dma_wait3A] : memref<10240x128xf32, #tpu.memory_space<vmem_shared>> -> memref<64x128xf32, #tpu.memory_space<vmem_shared>>
      %dma_wait3A_231 = arith.constant 0 : i32
      %dma_wait3A_232 = tpu.memref_slice %arg15[%add3A_156, %dma_wait3A_231] : memref<10240x128xf32, #tpu.memory_space<vmem_shared>> -> memref<64x128xf32, #tpu.memory_space<vmem_shared>>
      tpu.wait_dma2 semaphore(%run_scoped3A_226 : memref<!tpu.dma_semaphore, #tpu.memory_space<semaphore_mem>>) src(%arg13 : memref<64x128xf32, #tpu.memory_space<vmem>>) dst(%dma_wait3A_232 : memref<64x128xf32, #tpu.memory_space<vmem_shared>>)
      tpu.yield
    }) : () -> ()
    %mul3A_157 = arith.constant 640 : i32
    %mul3A_158 = arith.muli %arg1, %mul3A_157 : i32
    %add3A_159 = arith.constant 320 : i32
    %add3A_160 = arith.addi %mul3A_158, %add3A_159 : i32
    "tpu.region"() ({
      %run_scoped3A_226 = tpu.sem_alloc : memref<!tpu.dma_semaphore, #tpu.memory_space<semaphore_mem>>
      %dma_start3A = arith.constant 0 : i32
      %dma_start3A_227 = tpu.memref_slice %arg15[%add3A_160, %dma_start3A] : memref<10240x128xf32, #tpu.memory_space<vmem_shared>> -> memref<64x128xf32, #tpu.memory_space<vmem_shared>>
      %dma_start3A_228 = arith.constant 0 : i32
      %dma_start3A_229 = tpu.memref_slice %arg15[%add3A_160, %dma_start3A_228] : memref<10240x128xf32, #tpu.memory_space<vmem_shared>> -> memref<64x128xf32, #tpu.memory_space<vmem_shared>>
      tpu.enqueue_dma source(%arg13 : memref<64x128xf32, #tpu.memory_space<vmem>>) target(%dma_start3A_229 : memref<64x128xf32, #tpu.memory_space<vmem_shared>>) target_semaphore(%run_scoped3A_226 : memref<!tpu.dma_semaphore, #tpu.memory_space<semaphore_mem>>)
      %dma_wait3A = arith.constant 0 : i32
      %dma_wait3A_230 = tpu.memref_slice %arg15[%add3A_160, %dma_wait3A] : memref<10240x128xf32, #tpu.memory_space<vmem_shared>> -> memref<64x128xf32, #tpu.memory_space<vmem_shared>>
      %dma_wait3A_231 = arith.constant 0 : i32
      %dma_wait3A_232 = tpu.memref_slice %arg15[%add3A_160, %dma_wait3A_231] : memref<10240x128xf32, #tpu.memory_space<vmem_shared>> -> memref<64x128xf32, #tpu.memory_space<vmem_shared>>
      tpu.wait_dma2 semaphore(%run_scoped3A_226 : memref<!tpu.dma_semaphore, #tpu.memory_space<semaphore_mem>>) src(%arg13 : memref<64x128xf32, #tpu.memory_space<vmem>>) dst(%dma_wait3A_232 : memref<64x128xf32, #tpu.memory_space<vmem_shared>>)
      tpu.yield
    }) : () -> ()
    %mul3A_161 = arith.constant 640 : i32
    %mul3A_162 = arith.muli %arg1, %mul3A_161 : i32
    %add3A_163 = arith.constant 384 : i32
    %add3A_164 = arith.addi %mul3A_162, %add3A_163 : i32
    "tpu.region"() ({
      %run_scoped3A_226 = tpu.sem_alloc : memref<!tpu.dma_semaphore, #tpu.memory_space<semaphore_mem>>
      %dma_start3A = arith.constant 0 : i32
      %dma_start3A_227 = tpu.memref_slice %arg15[%add3A_164, %dma_start3A] : memref<10240x128xf32, #tpu.memory_space<vmem_shared>> -> memref<64x128xf32, #tpu.memory_space<vmem_shared>>
      %dma_start3A_228 = arith.constant 0 : i32
      %dma_start3A_229 = tpu.memref_slice %arg15[%add3A_164, %dma_start3A_228] : memref<10240x128xf32, #tpu.memory_space<vmem_shared>> -> memref<64x128xf32, #tpu.memory_space<vmem_shared>>
      tpu.enqueue_dma source(%arg13 : memref<64x128xf32, #tpu.memory_space<vmem>>) target(%dma_start3A_229 : memref<64x128xf32, #tpu.memory_space<vmem_shared>>) target_semaphore(%run_scoped3A_226 : memref<!tpu.dma_semaphore, #tpu.memory_space<semaphore_mem>>)
      %dma_wait3A = arith.constant 0 : i32
      %dma_wait3A_230 = tpu.memref_slice %arg15[%add3A_164, %dma_wait3A] : memref<10240x128xf32, #tpu.memory_space<vmem_shared>> -> memref<64x128xf32, #tpu.memory_space<vmem_shared>>
      %dma_wait3A_231 = arith.constant 0 : i32
      %dma_wait3A_232 = tpu.memref_slice %arg15[%add3A_164, %dma_wait3A_231] : memref<10240x128xf32, #tpu.memory_space<vmem_shared>> -> memref<64x128xf32, #tpu.memory_space<vmem_shared>>
      tpu.wait_dma2 semaphore(%run_scoped3A_226 : memref<!tpu.dma_semaphore, #tpu.memory_space<semaphore_mem>>) src(%arg13 : memref<64x128xf32, #tpu.memory_space<vmem>>) dst(%dma_wait3A_232 : memref<64x128xf32, #tpu.memory_space<vmem_shared>>)
      tpu.yield
    }) : () -> ()
    %mul3A_165 = arith.constant 640 : i32
    %mul3A_166 = arith.muli %arg1, %mul3A_165 : i32
    %add3A_167 = arith.constant 448 : i32
    %add3A_168 = arith.addi %mul3A_166, %add3A_167 : i32
    "tpu.region"() ({
      %run_scoped3A_226 = tpu.sem_alloc : memref<!tpu.dma_semaphore, #tpu.memory_space<semaphore_mem>>
      %dma_start3A = arith.constant 0 : i32
      %dma_start3A_227 = tpu.memref_slice %arg15[%add3A_168, %dma_start3A] : memref<10240x128xf32, #tpu.memory_space<vmem_shared>> -> memref<64x128xf32, #tpu.memory_space<vmem_shared>>
      %dma_start3A_228 = arith.constant 0 : i32
      %dma_start3A_229 = tpu.memref_slice %arg15[%add3A_168, %dma_start3A_228] : memref<10240x128xf32, #tpu.memory_space<vmem_shared>> -> memref<64x128xf32, #tpu.memory_space<vmem_shared>>
      tpu.enqueue_dma source(%arg13 : memref<64x128xf32, #tpu.memory_space<vmem>>) target(%dma_start3A_229 : memref<64x128xf32, #tpu.memory_space<vmem_shared>>) target_semaphore(%run_scoped3A_226 : memref<!tpu.dma_semaphore, #tpu.memory_space<semaphore_mem>>)
      %dma_wait3A = arith.constant 0 : i32
      %dma_wait3A_230 = tpu.memref_slice %arg15[%add3A_168, %dma_wait3A] : memref<10240x128xf32, #tpu.memory_space<vmem_shared>> -> memref<64x128xf32, #tpu.memory_space<vmem_shared>>
      %dma_wait3A_231 = arith.constant 0 : i32
      %dma_wait3A_232 = tpu.memref_slice %arg15[%add3A_168, %dma_wait3A_231] : memref<10240x128xf32, #tpu.memory_space<vmem_shared>> -> memref<64x128xf32, #tpu.memory_space<vmem_shared>>
      tpu.wait_dma2 semaphore(%run_scoped3A_226 : memref<!tpu.dma_semaphore, #tpu.memory_space<semaphore_mem>>) src(%arg13 : memref<64x128xf32, #tpu.memory_space<vmem>>) dst(%dma_wait3A_232 : memref<64x128xf32, #tpu.memory_space<vmem_shared>>)
      tpu.yield
    }) : () -> ()
    %mul3A_169 = arith.constant 640 : i32
    %mul3A_170 = arith.muli %arg1, %mul3A_169 : i32
    %add3A_171 = arith.constant 512 : i32
    %add3A_172 = arith.addi %mul3A_170, %add3A_171 : i32
    "tpu.region"() ({
      %run_scoped3A_226 = tpu.sem_alloc : memref<!tpu.dma_semaphore, #tpu.memory_space<semaphore_mem>>
      %dma_start3A = arith.constant 0 : i32
      %dma_start3A_227 = tpu.memref_slice %arg15[%add3A_172, %dma_start3A] : memref<10240x128xf32, #tpu.memory_space<vmem_shared>> -> memref<64x128xf32, #tpu.memory_space<vmem_shared>>
      %dma_start3A_228 = arith.constant 0 : i32
      %dma_start3A_229 = tpu.memref_slice %arg15[%add3A_172, %dma_start3A_228] : memref<10240x128xf32, #tpu.memory_space<vmem_shared>> -> memref<64x128xf32, #tpu.memory_space<vmem_shared>>
      tpu.enqueue_dma source(%arg13 : memref<64x128xf32, #tpu.memory_space<vmem>>) target(%dma_start3A_229 : memref<64x128xf32, #tpu.memory_space<vmem_shared>>) target_semaphore(%run_scoped3A_226 : memref<!tpu.dma_semaphore, #tpu.memory_space<semaphore_mem>>)
      %dma_wait3A = arith.constant 0 : i32
      %dma_wait3A_230 = tpu.memref_slice %arg15[%add3A_172, %dma_wait3A] : memref<10240x128xf32, #tpu.memory_space<vmem_shared>> -> memref<64x128xf32, #tpu.memory_space<vmem_shared>>
      %dma_wait3A_231 = arith.constant 0 : i32
      %dma_wait3A_232 = tpu.memref_slice %arg15[%add3A_172, %dma_wait3A_231] : memref<10240x128xf32, #tpu.memory_space<vmem_shared>> -> memref<64x128xf32, #tpu.memory_space<vmem_shared>>
      tpu.wait_dma2 semaphore(%run_scoped3A_226 : memref<!tpu.dma_semaphore, #tpu.memory_space<semaphore_mem>>) src(%arg13 : memref<64x128xf32, #tpu.memory_space<vmem>>) dst(%dma_wait3A_232 : memref<64x128xf32, #tpu.memory_space<vmem_shared>>)
      tpu.yield
    }) : () -> ()
    %mul3A_173 = arith.constant 640 : i32
    %mul3A_174 = arith.muli %arg1, %mul3A_173 : i32
    %add3A_175 = arith.constant 576 : i32
    %add3A_176 = arith.addi %mul3A_174, %add3A_175 : i32
    "tpu.region"() ({
      %run_scoped3A_226 = tpu.sem_alloc : memref<!tpu.dma_semaphore, #tpu.memory_space<semaphore_mem>>
      %dma_start3A = arith.constant 0 : i32
      %dma_start3A_227 = tpu.memref_slice %arg15[%add3A_176, %dma_start3A] : memref<10240x128xf32, #tpu.memory_space<vmem_shared>> -> memref<64x128xf32, #tpu.memory_space<vmem_shared>>
      %dma_start3A_228 = arith.constant 0 : i32
      %dma_start3A_229 = tpu.memref_slice %arg15[%add3A_176, %dma_start3A_228] : memref<10240x128xf32, #tpu.memory_space<vmem_shared>> -> memref<64x128xf32, #tpu.memory_space<vmem_shared>>
      tpu.enqueue_dma source(%arg13 : memref<64x128xf32, #tpu.memory_space<vmem>>) target(%dma_start3A_229 : memref<64x128xf32, #tpu.memory_space<vmem_shared>>) target_semaphore(%run_scoped3A_226 : memref<!tpu.dma_semaphore, #tpu.memory_space<semaphore_mem>>)
      %dma_wait3A = arith.constant 0 : i32
      %dma_wait3A_230 = tpu.memref_slice %arg15[%add3A_176, %dma_wait3A] : memref<10240x128xf32, #tpu.memory_space<vmem_shared>> -> memref<64x128xf32, #tpu.memory_space<vmem_shared>>
      %dma_wait3A_231 = arith.constant 0 : i32
      %dma_wait3A_232 = tpu.memref_slice %arg15[%add3A_176, %dma_wait3A_231] : memref<10240x128xf32, #tpu.memory_space<vmem_shared>> -> memref<64x128xf32, #tpu.memory_space<vmem_shared>>
      tpu.wait_dma2 semaphore(%run_scoped3A_226 : memref<!tpu.dma_semaphore, #tpu.memory_space<semaphore_mem>>) src(%arg13 : memref<64x128xf32, #tpu.memory_space<vmem>>) dst(%dma_wait3A_232 : memref<64x128xf32, #tpu.memory_space<vmem_shared>>)
      tpu.yield
    }) : () -> ()
    %barrier3A_177 = arith.constant 0 : index
    tpu.barrier barrier_id(%barrier3A_177)
    %scan3A_178 = arith.constant 0 : i32
    %scan3A_179 = arith.constant 0 : i32
    %scan3A_180 = arith.constant 41 : i32
    %scan3A_181 = arith.addi %scan3A_179, %scan3A_180 : i32
    %scan3A_182 = arith.constant 1 : i32
    scf.for %scan3A_226 = %scan3A_179 to %scan3A_181 step %scan3A_182  : i32 {
      %mul3A_227 = arith.constant 8 : i32
      %mul3A_228 = arith.muli %scan3A_226, %mul3A_227 : i32
      %add3A_229 = arith.addi %mul3A_0, %mul3A_228 : i32
      "tpu.region"() ({
        %run_scoped3A_264 = tpu.sem_alloc : memref<!tpu.dma_semaphore, #tpu.memory_space<semaphore_mem>>
        %dma_start3A_265 = arith.constant 0 : i32
        %dma_start3A_266 = tpu.memref_slice %arg3[%add3A_229, %dma_start3A_265] : memref<5248x64xi32, #tpu.memory_space<hbm>> -> memref<8x64xi32, #tpu.memory_space<hbm>>
        %dma_start3A_267 = arith.constant 0 : i32
        %dma_start3A_268 = tpu.memref_slice %arg3[%add3A_229, %dma_start3A_267] : memref<5248x64xi32, #tpu.memory_space<hbm>> -> memref<8x64xi32, #tpu.memory_space<hbm>>
        tpu.enqueue_dma source(%dma_start3A_268 : memref<8x64xi32, #tpu.memory_space<hbm>>) target(%arg8 : memref<8x64xi32, #tpu.memory_space<vmem>>) target_semaphore(%run_scoped3A_264 : memref<!tpu.dma_semaphore, #tpu.memory_space<semaphore_mem>>)
        %dma_wait3A_269 = arith.constant 0 : i32
        %dma_wait3A_270 = tpu.memref_slice %arg3[%add3A_229, %dma_wait3A_269] : memref<5248x64xi32, #tpu.memory_space<hbm>> -> memref<8x64xi32, #tpu.memory_space<hbm>>
        %dma_wait3A_271 = arith.constant 0 : i32
        %dma_wait3A_272 = tpu.memref_slice %arg3[%add3A_229, %dma_wait3A_271] : memref<5248x64xi32, #tpu.memory_space<hbm>> -> memref<8x64xi32, #tpu.memory_space<hbm>>
        tpu.wait_dma2 semaphore(%run_scoped3A_264 : memref<!tpu.dma_semaphore, #tpu.memory_space<semaphore_mem>>) src(%dma_wait3A_272 : memref<8x64xi32, #tpu.memory_space<hbm>>) dst(%arg8 : memref<8x64xi32, #tpu.memory_space<vmem>>)
        tpu.yield
      }) : () -> ()
      %mul3A_230 = arith.constant 8 : i32
      %mul3A_231 = arith.muli %scan3A_226, %mul3A_230 : i32
      %add3A_232 = arith.addi %mul3A_0, %mul3A_231 : i32
      "tpu.region"() ({
        %run_scoped3A_264 = tpu.sem_alloc : memref<!tpu.dma_semaphore, #tpu.memory_space<semaphore_mem>>
        %dma_start3A_265 = arith.constant 0 : i32
        %dma_start3A_266 = tpu.memref_slice %arg4[%add3A_232, %dma_start3A_265] : memref<5248x64xi32, #tpu.memory_space<hbm>> -> memref<8x64xi32, #tpu.memory_space<hbm>>
        %dma_start3A_267 = arith.constant 0 : i32
        %dma_start3A_268 = tpu.memref_slice %arg4[%add3A_232, %dma_start3A_267] : memref<5248x64xi32, #tpu.memory_space<hbm>> -> memref<8x64xi32, #tpu.memory_space<hbm>>
        tpu.enqueue_dma source(%dma_start3A_268 : memref<8x64xi32, #tpu.memory_space<hbm>>) target(%arg9 : memref<8x64xi32, #tpu.memory_space<vmem>>) target_semaphore(%run_scoped3A_264 : memref<!tpu.dma_semaphore, #tpu.memory_space<semaphore_mem>>)
        %dma_wait3A_269 = arith.constant 0 : i32
        %dma_wait3A_270 = tpu.memref_slice %arg4[%add3A_232, %dma_wait3A_269] : memref<5248x64xi32, #tpu.memory_space<hbm>> -> memref<8x64xi32, #tpu.memory_space<hbm>>
        %dma_wait3A_271 = arith.constant 0 : i32
        %dma_wait3A_272 = tpu.memref_slice %arg4[%add3A_232, %dma_wait3A_271] : memref<5248x64xi32, #tpu.memory_space<hbm>> -> memref<8x64xi32, #tpu.memory_space<hbm>>
        tpu.wait_dma2 semaphore(%run_scoped3A_264 : memref<!tpu.dma_semaphore, #tpu.memory_space<semaphore_mem>>) src(%dma_wait3A_272 : memref<8x64xi32, #tpu.memory_space<hbm>>) dst(%arg9 : memref<8x64xi32, #tpu.memory_space<vmem>>)
        tpu.yield
      }) : () -> ()
      %mul3A_233 = arith.constant 512 : i32
      %mul3A_234 = arith.muli %scan3A_226, %mul3A_233 : i32
      %add3A_235 = arith.addi %mul3A_2, %mul3A_234 : i32
      %run_scoped3A_236 = arith.constant 0 : i32
      "tpu.region"() ({
        %run_scoped3A_264 = tpu.sem_alloc : memref<!tpu.dma_semaphore, #tpu.memory_space<semaphore_mem>>
        %dma_start3A_265 = tpu.memref_slice %arg5[%run_scoped3A_236, %add3A_116, %add3A_235] : memref<1x8x335872xf32, #tpu.memory_space<hbm>> -> memref<1x1x512xf32, #tpu.memory_space<hbm>>
        %dma_start3A_266 = tpu.memref_squeeze %dma_start3A_265 : memref<1x1x512xf32, #tpu.memory_space<hbm>> -> memref<512xf32, #tpu.memory_space<hbm>>
        %dma_start3A_267 = tpu.memref_slice %arg5[%run_scoped3A_236, %add3A_116, %add3A_235] : memref<1x8x335872xf32, #tpu.memory_space<hbm>> -> memref<1x1x512xf32, #tpu.memory_space<hbm>>
        %dma_start3A_268 = tpu.memref_squeeze %dma_start3A_267 : memref<1x1x512xf32, #tpu.memory_space<hbm>> -> memref<512xf32, #tpu.memory_space<hbm>>
        tpu.enqueue_dma source(%dma_start3A_268 : memref<512xf32, #tpu.memory_space<hbm>>) target(%arg10 : memref<512xf32, #tpu.memory_space<vmem>>) target_semaphore(%run_scoped3A_264 : memref<!tpu.dma_semaphore, #tpu.memory_space<semaphore_mem>>)
        %dma_wait3A_269 = tpu.memref_slice %arg5[%run_scoped3A_236, %add3A_116, %add3A_235] : memref<1x8x335872xf32, #tpu.memory_space<hbm>> -> memref<1x1x512xf32, #tpu.memory_space<hbm>>
        %dma_wait3A_270 = tpu.memref_squeeze %dma_wait3A_269 : memref<1x1x512xf32, #tpu.memory_space<hbm>> -> memref<512xf32, #tpu.memory_space<hbm>>
        %dma_wait3A_271 = tpu.memref_slice %arg5[%run_scoped3A_236, %add3A_116, %add3A_235] : memref<1x8x335872xf32, #tpu.memory_space<hbm>> -> memref<1x1x512xf32, #tpu.memory_space<hbm>>
        %dma_wait3A_272 = tpu.memref_squeeze %dma_wait3A_271 : memref<1x1x512xf32, #tpu.memory_space<hbm>> -> memref<512xf32, #tpu.memory_space<hbm>>
        tpu.wait_dma2 semaphore(%run_scoped3A_264 : memref<!tpu.dma_semaphore, #tpu.memory_space<semaphore_mem>>) src(%dma_wait3A_272 : memref<512xf32, #tpu.memory_space<hbm>>) dst(%arg10 : memref<512xf32, #tpu.memory_space<vmem>>)
        tpu.yield
      }) : () -> ()
      %scan3A_237 = arith.constant 0 : i32
      %scan3A_238 = arith.constant 0 : i32
      %scan3A_239 = arith.constant 32 : i32
      %scan3A_240 = arith.addi %scan3A_238, %scan3A_239 : i32
      %scan3A_241 = arith.constant 1 : i32
      scf.for %scan3A_264 = %scan3A_238 to %scan3A_240 step %scan3A_241  : i32 {
        %mul3A_265 = arith.constant 16 : i32
        %mul3A_266 = arith.muli %scan3A_264, %mul3A_265 : i32
        %jit3A = arith.constant 4 : i32
        %div3A = arith.divsi %scan3A_264, %jit3A : i32
        %sign3A = arith.constant 0 : i32
        %sign3A_267 = arith.cmpi sgt, %scan3A_264, %sign3A : i32
        %sign3A_268 = arith.extui %sign3A_267 : i1 to i32
        %sign3A_269 = arith.constant 0 : i32
        %sign3A_270 = arith.cmpi slt, %scan3A_264, %sign3A_269 : i32
        %sign3A_271 = arith.extui %sign3A_270 : i1 to i32
        %sign3A_272 = arith.subi %sign3A_268, %sign3A_271 : i32
        %sign3A_273 = arith.constant 0 : i32
        %sign3A_274 = arith.cmpi sgt, %jit3A, %sign3A_273 : i32
        %sign3A_275 = arith.extui %sign3A_274 : i1 to i32
        %sign3A_276 = arith.constant 0 : i32
        %sign3A_277 = arith.cmpi slt, %jit3A, %sign3A_276 : i32
        %sign3A_278 = arith.extui %sign3A_277 : i1 to i32
        %sign3A_279 = arith.subi %sign3A_275, %sign3A_278 : i32
        %ne3A = arith.cmpi ne, %sign3A_272, %sign3A_279 : i32
        %rem3A = arith.remsi %scan3A_264, %jit3A : i32
        %ne3A_280 = arith.constant 0 : i32
        %ne3A_281 = arith.cmpi ne, %rem3A, %ne3A_280 : i32
        %and3A = arith.andi %ne3A, %ne3A_281 : i1
        %sub3A = arith.constant 1 : i32
        %sub3A_282 = arith.subi %div3A, %sub3A : i32
        %select_n3A = arith.select %and3A, %sub3A_282, %div3A : i32
        %jit3A_283 = arith.constant 4 : i32
        %eq3A = arith.constant 0 : i32
        %eq3A_284 = arith.cmpi eq, %jit3A_283, %eq3A : i32
        %jit3A_285 = arith.constant 1 : i32
        %select_n3A_286 = arith.select %eq3A_284, %jit3A_285, %jit3A_283 : i32
        %rem3A_287 = arith.remsi %scan3A_264, %select_n3A_286 : i32
        %ne3A_288 = arith.constant 0 : i32
        %ne3A_289 = arith.cmpi ne, %rem3A_287, %ne3A_288 : i32
        %lt3A = arith.constant 0 : i32
        %lt3A_290 = arith.cmpi slt, %rem3A_287, %lt3A : i32
        %lt3A_291 = arith.constant 0 : i32
        %lt3A_292 = arith.cmpi slt, %select_n3A_286, %lt3A_291 : i32
        %ne3A_293 = arith.xori %lt3A_290, %lt3A_292 : i1
        %and3A_294 = arith.andi %ne3A_293, %ne3A_289 : i1
        %add3A_295 = arith.addi %rem3A_287, %select_n3A_286 : i32
        %select_n3A_296 = arith.select %and3A_294, %add3A_295, %rem3A_287 : i32
        %mul3A_297 = arith.constant 16 : i32
        %mul3A_298 = arith.muli %select_n3A_296, %mul3A_297 : i32
        %get3A = arith.index_cast %select_n3A : i32 to index
        %get3A_299 = arith.index_cast %mul3A_298 : i32 to index
        %get3A_300 = tpu.vector_load %arg9[%get3A, %get3A_299] {strides = array<i32>} : memref<8x64xi32, #tpu.memory_space<vmem>>, vector<16xi32>,
        %gather3A = tpu.vector_load_idx %arg11[%get3A_300] : memref<10240xf32, #tpu.memory_space<vmem>>[vector<16xi32>], vector<16xf32>,
        %get3A_301 = arith.index_cast %mul3A_266 : i32 to index
        %get3A_302 = tpu.vector_load %arg10[%get3A_301] {strides = array<i32>} : memref<512xf32, #tpu.memory_space<vmem>>, vector<16xf32>,
        %div3A_303 = arith.divf %get3A_302, %gather3A : vector<16xf32>
        %swap3A = arith.index_cast %mul3A_266 : i32 to index
        %swap3A_304 = tpu.vector_load %arg10[%swap3A] {strides = array<i32>} : memref<512xf32, #tpu.memory_space<vmem>>, vector<16xf32>,
        tpu.vector_store %arg10[%swap3A], %div3A_303 {strides = array<i32>} : memref<512xf32, #tpu.memory_space<vmem>>, vector<16xf32>,
      }
      %scan3A_242 = arith.constant 32 : i32
      %dma_start3A = arith.constant 0 : i32
      %dma_start3A_243 = arith.constant 0 : i32
      %dma_start3A_244 = tpu.memref_slice %arg8[%dma_start3A, %dma_start3A_243] : memref<8x64xi32, #tpu.memory_space<vmem>> -> memref<1x64xi32, #tpu.memory_space<vmem>>
      %dma_start3A_245 = tpu.memref_squeeze %dma_start3A_244 : memref<1x64xi32, #tpu.memory_space<vmem>> -> memref<64xi32, #tpu.memory_space<vmem>>
      %dma_start3A_246 = arith.constant 0 : i32
      %dma_start3A_247 = arith.constant 0 : i32
      %dma_start3A_248 = tpu.memref_slice %arg2[%add3A_116, %dma_start3A_246, %dma_start3A_247] : memref<4x10000x128xf32, #tpu.memory_space<hbm>> -> memref<1x10000x128xf32, #tpu.memory_space<hbm>>
      %dma_start3A_249 = tpu.memref_squeeze %dma_start3A_248 : memref<1x10000x128xf32, #tpu.memory_space<hbm>> -> memref<10000x128xf32, #tpu.memory_space<hbm>>
      %dma_start3A_250 = arith.constant 0 : i32
      %dma_start3A_251 = arith.constant 0 : i32
      %dma_start3A_252 = tpu.memref_slice %dma_start3A_249[%dma_start3A_250, %dma_start3A_251] : memref<10000x128xf32, #tpu.memory_space<hbm>> -> memref<10000x128xf32, #tpu.memory_space<hbm>>
      tpu.enqueue_indirect_dma source(%dma_start3A_252 : memref<10000x128xf32, #tpu.memory_space<hbm>>) target(%arg13 : memref<64x128xf32, #tpu.memory_space<vmem>>) offsets(%dma_start3A_245 : memref<64xi32, #tpu.memory_space<vmem>>) semaphore(%arg16 : memref<!tpu.dma_semaphore, #tpu.memory_space<semaphore_mem>>)
      %scan3A_253 = arith.constant 0 : i32
      %scan3A_254 = arith.constant 0 : i32
      %scan3A_255 = arith.constant 4 : i32
      %scan3A_256 = arith.addi %scan3A_254, %scan3A_255 : i32
      %scan3A_257 = arith.constant 1 : i32
      scf.for %scan3A_264 = %scan3A_254 to %scan3A_256 step %scan3A_257  : i32 {
        %gt3A = arith.constant 0 : i32
        %gt3A_265 = arith.cmpi sgt, %scan3A_264, %gt3A : i32
        %convert_element_type3A = arith.extui %gt3A_265 : i1 to i32
        %cond3A = arith.constant 0 : i32
        %cond3A_266 = arith.cmpi ne, %convert_element_type3A, %cond3A : i32
        scf.if %cond3A_266 {
          %dma_wait3A_349 = arith.constant 0 : i32
          %dma_wait3A_350 = arith.constant 0 : i32
          %dma_wait3A_351 = tpu.memref_slice %arg15[%dma_wait3A_349, %dma_wait3A_350] : memref<10240x128xf32, #tpu.memory_space<vmem_shared>> -> memref<64x128xf32, #tpu.memory_space<vmem_shared>>
          %dma_wait3A_352 = arith.constant 0 : i32
          %dma_wait3A_353 = arith.constant 0 : i32
          %dma_wait3A_354 = tpu.memref_slice %arg15[%dma_wait3A_352, %dma_wait3A_353] : memref<10240x128xf32, #tpu.memory_space<vmem_shared>> -> memref<64x128xf32, #tpu.memory_space<vmem_shared>>
          tpu.wait_dma2 semaphore(%arg19 : memref<!tpu.dma_semaphore, #tpu.memory_space<semaphore_mem>>) src(%arg14 : memref<64x128xf32, #tpu.memory_space<vmem>>) dst(%dma_wait3A_354 : memref<64x128xf32, #tpu.memory_space<vmem_shared>>)
        } else {
        }
        %mul3A_267 = arith.constant 2 : i32
        %mul3A_268 = arith.muli %mul3A_267, %scan3A_264 : i32
        %add3A_269 = arith.constant 1 : i32
        %add3A_270 = arith.addi %mul3A_268, %add3A_269 : i32
        %dma_start3A_271 = arith.constant 0 : i32
        %dma_start3A_272 = tpu.memref_slice %arg8[%add3A_270, %dma_start3A_271] : memref<8x64xi32, #tpu.memory_space<vmem>> -> memref<1x64xi32, #tpu.memory_space<vmem>>
        %dma_start3A_273 = tpu.memref_squeeze %dma_start3A_272 : memref<1x64xi32, #tpu.memory_space<vmem>> -> memref<64xi32, #tpu.memory_space<vmem>>
        %dma_start3A_274 = arith.constant 0 : i32
        %dma_start3A_275 = arith.constant 0 : i32
        %dma_start3A_276 = tpu.memref_slice %arg2[%add3A_116, %dma_start3A_274, %dma_start3A_275] : memref<4x10000x128xf32, #tpu.memory_space<hbm>> -> memref<1x10000x128xf32, #tpu.memory_space<hbm>>
        %dma_start3A_277 = tpu.memref_squeeze %dma_start3A_276 : memref<1x10000x128xf32, #tpu.memory_space<hbm>> -> memref<10000x128xf32, #tpu.memory_space<hbm>>
        %dma_start3A_278 = arith.constant 0 : i32
        %dma_start3A_279 = arith.constant 0 : i32
        %dma_start3A_280 = tpu.memref_slice %dma_start3A_277[%dma_start3A_278, %dma_start3A_279] : memref<10000x128xf32, #tpu.memory_space<hbm>> -> memref<10000x128xf32, #tpu.memory_space<hbm>>
        tpu.enqueue_indirect_dma source(%dma_start3A_280 : memref<10000x128xf32, #tpu.memory_space<hbm>>) target(%arg14 : memref<64x128xf32, #tpu.memory_space<vmem>>) offsets(%dma_start3A_273 : memref<64xi32, #tpu.memory_space<vmem>>) semaphore(%arg17 : memref<!tpu.dma_semaphore, #tpu.memory_space<semaphore_mem>>)
        %mul3A_281 = arith.constant 2 : i32
        %mul3A_282 = arith.muli %mul3A_281, %scan3A_264 : i32
        %dma_wait3A_283 = arith.constant 0 : i32
        %dma_wait3A_284 = arith.constant 0 : i32
        %dma_wait3A_285 = tpu.memref_slice %arg2[%add3A_116, %dma_wait3A_283, %dma_wait3A_284] : memref<4x10000x128xf32, #tpu.memory_space<hbm>> -> memref<1x10000x128xf32, #tpu.memory_space<hbm>>
        %dma_wait3A_286 = tpu.memref_squeeze %dma_wait3A_285 : memref<1x10000x128xf32, #tpu.memory_space<hbm>> -> memref<10000x128xf32, #tpu.memory_space<hbm>>
        %dma_wait3A_287 = arith.constant 0 : i32
        %dma_wait3A_288 = arith.constant 0 : i32
        %dma_wait3A_289 = tpu.memref_slice %dma_wait3A_286[%dma_wait3A_287, %dma_wait3A_288] : memref<10000x128xf32, #tpu.memory_space<hbm>> -> memref<64x128xf32, #tpu.memory_space<hbm>>
        %dma_wait3A_290 = arith.constant 0 : i32
        %dma_wait3A_291 = arith.constant 0 : i32
        %dma_wait3A_292 = tpu.memref_slice %arg2[%add3A_116, %dma_wait3A_290, %dma_wait3A_291] : memref<4x10000x128xf32, #tpu.memory_space<hbm>> -> memref<1x10000x128xf32, #tpu.memory_space<hbm>>
        %dma_wait3A_293 = tpu.memref_squeeze %dma_wait3A_292 : memref<1x10000x128xf32, #tpu.memory_space<hbm>> -> memref<10000x128xf32, #tpu.memory_space<hbm>>
        %dma_wait3A_294 = arith.constant 0 : i32
        %dma_wait3A_295 = arith.constant 0 : i32
        %dma_wait3A_296 = tpu.memref_slice %dma_wait3A_293[%dma_wait3A_294, %dma_wait3A_295] : memref<10000x128xf32, #tpu.memory_space<hbm>> -> memref<64x128xf32, #tpu.memory_space<hbm>>
        tpu.wait_dma2 semaphore(%arg16 : memref<!tpu.dma_semaphore, #tpu.memory_space<semaphore_mem>>) src(%dma_wait3A_296 : memref<64x128xf32, #tpu.memory_space<hbm>>) dst(%arg13 : memref<64x128xf32, #tpu.memory_space<vmem>>)
        %scan3A_297 = arith.constant 0 : i32
        %scan3A_298 = arith.constant 0 : i32
        %scan3A_299 = arith.constant 64 : i32
        %scan3A_300 = arith.addi %scan3A_298, %scan3A_299 : i32
        %scan3A_301 = arith.constant 1 : i32
        scf.for %scan3A_349 = %scan3A_298 to %scan3A_300 step %scan3A_301  : i32 {
          %mul3A_350 = arith.constant 64 : i32
          %mul3A_351 = arith.muli %mul3A_282, %mul3A_350 : i32
          %add3A_352 = arith.addi %mul3A_351, %scan3A_349 : i32
          %broadcast_in_dim3A_353 = vector.broadcast %add3A_352 : i32 to vector<16xi32>
          %gather3A = tpu.vector_load_idx %arg10[%broadcast_in_dim3A_353] : memref<512xf32, #tpu.memory_space<vmem>>[vector<16xi32>], vector<16xf32>,
          %get3A = arith.index_cast %scan3A_349 : i32 to index
          %get3A_354 = arith.constant 0 : index
          %get3A_355 = tpu.vector_load %arg13[%get3A, %get3A_354] {strides = array<i32>} : memref<64x128xf32, #tpu.memory_space<vmem>>, vector<16xf32>,
          %mul3A_356 = arith.mulf %get3A_355, %gather3A : vector<16xf32>
          %swap3A = arith.index_cast %scan3A_349 : i32 to index
          %swap3A_357 = arith.constant 0 : index
          %swap3A_358 = tpu.vector_load %arg13[%swap3A, %swap3A_357] {strides = array<i32>} : memref<64x128xf32, #tpu.memory_space<vmem>>, vector<16xf32>,
          tpu.vector_store %arg13[%swap3A, %swap3A_357], %mul3A_356 {strides = array<i32>} : memref<64x128xf32, #tpu.memory_space<vmem>>, vector<16xf32>,
          %get3A_359 = arith.index_cast %scan3A_349 : i32 to index
          %get3A_360 = arith.constant 16 : index
          %get3A_361 = tpu.vector_load %arg13[%get3A_359, %get3A_360] {strides = array<i32>} : memref<64x128xf32, #tpu.memory_space<vmem>>, vector<16xf32>,
          %mul3A_362 = arith.mulf %get3A_361, %gather3A : vector<16xf32>
          %swap3A_363 = arith.index_cast %scan3A_349 : i32 to index
          %swap3A_364 = arith.constant 16 : index
          %swap3A_365 = tpu.vector_load %arg13[%swap3A_363, %swap3A_364] {strides = array<i32>} : memref<64x128xf32, #tpu.memory_space<vmem>>, vector<16xf32>,
          tpu.vector_store %arg13[%swap3A_363, %swap3A_364], %mul3A_362 {strides = array<i32>} : memref<64x128xf32, #tpu.memory_space<vmem>>, vector<16xf32>,
          %get3A_366 = arith.index_cast %scan3A_349 : i32 to index
          %get3A_367 = arith.constant 32 : index
          %get3A_368 = tpu.vector_load %arg13[%get3A_366, %get3A_367] {strides = array<i32>} : memref<64x128xf32, #tpu.memory_space<vmem>>, vector<16xf32>,
          %mul3A_369 = arith.mulf %get3A_368, %gather3A : vector<16xf32>
          %swap3A_370 = arith.index_cast %scan3A_349 : i32 to index
          %swap3A_371 = arith.constant 32 : index
          %swap3A_372 = tpu.vector_load %arg13[%swap3A_370, %swap3A_371] {strides = array<i32>} : memref<64x128xf32, #tpu.memory_space<vmem>>, vector<16xf32>,
          tpu.vector_store %arg13[%swap3A_370, %swap3A_371], %mul3A_369 {strides = array<i32>} : memref<64x128xf32, #tpu.memory_space<vmem>>, vector<16xf32>,
          %get3A_373 = arith.index_cast %scan3A_349 : i32 to index
          %get3A_374 = arith.constant 48 : index
          %get3A_375 = tpu.vector_load %arg13[%get3A_373, %get3A_374] {strides = array<i32>} : memref<64x128xf32, #tpu.memory_space<vmem>>, vector<16xf32>,
          %mul3A_376 = arith.mulf %get3A_375, %gather3A : vector<16xf32>
          %swap3A_377 = arith.index_cast %scan3A_349 : i32 to index
          %swap3A_378 = arith.constant 48 : index
          %swap3A_379 = tpu.vector_load %arg13[%swap3A_377, %swap3A_378] {strides = array<i32>} : memref<64x128xf32, #tpu.memory_space<vmem>>, vector<16xf32>,
          tpu.vector_store %arg13[%swap3A_377, %swap3A_378], %mul3A_376 {strides = array<i32>} : memref<64x128xf32, #tpu.memory_space<vmem>>, vector<16xf32>,
          %get3A_380 = arith.index_cast %scan3A_349 : i32 to index
          %get3A_381 = arith.constant 64 : index
          %get3A_382 = tpu.vector_load %arg13[%get3A_380, %get3A_381] {strides = array<i32>} : memref<64x128xf32, #tpu.memory_space<vmem>>, vector<16xf32>,
          %mul3A_383 = arith.mulf %get3A_382, %gather3A : vector<16xf32>
          %swap3A_384 = arith.index_cast %scan3A_349 : i32 to index
          %swap3A_385 = arith.constant 64 : index
          %swap3A_386 = tpu.vector_load %arg13[%swap3A_384, %swap3A_385] {strides = array<i32>} : memref<64x128xf32, #tpu.memory_space<vmem>>, vector<16xf32>,
          tpu.vector_store %arg13[%swap3A_384, %swap3A_385], %mul3A_383 {strides = array<i32>} : memref<64x128xf32, #tpu.memory_space<vmem>>, vector<16xf32>,
          %get3A_387 = arith.index_cast %scan3A_349 : i32 to index
          %get3A_388 = arith.constant 80 : index
          %get3A_389 = tpu.vector_load %arg13[%get3A_387, %get3A_388] {strides = array<i32>} : memref<64x128xf32, #tpu.memory_space<vmem>>, vector<16xf32>,
          %mul3A_390 = arith.mulf %get3A_389, %gather3A : vector<16xf32>
          %swap3A_391 = arith.index_cast %scan3A_349 : i32 to index
          %swap3A_392 = arith.constant 80 : index
          %swap3A_393 = tpu.vector_load %arg13[%swap3A_391, %swap3A_392] {strides = array<i32>} : memref<64x128xf32, #tpu.memory_space<vmem>>, vector<16xf32>,
          tpu.vector_store %arg13[%swap3A_391, %swap3A_392], %mul3A_390 {strides = array<i32>} : memref<64x128xf32, #tpu.memory_space<vmem>>, vector<16xf32>,
          %get3A_394 = arith.index_cast %scan3A_349 : i32 to index
          %get3A_395 = arith.constant 96 : index
          %get3A_396 = tpu.vector_load %arg13[%get3A_394, %get3A_395] {strides = array<i32>} : memref<64x128xf32, #tpu.memory_space<vmem>>, vector<16xf32>,
          %mul3A_397 = arith.mulf %get3A_396, %gather3A : vector<16xf32>
          %swap3A_398 = arith.index_cast %scan3A_349 : i32 to index
          %swap3A_399 = arith.constant 96 : index
          %swap3A_400 = tpu.vector_load %arg13[%swap3A_398, %swap3A_399] {strides = array<i32>} : memref<64x128xf32, #tpu.memory_space<vmem>>, vector<16xf32>,
          tpu.vector_store %arg13[%swap3A_398, %swap3A_399], %mul3A_397 {strides = array<i32>} : memref<64x128xf32, #tpu.memory_space<vmem>>, vector<16xf32>,
          %get3A_401 = arith.index_cast %scan3A_349 : i32 to index
          %get3A_402 = arith.constant 112 : index
          %get3A_403 = tpu.vector_load %arg13[%get3A_401, %get3A_402] {strides = array<i32>} : memref<64x128xf32, #tpu.memory_space<vmem>>, vector<16xf32>,
          %mul3A_404 = arith.mulf %get3A_403, %gather3A : vector<16xf32>
          %swap3A_405 = arith.index_cast %scan3A_349 : i32 to index
          %swap3A_406 = arith.constant 112 : index
          %swap3A_407 = tpu.vector_load %arg13[%swap3A_405, %swap3A_406] {strides = array<i32>} : memref<64x128xf32, #tpu.memory_space<vmem>>, vector<16xf32>,
          tpu.vector_store %arg13[%swap3A_405, %swap3A_406], %mul3A_404 {strides = array<i32>} : memref<64x128xf32, #tpu.memory_space<vmem>>, vector<16xf32>,
        }
        %scan3A_302 = arith.constant 64 : i32
        %dma_start3A_303 = arith.constant 0 : i32
        %dma_start3A_304 = tpu.memref_slice %arg9[%mul3A_282, %dma_start3A_303] : memref<8x64xi32, #tpu.memory_space<vmem>> -> memref<1x64xi32, #tpu.memory_space<vmem>>
        %dma_start3A_305 = tpu.memref_squeeze %dma_start3A_304 : memref<1x64xi32, #tpu.memory_space<vmem>> -> memref<64xi32, #tpu.memory_space<vmem>>
        %dma_start3A_306 = arith.constant 0 : i32
        %dma_start3A_307 = arith.constant 0 : i32
        %dma_start3A_308 = tpu.memref_slice %arg15[%dma_start3A_306, %dma_start3A_307] : memref<10240x128xf32, #tpu.memory_space<vmem_shared>> -> memref<10240x128xf32, #tpu.memory_space<vmem_shared>>
        tpu.enqueue_indirect_dma source(%arg13 : memref<64x128xf32, #tpu.memory_space<vmem>>) target(%dma_start3A_308 : memref<10240x128xf32, #tpu.memory_space<vmem_shared>>) offsets(%dma_start3A_305 : memref<64xi32, #tpu.memory_space<vmem>>) semaphore(%arg18 : memref<!tpu.dma_semaphore, #tpu.memory_space<semaphore_mem>>) {add = true}
        %mul3A_309 = arith.constant 2 : i32
        %mul3A_310 = arith.muli %mul3A_309, %scan3A_264 : i32
        %add3A_311 = arith.constant 1 : i32
        %add3A_312 = arith.addi %mul3A_310, %add3A_311 : i32
        %dma_wait3A_313 = arith.constant 0 : i32
        %dma_wait3A_314 = arith.constant 0 : i32
        %dma_wait3A_315 = tpu.memref_slice %arg2[%add3A_116, %dma_wait3A_313, %dma_wait3A_314] : memref<4x10000x128xf32, #tpu.memory_space<hbm>> -> memref<1x10000x128xf32, #tpu.memory_space<hbm>>
        %dma_wait3A_316 = tpu.memref_squeeze %dma_wait3A_315 : memref<1x10000x128xf32, #tpu.memory_space<hbm>> -> memref<10000x128xf32, #tpu.memory_space<hbm>>
        %dma_wait3A_317 = arith.constant 0 : i32
        %dma_wait3A_318 = arith.constant 0 : i32
        %dma_wait3A_319 = tpu.memref_slice %dma_wait3A_316[%dma_wait3A_317, %dma_wait3A_318] : memref<10000x128xf32, #tpu.memory_space<hbm>> -> memref<64x128xf32, #tpu.memory_space<hbm>>
        %dma_wait3A_320 = arith.constant 0 : i32
        %dma_wait3A_321 = arith.constant 0 : i32
        %dma_wait3A_322 = tpu.memref_slice %arg2[%add3A_116, %dma_wait3A_320, %dma_wait3A_321] : memref<4x10000x128xf32, #tpu.memory_space<hbm>> -> memref<1x10000x128xf32, #tpu.memory_space<hbm>>
        %dma_wait3A_323 = tpu.memref_squeeze %dma_wait3A_322 : memref<1x10000x128xf32, #tpu.memory_space<hbm>> -> memref<10000x128xf32, #tpu.memory_space<hbm>>
        %dma_wait3A_324 = arith.constant 0 : i32
        %dma_wait3A_325 = arith.constant 0 : i32
        %dma_wait3A_326 = tpu.memref_slice %dma_wait3A_323[%dma_wait3A_324, %dma_wait3A_325] : memref<10000x128xf32, #tpu.memory_space<hbm>> -> memref<64x128xf32, #tpu.memory_space<hbm>>
        tpu.wait_dma2 semaphore(%arg17 : memref<!tpu.dma_semaphore, #tpu.memory_space<semaphore_mem>>) src(%dma_wait3A_326 : memref<64x128xf32, #tpu.memory_space<hbm>>) dst(%arg14 : memref<64x128xf32, #tpu.memory_space<vmem>>)
        %scan3A_327 = arith.constant 0 : i32
        %scan3A_328 = arith.constant 0 : i32
        %scan3A_329 = arith.constant 64 : i32
        %scan3A_330 = arith.addi %scan3A_328, %scan3A_329 : i32
        %scan3A_331 = arith.constant 1 : i32
        scf.for %scan3A_349 = %scan3A_328 to %scan3A_330 step %scan3A_331  : i32 {
          %mul3A_350 = arith.constant 64 : i32
          %mul3A_351 = arith.muli %add3A_312, %mul3A_350 : i32
          %add3A_352 = arith.addi %mul3A_351, %scan3A_349 : i32
          %broadcast_in_dim3A_353 = vector.broadcast %add3A_352 : i32 to vector<16xi32>
          %gather3A = tpu.vector_load_idx %arg10[%broadcast_in_dim3A_353] : memref<512xf32, #tpu.memory_space<vmem>>[vector<16xi32>], vector<16xf32>,
          %get3A = arith.index_cast %scan3A_349 : i32 to index
          %get3A_354 = arith.constant 0 : index
          %get3A_355 = tpu.vector_load %arg14[%get3A, %get3A_354] {strides = array<i32>} : memref<64x128xf32, #tpu.memory_space<vmem>>, vector<16xf32>,
          %mul3A_356 = arith.mulf %get3A_355, %gather3A : vector<16xf32>
          %swap3A = arith.index_cast %scan3A_349 : i32 to index
          %swap3A_357 = arith.constant 0 : index
          %swap3A_358 = tpu.vector_load %arg14[%swap3A, %swap3A_357] {strides = array<i32>} : memref<64x128xf32, #tpu.memory_space<vmem>>, vector<16xf32>,
          tpu.vector_store %arg14[%swap3A, %swap3A_357], %mul3A_356 {strides = array<i32>} : memref<64x128xf32, #tpu.memory_space<vmem>>, vector<16xf32>,
          %get3A_359 = arith.index_cast %scan3A_349 : i32 to index
          %get3A_360 = arith.constant 16 : index
          %get3A_361 = tpu.vector_load %arg14[%get3A_359, %get3A_360] {strides = array<i32>} : memref<64x128xf32, #tpu.memory_space<vmem>>, vector<16xf32>,
          %mul3A_362 = arith.mulf %get3A_361, %gather3A : vector<16xf32>
          %swap3A_363 = arith.index_cast %scan3A_349 : i32 to index
          %swap3A_364 = arith.constant 16 : index
          %swap3A_365 = tpu.vector_load %arg14[%swap3A_363, %swap3A_364] {strides = array<i32>} : memref<64x128xf32, #tpu.memory_space<vmem>>, vector<16xf32>,
          tpu.vector_store %arg14[%swap3A_363, %swap3A_364], %mul3A_362 {strides = array<i32>} : memref<64x128xf32, #tpu.memory_space<vmem>>, vector<16xf32>,
          %get3A_366 = arith.index_cast %scan3A_349 : i32 to index
          %get3A_367 = arith.constant 32 : index
          %get3A_368 = tpu.vector_load %arg14[%get3A_366, %get3A_367] {strides = array<i32>} : memref<64x128xf32, #tpu.memory_space<vmem>>, vector<16xf32>,
          %mul3A_369 = arith.mulf %get3A_368, %gather3A : vector<16xf32>
          %swap3A_370 = arith.index_cast %scan3A_349 : i32 to index
          %swap3A_371 = arith.constant 32 : index
          %swap3A_372 = tpu.vector_load %arg14[%swap3A_370, %swap3A_371] {strides = array<i32>} : memref<64x128xf32, #tpu.memory_space<vmem>>, vector<16xf32>,
          tpu.vector_store %arg14[%swap3A_370, %swap3A_371], %mul3A_369 {strides = array<i32>} : memref<64x128xf32, #tpu.memory_space<vmem>>, vector<16xf32>,
          %get3A_373 = arith.index_cast %scan3A_349 : i32 to index
          %get3A_374 = arith.constant 48 : index
          %get3A_375 = tpu.vector_load %arg14[%get3A_373, %get3A_374] {strides = array<i32>} : memref<64x128xf32, #tpu.memory_space<vmem>>, vector<16xf32>,
          %mul3A_376 = arith.mulf %get3A_375, %gather3A : vector<16xf32>
          %swap3A_377 = arith.index_cast %scan3A_349 : i32 to index
          %swap3A_378 = arith.constant 48 : index
          %swap3A_379 = tpu.vector_load %arg14[%swap3A_377, %swap3A_378] {strides = array<i32>} : memref<64x128xf32, #tpu.memory_space<vmem>>, vector<16xf32>,
          tpu.vector_store %arg14[%swap3A_377, %swap3A_378], %mul3A_376 {strides = array<i32>} : memref<64x128xf32, #tpu.memory_space<vmem>>, vector<16xf32>,
          %get3A_380 = arith.index_cast %scan3A_349 : i32 to index
          %get3A_381 = arith.constant 64 : index
          %get3A_382 = tpu.vector_load %arg14[%get3A_380, %get3A_381] {strides = array<i32>} : memref<64x128xf32, #tpu.memory_space<vmem>>, vector<16xf32>,
          %mul3A_383 = arith.mulf %get3A_382, %gather3A : vector<16xf32>
          %swap3A_384 = arith.index_cast %scan3A_349 : i32 to index
          %swap3A_385 = arith.constant 64 : index
          %swap3A_386 = tpu.vector_load %arg14[%swap3A_384, %swap3A_385] {strides = array<i32>} : memref<64x128xf32, #tpu.memory_space<vmem>>, vector<16xf32>,
          tpu.vector_store %arg14[%swap3A_384, %swap3A_385], %mul3A_383 {strides = array<i32>} : memref<64x128xf32, #tpu.memory_space<vmem>>, vector<16xf32>,
          %get3A_387 = arith.index_cast %scan3A_349 : i32 to index
          %get3A_388 = arith.constant 80 : index
          %get3A_389 = tpu.vector_load %arg14[%get3A_387, %get3A_388] {strides = array<i32>} : memref<64x128xf32, #tpu.memory_space<vmem>>, vector<16xf32>,
          %mul3A_390 = arith.mulf %get3A_389, %gather3A : vector<16xf32>
          %swap3A_391 = arith.index_cast %scan3A_349 : i32 to index
          %swap3A_392 = arith.constant 80 : index
          %swap3A_393 = tpu.vector_load %arg14[%swap3A_391, %swap3A_392] {strides = array<i32>} : memref<64x128xf32, #tpu.memory_space<vmem>>, vector<16xf32>,
          tpu.vector_store %arg14[%swap3A_391, %swap3A_392], %mul3A_390 {strides = array<i32>} : memref<64x128xf32, #tpu.memory_space<vmem>>, vector<16xf32>,
          %get3A_394 = arith.index_cast %scan3A_349 : i32 to index
          %get3A_395 = arith.constant 96 : index
          %get3A_396 = tpu.vector_load %arg14[%get3A_394, %get3A_395] {strides = array<i32>} : memref<64x128xf32, #tpu.memory_space<vmem>>, vector<16xf32>,
          %mul3A_397 = arith.mulf %get3A_396, %gather3A : vector<16xf32>
          %swap3A_398 = arith.index_cast %scan3A_349 : i32 to index
          %swap3A_399 = arith.constant 96 : index
          %swap3A_400 = tpu.vector_load %arg14[%swap3A_398, %swap3A_399] {strides = array<i32>} : memref<64x128xf32, #tpu.memory_space<vmem>>, vector<16xf32>,
          tpu.vector_store %arg14[%swap3A_398, %swap3A_399], %mul3A_397 {strides = array<i32>} : memref<64x128xf32, #tpu.memory_space<vmem>>, vector<16xf32>,
          %get3A_401 = arith.index_cast %scan3A_349 : i32 to index
          %get3A_402 = arith.constant 112 : index
          %get3A_403 = tpu.vector_load %arg14[%get3A_401, %get3A_402] {strides = array<i32>} : memref<64x128xf32, #tpu.memory_space<vmem>>, vector<16xf32>,
          %mul3A_404 = arith.mulf %get3A_403, %gather3A : vector<16xf32>
          %swap3A_405 = arith.index_cast %scan3A_349 : i32 to index
          %swap3A_406 = arith.constant 112 : index
          %swap3A_407 = tpu.vector_load %arg14[%swap3A_405, %swap3A_406] {strides = array<i32>} : memref<64x128xf32, #tpu.memory_space<vmem>>, vector<16xf32>,
          tpu.vector_store %arg14[%swap3A_405, %swap3A_406], %mul3A_404 {strides = array<i32>} : memref<64x128xf32, #tpu.memory_space<vmem>>, vector<16xf32>,
        }
        %scan3A_332 = arith.constant 64 : i32
        %dma_start3A_333 = arith.constant 0 : i32
        %dma_start3A_334 = tpu.memref_slice %arg9[%add3A_312, %dma_start3A_333] : memref<8x64xi32, #tpu.memory_space<vmem>> -> memref<1x64xi32, #tpu.memory_space<vmem>>
        %dma_start3A_335 = tpu.memref_squeeze %dma_start3A_334 : memref<1x64xi32, #tpu.memory_space<vmem>> -> memref<64xi32, #tpu.memory_space<vmem>>
        %dma_start3A_336 = arith.constant 0 : i32
        %dma_start3A_337 = arith.constant 0 : i32
        %dma_start3A_338 = tpu.memref_slice %arg15[%dma_start3A_336, %dma_start3A_337] : memref<10240x128xf32, #tpu.memory_space<vmem_shared>> -> memref<10240x128xf32, #tpu.memory_space<vmem_shared>>
        tpu.enqueue_indirect_dma source(%arg14 : memref<64x128xf32, #tpu.memory_space<vmem>>) target(%dma_start3A_338 : memref<10240x128xf32, #tpu.memory_space<vmem_shared>>) offsets(%dma_start3A_335 : memref<64xi32, #tpu.memory_space<vmem>>) semaphore(%arg19 : memref<!tpu.dma_semaphore, #tpu.memory_space<semaphore_mem>>) {add = true}
        %dma_wait3A_339 = arith.constant 0 : i32
        %dma_wait3A_340 = arith.constant 0 : i32
        %dma_wait3A_341 = tpu.memref_slice %arg15[%dma_wait3A_339, %dma_wait3A_340] : memref<10240x128xf32, #tpu.memory_space<vmem_shared>> -> memref<64x128xf32, #tpu.memory_space<vmem_shared>>
        %dma_wait3A_342 = arith.constant 0 : i32
        %dma_wait3A_343 = arith.constant 0 : i32
        %dma_wait3A_344 = tpu.memref_slice %arg15[%dma_wait3A_342, %dma_wait3A_343] : memref<10240x128xf32, #tpu.memory_space<vmem_shared>> -> memref<64x128xf32, #tpu.memory_space<vmem_shared>>
        tpu.wait_dma2 semaphore(%arg18 : memref<!tpu.dma_semaphore, #tpu.memory_space<semaphore_mem>>) src(%arg13 : memref<64x128xf32, #tpu.memory_space<vmem>>) dst(%dma_wait3A_344 : memref<64x128xf32, #tpu.memory_space<vmem_shared>>)
        %lt3A = arith.constant 3 : i32
        %lt3A_345 = arith.cmpi slt, %scan3A_264, %lt3A : i32
        %convert_element_type3A_346 = arith.extui %lt3A_345 : i1 to i32
        %cond3A_347 = arith.constant 0 : i32
        %cond3A_348 = arith.cmpi ne, %convert_element_type3A_346, %cond3A_347 : i32
        scf.if %cond3A_348 {
          %mul3A_349 = arith.constant 2 : i32
          %mul3A_350 = arith.muli %mul3A_349, %scan3A_264 : i32
          %add3A_351 = arith.constant 2 : i32
          %add3A_352 = arith.addi %mul3A_350, %add3A_351 : i32
          %dma_start3A_353 = arith.constant 0 : i32
          %dma_start3A_354 = tpu.memref_slice %arg8[%add3A_352, %dma_start3A_353] : memref<8x64xi32, #tpu.memory_space<vmem>> -> memref<1x64xi32, #tpu.memory_space<vmem>>
          %dma_start3A_355 = tpu.memref_squeeze %dma_start3A_354 : memref<1x64xi32, #tpu.memory_space<vmem>> -> memref<64xi32, #tpu.memory_space<vmem>>
          %dma_start3A_356 = arith.constant 0 : i32
          %dma_start3A_357 = arith.constant 0 : i32
          %dma_start3A_358 = tpu.memref_slice %arg2[%add3A_116, %dma_start3A_356, %dma_start3A_357] : memref<4x10000x128xf32, #tpu.memory_space<hbm>> -> memref<1x10000x128xf32, #tpu.memory_space<hbm>>
          %dma_start3A_359 = tpu.memref_squeeze %dma_start3A_358 : memref<1x10000x128xf32, #tpu.memory_space<hbm>> -> memref<10000x128xf32, #tpu.memory_space<hbm>>
          %dma_start3A_360 = arith.constant 0 : i32
          %dma_start3A_361 = arith.constant 0 : i32
          %dma_start3A_362 = tpu.memref_slice %dma_start3A_359[%dma_start3A_360, %dma_start3A_361] : memref<10000x128xf32, #tpu.memory_space<hbm>> -> memref<10000x128xf32, #tpu.memory_space<hbm>>
          tpu.enqueue_indirect_dma source(%dma_start3A_362 : memref<10000x128xf32, #tpu.memory_space<hbm>>) target(%arg13 : memref<64x128xf32, #tpu.memory_space<vmem>>) offsets(%dma_start3A_355 : memref<64xi32, #tpu.memory_space<vmem>>) semaphore(%arg16 : memref<!tpu.dma_semaphore, #tpu.memory_space<semaphore_mem>>)
        } else {
        }
      }
      %scan3A_258 = arith.constant 4 : i32
      %dma_wait3A = arith.constant 0 : i32
      %dma_wait3A_259 = arith.constant 0 : i32
      %dma_wait3A_260 = tpu.memref_slice %arg15[%dma_wait3A, %dma_wait3A_259] : memref<10240x128xf32, #tpu.memory_space<vmem_shared>> -> memref<64x128xf32, #tpu.memory_space<vmem_shared>>
      %dma_wait3A_261 = arith.constant 0 : i32
      %dma_wait3A_262 = arith.constant 0 : i32
      %dma_wait3A_263 = tpu.memref_slice %arg15[%dma_wait3A_261, %dma_wait3A_262] : memref<10240x128xf32, #tpu.memory_space<vmem_shared>> -> memref<64x128xf32, #tpu.memory_space<vmem_shared>>
      tpu.wait_dma2 semaphore(%arg19 : memref<!tpu.dma_semaphore, #tpu.memory_space<semaphore_mem>>) src(%arg14 : memref<64x128xf32, #tpu.memory_space<vmem>>) dst(%dma_wait3A_263 : memref<64x128xf32, #tpu.memory_space<vmem_shared>>)
    }
    %scan3A_183 = arith.constant 41 : i32
    %barrier3A_184 = arith.constant 0 : index
    tpu.barrier barrier_id(%barrier3A_184)
    %mul3A_185 = arith.constant 640 : i32
    %mul3A_186 = arith.muli %arg1, %mul3A_185 : i32
    %add3A_187 = arith.constant 0 : i32
    %add3A_188 = arith.addi %mul3A_186, %add3A_187 : i32
    "tpu.region"() ({
      %run_scoped3A_226 = tpu.sem_alloc : memref<!tpu.dma_semaphore, #tpu.memory_space<semaphore_mem>>
      %dma_start3A = arith.constant 0 : i32
      %dma_start3A_227 = arith.constant 0 : i32
      %dma_start3A_228 = tpu.memref_slice %arg7[%add3A_116, %dma_start3A, %dma_start3A_227] : memref<4x10240x128xf32, #tpu.memory_space<hbm>> -> memref<1x10240x128xf32, #tpu.memory_space<hbm>>
      %dma_start3A_229 = tpu.memref_squeeze %dma_start3A_228 : memref<1x10240x128xf32, #tpu.memory_space<hbm>> -> memref<10240x128xf32, #tpu.memory_space<hbm>>
      %dma_start3A_230 = arith.constant 0 : i32
      %dma_start3A_231 = tpu.memref_slice %dma_start3A_229[%add3A_188, %dma_start3A_230] : memref<10240x128xf32, #tpu.memory_space<hbm>> -> memref<64x128xf32, #tpu.memory_space<hbm>>
      %dma_start3A_232 = arith.constant 0 : i32
      %dma_start3A_233 = tpu.memref_slice %arg15[%add3A_188, %dma_start3A_232] : memref<10240x128xf32, #tpu.memory_space<vmem_shared>> -> memref<64x128xf32, #tpu.memory_space<vmem_shared>>
      tpu.enqueue_dma source(%dma_start3A_233 : memref<64x128xf32, #tpu.memory_space<vmem_shared>>) target(%dma_start3A_231 : memref<64x128xf32, #tpu.memory_space<hbm>>) target_semaphore(%run_scoped3A_226 : memref<!tpu.dma_semaphore, #tpu.memory_space<semaphore_mem>>)
      %dma_wait3A = arith.constant 0 : i32
      %dma_wait3A_234 = arith.constant 0 : i32
      %dma_wait3A_235 = tpu.memref_slice %arg7[%add3A_116, %dma_wait3A, %dma_wait3A_234] : memref<4x10240x128xf32, #tpu.memory_space<hbm>> -> memref<1x10240x128xf32, #tpu.memory_space<hbm>>
      %dma_wait3A_236 = tpu.memref_squeeze %dma_wait3A_235 : memref<1x10240x128xf32, #tpu.memory_space<hbm>> -> memref<10240x128xf32, #tpu.memory_space<hbm>>
      %dma_wait3A_237 = arith.constant 0 : i32
      %dma_wait3A_238 = tpu.memref_slice %dma_wait3A_236[%add3A_188, %dma_wait3A_237] : memref<10240x128xf32, #tpu.memory_space<hbm>> -> memref<64x128xf32, #tpu.memory_space<hbm>>
      %dma_wait3A_239 = arith.constant 0 : i32
      %dma_wait3A_240 = tpu.memref_slice %arg15[%add3A_188, %dma_wait3A_239] : memref<10240x128xf32, #tpu.memory_space<vmem_shared>> -> memref<64x128xf32, #tpu.memory_space<vmem_shared>>
      tpu.wait_dma2 semaphore(%run_scoped3A_226 : memref<!tpu.dma_semaphore, #tpu.memory_space<semaphore_mem>>) src(%dma_wait3A_240 : memref<64x128xf32, #tpu.memory_space<vmem_shared>>) dst(%dma_wait3A_238 : memref<64x128xf32, #tpu.memory_space<hbm>>)
      tpu.yield
    }) : () -> ()
    %mul3A_189 = arith.constant 640 : i32
    %mul3A_190 = arith.muli %arg1, %mul3A_189 : i32
    %add3A_191 = arith.constant 64 : i32
    %add3A_192 = arith.addi %mul3A_190, %add3A_191 : i32
    "tpu.region"() ({
      %run_scoped3A_226 = tpu.sem_alloc : memref<!tpu.dma_semaphore, #tpu.memory_space<semaphore_mem>>
      %dma_start3A = arith.constant 0 : i32
      %dma_start3A_227 = arith.constant 0 : i32
      %dma_start3A_228 = tpu.memref_slice %arg7[%add3A_116, %dma_start3A, %dma_start3A_227] : memref<4x10240x128xf32, #tpu.memory_space<hbm>> -> memref<1x10240x128xf32, #tpu.memory_space<hbm>>
      %dma_start3A_229 = tpu.memref_squeeze %dma_start3A_228 : memref<1x10240x128xf32, #tpu.memory_space<hbm>> -> memref<10240x128xf32, #tpu.memory_space<hbm>>
      %dma_start3A_230 = arith.constant 0 : i32
      %dma_start3A_231 = tpu.memref_slice %dma_start3A_229[%add3A_192, %dma_start3A_230] : memref<10240x128xf32, #tpu.memory_space<hbm>> -> memref<64x128xf32, #tpu.memory_space<hbm>>
      %dma_start3A_232 = arith.constant 0 : i32
      %dma_start3A_233 = tpu.memref_slice %arg15[%add3A_192, %dma_start3A_232] : memref<10240x128xf32, #tpu.memory_space<vmem_shared>> -> memref<64x128xf32, #tpu.memory_space<vmem_shared>>
      tpu.enqueue_dma source(%dma_start3A_233 : memref<64x128xf32, #tpu.memory_space<vmem_shared>>) target(%dma_start3A_231 : memref<64x128xf32, #tpu.memory_space<hbm>>) target_semaphore(%run_scoped3A_226 : memref<!tpu.dma_semaphore, #tpu.memory_space<semaphore_mem>>)
      %dma_wait3A = arith.constant 0 : i32
      %dma_wait3A_234 = arith.constant 0 : i32
      %dma_wait3A_235 = tpu.memref_slice %arg7[%add3A_116, %dma_wait3A, %dma_wait3A_234] : memref<4x10240x128xf32, #tpu.memory_space<hbm>> -> memref<1x10240x128xf32, #tpu.memory_space<hbm>>
      %dma_wait3A_236 = tpu.memref_squeeze %dma_wait3A_235 : memref<1x10240x128xf32, #tpu.memory_space<hbm>> -> memref<10240x128xf32, #tpu.memory_space<hbm>>
      %dma_wait3A_237 = arith.constant 0 : i32
      %dma_wait3A_238 = tpu.memref_slice %dma_wait3A_236[%add3A_192, %dma_wait3A_237] : memref<10240x128xf32, #tpu.memory_space<hbm>> -> memref<64x128xf32, #tpu.memory_space<hbm>>
      %dma_wait3A_239 = arith.constant 0 : i32
      %dma_wait3A_240 = tpu.memref_slice %arg15[%add3A_192, %dma_wait3A_239] : memref<10240x128xf32, #tpu.memory_space<vmem_shared>> -> memref<64x128xf32, #tpu.memory_space<vmem_shared>>
      tpu.wait_dma2 semaphore(%run_scoped3A_226 : memref<!tpu.dma_semaphore, #tpu.memory_space<semaphore_mem>>) src(%dma_wait3A_240 : memref<64x128xf32, #tpu.memory_space<vmem_shared>>) dst(%dma_wait3A_238 : memref<64x128xf32, #tpu.memory_space<hbm>>)
      tpu.yield
    }) : () -> ()
    %mul3A_193 = arith.constant 640 : i32
    %mul3A_194 = arith.muli %arg1, %mul3A_193 : i32
    %add3A_195 = arith.constant 128 : i32
    %add3A_196 = arith.addi %mul3A_194, %add3A_195 : i32
    "tpu.region"() ({
      %run_scoped3A_226 = tpu.sem_alloc : memref<!tpu.dma_semaphore, #tpu.memory_space<semaphore_mem>>
      %dma_start3A = arith.constant 0 : i32
      %dma_start3A_227 = arith.constant 0 : i32
      %dma_start3A_228 = tpu.memref_slice %arg7[%add3A_116, %dma_start3A, %dma_start3A_227] : memref<4x10240x128xf32, #tpu.memory_space<hbm>> -> memref<1x10240x128xf32, #tpu.memory_space<hbm>>
      %dma_start3A_229 = tpu.memref_squeeze %dma_start3A_228 : memref<1x10240x128xf32, #tpu.memory_space<hbm>> -> memref<10240x128xf32, #tpu.memory_space<hbm>>
      %dma_start3A_230 = arith.constant 0 : i32
      %dma_start3A_231 = tpu.memref_slice %dma_start3A_229[%add3A_196, %dma_start3A_230] : memref<10240x128xf32, #tpu.memory_space<hbm>> -> memref<64x128xf32, #tpu.memory_space<hbm>>
      %dma_start3A_232 = arith.constant 0 : i32
      %dma_start3A_233 = tpu.memref_slice %arg15[%add3A_196, %dma_start3A_232] : memref<10240x128xf32, #tpu.memory_space<vmem_shared>> -> memref<64x128xf32, #tpu.memory_space<vmem_shared>>
      tpu.enqueue_dma source(%dma_start3A_233 : memref<64x128xf32, #tpu.memory_space<vmem_shared>>) target(%dma_start3A_231 : memref<64x128xf32, #tpu.memory_space<hbm>>) target_semaphore(%run_scoped3A_226 : memref<!tpu.dma_semaphore, #tpu.memory_space<semaphore_mem>>)
      %dma_wait3A = arith.constant 0 : i32
      %dma_wait3A_234 = arith.constant 0 : i32
      %dma_wait3A_235 = tpu.memref_slice %arg7[%add3A_116, %dma_wait3A, %dma_wait3A_234] : memref<4x10240x128xf32, #tpu.memory_space<hbm>> -> memref<1x10240x128xf32, #tpu.memory_space<hbm>>
      %dma_wait3A_236 = tpu.memref_squeeze %dma_wait3A_235 : memref<1x10240x128xf32, #tpu.memory_space<hbm>> -> memref<10240x128xf32, #tpu.memory_space<hbm>>
      %dma_wait3A_237 = arith.constant 0 : i32
      %dma_wait3A_238 = tpu.memref_slice %dma_wait3A_236[%add3A_196, %dma_wait3A_237] : memref<10240x128xf32, #tpu.memory_space<hbm>> -> memref<64x128xf32, #tpu.memory_space<hbm>>
      %dma_wait3A_239 = arith.constant 0 : i32
      %dma_wait3A_240 = tpu.memref_slice %arg15[%add3A_196, %dma_wait3A_239] : memref<10240x128xf32, #tpu.memory_space<vmem_shared>> -> memref<64x128xf32, #tpu.memory_space<vmem_shared>>
      tpu.wait_dma2 semaphore(%run_scoped3A_226 : memref<!tpu.dma_semaphore, #tpu.memory_space<semaphore_mem>>) src(%dma_wait3A_240 : memref<64x128xf32, #tpu.memory_space<vmem_shared>>) dst(%dma_wait3A_238 : memref<64x128xf32, #tpu.memory_space<hbm>>)
      tpu.yield
    }) : () -> ()
    %mul3A_197 = arith.constant 640 : i32
    %mul3A_198 = arith.muli %arg1, %mul3A_197 : i32
    %add3A_199 = arith.constant 192 : i32
    %add3A_200 = arith.addi %mul3A_198, %add3A_199 : i32
    "tpu.region"() ({
      %run_scoped3A_226 = tpu.sem_alloc : memref<!tpu.dma_semaphore, #tpu.memory_space<semaphore_mem>>
      %dma_start3A = arith.constant 0 : i32
      %dma_start3A_227 = arith.constant 0 : i32
      %dma_start3A_228 = tpu.memref_slice %arg7[%add3A_116, %dma_start3A, %dma_start3A_227] : memref<4x10240x128xf32, #tpu.memory_space<hbm>> -> memref<1x10240x128xf32, #tpu.memory_space<hbm>>
      %dma_start3A_229 = tpu.memref_squeeze %dma_start3A_228 : memref<1x10240x128xf32, #tpu.memory_space<hbm>> -> memref<10240x128xf32, #tpu.memory_space<hbm>>
      %dma_start3A_230 = arith.constant 0 : i32
      %dma_start3A_231 = tpu.memref_slice %dma_start3A_229[%add3A_200, %dma_start3A_230] : memref<10240x128xf32, #tpu.memory_space<hbm>> -> memref<64x128xf32, #tpu.memory_space<hbm>>
      %dma_start3A_232 = arith.constant 0 : i32
      %dma_start3A_233 = tpu.memref_slice %arg15[%add3A_200, %dma_start3A_232] : memref<10240x128xf32, #tpu.memory_space<vmem_shared>> -> memref<64x128xf32, #tpu.memory_space<vmem_shared>>
      tpu.enqueue_dma source(%dma_start3A_233 : memref<64x128xf32, #tpu.memory_space<vmem_shared>>) target(%dma_start3A_231 : memref<64x128xf32, #tpu.memory_space<hbm>>) target_semaphore(%run_scoped3A_226 : memref<!tpu.dma_semaphore, #tpu.memory_space<semaphore_mem>>)
      %dma_wait3A = arith.constant 0 : i32
      %dma_wait3A_234 = arith.constant 0 : i32
      %dma_wait3A_235 = tpu.memref_slice %arg7[%add3A_116, %dma_wait3A, %dma_wait3A_234] : memref<4x10240x128xf32, #tpu.memory_space<hbm>> -> memref<1x10240x128xf32, #tpu.memory_space<hbm>>
      %dma_wait3A_236 = tpu.memref_squeeze %dma_wait3A_235 : memref<1x10240x128xf32, #tpu.memory_space<hbm>> -> memref<10240x128xf32, #tpu.memory_space<hbm>>
      %dma_wait3A_237 = arith.constant 0 : i32
      %dma_wait3A_238 = tpu.memref_slice %dma_wait3A_236[%add3A_200, %dma_wait3A_237] : memref<10240x128xf32, #tpu.memory_space<hbm>> -> memref<64x128xf32, #tpu.memory_space<hbm>>
      %dma_wait3A_239 = arith.constant 0 : i32
      %dma_wait3A_240 = tpu.memref_slice %arg15[%add3A_200, %dma_wait3A_239] : memref<10240x128xf32, #tpu.memory_space<vmem_shared>> -> memref<64x128xf32, #tpu.memory_space<vmem_shared>>
      tpu.wait_dma2 semaphore(%run_scoped3A_226 : memref<!tpu.dma_semaphore, #tpu.memory_space<semaphore_mem>>) src(%dma_wait3A_240 : memref<64x128xf32, #tpu.memory_space<vmem_shared>>) dst(%dma_wait3A_238 : memref<64x128xf32, #tpu.memory_space<hbm>>)
      tpu.yield
    }) : () -> ()
    %mul3A_201 = arith.constant 640 : i32
    %mul3A_202 = arith.muli %arg1, %mul3A_201 : i32
    %add3A_203 = arith.constant 256 : i32
    %add3A_204 = arith.addi %mul3A_202, %add3A_203 : i32
    "tpu.region"() ({
      %run_scoped3A_226 = tpu.sem_alloc : memref<!tpu.dma_semaphore, #tpu.memory_space<semaphore_mem>>
      %dma_start3A = arith.constant 0 : i32
      %dma_start3A_227 = arith.constant 0 : i32
      %dma_start3A_228 = tpu.memref_slice %arg7[%add3A_116, %dma_start3A, %dma_start3A_227] : memref<4x10240x128xf32, #tpu.memory_space<hbm>> -> memref<1x10240x128xf32, #tpu.memory_space<hbm>>
      %dma_start3A_229 = tpu.memref_squeeze %dma_start3A_228 : memref<1x10240x128xf32, #tpu.memory_space<hbm>> -> memref<10240x128xf32, #tpu.memory_space<hbm>>
      %dma_start3A_230 = arith.constant 0 : i32
      %dma_start3A_231 = tpu.memref_slice %dma_start3A_229[%add3A_204, %dma_start3A_230] : memref<10240x128xf32, #tpu.memory_space<hbm>> -> memref<64x128xf32, #tpu.memory_space<hbm>>
      %dma_start3A_232 = arith.constant 0 : i32
      %dma_start3A_233 = tpu.memref_slice %arg15[%add3A_204, %dma_start3A_232] : memref<10240x128xf32, #tpu.memory_space<vmem_shared>> -> memref<64x128xf32, #tpu.memory_space<vmem_shared>>
      tpu.enqueue_dma source(%dma_start3A_233 : memref<64x128xf32, #tpu.memory_space<vmem_shared>>) target(%dma_start3A_231 : memref<64x128xf32, #tpu.memory_space<hbm>>) target_semaphore(%run_scoped3A_226 : memref<!tpu.dma_semaphore, #tpu.memory_space<semaphore_mem>>)
      %dma_wait3A = arith.constant 0 : i32
      %dma_wait3A_234 = arith.constant 0 : i32
      %dma_wait3A_235 = tpu.memref_slice %arg7[%add3A_116, %dma_wait3A, %dma_wait3A_234] : memref<4x10240x128xf32, #tpu.memory_space<hbm>> -> memref<1x10240x128xf32, #tpu.memory_space<hbm>>
      %dma_wait3A_236 = tpu.memref_squeeze %dma_wait3A_235 : memref<1x10240x128xf32, #tpu.memory_space<hbm>> -> memref<10240x128xf32, #tpu.memory_space<hbm>>
      %dma_wait3A_237 = arith.constant 0 : i32
      %dma_wait3A_238 = tpu.memref_slice %dma_wait3A_236[%add3A_204, %dma_wait3A_237] : memref<10240x128xf32, #tpu.memory_space<hbm>> -> memref<64x128xf32, #tpu.memory_space<hbm>>
      %dma_wait3A_239 = arith.constant 0 : i32
      %dma_wait3A_240 = tpu.memref_slice %arg15[%add3A_204, %dma_wait3A_239] : memref<10240x128xf32, #tpu.memory_space<vmem_shared>> -> memref<64x128xf32, #tpu.memory_space<vmem_shared>>
      tpu.wait_dma2 semaphore(%run_scoped3A_226 : memref<!tpu.dma_semaphore, #tpu.memory_space<semaphore_mem>>) src(%dma_wait3A_240 : memref<64x128xf32, #tpu.memory_space<vmem_shared>>) dst(%dma_wait3A_238 : memref<64x128xf32, #tpu.memory_space<hbm>>)
      tpu.yield
    }) : () -> ()
    %mul3A_205 = arith.constant 640 : i32
    %mul3A_206 = arith.muli %arg1, %mul3A_205 : i32
    %add3A_207 = arith.constant 320 : i32
    %add3A_208 = arith.addi %mul3A_206, %add3A_207 : i32
    "tpu.region"() ({
      %run_scoped3A_226 = tpu.sem_alloc : memref<!tpu.dma_semaphore, #tpu.memory_space<semaphore_mem>>
      %dma_start3A = arith.constant 0 : i32
      %dma_start3A_227 = arith.constant 0 : i32
      %dma_start3A_228 = tpu.memref_slice %arg7[%add3A_116, %dma_start3A, %dma_start3A_227] : memref<4x10240x128xf32, #tpu.memory_space<hbm>> -> memref<1x10240x128xf32, #tpu.memory_space<hbm>>
      %dma_start3A_229 = tpu.memref_squeeze %dma_start3A_228 : memref<1x10240x128xf32, #tpu.memory_space<hbm>> -> memref<10240x128xf32, #tpu.memory_space<hbm>>
      %dma_start3A_230 = arith.constant 0 : i32
      %dma_start3A_231 = tpu.memref_slice %dma_start3A_229[%add3A_208, %dma_start3A_230] : memref<10240x128xf32, #tpu.memory_space<hbm>> -> memref<64x128xf32, #tpu.memory_space<hbm>>
      %dma_start3A_232 = arith.constant 0 : i32
      %dma_start3A_233 = tpu.memref_slice %arg15[%add3A_208, %dma_start3A_232] : memref<10240x128xf32, #tpu.memory_space<vmem_shared>> -> memref<64x128xf32, #tpu.memory_space<vmem_shared>>
      tpu.enqueue_dma source(%dma_start3A_233 : memref<64x128xf32, #tpu.memory_space<vmem_shared>>) target(%dma_start3A_231 : memref<64x128xf32, #tpu.memory_space<hbm>>) target_semaphore(%run_scoped3A_226 : memref<!tpu.dma_semaphore, #tpu.memory_space<semaphore_mem>>)
      %dma_wait3A = arith.constant 0 : i32
      %dma_wait3A_234 = arith.constant 0 : i32
      %dma_wait3A_235 = tpu.memref_slice %arg7[%add3A_116, %dma_wait3A, %dma_wait3A_234] : memref<4x10240x128xf32, #tpu.memory_space<hbm>> -> memref<1x10240x128xf32, #tpu.memory_space<hbm>>
      %dma_wait3A_236 = tpu.memref_squeeze %dma_wait3A_235 : memref<1x10240x128xf32, #tpu.memory_space<hbm>> -> memref<10240x128xf32, #tpu.memory_space<hbm>>
      %dma_wait3A_237 = arith.constant 0 : i32
      %dma_wait3A_238 = tpu.memref_slice %dma_wait3A_236[%add3A_208, %dma_wait3A_237] : memref<10240x128xf32, #tpu.memory_space<hbm>> -> memref<64x128xf32, #tpu.memory_space<hbm>>
      %dma_wait3A_239 = arith.constant 0 : i32
      %dma_wait3A_240 = tpu.memref_slice %arg15[%add3A_208, %dma_wait3A_239] : memref<10240x128xf32, #tpu.memory_space<vmem_shared>> -> memref<64x128xf32, #tpu.memory_space<vmem_shared>>
      tpu.wait_dma2 semaphore(%run_scoped3A_226 : memref<!tpu.dma_semaphore, #tpu.memory_space<semaphore_mem>>) src(%dma_wait3A_240 : memref<64x128xf32, #tpu.memory_space<vmem_shared>>) dst(%dma_wait3A_238 : memref<64x128xf32, #tpu.memory_space<hbm>>)
      tpu.yield
    }) : () -> ()
    %mul3A_209 = arith.constant 640 : i32
    %mul3A_210 = arith.muli %arg1, %mul3A_209 : i32
    %add3A_211 = arith.constant 384 : i32
    %add3A_212 = arith.addi %mul3A_210, %add3A_211 : i32
    "tpu.region"() ({
      %run_scoped3A_226 = tpu.sem_alloc : memref<!tpu.dma_semaphore, #tpu.memory_space<semaphore_mem>>
      %dma_start3A = arith.constant 0 : i32
      %dma_start3A_227 = arith.constant 0 : i32
      %dma_start3A_228 = tpu.memref_slice %arg7[%add3A_116, %dma_start3A, %dma_start3A_227] : memref<4x10240x128xf32, #tpu.memory_space<hbm>> -> memref<1x10240x128xf32, #tpu.memory_space<hbm>>
      %dma_start3A_229 = tpu.memref_squeeze %dma_start3A_228 : memref<1x10240x128xf32, #tpu.memory_space<hbm>> -> memref<10240x128xf32, #tpu.memory_space<hbm>>
      %dma_start3A_230 = arith.constant 0 : i32
      %dma_start3A_231 = tpu.memref_slice %dma_start3A_229[%add3A_212, %dma_start3A_230] : memref<10240x128xf32, #tpu.memory_space<hbm>> -> memref<64x128xf32, #tpu.memory_space<hbm>>
      %dma_start3A_232 = arith.constant 0 : i32
      %dma_start3A_233 = tpu.memref_slice %arg15[%add3A_212, %dma_start3A_232] : memref<10240x128xf32, #tpu.memory_space<vmem_shared>> -> memref<64x128xf32, #tpu.memory_space<vmem_shared>>
      tpu.enqueue_dma source(%dma_start3A_233 : memref<64x128xf32, #tpu.memory_space<vmem_shared>>) target(%dma_start3A_231 : memref<64x128xf32, #tpu.memory_space<hbm>>) target_semaphore(%run_scoped3A_226 : memref<!tpu.dma_semaphore, #tpu.memory_space<semaphore_mem>>)
      %dma_wait3A = arith.constant 0 : i32
      %dma_wait3A_234 = arith.constant 0 : i32
      %dma_wait3A_235 = tpu.memref_slice %arg7[%add3A_116, %dma_wait3A, %dma_wait3A_234] : memref<4x10240x128xf32, #tpu.memory_space<hbm>> -> memref<1x10240x128xf32, #tpu.memory_space<hbm>>
      %dma_wait3A_236 = tpu.memref_squeeze %dma_wait3A_235 : memref<1x10240x128xf32, #tpu.memory_space<hbm>> -> memref<10240x128xf32, #tpu.memory_space<hbm>>
      %dma_wait3A_237 = arith.constant 0 : i32
      %dma_wait3A_238 = tpu.memref_slice %dma_wait3A_236[%add3A_212, %dma_wait3A_237] : memref<10240x128xf32, #tpu.memory_space<hbm>> -> memref<64x128xf32, #tpu.memory_space<hbm>>
      %dma_wait3A_239 = arith.constant 0 : i32
      %dma_wait3A_240 = tpu.memref_slice %arg15[%add3A_212, %dma_wait3A_239] : memref<10240x128xf32, #tpu.memory_space<vmem_shared>> -> memref<64x128xf32, #tpu.memory_space<vmem_shared>>
      tpu.wait_dma2 semaphore(%run_scoped3A_226 : memref<!tpu.dma_semaphore, #tpu.memory_space<semaphore_mem>>) src(%dma_wait3A_240 : memref<64x128xf32, #tpu.memory_space<vmem_shared>>) dst(%dma_wait3A_238 : memref<64x128xf32, #tpu.memory_space<hbm>>)
      tpu.yield
    }) : () -> ()
    %mul3A_213 = arith.constant 640 : i32
    %mul3A_214 = arith.muli %arg1, %mul3A_213 : i32
    %add3A_215 = arith.constant 448 : i32
    %add3A_216 = arith.addi %mul3A_214, %add3A_215 : i32
    "tpu.region"() ({
      %run_scoped3A_226 = tpu.sem_alloc : memref<!tpu.dma_semaphore, #tpu.memory_space<semaphore_mem>>
      %dma_start3A = arith.constant 0 : i32
      %dma_start3A_227 = arith.constant 0 : i32
      %dma_start3A_228 = tpu.memref_slice %arg7[%add3A_116, %dma_start3A, %dma_start3A_227] : memref<4x10240x128xf32, #tpu.memory_space<hbm>> -> memref<1x10240x128xf32, #tpu.memory_space<hbm>>
      %dma_start3A_229 = tpu.memref_squeeze %dma_start3A_228 : memref<1x10240x128xf32, #tpu.memory_space<hbm>> -> memref<10240x128xf32, #tpu.memory_space<hbm>>
      %dma_start3A_230 = arith.constant 0 : i32
      %dma_start3A_231 = tpu.memref_slice %dma_start3A_229[%add3A_216, %dma_start3A_230] : memref<10240x128xf32, #tpu.memory_space<hbm>> -> memref<64x128xf32, #tpu.memory_space<hbm>>
      %dma_start3A_232 = arith.constant 0 : i32
      %dma_start3A_233 = tpu.memref_slice %arg15[%add3A_216, %dma_start3A_232] : memref<10240x128xf32, #tpu.memory_space<vmem_shared>> -> memref<64x128xf32, #tpu.memory_space<vmem_shared>>
      tpu.enqueue_dma source(%dma_start3A_233 : memref<64x128xf32, #tpu.memory_space<vmem_shared>>) target(%dma_start3A_231 : memref<64x128xf32, #tpu.memory_space<hbm>>) target_semaphore(%run_scoped3A_226 : memref<!tpu.dma_semaphore, #tpu.memory_space<semaphore_mem>>)
      %dma_wait3A = arith.constant 0 : i32
      %dma_wait3A_234 = arith.constant 0 : i32
      %dma_wait3A_235 = tpu.memref_slice %arg7[%add3A_116, %dma_wait3A, %dma_wait3A_234] : memref<4x10240x128xf32, #tpu.memory_space<hbm>> -> memref<1x10240x128xf32, #tpu.memory_space<hbm>>
      %dma_wait3A_236 = tpu.memref_squeeze %dma_wait3A_235 : memref<1x10240x128xf32, #tpu.memory_space<hbm>> -> memref<10240x128xf32, #tpu.memory_space<hbm>>
      %dma_wait3A_237 = arith.constant 0 : i32
      %dma_wait3A_238 = tpu.memref_slice %dma_wait3A_236[%add3A_216, %dma_wait3A_237] : memref<10240x128xf32, #tpu.memory_space<hbm>> -> memref<64x128xf32, #tpu.memory_space<hbm>>
      %dma_wait3A_239 = arith.constant 0 : i32
      %dma_wait3A_240 = tpu.memref_slice %arg15[%add3A_216, %dma_wait3A_239] : memref<10240x128xf32, #tpu.memory_space<vmem_shared>> -> memref<64x128xf32, #tpu.memory_space<vmem_shared>>
      tpu.wait_dma2 semaphore(%run_scoped3A_226 : memref<!tpu.dma_semaphore, #tpu.memory_space<semaphore_mem>>) src(%dma_wait3A_240 : memref<64x128xf32, #tpu.memory_space<vmem_shared>>) dst(%dma_wait3A_238 : memref<64x128xf32, #tpu.memory_space<hbm>>)
      tpu.yield
    }) : () -> ()
    %mul3A_217 = arith.constant 640 : i32
    %mul3A_218 = arith.muli %arg1, %mul3A_217 : i32
    %add3A_219 = arith.constant 512 : i32
    %add3A_220 = arith.addi %mul3A_218, %add3A_219 : i32
    "tpu.region"() ({
      %run_scoped3A_226 = tpu.sem_alloc : memref<!tpu.dma_semaphore, #tpu.memory_space<semaphore_mem>>
      %dma_start3A = arith.constant 0 : i32
      %dma_start3A_227 = arith.constant 0 : i32
      %dma_start3A_228 = tpu.memref_slice %arg7[%add3A_116, %dma_start3A, %dma_start3A_227] : memref<4x10240x128xf32, #tpu.memory_space<hbm>> -> memref<1x10240x128xf32, #tpu.memory_space<hbm>>
      %dma_start3A_229 = tpu.memref_squeeze %dma_start3A_228 : memref<1x10240x128xf32, #tpu.memory_space<hbm>> -> memref<10240x128xf32, #tpu.memory_space<hbm>>
      %dma_start3A_230 = arith.constant 0 : i32
      %dma_start3A_231 = tpu.memref_slice %dma_start3A_229[%add3A_220, %dma_start3A_230] : memref<10240x128xf32, #tpu.memory_space<hbm>> -> memref<64x128xf32, #tpu.memory_space<hbm>>
      %dma_start3A_232 = arith.constant 0 : i32
      %dma_start3A_233 = tpu.memref_slice %arg15[%add3A_220, %dma_start3A_232] : memref<10240x128xf32, #tpu.memory_space<vmem_shared>> -> memref<64x128xf32, #tpu.memory_space<vmem_shared>>
      tpu.enqueue_dma source(%dma_start3A_233 : memref<64x128xf32, #tpu.memory_space<vmem_shared>>) target(%dma_start3A_231 : memref<64x128xf32, #tpu.memory_space<hbm>>) target_semaphore(%run_scoped3A_226 : memref<!tpu.dma_semaphore, #tpu.memory_space<semaphore_mem>>)
      %dma_wait3A = arith.constant 0 : i32
      %dma_wait3A_234 = arith.constant 0 : i32
      %dma_wait3A_235 = tpu.memref_slice %arg7[%add3A_116, %dma_wait3A, %dma_wait3A_234] : memref<4x10240x128xf32, #tpu.memory_space<hbm>> -> memref<1x10240x128xf32, #tpu.memory_space<hbm>>
      %dma_wait3A_236 = tpu.memref_squeeze %dma_wait3A_235 : memref<1x10240x128xf32, #tpu.memory_space<hbm>> -> memref<10240x128xf32, #tpu.memory_space<hbm>>
      %dma_wait3A_237 = arith.constant 0 : i32
      %dma_wait3A_238 = tpu.memref_slice %dma_wait3A_236[%add3A_220, %dma_wait3A_237] : memref<10240x128xf32, #tpu.memory_space<hbm>> -> memref<64x128xf32, #tpu.memory_space<hbm>>
      %dma_wait3A_239 = arith.constant 0 : i32
      %dma_wait3A_240 = tpu.memref_slice %arg15[%add3A_220, %dma_wait3A_239] : memref<10240x128xf32, #tpu.memory_space<vmem_shared>> -> memref<64x128xf32, #tpu.memory_space<vmem_shared>>
      tpu.wait_dma2 semaphore(%run_scoped3A_226 : memref<!tpu.dma_semaphore, #tpu.memory_space<semaphore_mem>>) src(%dma_wait3A_240 : memref<64x128xf32, #tpu.memory_space<vmem_shared>>) dst(%dma_wait3A_238 : memref<64x128xf32, #tpu.memory_space<hbm>>)
      tpu.yield
    }) : () -> ()
    %mul3A_221 = arith.constant 640 : i32
    %mul3A_222 = arith.muli %arg1, %mul3A_221 : i32
    %add3A_223 = arith.constant 576 : i32
    %add3A_224 = arith.addi %mul3A_222, %add3A_223 : i32
    "tpu.region"() ({
      %run_scoped3A_226 = tpu.sem_alloc : memref<!tpu.dma_semaphore, #tpu.memory_space<semaphore_mem>>
      %dma_start3A = arith.constant 0 : i32
      %dma_start3A_227 = arith.constant 0 : i32
      %dma_start3A_228 = tpu.memref_slice %arg7[%add3A_116, %dma_start3A, %dma_start3A_227] : memref<4x10240x128xf32, #tpu.memory_space<hbm>> -> memref<1x10240x128xf32, #tpu.memory_space<hbm>>
      %dma_start3A_229 = tpu.memref_squeeze %dma_start3A_228 : memref<1x10240x128xf32, #tpu.memory_space<hbm>> -> memref<10240x128xf32, #tpu.memory_space<hbm>>
      %dma_start3A_230 = arith.constant 0 : i32
      %dma_start3A_231 = tpu.memref_slice %dma_start3A_229[%add3A_224, %dma_start3A_230] : memref<10240x128xf32, #tpu.memory_space<hbm>> -> memref<64x128xf32, #tpu.memory_space<hbm>>
      %dma_start3A_232 = arith.constant 0 : i32
      %dma_start3A_233 = tpu.memref_slice %arg15[%add3A_224, %dma_start3A_232] : memref<10240x128xf32, #tpu.memory_space<vmem_shared>> -> memref<64x128xf32, #tpu.memory_space<vmem_shared>>
      tpu.enqueue_dma source(%dma_start3A_233 : memref<64x128xf32, #tpu.memory_space<vmem_shared>>) target(%dma_start3A_231 : memref<64x128xf32, #tpu.memory_space<hbm>>) target_semaphore(%run_scoped3A_226 : memref<!tpu.dma_semaphore, #tpu.memory_space<semaphore_mem>>)
      %dma_wait3A = arith.constant 0 : i32
      %dma_wait3A_234 = arith.constant 0 : i32
      %dma_wait3A_235 = tpu.memref_slice %arg7[%add3A_116, %dma_wait3A, %dma_wait3A_234] : memref<4x10240x128xf32, #tpu.memory_space<hbm>> -> memref<1x10240x128xf32, #tpu.memory_space<hbm>>
      %dma_wait3A_236 = tpu.memref_squeeze %dma_wait3A_235 : memref<1x10240x128xf32, #tpu.memory_space<hbm>> -> memref<10240x128xf32, #tpu.memory_space<hbm>>
      %dma_wait3A_237 = arith.constant 0 : i32
      %dma_wait3A_238 = tpu.memref_slice %dma_wait3A_236[%add3A_224, %dma_wait3A_237] : memref<10240x128xf32, #tpu.memory_space<hbm>> -> memref<64x128xf32, #tpu.memory_space<hbm>>
      %dma_wait3A_239 = arith.constant 0 : i32
      %dma_wait3A_240 = tpu.memref_slice %arg15[%add3A_224, %dma_wait3A_239] : memref<10240x128xf32, #tpu.memory_space<vmem_shared>> -> memref<64x128xf32, #tpu.memory_space<vmem_shared>>
      tpu.wait_dma2 semaphore(%run_scoped3A_226 : memref<!tpu.dma_semaphore, #tpu.memory_space<semaphore_mem>>) src(%dma_wait3A_240 : memref<64x128xf32, #tpu.memory_space<vmem_shared>>) dst(%dma_wait3A_238 : memref<64x128xf32, #tpu.memory_space<hbm>>)
      tpu.yield
    }) : () -> ()
    %barrier3A_225 = arith.constant 0 : index
    tpu.barrier barrier_id(%barrier3A_225)
    return
  }
}

module attributes {stable_mosaic.version = 14 : i64} {
  func.func @_k1_body(%arg0: i32, %arg1: memref<400x128xf32, #tpu.memory_space<vmem>>, %arg2: memref<128x128xf32, #tpu.memory_space<vmem>>, %arg3: memref<1x128xf32, #tpu.memory_space<vmem>>, %arg4: memref<1x128xf32, #tpu.memory_space<vmem>>, %arg5: memref<1x128xf32, #tpu.memory_space<vmem>>, %arg6: memref<128x512xf32, #tpu.memory_space<vmem>>, %arg7: memref<1x512xf32, #tpu.memory_space<vmem>>, %arg8: memref<128x512xf32, #tpu.memory_space<vmem>>, %arg9: memref<1x512xf32, #tpu.memory_space<vmem>>, %arg10: memref<400x128xf32, #tpu.memory_space<vmem>>, %arg11: memref<400x512xf32, #tpu.memory_space<vmem>>, %arg12: memref<400x512xf32, #tpu.memory_space<vmem>>, %arg13: memref<400x256xi32, #tpu.memory_space<vmem>>, %arg14: memref<400x256xi32, #tpu.memory_space<vmem>>) attributes {dimension_semantics = [#tpu.dimension_semantics<arbitrary>], iteration_bounds = array<i64: 25>, scalar_prefetch = 0 : i64, scratch_operands = 0 : i64, tpu.core_type = #tpu.core_type<tc>, window_params = [{transform_indices = @transform_0, window_bounds = array<i64: 400, 128>}, {pipeline_mode = #tpu.pipeline_mode<synchronous>, transform_indices = @transform_1, window_bounds = array<i64: 128, 128>}, {pipeline_mode = #tpu.pipeline_mode<synchronous>, transform_indices = @transform_2, window_bounds = array<i64: 1, 128>}, {pipeline_mode = #tpu.pipeline_mode<synchronous>, transform_indices = @transform_3, window_bounds = array<i64: 1, 128>}, {pipeline_mode = #tpu.pipeline_mode<synchronous>, transform_indices = @transform_4, window_bounds = array<i64: 1, 128>}, {pipeline_mode = #tpu.pipeline_mode<synchronous>, transform_indices = @transform_5, window_bounds = array<i64: 128, 512>}, {pipeline_mode = #tpu.pipeline_mode<synchronous>, transform_indices = @transform_6, window_bounds = array<i64: 1, 512>}, {pipeline_mode = #tpu.pipeline_mode<synchronous>, transform_indices = @transform_7, window_bounds = array<i64: 128, 512>}, {pipeline_mode = #tpu.pipeline_mode<synchronous>, transform_indices = @transform_8, window_bounds = array<i64: 1, 512>}, {transform_indices = @transform_9, window_bounds = array<i64: 400, 128>}, {transform_indices = @transform_10, window_bounds = array<i64: 400, 512>}, {transform_indices = @transform_11, window_bounds = array<i64: 400, 512>}, {transform_indices = @transform_12, window_bounds = array<i64: 400, 256>}, {transform_indices = @transform_13, window_bounds = array<i64: 400, 256>}]} {
    %get3A = arith.constant 0 : index
    %get3A_0 = arith.constant 0 : index
    %get3A_1 = vector.load %arg1[%get3A, %get3A_0] : memref<400x128xf32, #tpu.memory_space<vmem>>, vector<400x128xf32>
    %get3A_2 = arith.constant 0 : index
    %get3A_3 = arith.constant 0 : index
    %get3A_4 = vector.load %arg2[%get3A_2, %get3A_3] : memref<128x128xf32, #tpu.memory_space<vmem>>, vector<128x128xf32>
    %dot_general3A = arith.constant dense<0.000000e+00> : vector<400x128xf32>
    %dot_general3A_5 = tpu.matmul %get3A_1, %get3A_4, %dot_general3A {dimension_numbers = #tpu.dot_dimension_numbers<[1], [0], [0], [1], [0, 0, 1, 1], [], []>, transpose_lhs_hint = false} : vector<400x128xf32>, vector<128x128xf32>, vector<400x128xf32> -> vector<400x128xf32>
    %get3A_6 = arith.constant 0 : index
    %get3A_7 = arith.constant 0 : index
    %get3A_8 = vector.load %arg3[%get3A_6, %get3A_7] : memref<1x128xf32, #tpu.memory_space<vmem>>, vector<1x128xf32>
    %add3A = vector.broadcast %get3A_8 : vector<1x128xf32> to vector<400x128xf32>
    %add3A_9 = arith.addf %dot_general3A_5, %add3A : vector<400x128xf32>
    %reduce_sum3A = arith.constant dense<0.000000e+00> : vector<400xf32>
    %reduce_sum3A_10 = vector.multi_reduction <add>, %add3A_9, %reduce_sum3A [1] : vector<400x128xf32> to vector<400xf32>
    %broadcast_in_dim3A = vector.shape_cast %reduce_sum3A_10 : vector<400xf32> to vector<400x1xf32>
    %div3A = arith.constant 1.280000e+02 : f32
    %div3A_11 = vector.broadcast %div3A : f32 to vector<400x1xf32>
    %div3A_12 = arith.divf %broadcast_in_dim3A, %div3A_11 : vector<400x1xf32>
    %sub3A = vector.broadcast %div3A_12 : vector<400x1xf32> to vector<400x128xf32>
    %sub3A_13 = arith.subf %add3A_9, %sub3A : vector<400x128xf32>
    %integer_pow3A = arith.mulf %sub3A_13, %sub3A_13 : vector<400x128xf32>
    %reduce_sum3A_14 = arith.constant dense<0.000000e+00> : vector<400xf32>
    %reduce_sum3A_15 = vector.multi_reduction <add>, %integer_pow3A, %reduce_sum3A_14 [1] : vector<400x128xf32> to vector<400xf32>
    %broadcast_in_dim3A_16 = vector.shape_cast %reduce_sum3A_15 : vector<400xf32> to vector<400x1xf32>
    %div3A_17 = arith.constant 1.280000e+02 : f32
    %div3A_18 = vector.broadcast %div3A_17 : f32 to vector<400x1xf32>
    %div3A_19 = arith.divf %broadcast_in_dim3A_16, %div3A_18 : vector<400x1xf32>
    %sub3A_20 = vector.broadcast %div3A_12 : vector<400x1xf32> to vector<400x128xf32>
    %sub3A_21 = arith.subf %add3A_9, %sub3A_20 : vector<400x128xf32>
    %add3A_22 = arith.constant 9.99999974E-6 : f32
    %add3A_23 = vector.broadcast %add3A_22 : f32 to vector<400x1xf32>
    %add3A_24 = arith.addf %div3A_19, %add3A_23 : vector<400x1xf32>
    %rsqrt3A = math.rsqrt %add3A_24 : vector<400x1xf32>
    %mul3A = vector.broadcast %rsqrt3A : vector<400x1xf32> to vector<400x128xf32>
    %mul3A_25 = arith.mulf %sub3A_21, %mul3A : vector<400x128xf32>
    %get3A_26 = arith.constant 0 : index
    %get3A_27 = arith.constant 0 : index
    %get3A_28 = vector.load %arg4[%get3A_26, %get3A_27] : memref<1x128xf32, #tpu.memory_space<vmem>>, vector<1x128xf32>
    %mul3A_29 = vector.broadcast %get3A_28 : vector<1x128xf32> to vector<400x128xf32>
    %mul3A_30 = arith.mulf %mul3A_25, %mul3A_29 : vector<400x128xf32>
    %get3A_31 = arith.constant 0 : index
    %get3A_32 = arith.constant 0 : index
    %get3A_33 = vector.load %arg5[%get3A_31, %get3A_32] : memref<1x128xf32, #tpu.memory_space<vmem>>, vector<1x128xf32>
    %add3A_34 = vector.broadcast %get3A_33 : vector<1x128xf32> to vector<400x128xf32>
    %add3A_35 = arith.addf %mul3A_30, %add3A_34 : vector<400x128xf32>
    %max3A = arith.constant 0.000000e+00 : f32
    %max3A_36 = vector.broadcast %max3A : f32 to vector<400x128xf32>
    %max3A_37 = arith.maximumf %add3A_35, %max3A_36 : vector<400x128xf32>
    %swap3A = arith.constant 0 : index
    %swap3A_38 = arith.constant 0 : index
    %swap3A_39 = vector.load %arg10[%swap3A, %swap3A_38] : memref<400x128xf32, #tpu.memory_space<vmem>>, vector<400x128xf32>
    tpu.vector_store %arg10[%swap3A, %swap3A_38], %max3A_37 {strides = array<i32>} : memref<400x128xf32, #tpu.memory_space<vmem>>, vector<400x128xf32>,
    %get3A_40 = arith.constant 0 : index
    %get3A_41 = arith.constant 0 : index
    %get3A_42 = vector.load %arg6[%get3A_40, %get3A_41] : memref<128x512xf32, #tpu.memory_space<vmem>>, vector<128x512xf32>
    %dot_general3A_43 = arith.constant dense<0.000000e+00> : vector<400x512xf32>
    %dot_general3A_44 = tpu.matmul %max3A_37, %get3A_42, %dot_general3A_43 {dimension_numbers = #tpu.dot_dimension_numbers<[1], [0], [0], [1], [0, 0, 1, 1], [], []>, transpose_lhs_hint = false} : vector<400x128xf32>, vector<128x512xf32>, vector<400x512xf32> -> vector<400x512xf32>
    %get3A_45 = arith.constant 0 : index
    %get3A_46 = arith.constant 0 : index
    %get3A_47 = vector.load %arg7[%get3A_45, %get3A_46] : memref<1x512xf32, #tpu.memory_space<vmem>>, vector<1x512xf32>
    %add3A_48 = vector.broadcast %get3A_47 : vector<1x512xf32> to vector<400x512xf32>
    %add3A_49 = arith.addf %dot_general3A_44, %add3A_48 : vector<400x512xf32>
    %get3A_50 = arith.constant 0 : index
    %get3A_51 = arith.constant 0 : index
    %get3A_52 = vector.load %arg8[%get3A_50, %get3A_51] : memref<128x512xf32, #tpu.memory_space<vmem>>, vector<128x512xf32>
    %dot_general3A_53 = arith.constant dense<0.000000e+00> : vector<400x512xf32>
    %dot_general3A_54 = tpu.matmul %max3A_37, %get3A_52, %dot_general3A_53 {dimension_numbers = #tpu.dot_dimension_numbers<[1], [0], [0], [1], [0, 0, 1, 1], [], []>, transpose_lhs_hint = false} : vector<400x128xf32>, vector<128x512xf32>, vector<400x512xf32> -> vector<400x512xf32>
    %get3A_55 = arith.constant 0 : index
    %get3A_56 = arith.constant 0 : index
    %get3A_57 = vector.load %arg9[%get3A_55, %get3A_56] : memref<1x512xf32, #tpu.memory_space<vmem>>, vector<1x512xf32>
    %add3A_58 = vector.broadcast %get3A_57 : vector<1x512xf32> to vector<400x512xf32>
    %add3A_59 = arith.addf %dot_general3A_54, %add3A_58 : vector<400x512xf32>
    %swap3A_60 = arith.constant 0 : index
    %swap3A_61 = arith.constant 0 : index
    %swap3A_62 = vector.load %arg11[%swap3A_60, %swap3A_61] : memref<400x512xf32, #tpu.memory_space<vmem>>, vector<400x512xf32>
    tpu.vector_store %arg11[%swap3A_60, %swap3A_61], %add3A_49 {strides = array<i32>} : memref<400x512xf32, #tpu.memory_space<vmem>>, vector<400x512xf32>,
    %swap3A_63 = arith.constant 0 : index
    %swap3A_64 = arith.constant 0 : index
    %swap3A_65 = vector.load %arg12[%swap3A_63, %swap3A_64] : memref<400x512xf32, #tpu.memory_space<vmem>>, vector<400x512xf32>
    tpu.vector_store %arg12[%swap3A_63, %swap3A_64], %add3A_59 {strides = array<i32>} : memref<400x512xf32, #tpu.memory_space<vmem>>, vector<400x512xf32>,
    %bitcast_convert_type3A = tpu.bitcast %add3A_49 : vector<400x512xf32> -> vector<400x512xi32>
    %add3A_66 = arith.constant 32768 : i32
    %add3A_67 = vector.broadcast %add3A_66 : i32 to vector<400x512xi32>
    %add3A_68 = arith.addi %bitcast_convert_type3A, %add3A_67 : vector<400x512xi32>
    %shift_right_logical3A = arith.constant 16 : i32
    %shift_right_logical3A_69 = vector.broadcast %shift_right_logical3A : i32 to vector<400x512xi32>
    %shift_right_logical3A_70 = arith.shrui %add3A_68, %shift_right_logical3A_69 : vector<400x512xi32>
    %slice3A = vector.extract_strided_slice %shift_right_logical3A_70 {offsets = [0, 256], sizes = [400, 256], strides = [1, 1]} : vector<400x512xi32> to vector<400x256xi32>
    %shift_left3A = arith.constant 16 : i32
    %shift_left3A_71 = vector.broadcast %shift_left3A : i32 to vector<400x256xi32>
    %shift_left3A_72 = arith.shli %slice3A, %shift_left3A_71 : vector<400x256xi32>
    %slice3A_73 = vector.extract_strided_slice %shift_right_logical3A_70 {offsets = [0, 0], sizes = [400, 256], strides = [1, 1]} : vector<400x512xi32> to vector<400x256xi32>
    %or3A = arith.ori %shift_left3A_72, %slice3A_73 : vector<400x256xi32>
    %bitcast_convert_type3A_74 = tpu.bitcast %or3A : vector<400x256xi32> -> vector<400x256xi32>
    %swap3A_75 = arith.constant 0 : index
    %swap3A_76 = arith.constant 0 : index
    %swap3A_77 = vector.load %arg13[%swap3A_75, %swap3A_76] : memref<400x256xi32, #tpu.memory_space<vmem>>, vector<400x256xi32>
    tpu.vector_store %arg13[%swap3A_75, %swap3A_76], %bitcast_convert_type3A_74 {strides = array<i32>} : memref<400x256xi32, #tpu.memory_space<vmem>>, vector<400x256xi32>,
    %bitcast_convert_type3A_78 = tpu.bitcast %add3A_59 : vector<400x512xf32> -> vector<400x512xi32>
    %add3A_79 = arith.constant 32768 : i32
    %add3A_80 = vector.broadcast %add3A_79 : i32 to vector<400x512xi32>
    %add3A_81 = arith.addi %bitcast_convert_type3A_78, %add3A_80 : vector<400x512xi32>
    %shift_right_logical3A_82 = arith.constant 16 : i32
    %shift_right_logical3A_83 = vector.broadcast %shift_right_logical3A_82 : i32 to vector<400x512xi32>
    %shift_right_logical3A_84 = arith.shrui %add3A_81, %shift_right_logical3A_83 : vector<400x512xi32>
    %slice3A_85 = vector.extract_strided_slice %shift_right_logical3A_84 {offsets = [0, 256], sizes = [400, 256], strides = [1, 1]} : vector<400x512xi32> to vector<400x256xi32>
    %shift_left3A_86 = arith.constant 16 : i32
    %shift_left3A_87 = vector.broadcast %shift_left3A_86 : i32 to vector<400x256xi32>
    %shift_left3A_88 = arith.shli %slice3A_85, %shift_left3A_87 : vector<400x256xi32>
    %slice3A_89 = vector.extract_strided_slice %shift_right_logical3A_84 {offsets = [0, 0], sizes = [400, 256], strides = [1, 1]} : vector<400x512xi32> to vector<400x256xi32>
    %or3A_90 = arith.ori %shift_left3A_88, %slice3A_89 : vector<400x256xi32>
    %bitcast_convert_type3A_91 = tpu.bitcast %or3A_90 : vector<400x256xi32> -> vector<400x256xi32>
    %swap3A_92 = arith.constant 0 : index
    %swap3A_93 = arith.constant 0 : index
    %swap3A_94 = vector.load %arg14[%swap3A_92, %swap3A_93] : memref<400x256xi32, #tpu.memory_space<vmem>>, vector<400x256xi32>
    tpu.vector_store %arg14[%swap3A_92, %swap3A_93], %bitcast_convert_type3A_91 {strides = array<i32>} : memref<400x256xi32, #tpu.memory_space<vmem>>, vector<400x256xi32>,
    return
  }
  func.func @transform_0(%arg0: i32) -> (i32, i32) {
    %c0_i32 = arith.constant 0 : i32
    %c0_i32_0 = arith.constant 0 : i32
    return %arg0, %c0_i32 : i32, i32
  }
  func.func @transform_1(%arg0: i32) -> (i32, i32) {
    %c0_i32 = arith.constant 0 : i32
    %c0_i32_0 = arith.constant 0 : i32
    %c0_i32_1 = arith.constant 0 : i32
    return %c0_i32, %c0_i32_0 : i32, i32
  }
  func.func @transform_2(%arg0: i32) -> (i32, i32) {
    %c0_i32 = arith.constant 0 : i32
    %c0_i32_0 = arith.constant 0 : i32
    %c0_i32_1 = arith.constant 0 : i32
    return %c0_i32, %c0_i32_0 : i32, i32
  }
  func.func @transform_3(%arg0: i32) -> (i32, i32) {
    %c0_i32 = arith.constant 0 : i32
    %c0_i32_0 = arith.constant 0 : i32
    %c0_i32_1 = arith.constant 0 : i32
    return %c0_i32, %c0_i32_0 : i32, i32
  }
  func.func @transform_4(%arg0: i32) -> (i32, i32) {
    %c0_i32 = arith.constant 0 : i32
    %c0_i32_0 = arith.constant 0 : i32
    %c0_i32_1 = arith.constant 0 : i32
    return %c0_i32, %c0_i32_0 : i32, i32
  }
  func.func @transform_5(%arg0: i32) -> (i32, i32) {
    %c0_i32 = arith.constant 0 : i32
    %c0_i32_0 = arith.constant 0 : i32
    %c0_i32_1 = arith.constant 0 : i32
    return %c0_i32, %c0_i32_0 : i32, i32
  }
  func.func @transform_6(%arg0: i32) -> (i32, i32) {
    %c0_i32 = arith.constant 0 : i32
    %c0_i32_0 = arith.constant 0 : i32
    %c0_i32_1 = arith.constant 0 : i32
    return %c0_i32, %c0_i32_0 : i32, i32
  }
  func.func @transform_7(%arg0: i32) -> (i32, i32) {
    %c0_i32 = arith.constant 0 : i32
    %c0_i32_0 = arith.constant 0 : i32
    %c0_i32_1 = arith.constant 0 : i32
    return %c0_i32, %c0_i32_0 : i32, i32
  }
  func.func @transform_8(%arg0: i32) -> (i32, i32) {
    %c0_i32 = arith.constant 0 : i32
    %c0_i32_0 = arith.constant 0 : i32
    %c0_i32_1 = arith.constant 0 : i32
    return %c0_i32, %c0_i32_0 : i32, i32
  }
  func.func @transform_9(%arg0: i32) -> (i32, i32) {
    %c0_i32 = arith.constant 0 : i32
    %c0_i32_0 = arith.constant 0 : i32
    return %arg0, %c0_i32 : i32, i32
  }
  func.func @transform_10(%arg0: i32) -> (i32, i32) {
    %c0_i32 = arith.constant 0 : i32
    %c0_i32_0 = arith.constant 0 : i32
    return %arg0, %c0_i32 : i32, i32
  }
  func.func @transform_11(%arg0: i32) -> (i32, i32) {
    %c0_i32 = arith.constant 0 : i32
    %c0_i32_0 = arith.constant 0 : i32
    return %arg0, %c0_i32 : i32, i32
  }
  func.func @transform_12(%arg0: i32) -> (i32, i32) {
    %c0_i32 = arith.constant 0 : i32
    %c0_i32_0 = arith.constant 0 : i32
    return %arg0, %c0_i32 : i32, i32
  }
  func.func @transform_13(%arg0: i32) -> (i32, i32) {
    %c0_i32 = arith.constant 0 : i32
    %c0_i32_0 = arith.constant 0 : i32
    return %arg0, %c0_i32 : i32, i32
  }
}

module attributes {stable_mosaic.version = 14 : i64} {
  func.func @_k3_body(%arg0: i32, %arg1: memref<512x256xi32, #tpu.memory_space<vmem>>, %arg2: memref<512x16xf32, #tpu.memory_space<vmem>>, %arg3: memref<16x512xf32, #tpu.memory_space<vmem>>, %arg4: memref<8x512xf32, #tpu.memory_space<vmem>>, %arg5: memref<1x8x512xf32, #tpu.memory_space<vmem>>) attributes {dimension_semantics = [#tpu.dimension_semantics<arbitrary>], iteration_bounds = array<i64: 656>, scalar_prefetch = 0 : i64, scratch_operands = 0 : i64, tpu.core_type = #tpu.core_type<tc>, window_params = [{transform_indices = @transform_0, window_bounds = array<i64: 512, 256>}, {transform_indices = @transform_1, window_bounds = array<i64: 512, 16>}, {pipeline_mode = #tpu.pipeline_mode<synchronous>, transform_indices = @transform_2, window_bounds = array<i64: 16, 512>}, {pipeline_mode = #tpu.pipeline_mode<synchronous>, transform_indices = @transform_3, window_bounds = array<i64: 8, 512>}, {transform_indices = @transform_4, window_bounds = array<i64: 1, 8, 512>}]} {
    %get3A = arith.constant 0 : index
    %get3A_0 = arith.constant 0 : index
    %get3A_1 = vector.load %arg1[%get3A, %get3A_0] : memref<512x256xi32, #tpu.memory_space<vmem>>, vector<512x256xi32>
    %bitcast_convert_type3A = tpu.bitcast %get3A_1 : vector<512x256xi32> -> vector<512x256xi32>
    %shift_left3A = arith.constant 16 : i32
    %shift_left3A_2 = vector.broadcast %shift_left3A : i32 to vector<512x256xi32>
    %shift_left3A_3 = arith.shli %bitcast_convert_type3A, %shift_left3A_2 : vector<512x256xi32>
    %bitcast_convert_type3A_4 = tpu.bitcast %shift_left3A_3 : vector<512x256xi32> -> vector<512x256xf32>
    %and3A = arith.constant -65536 : i32
    %and3A_5 = vector.broadcast %and3A : i32 to vector<512x256xi32>
    %and3A_6 = arith.andi %bitcast_convert_type3A, %and3A_5 : vector<512x256xi32>
    %bitcast_convert_type3A_7 = tpu.bitcast %and3A_6 : vector<512x256xi32> -> vector<512x256xf32>
    %concatenate3A = tpu.concatenate %bitcast_convert_type3A_4, %bitcast_convert_type3A_7 in 1 : vector<512x256xf32>, vector<512x256xf32> -> vector<512x512xf32>
    %get3A_8 = arith.constant 0 : index
    %get3A_9 = arith.constant 0 : index
    %get3A_10 = vector.load %arg2[%get3A_8, %get3A_9] : memref<512x16xf32, #tpu.memory_space<vmem>>, vector<512x16xf32>
    %get3A_11 = arith.constant 0 : index
    %get3A_12 = arith.constant 0 : index
    %get3A_13 = vector.load %arg3[%get3A_11, %get3A_12] : memref<16x512xf32, #tpu.memory_space<vmem>>, vector<16x512xf32>
    %dot_general3A = arith.constant dense<0.000000e+00> : vector<512x512xf32>
    %dot_general3A_14 = tpu.matmul %get3A_10, %get3A_13, %dot_general3A {dimension_numbers = #tpu.dot_dimension_numbers<[1], [0], [0], [1], [0, 0, 1, 1], [], []>, transpose_lhs_hint = false} : vector<512x16xf32>, vector<16x512xf32>, vector<512x512xf32> -> vector<512x512xf32>
    %add3A = arith.addf %concatenate3A, %dot_general3A_14 : vector<512x512xf32>
    %mul3A = arith.constant 2.000000e-01 : f32
    %mul3A_15 = vector.broadcast %mul3A : f32 to vector<512x512xf32>
    %mul3A_16 = arith.mulf %mul3A_15, %add3A : vector<512x512xf32>
    %max3A = arith.maximumf %add3A, %mul3A_16 : vector<512x512xf32>
    %get3A_17 = arith.constant 0 : index
    %get3A_18 = arith.constant 0 : index
    %get3A_19 = vector.load %arg4[%get3A_17, %get3A_18] : memref<8x512xf32, #tpu.memory_space<vmem>>, vector<8x512xf32>
    %dot_general3A_20 = arith.constant dense<0.000000e+00> : vector<8x512xf32>
    %dot_general3A_21 = tpu.matmul %get3A_19, %max3A, %dot_general3A_20 {dimension_numbers = #tpu.dot_dimension_numbers<[1], [1], [0], [0], [0, 0, 1, 0], [], []>, transpose_lhs_hint = false} : vector<8x512xf32>, vector<512x512xf32>, vector<8x512xf32> -> vector<8x512xf32>
    %mul3A_22 = arith.constant 512 : i32
    %mul3A_23 = arith.muli %arg0, %mul3A_22 : i32
    %iota3A = tpu.iota {dimensions = array<i32: 1>} : vector<8x512xi32>
    %add3A_24 = vector.broadcast %mul3A_23 : i32 to vector<8x512xi32>
    %add3A_25 = arith.addi %add3A_24, %iota3A : vector<8x512xi32>
    %iota3A_26 = tpu.iota {dimensions = array<i32: 0>} : vector<8x512xi32>
    %lt3A = arith.constant 330000 : i32
    %lt3A_27 = vector.broadcast %lt3A : i32 to vector<8x512xi32>
    %lt3A_28 = arith.cmpi slt, %add3A_25, %lt3A_27 : vector<8x512xi32>
    %lt3A_29 = arith.constant 4 : i32
    %lt3A_30 = vector.broadcast %lt3A_29 : i32 to vector<8x512xi32>
    %lt3A_31 = arith.cmpi slt, %iota3A_26, %lt3A_30 : vector<8x512xi32>
    %and3A_32 = arith.andi %lt3A_28, %lt3A_31 : vector<8x512xi1>
    %exp3A = math.exp %dot_general3A_21 : vector<8x512xf32>
    %jit3A = arith.constant 0.000000e+00 : f32
    %broadcast_in_dim3A = vector.broadcast %jit3A : f32 to vector<8x512xf32>
    %select_n3A = arith.select %and3A_32, %exp3A, %broadcast_in_dim3A : vector<8x512xi1>, vector<8x512xf32>
    %swap3A = arith.constant 0 : index
    %swap3A_33 = arith.constant 0 : index
    %swap3A_34 = arith.constant 0 : index
    %swap3A_35 = vector.load %arg5[%swap3A, %swap3A_33, %swap3A_34] : memref<1x8x512xf32, #tpu.memory_space<vmem>>, vector<1x8x512xf32>
    %swap3A_36 = vector.shape_cast %swap3A_35 : vector<1x8x512xf32> to vector<8x512xf32>
    %swap3A_37 = vector.shape_cast %select_n3A : vector<8x512xf32> to vector<1x8x512xf32>
    tpu.vector_store %arg5[%swap3A, %swap3A_33, %swap3A_34], %swap3A_37 {strides = array<i32>} : memref<1x8x512xf32, #tpu.memory_space<vmem>>, vector<1x8x512xf32>,
    return
  }
  func.func @transform_0(%arg0: i32) -> (i32, i32) {
    %c0_i32 = arith.constant 0 : i32
    %c0_i32_0 = arith.constant 0 : i32
    return %arg0, %c0_i32 : i32, i32
  }
  func.func @transform_1(%arg0: i32) -> (i32, i32) {
    %c0_i32 = arith.constant 0 : i32
    %c0_i32_0 = arith.constant 0 : i32
    return %arg0, %c0_i32 : i32, i32
  }
  func.func @transform_2(%arg0: i32) -> (i32, i32) {
    %c0_i32 = arith.constant 0 : i32
    %c0_i32_0 = arith.constant 0 : i32
    %c0_i32_1 = arith.constant 0 : i32
    return %c0_i32, %c0_i32_0 : i32, i32
  }
  func.func @transform_3(%arg0: i32) -> (i32, i32) {
    %c0_i32 = arith.constant 0 : i32
    %c0_i32_0 = arith.constant 0 : i32
    %c0_i32_1 = arith.constant 0 : i32
    return %c0_i32, %c0_i32_0 : i32, i32
  }
  func.func @transform_4(%arg0: i32) -> (i32, i32, i32) {
    %c0_i32 = arith.constant 0 : i32
    %c0_i32_0 = arith.constant 0 : i32
    %c0_i32_1 = arith.constant 0 : i32
    return %c0_i32, %c0_i32_0, %arg0 : i32, i32, i32
  }
}

module attributes {stable_mosaic.version = 14 : i64} {
  func.func @_k6a_body(%arg0: i32, %arg1: memref<400x512xf32, #tpu.memory_space<vmem>>, %arg2: memref<1x512xf32, #tpu.memory_space<vmem>>, %arg3: memref<2xf32, #tpu.memory_space<smem>>) attributes {dimension_semantics = [#tpu.dimension_semantics<arbitrary>], iteration_bounds = array<i64: 25>, scalar_prefetch = 0 : i64, scratch_operands = 0 : i64, tpu.core_type = #tpu.core_type<tc>, window_params = [{transform_indices = @transform_0, window_bounds = array<i64: 400, 512>}, {pipeline_mode = #tpu.pipeline_mode<synchronous>, transform_indices = @transform_1, window_bounds = array<i64: 1, 512>}, {transform_indices = @transform_2, window_bounds = array<i64: 2>}]} {
    %get3A = arith.constant 0 : index
    %get3A_0 = arith.constant 0 : index
    %get3A_1 = vector.load %arg1[%get3A, %get3A_0] : memref<400x512xf32, #tpu.memory_space<vmem>>, vector<400x512xf32>
    %get3A_2 = arith.constant 0 : index
    %get3A_3 = arith.constant 0 : index
    %get3A_4 = vector.load %arg2[%get3A_2, %get3A_3] : memref<1x512xf32, #tpu.memory_space<vmem>>, vector<1x512xf32>
    %add3A = vector.broadcast %get3A_4 : vector<1x512xf32> to vector<400x512xf32>
    %add3A_5 = arith.addf %get3A_1, %add3A : vector<400x512xf32>
    %eq3A = arith.constant 0 : i32
    %eq3A_6 = arith.cmpi eq, %arg0, %eq3A : i32
    %convert_element_type3A = arith.extui %eq3A_6 : i1 to i32
    %cond3A = arith.constant 0 : i32
    %cond3A_7 = arith.cmpi ne, %convert_element_type3A, %cond3A : i32
    scf.if %cond3A_7 {
      %swap3A_26 = arith.constant 0.000000e+00 : f32
      %swap3A_27 = arith.constant 0 : index
      %swap3A_28 = memref.load %arg3[%swap3A_27] : memref<2xf32, #tpu.memory_space<smem>>
      memref.store %swap3A_26, %arg3[%swap3A_27] : memref<2xf32, #tpu.memory_space<smem>>
      %swap3A_29 = arith.constant 0.000000e+00 : f32
      %swap3A_30 = arith.constant 1 : index
      %swap3A_31 = memref.load %arg3[%swap3A_30] : memref<2xf32, #tpu.memory_space<smem>>
      memref.store %swap3A_29, %arg3[%swap3A_30] : memref<2xf32, #tpu.memory_space<smem>>
    } else {
    }
    %get3A_8 = arith.constant 0 : index
    %get3A_9 = memref.load %arg3[%get3A_8] : memref<2xf32, #tpu.memory_space<smem>>
    %reduce_sum3A = vector.shape_cast %add3A_5 : vector<400x512xf32> to vector<1x400x512xf32>
    %reduce_sum3A_10 = arith.constant dense<0.000000e+00> : vector<1xf32>
    %reduce_sum3A_11 = vector.multi_reduction <add>, %reduce_sum3A, %reduce_sum3A_10 [1, 2] : vector<1x400x512xf32> to vector<1xf32>
    %reduce_sum3A_12 = vector.shape_cast %reduce_sum3A_11 : vector<1xf32> to vector<1x1x1xf32>
    %reduce_sum3A_13 = vector.extract %reduce_sum3A_12[0, 0, 0] : f32 from vector<1x1x1xf32>
    %add3A_14 = arith.addf %get3A_9, %reduce_sum3A_13 : f32
    %swap3A = arith.constant 0 : index
    %swap3A_15 = memref.load %arg3[%swap3A] : memref<2xf32, #tpu.memory_space<smem>>
    memref.store %add3A_14, %arg3[%swap3A] : memref<2xf32, #tpu.memory_space<smem>>
    %get3A_16 = arith.constant 1 : index
    %get3A_17 = memref.load %arg3[%get3A_16] : memref<2xf32, #tpu.memory_space<smem>>
    %mul3A = arith.mulf %add3A_5, %add3A_5 : vector<400x512xf32>
    %reduce_sum3A_18 = vector.shape_cast %mul3A : vector<400x512xf32> to vector<1x400x512xf32>
    %reduce_sum3A_19 = arith.constant dense<0.000000e+00> : vector<1xf32>
    %reduce_sum3A_20 = vector.multi_reduction <add>, %reduce_sum3A_18, %reduce_sum3A_19 [1, 2] : vector<1x400x512xf32> to vector<1xf32>
    %reduce_sum3A_21 = vector.shape_cast %reduce_sum3A_20 : vector<1xf32> to vector<1x1x1xf32>
    %reduce_sum3A_22 = vector.extract %reduce_sum3A_21[0, 0, 0] : f32 from vector<1x1x1xf32>
    %add3A_23 = arith.addf %get3A_17, %reduce_sum3A_22 : f32
    %swap3A_24 = arith.constant 1 : index
    %swap3A_25 = memref.load %arg3[%swap3A_24] : memref<2xf32, #tpu.memory_space<smem>>
    memref.store %add3A_23, %arg3[%swap3A_24] : memref<2xf32, #tpu.memory_space<smem>>
    return
  }
  func.func @transform_0(%arg0: i32) -> (i32, i32) {
    %c0_i32 = arith.constant 0 : i32
    %c0_i32_0 = arith.constant 0 : i32
    return %arg0, %c0_i32 : i32, i32
  }
  func.func @transform_1(%arg0: i32) -> (i32, i32) {
    %c0_i32 = arith.constant 0 : i32
    %c0_i32_0 = arith.constant 0 : i32
    %c0_i32_1 = arith.constant 0 : i32
    return %c0_i32, %c0_i32_0 : i32, i32
  }
  func.func @transform_2(%arg0: i32) -> i32 {
    %c0_i32 = arith.constant 0 : i32
    %c0_i32_0 = arith.constant 0 : i32
    return %c0_i32 : i32
  }
}

module attributes {stable_mosaic.version = 14 : i64} {
  func.func @_k6b_body(%arg0: i32, %arg1: memref<400x512xf32, #tpu.memory_space<vmem>>, %arg2: memref<1x512xf32, #tpu.memory_space<vmem>>, %arg3: memref<2xf32, #tpu.memory_space<smem>>, %arg4: memref<1x512xf32, #tpu.memory_space<vmem>>, %arg5: memref<1x512xf32, #tpu.memory_space<vmem>>, %arg6: memref<512x128xf32, #tpu.memory_space<vmem>>, %arg7: memref<1x128xf32, #tpu.memory_space<vmem>>, %arg8: memref<1x128xf32, #tpu.memory_space<vmem>>, %arg9: memref<1x128xf32, #tpu.memory_space<vmem>>, %arg10: memref<400x128xf32, #tpu.memory_space<vmem>>, %arg11: memref<400x128xf32, #tpu.memory_space<vmem>>) attributes {dimension_semantics = [#tpu.dimension_semantics<arbitrary>], iteration_bounds = array<i64: 25>, scalar_prefetch = 0 : i64, scratch_operands = 0 : i64, tpu.core_type = #tpu.core_type<tc>, window_params = [{transform_indices = @transform_0, window_bounds = array<i64: 400, 512>}, {pipeline_mode = #tpu.pipeline_mode<synchronous>, transform_indices = @transform_1, window_bounds = array<i64: 1, 512>}, {transform_indices = @transform_2, window_bounds = array<i64: 2>}, {pipeline_mode = #tpu.pipeline_mode<synchronous>, transform_indices = @transform_3, window_bounds = array<i64: 1, 512>}, {pipeline_mode = #tpu.pipeline_mode<synchronous>, transform_indices = @transform_4, window_bounds = array<i64: 1, 512>}, {pipeline_mode = #tpu.pipeline_mode<synchronous>, transform_indices = @transform_5, window_bounds = array<i64: 512, 128>}, {pipeline_mode = #tpu.pipeline_mode<synchronous>, transform_indices = @transform_6, window_bounds = array<i64: 1, 128>}, {pipeline_mode = #tpu.pipeline_mode<synchronous>, transform_indices = @transform_7, window_bounds = array<i64: 1, 128>}, {pipeline_mode = #tpu.pipeline_mode<synchronous>, transform_indices = @transform_8, window_bounds = array<i64: 1, 128>}, {transform_indices = @transform_9, window_bounds = array<i64: 400, 128>}, {transform_indices = @transform_10, window_bounds = array<i64: 400, 128>}]} {
    %get3A = arith.constant 0 : index
    %get3A_0 = memref.load %arg3[%get3A] : memref<2xf32, #tpu.memory_space<smem>>
    %div3A = arith.constant 5.120000e+06 : f32
    %div3A_1 = arith.divf %get3A_0, %div3A : f32
    %get3A_2 = arith.constant 1 : index
    %get3A_3 = memref.load %arg3[%get3A_2] : memref<2xf32, #tpu.memory_space<smem>>
    %div3A_4 = arith.constant 5.120000e+06 : f32
    %div3A_5 = arith.divf %get3A_3, %div3A_4 : f32
    %mul3A = arith.mulf %div3A_1, %div3A_1 : f32
    %sub3A = arith.subf %div3A_5, %mul3A : f32
    %max3A = arith.constant 0.000000e+00 : f32
    %max3A_6 = arith.maximumf %sub3A, %max3A : f32
    %sqrt3A = math.sqrt %max3A_6 : f32
    %add3A = arith.constant 9.99999974E-6 : f32
    %add3A_7 = arith.addf %sqrt3A, %add3A : f32
    %get3A_8 = arith.constant 0 : index
    %get3A_9 = arith.constant 0 : index
    %get3A_10 = vector.load %arg1[%get3A_8, %get3A_9] : memref<400x512xf32, #tpu.memory_space<vmem>>, vector<400x512xf32>
    %get3A_11 = arith.constant 0 : index
    %get3A_12 = arith.constant 0 : index
    %get3A_13 = vector.load %arg2[%get3A_11, %get3A_12] : memref<1x512xf32, #tpu.memory_space<vmem>>, vector<1x512xf32>
    %add3A_14 = vector.broadcast %get3A_13 : vector<1x512xf32> to vector<400x512xf32>
    %add3A_15 = arith.addf %get3A_10, %add3A_14 : vector<400x512xf32>
    %sub3A_16 = vector.broadcast %div3A_1 : f32 to vector<400x512xf32>
    %sub3A_17 = arith.subf %add3A_15, %sub3A_16 : vector<400x512xf32>
    %div3A_18 = vector.broadcast %add3A_7 : f32 to vector<400x512xf32>
    %div3A_19 = arith.divf %sub3A_17, %div3A_18 : vector<400x512xf32>
    %get3A_20 = arith.constant 0 : index
    %get3A_21 = arith.constant 0 : index
    %get3A_22 = vector.load %arg4[%get3A_20, %get3A_21] : memref<1x512xf32, #tpu.memory_space<vmem>>, vector<1x512xf32>
    %mul3A_23 = vector.broadcast %get3A_22 : vector<1x512xf32> to vector<400x512xf32>
    %mul3A_24 = arith.mulf %div3A_19, %mul3A_23 : vector<400x512xf32>
    %get3A_25 = arith.constant 0 : index
    %get3A_26 = arith.constant 0 : index
    %get3A_27 = vector.load %arg5[%get3A_25, %get3A_26] : memref<1x512xf32, #tpu.memory_space<vmem>>, vector<1x512xf32>
    %add3A_28 = vector.broadcast %get3A_27 : vector<1x512xf32> to vector<400x512xf32>
    %add3A_29 = arith.addf %mul3A_24, %add3A_28 : vector<400x512xf32>
    %max3A_30 = arith.constant 0.000000e+00 : f32
    %max3A_31 = vector.broadcast %max3A_30 : f32 to vector<400x512xf32>
    %max3A_32 = arith.maximumf %add3A_29, %max3A_31 : vector<400x512xf32>
    %get3A_33 = arith.constant 0 : index
    %get3A_34 = arith.constant 0 : index
    %get3A_35 = vector.load %arg6[%get3A_33, %get3A_34] : memref<512x128xf32, #tpu.memory_space<vmem>>, vector<512x128xf32>
    %dot_general3A = arith.constant dense<0.000000e+00> : vector<400x128xf32>
    %dot_general3A_36 = tpu.matmul %max3A_32, %get3A_35, %dot_general3A {dimension_numbers = #tpu.dot_dimension_numbers<[1], [0], [0], [1], [0, 0, 1, 1], [], []>, transpose_lhs_hint = false} : vector<400x512xf32>, vector<512x128xf32>, vector<400x128xf32> -> vector<400x128xf32>
    %get3A_37 = arith.constant 0 : index
    %get3A_38 = arith.constant 0 : index
    %get3A_39 = vector.load %arg7[%get3A_37, %get3A_38] : memref<1x128xf32, #tpu.memory_space<vmem>>, vector<1x128xf32>
    %add3A_40 = vector.broadcast %get3A_39 : vector<1x128xf32> to vector<400x128xf32>
    %add3A_41 = arith.addf %dot_general3A_36, %add3A_40 : vector<400x128xf32>
    %reduce_sum3A = arith.constant dense<0.000000e+00> : vector<400xf32>
    %reduce_sum3A_42 = vector.multi_reduction <add>, %add3A_41, %reduce_sum3A [1] : vector<400x128xf32> to vector<400xf32>
    %broadcast_in_dim3A = vector.shape_cast %reduce_sum3A_42 : vector<400xf32> to vector<400x1xf32>
    %div3A_43 = arith.constant 1.280000e+02 : f32
    %div3A_44 = vector.broadcast %div3A_43 : f32 to vector<400x1xf32>
    %div3A_45 = arith.divf %broadcast_in_dim3A, %div3A_44 : vector<400x1xf32>
    %sub3A_46 = vector.broadcast %div3A_45 : vector<400x1xf32> to vector<400x128xf32>
    %sub3A_47 = arith.subf %add3A_41, %sub3A_46 : vector<400x128xf32>
    %integer_pow3A = arith.mulf %sub3A_47, %sub3A_47 : vector<400x128xf32>
    %reduce_sum3A_48 = arith.constant dense<0.000000e+00> : vector<400xf32>
    %reduce_sum3A_49 = vector.multi_reduction <add>, %integer_pow3A, %reduce_sum3A_48 [1] : vector<400x128xf32> to vector<400xf32>
    %broadcast_in_dim3A_50 = vector.shape_cast %reduce_sum3A_49 : vector<400xf32> to vector<400x1xf32>
    %div3A_51 = arith.constant 1.280000e+02 : f32
    %div3A_52 = vector.broadcast %div3A_51 : f32 to vector<400x1xf32>
    %div3A_53 = arith.divf %broadcast_in_dim3A_50, %div3A_52 : vector<400x1xf32>
    %sub3A_54 = vector.broadcast %div3A_45 : vector<400x1xf32> to vector<400x128xf32>
    %sub3A_55 = arith.subf %add3A_41, %sub3A_54 : vector<400x128xf32>
    %add3A_56 = arith.constant 9.99999974E-6 : f32
    %add3A_57 = vector.broadcast %add3A_56 : f32 to vector<400x1xf32>
    %add3A_58 = arith.addf %div3A_53, %add3A_57 : vector<400x1xf32>
    %rsqrt3A = math.rsqrt %add3A_58 : vector<400x1xf32>
    %mul3A_59 = vector.broadcast %rsqrt3A : vector<400x1xf32> to vector<400x128xf32>
    %mul3A_60 = arith.mulf %sub3A_55, %mul3A_59 : vector<400x128xf32>
    %get3A_61 = arith.constant 0 : index
    %get3A_62 = arith.constant 0 : index
    %get3A_63 = vector.load %arg8[%get3A_61, %get3A_62] : memref<1x128xf32, #tpu.memory_space<vmem>>, vector<1x128xf32>
    %mul3A_64 = vector.broadcast %get3A_63 : vector<1x128xf32> to vector<400x128xf32>
    %mul3A_65 = arith.mulf %mul3A_60, %mul3A_64 : vector<400x128xf32>
    %get3A_66 = arith.constant 0 : index
    %get3A_67 = arith.constant 0 : index
    %get3A_68 = vector.load %arg9[%get3A_66, %get3A_67] : memref<1x128xf32, #tpu.memory_space<vmem>>, vector<1x128xf32>
    %add3A_69 = vector.broadcast %get3A_68 : vector<1x128xf32> to vector<400x128xf32>
    %add3A_70 = arith.addf %mul3A_65, %add3A_69 : vector<400x128xf32>
    %get3A_71 = arith.constant 0 : index
    %get3A_72 = arith.constant 0 : index
    %get3A_73 = vector.load %arg10[%get3A_71, %get3A_72] : memref<400x128xf32, #tpu.memory_space<vmem>>, vector<400x128xf32>
    %max3A_74 = arith.constant 0.000000e+00 : f32
    %max3A_75 = vector.broadcast %max3A_74 : f32 to vector<400x128xf32>
    %max3A_76 = arith.maximumf %add3A_70, %max3A_75 : vector<400x128xf32>
    %max3A_77 = arith.maximumf %get3A_73, %max3A_76 : vector<400x128xf32>
    %swap3A = arith.constant 0 : index
    %swap3A_78 = arith.constant 0 : index
    %swap3A_79 = vector.load %arg11[%swap3A, %swap3A_78] : memref<400x128xf32, #tpu.memory_space<vmem>>, vector<400x128xf32>
    tpu.vector_store %arg11[%swap3A, %swap3A_78], %max3A_77 {strides = array<i32>} : memref<400x128xf32, #tpu.memory_space<vmem>>, vector<400x128xf32>,
    return
  }
  func.func @transform_0(%arg0: i32) -> (i32, i32) {
    %c0_i32 = arith.constant 0 : i32
    %c0_i32_0 = arith.constant 0 : i32
    return %arg0, %c0_i32 : i32, i32
  }
  func.func @transform_1(%arg0: i32) -> (i32, i32) {
    %c0_i32 = arith.constant 0 : i32
    %c0_i32_0 = arith.constant 0 : i32
    %c0_i32_1 = arith.constant 0 : i32
    return %c0_i32, %c0_i32_0 : i32, i32
  }
  func.func @transform_2(%arg0: i32) -> i32 {
    %c0_i32 = arith.constant 0 : i32
    %c0_i32_0 = arith.constant 0 : i32
    return %c0_i32 : i32
  }
  func.func @transform_3(%arg0: i32) -> (i32, i32) {
    %c0_i32 = arith.constant 0 : i32
    %c0_i32_0 = arith.constant 0 : i32
    %c0_i32_1 = arith.constant 0 : i32
    return %c0_i32, %c0_i32_0 : i32, i32
  }
  func.func @transform_4(%arg0: i32) -> (i32, i32) {
    %c0_i32 = arith.constant 0 : i32
    %c0_i32_0 = arith.constant 0 : i32
    %c0_i32_1 = arith.constant 0 : i32
    return %c0_i32, %c0_i32_0 : i32, i32
  }
  func.func @transform_5(%arg0: i32) -> (i32, i32) {
    %c0_i32 = arith.constant 0 : i32
    %c0_i32_0 = arith.constant 0 : i32
    %c0_i32_1 = arith.constant 0 : i32
    return %c0_i32, %c0_i32_0 : i32, i32
  }
  func.func @transform_6(%arg0: i32) -> (i32, i32) {
    %c0_i32 = arith.constant 0 : i32
    %c0_i32_0 = arith.constant 0 : i32
    %c0_i32_1 = arith.constant 0 : i32
    return %c0_i32, %c0_i32_0 : i32, i32
  }
  func.func @transform_7(%arg0: i32) -> (i32, i32) {
    %c0_i32 = arith.constant 0 : i32
    %c0_i32_0 = arith.constant 0 : i32
    %c0_i32_1 = arith.constant 0 : i32
    return %c0_i32, %c0_i32_0 : i32, i32
  }
  func.func @transform_8(%arg0: i32) -> (i32, i32) {
    %c0_i32 = arith.constant 0 : i32
    %c0_i32_0 = arith.constant 0 : i32
    %c0_i32_1 = arith.constant 0 : i32
    return %c0_i32, %c0_i32_0 : i32, i32
  }
  func.func @transform_9(%arg0: i32) -> (i32, i32) {
    %c0_i32 = arith.constant 0 : i32
    %c0_i32_0 = arith.constant 0 : i32
    return %arg0, %c0_i32 : i32, i32
  }
  func.func @transform_10(%arg0: i32) -> (i32, i32) {
    %c0_i32 = arith.constant 0 : i32
    %c0_i32_0 = arith.constant 0 : i32
    return %arg0, %c0_i32 : i32, i32
  }
}

</mosaic_0001>

<sc_bundles>
// kernel: kernel.12.cloned.1.call-start
scs
__scs_entry_jumppad:
0x0: {  	(pc) =	sbr.rel $0x88, $3  }
0x1: {  	(tag) =	ssettag $0x0;
	lr =	simm.s32 $0x1  }
0x2: {  	[smem:$0x3F8D] =	sst lr;
	_ =	strace $0xD0000000  }
0x3: {  	_ = 	snop  }
0x4: {  	_ = 	snop  }
0x5: {  	_ = 	snop  }
0x6: {  	_ = 	snop  }
0x7: {  	_ = 	snop  }
__scs_overlays_trampoline_lowered:
0x8: {  	[smem:$0x3F9C] =	sst s0  }
0x9: {  	[smem:$0x3F9D] =	sst s1  }
0xa: {  	[smem:$0x3F9E] =	sst s2  }
0xb: {  	[smem:$0x3F9F] =	sst s3  }
0xc: {  	[smem:$0x3FA0] =	sst s4  }
0xd: {  	[smem:$0x3FA1] =	sst s5  }
0xe: {  	[smem:$0x3FA2] =	sst s6  }
0xf: {  	[smem:$0x3FA3] =	sst s7  }
0x10: {  	[smem:$0x3FA4] =	sst s8  }
0x11: {  	[smem:$0x3FA5] =	sst s9;
	s0 =	simm.s32 @!p0 $0x0  }
0x12: {  	s1 =	sld [smem:$0x3F8B];
	s0 =	simm.s32 @p0 $0x1  }
0x13: {  	[smem:$0x3FA6] =	sst s0;
	s0 =	simm.s32 @!p1 $0x0  }
0x14: {  	s2 =	sld [smem:$0x3F8A];
	s0 =	simm.s32 @p1 $0x1  }
0x15: {  	[smem:$0x3FA7] =	sst s0;
	s0 =	simm.s32 @!p2 $0x0  }
0x16: {  	s3 =	sld [smem:$0x3FDB];
	s0 =	simm.s32 @p2 $0x1  }
0x17: {  	s4 =	simm.s32 $0x1BF5;
	[smem:$0x3FA9] =	sst s0  }
0x18: {  	s0 =	sld [smem:$0x3F8C];
	_ =	swait.ge [sflag:s4], $0x0  }
0x19: {  	s7 =	sld [smem:$0x3F8D]  }
0x1a: {  	s8 =	sadd.s32 $0xFFFFE003, lr  }
0x1b: {  	s9 =	sadd.s32 $0xFFFFFEF7, lr;
	s5 =	simm.s32 $0xFFFFFFFF;
	p2 =	slt.u32 s8, $0xFFFFF086  }
0x1c: {  	p1 =	slt.u32 s9, $0xF7A;
	s5 =	simm.s32 @!p2 $0x0  }
0x1d: {  	s5 =	simm.s32 @p1 $0x1;
	p0 =	seq.s32 s7, s2  }
0x1e: {  	s7 =	smul.u32 @!p0 $0xF7A, s2;
	p2 =	seq.s32 @!p0 s5, $0x0  }
0x1f: {  	s9 =	smul.u32 $0xF7A, s1;
	s8 =	simm.s32 @!p0 $0x1BF5;
	p2 =	por !p2, p0  }
0x20: {  	[sflag:s8] =	ssyncset.s32 @!p0 $0xFFFFF086;
	s6 =	sadd.s32 @!p0 s3, s7;
	s7 =	simm.s32 @!p0 $0x108  }
0x21: {  	s3 =	sadd.s32 s3, s9;
	s6 =	sadd.s32 @!p0 $0x88, s6;
	s7 =	simm.s32 @p2 $0x1082  }
0x22: {  	[simem:s7], [sflag:s8] =	dma.local @!p0 [hbm:s6], $0xF7A  }
0x23: {  	s9 =	sor.u32 $0xD0000000, s2;
	s6 =	simm.s32 $0x108;
	_ =	swait.ge @!p0 [sflag:s8], $0x0  }
0x24: {  	s3 =	sadd.s32 $0x88, s3;
	s6 =	simm.s32 @!p1 $0x1082;
	[sflag:s4] =	ssyncset.s32 $0xFFFFF086  }
0x25: {  	[simem:s6], [sflag:s4] =	dma.local [hbm:s3], $0xF7A  }
0x26: {  	[smem:$0x3F8D] =	sst s1;
	(tag) =	ssettag s2;
	_ =	strace s9  }
0x27: {  	s1 =	sld [smem:$0x3F9D]  }
0x28: {  	s2 =	sld [smem:$0x3F9E]  }
0x29: {  	s4 =	sld [smem:$0x3FA0]  }
0x2a: {  	p0 =	seq.s32 s5, $0x0;
	s5 =	sld [smem:$0x3FA1]  }
0x2b: {  	s6 =	sld [smem:$0x3FA2]  }
0x2c: {  	s7 =	sld [smem:$0x3FA3]  }
0x2d: {  	s3 =	simm.s32 $0x108;
	s8 =	sld [smem:$0x3FA4]  }
0x2e: {  	s3 =	simm.s32 @!p0 $0x1082;
	s9 =	sld [smem:$0x3FA5]  }
0x2f: {  	lr =	sadd.s32 s0, s3;
	s0 =	sld [smem:$0x3F9C]  }
0x30: {  	s3 =	sld [smem:$0x3F9F]  }
0x31: {  	[smem:$0x3FA8] =	sst s10  }
0x32: {  	s10 =	sld [smem:$0x3FA6];
	_ =	sdelay $0x3  }
0x33: {  	p0 =	seq.s32 s10, $0x1;
	s10 =	sld [smem:$0x3FA8];
	_ =	sdelay $0x3  }
0x34: {  	[smem:$0x3FA8] =	sst s10  }
0x35: {  	s10 =	sld [smem:$0x3FA7];
	_ =	sdelay $0x3  }
0x36: {  	p1 =	seq.s32 s10, $0x1;
	s10 =	sld [smem:$0x3FA8];
	_ =	sdelay $0x3  }
0x37: {  	[smem:$0x3FA8] =	sst s10  }
0x38: {  	s10 =	sld [smem:$0x3FA9]  }
0x39: {  	_ = 	snop;
	(pc) =	sbr.ind lr, $3  }
0x3a: {  	_ = 	snop  }
0x3b: {  	_ = 	snop  }
0x3c: {  	p2 =	seq.s32 s10, $0x1;
	s10 =	sld [smem:$0x3FA8]  }
0x3d: {  	_ =	shalt  }
0x3e: {  	_ =	shalt  }
0x3f: {  	_ =	shalt  }
0x40: {  	_ =	shalt  }
0x41: {  	_ =	shalt  }
0x42: {  	_ =	shalt  }
0x43: {  	_ =	shalt  }
0x44: {  	_ =	shalt  }
0x45: {  	_ =	shalt  }
0x46: {  	_ =	shalt  }
0x47: {  	_ =	shalt  }
0x48: {  	_ =	shalt  }
0x49: {  	_ =	shalt  }
0x4a: {  	_ =	shalt  }
0x4b: {  	_ =	shalt  }
0x4c: {  	_ =	shalt  }
0x4d: {  	_ =	shalt  }
0x4e: {  	_ =	shalt  }
0x4f: {  	_ =	shalt  }
0x50: {  	_ =	shalt  }
0x51: {  	_ =	shalt  }
0x52: {  	_ =	shalt  }
0x53: {  	_ =	shalt  }
0x54: {  	_ =	shalt  }
0x55: {  	_ =	shalt  }
0x56: {  	_ =	shalt  }
0x57: {  	_ =	shalt  }
0x58: {  	_ =	shalt  }
0x59: {  	_ =	shalt  }
0x5a: {  	_ =	shalt  }
0x5b: {  	_ =	shalt  }
0x5c: {  	_ =	shalt  }
0x5d: {  	_ =	shalt  }
0x5e: {  	_ =	shalt  }
0x5f: {  	_ =	shalt  }
0x60: {  	_ =	shalt  }
0x61: {  	_ =	shalt  }
0x62: {  	_ =	shalt  }
0x63: {  	_ =	shalt  }
0x64: {  	_ =	shalt  }
0x65: {  	_ =	shalt  }
0x66: {  	_ =	shalt  }
0x67: {  	_ =	shalt  }
0x68: {  	_ =	shalt  }
0x69: {  	_ =	shalt  }
0x6a: {  	_ =	shalt  }
0x6b: {  	_ =	shalt  }
0x6c: {  	_ =	shalt  }
0x6d: {  	_ =	shalt  }
0x6e: {  	_ =	shalt  }
0x6f: {  	_ =	shalt  }
0x70: {  	_ =	shalt  }
0x71: {  	_ =	shalt  }
0x72: {  	_ =	shalt  }
0x73: {  	_ =	shalt  }
0x74: {  	_ =	shalt  }
0x75: {  	_ =	shalt  }
0x76: {  	_ =	shalt  }
0x77: {  	_ =	shalt  }
0x78: {  	_ =	shalt  }
0x79: {  	_ =	shalt  }
0x7a: {  	_ =	shalt  }
0x7b: {  	_ =	shalt  }
0x7c: {  	_ =	shalt  }
0x7d: {  	_ =	shalt  }
0x7e: {  	_ =	shalt  }
0x7f: {  	_ =	shalt  }
0x80: {  	_ =	shalt  }
0x81: {  	_ =	shalt  }
0x82: {  	_ =	shalt  }
0x83: {  	_ =	shalt  }
0x84: {  	_ =	shalt  }
0x85: {  	_ =	shalt  }
0x86: {  	_ =	shalt  }
0x87: {  	_ =	shalt  }
.Lfunc_end0:
.L_simem_size_0:
called_computation.1_lowered:
.L_overlay_start_0:
0x88: {  	s2 =	sld [smem:$0x3FD9]  }
0x89: {  	s3 =	sld [smem:$0x3FFE];
	_ =	sdelay $0x1  }
0x8a: {  	s1 =	srdreg.scid  }
0x8b: {  	s0 =	sand.u32 $0x1, s1  }
0x8c: {  	s16 =	sshll.u32 s0, $0xA;
	s2 =	sadd.s32 s3, s2  }
0x8d: {  	s2 =	sadd.s32 s2, s16  }
0x8e: {  	[smem:$0x3FB4] =	sst s2  }
0x8f: {  	_ = 	snop  }
0x90: {  	(tm) =	ssettm $0x1  }
0x91: {  	s17 =	sld [smem:$0x3FFB];
	_ =	sdelay $0x3  }
0x92: {  	_ =	strace s17  }
0x93: {  	s2 =	sld [smem:$0x3FFC];
	_ =	sdelay $0x3  }
0x94: {  	_ =	strace s2  }
0x95: {  	s2 =	sld [smem:$0x3FFD];
	_ =	sdelay $0x3  }
0x96: {  	_ =	strace s2  }
0x97: {  	_ =	strace $0x8FFFFFFF  }
0x98: {  	s18 =	sld [smem:$0x3FDB];
	_ =	sdelay $0x1  }
0x99: {  	s19 =	simm.s32 $_scs_section_size  }
0x9a: {  	s4 =	simm.s32 $_size__tile_overlayer_lowered;
	s5 =	simm.s32 $_tile_overlayer_lowered  }
0x9b: {  	s22 =	simm.s32 $0x1BFF;
	s21 =	sshll.u32 s5, $0x1;
	s2 =	sadd.s32 s19, s18  }
0x9c: {  	s6 =	simm.s32 $0x0;
	s20 =	sshll.u32 s4, $0x1;
	s4 =	sadd.s32 s21, s2  }
0x9d: {  	[timem:s6], [sflag:s22] =	dma.local [hbm:s4], s20  }
0x9e: {  	_ =	swait.ge [sflag:s22], s20  }
0x9f: {  	s3 =	ssub.s32 $0x0, s20;
	[sflag:s22] =	ssyncset.done $0x0  }
0xa0: {  	[sflag:s22] =	ssyncadd.s32 s3;
	_ =	sdelay $0x1  }
0xa1: {  	s23 =	simm.s32 $0x1B8B  }
0xa2: {  	_ =	swait.ge [sflag:s23], $0x1  }
0xa3: {  	[sflag:s23] =	ssyncset.done $0x0  }
0xa4: {  	s25 =	simm.s32 $0x1B8E;
	s24 =	sld [smem:$0x3FFE];
	[sflag:s23] =	ssyncadd.s32 $0xFFFFFFFF  }
0xa5: {  	s26 =	simm.s32 $execute0_lowered;
	[smem:$0x3FD2] =	sst s25  }
0xa6: {  	s4 =	sshll.u32 s26, $0x1;
	_ =	strace $0x80000049;
	[dreg:$0x1] =	wrdreg $0xFFFFFFFF  }
0xa7: {  	s28 =	simm.s32 $_size_execute0_lowered;
	s2 =	sadd.s32 s2, s4;
	[dreg:$0x0] =	wrdreg $0x0  }
0xa8: {  	s4 =	sshll.u32 s28, $0x1;
	[dreg:$0x2] =	wrdreg s2  }
0xa9: {  	[dreg:$0x3] =	wrdreg s4  }
0xaa: {  	[dreg:$0x4] =	wrdreg $0xC0  }
0xab: {  	_ =	task [dreg:s6], $0x5FFFF  }
0xac: {  	[dreg:$0x1] =	wrdreg $0xFFFFFFFF  }
0xad: {  	[dreg:$0x0] =	wrdreg $0x60  }
0xae: {  	[dreg:$0x2] =	wrdreg s24  }
0xaf: {  	[dreg:$0x3] =	wrdreg $0xE1000  }
0xb0: {  	[dreg:$0x4] =	wrdreg $0x9  }
0xb1: {  	_ =	task.clear_ibuf [dreg:s6], $0x5FFFF;
	_ =	strace $0x90000049  }
0xb2: {  	s29 =	simm.s32 $0x9;
	_ =	strace $0x8000004B  }
0xb3: {  	_ =	swait.ge [sflag:s29], $0x1  }
0xb4: {  	[sflag:s29] =	ssyncadd.s32 $0xFFFFFFFF  }
0xb5: {  	_ =	strace $0x9000004B  }
0xb6: {  	_ =	sfence  }
0xb7: {  	s30 =	sld [smem:$0x0];
	_ =	sdelay $0x2  }
0xb8: {  	s31 =	sshll.u32 s1, $0xD;
	s1 =	sshrl.u32 s1, $0x2  }
0xb9: {  	s3 =	sand.u32 $0x4000, s31;
	s1 =	sadd.s32 s1, s30  }
0xba: {  	s0 =	sor.u32 s3, s0;
	s1 =	sshll.u32 s1, $0x11  }
0xbb: {  	s0 =	sor.u32 s1, s0  }
0xbc: {  	s0 =	sadd.s32 $0x8F2B, s0  }
0xbd: {  	[sflag:s0] =	ssyncadd.remote.s32 $0x1  }
0xbe: {  	_ =	sfence.sel $0xFFFF  }
0xbf: {  	[dreg:$0x0] =	wrdreg $0xFFFFFFFF;
	(pc) =	sbr.abs _section_cstart, $3  }
0xc0: {  	[dreg:$0x1] =	wrdreg $0xFFFFFFFF  }
0xc1: {  	_ =	task.clear_ibuf [dreg:s6], $0x2FFFF;
	_ =	strace $0x9FFFFFFF  }
0xc2: {  	(tm) =	ssettm $0x7FFFFFFF  }
0xc3: {  	_ =	shalt  }
tec
execute0_lowered:
.L_overlay_start_1:
0x0: {  	(tag) =	ssettag $0x1  }
0x1: {  	s0 =	srdreg.scid;
	s5 =	rddreg [dreg:$0x0]  }
0x2: {  	s12 =	stileid.u32;
	s9 =	rddreg [dreg:$0x1];
	s3 =	simm.s32 $0x0  }
0x3: {  	s0 =	sand.u32 $0x1, s0;
	s1 =	sshll.u32 s12, $0x1;
	s8 =	smul.u32 $0xA00, s12  }
0x4: {  	[smem:$0x7FF] =	sst s3;
	s10 =	sshrl.u32 s12, $0x3;
	s6 =	smul.u32 $0xA000, s0  }
0x5: {  	s1 =	sor.u32 s0, s1;
	_ =	strace $0x8000004A;
	s10 =	smul.u32 $0x140000, s10  }
0x6: {  	s0 =	ssub.s32 $0x2, s0;
	s2 =	smul.u32 $0x2900, s1;
	s1 =	sadd.s32 s8, s6  }
0x7: {  	s8 =	sshrl.u32 s0, $0x1;
	s6 =	sadd.s32 $0x18610, s5;
	s10 =	sshrl.u32 s10, $0x2  }
0x8: {  	s4 =	sshrl.u32 s2, $0x3;
	s1 =	sshrl.u32 s1, $0x3;
	s0 =	ssub.s32 s0, s8  }
0x9: {  	s8 =	sadd.s32 $0x18630, s5;
	s10 =	sadd.s32 s10, s9;
	s7 =	sadd.s32 s4, s5  }
0xa: {  	s4 =	sadd.s32 $0x18600, s5;
	s1 =	sadd.s32 s1, s5;
	s11 =	sadd.s32 $0x3E00, s7  }
0xb: {  	s0 =	smax.u32 s0, $0x1;
	[dreg:$0x3] =	wrdreg s11;
	s11 =	smul.u32 $0x14000, s12  }
0xc: {  	s7 =	sadd.s32 $0x18620, s5;
	s1 =	sadd.s32 $0x6A600, s1;
	s12 =	sshll.u32 s12, $0x7  }
0xd: {  	[dreg:$0x13] =	wrdreg s0;
	s5 =	sand.u32 $0x380, s12;
	s11 =	sshrl.u32 s11, $0x2  }
0xe: {  	[dreg:$0x12] =	wrdreg s1;
	s5 =	sadd.s32 s5, s10;
	s9 =	sadd.s32 s11, s9  }
0xf: {  	[dreg:$0x4] =	wrdreg s5;
	s13 =	sadd.s32 $0x80, s9  }
0x10: {  	s14 =	sadd.s32 $0x100, s9;
	[dreg:$0x5] =	wrdreg s13  }
0x11: {  	s15 =	sadd.s32 $0x180, s9;
	[dreg:$0x6] =	wrdreg s14  }
0x12: {  	s16 =	sadd.s32 $0x200, s9;
	[dreg:$0x7] =	wrdreg s15  }
0x13: {  	s30 =	simm.s32 $0x1;
	s17 =	sadd.s32 $0x280, s9;
	[dreg:$0x8] =	wrdreg s16  }
0x14: {  	s31 =	simm.s32 $0xC900;
	s18 =	sadd.s32 $0x300, s9;
	[dreg:$0x9] =	wrdreg s17  }
0x15: {  	s29 =	simm.s32 $0xCB80;
	s19 =	sadd.s32 $0x380, s9;
	[dreg:$0xa] =	wrdreg s18  }
0x16: {  	s0 =	simm.s32 $0xC980;
	s20 =	sadd.s32 $0x50000, s9;
	[dreg:$0xb] =	wrdreg s19  }
0x17: {  	s1 =	simm.s32 $0xCB00;
	s21 =	sadd.s32 $0x50080, s9;
	[dreg:$0xc] =	wrdreg s20  }
0x18: {  	s12 =	simm.s32 $0xCC80;
	s22 =	sadd.s32 $0x50100, s9;
	[dreg:$0xd] =	wrdreg s21  }
0x19: {  	s10 =	simm.s32 $0xCC00;
	s23 =	sadd.s32 $0x50180, s9;
	[dreg:$0xe] =	wrdreg s22  }
0x1a: {  	s5 =	simm.s32 $0xCA00;
	s24 =	sadd.s32 $0x50200, s9;
	[dreg:$0xf] =	wrdreg s23  }
0x1b: {  	s11 =	simm.s32 $0xCA80;
	s25 =	sadd.s32 $0x50280, s9;
	[dreg:$0x10] =	wrdreg s24  }
0x1c: {  	s26 =	sadd.s32 $0x50300, s9;
	s28 =	sadd.s32 $0x50380, s9;
	[dreg:$0x11] =	wrdreg s25  }
0x1d: {  	[dreg:$0x14] =	wrdreg s26;
	s13 =	simm.s32 $0x80;
	s14 =	simm.s32 $0x400  }
0x1e: {  	v0 =	vimm.f32 $0.0e+00;
	s15 =	simm.s32 $0xCD00;
	s16 =	simm.s32 $0xD700;
	s17 =	simm.s32 $0x0  }
.LBB2_1:
0x1f: {  	s18 =	rddreg [dreg:$0x3];
	s19 =	simm.s32 $0xA000  }
0x20: {  	[tilespmem:s19], [sflag:$0x1] =	stream.linear.gather [hbm4b:s18+s3], $0x2900, $0x38;
	[tilespmem:$0x18100] =	vst v63  }
0x21: {  	_ =	swait.ge [sflag:s30], $0x2900  }
0x22: {  	[sflag:s30] =	ssyncset.done $0x0  }
0x23: {  	s18 =	simm.s32 $0x40;
	s19 =	simm.s32 $0x0;
	[sflag:s30] =	ssyncadd.s32 $0xFFFFD700  }
.LBB2_2:
0x24: {  	p0 =	sne.s32 s18, $0x27FC0;
	[tilespmem:s19+$0x0] =	vst v0;
	s19 =	smov.u32 s18;
	s18 =	sadd.s32 $0x40, s18  }
.Ltmp0:
0x25: {  	(pc) =	sbr.rel @p0 .LBB2_2-.Ltmp0, $2  }
0x26: {  	_ =	sdelay $0x2  }
0x27: {  	s19 =	sshra.s32 s19, $0x2  }
0x28: {  	[tilespmem:s19+$0x0] =	vst v0;
	s18 =	simm.s32 $0x0;
	s19 =	simm.s32 $0x0  }
.LBB2_4:
0x29: {  	s20 =	sshll.u32 s19, $0x8  }
0x2a: {  	s21 =	sadd.s32 s2, s20  }
0x2b: {  	s22 =	sadd.s32 s4, s21  }
0x2c: {  	[tilespmem:s31], [sflag:$0x1] =	stream.linear.gather [hbm4b:s22+s18], $0x80, $0x38;
	[tilespmem:$0x18100] =	vst v63  }
0x2d: {  	s22 =	sadd.s32 $0x80, s22  }
0x2e: {  	[tilespmem:s1], [sflag:$0x1] =	stream.linear.gather [hbm4b:s22+s18], $0x80, $0x38;
	[tilespmem:$0x18100] =	vst v63  }
0x2f: {  	_ =	swait.ge [sflag:s30], $0x100  }
0x30: {  	[sflag:s30] =	ssyncset.done $0x0  }
0x31: {  	s26 =	sadd.s32 s21, s6;
	[sflag:s30] =	ssyncadd.s32 $0xFFFFFF00  }
0x32: {  	[tilespmem:s0], [sflag:$0x1] =	stream.linear.gather [hbm4b:s26+s18], $0x80, $0x38;
	[tilespmem:$0x18100] =	vst v63  }
0x33: {  	s22 =	sadd.s32 $0x80, s26  }
0x34: {  	[tilespmem:s29], [sflag:$0x1] =	stream.linear.gather [hbm4b:s22+s18], $0x80, $0x38;
	[tilespmem:$0x18100] =	vst v63  }
0x35: {  	_ =	swait.ge [sflag:s30], $0x100  }
0x36: {  	[sflag:s30] =	ssyncset.done $0x0  }
0x37: {  	s23 =	sadd.s32 s21, s7;
	[sflag:s30] =	ssyncadd.s32 $0xFFFFFF00  }
0x38: {  	[tilespmem:s5], [sflag:$0x1] =	stream.linear.gather [hbm4b:s23+s18], $0x80, $0x38;
	[tilespmem:$0x18100] =	vst v63  }
0x39: {  	s22 =	sadd.s32 $0x80, s23  }
0x3a: {  	[tilespmem:s10], [sflag:$0x1] =	stream.linear.gather [hbm4b:s22+s18], $0x80, $0x38;
	[tilespmem:$0x18100] =	vst v63  }
0x3b: {  	_ =	swait.ge [sflag:s30], $0x100  }
0x3c: {  	[sflag:s30] =	ssyncset.done $0x0  }
0x3d: {  	s21 =	sadd.s32 s21, s8;
	[sflag:s30] =	ssyncadd.s32 $0xFFFFFF00  }
0x3e: {  	[tilespmem:s11], [sflag:$0x1] =	stream.linear.gather [hbm4b:s21+s18], $0x80, $0x38;
	[tilespmem:$0x18100] =	vst v63  }
0x3f: {  	s21 =	sadd.s32 $0x80, s21  }
0x40: {  	[tilespmem:s12], [sflag:$0x1] =	stream.linear.gather [hbm4b:s21+s18], $0x80, $0x38;
	[tilespmem:$0x18100] =	vst v63  }
0x41: {  	s24 =	sand.u32 $0x80, s18;
	s20 =	sadd.s32 $0xA000, s20;
	_ =	swait.ge [sflag:s30], $0x100  }
0x42: {  	s25 =	sand.u32 $0x70, s18;
	s21 =	sadd.s32 s24, s20;
	[sflag:s30] =	ssyncset.done $0x0  }
0x43: {  	s21 =	sadd.s32 s25, s21;
	[sflag:s30] =	ssyncadd.s32 $0xFFFFFF00  }
0x44: {  	v2 =	vld [tilespmem:s21+$0x0]  }
0x45: {  	s26 =	sand.u32 $0x200, s18  }
0x46: {  	s21 =	sor.u32 s25, s26  }
0x47: {  	v1 =	vld [tilespmem:s21+$0xC900];
	_ =	sdelay $0x4  }
0x48: {  	[tilespmem:v2+s3+$0x0] =	vst.idx.add.f32.msk $0xffff, v1  }
0x49: {  	v3 =	vadd.s32 $0x2800, v2;
	v1 =	vld [tilespmem:s21+$0xC980];
	_ =	sdelay $0x4  }
0x4a: {  	[tilespmem:v3+s3+$0x0] =	vst.idx.add.f32.msk $0xffff, v1  }
0x4b: {  	v3 =	vadd.s32 $0x5000, v2;
	v1 =	vld [tilespmem:s21+$0xCA00];
	_ =	sdelay $0x4  }
0x4c: {  	[tilespmem:v3+s3+$0x0] =	vst.idx.add.f32.msk $0xffff, v1  }
0x4d: {  	v2 =	vadd.s32 $0x7800, v2;
	v1 =	vld [tilespmem:s21+$0xCA80];
	_ =	sdelay $0x1  }
0x4e: {  	s22 =	simm.s32 $0x10  }
0x4f: {  	s23 =	simm.s32 $0x20;
	s24 =	sand.u32 $0x80, s22;
	s21 =	simm.s32 $0x40  }
.LBB2_5:
0x50: {  	p0 =	sne.s32 s23, $0xF0;
	s25 =	sand.u32 $0x70, s22;
	s22 =	sadd.s32 s24, s20  }
0x51: {  	s26 =	sand.u32 $0x200, s21;
	s24 =	sadd.s32 s25, s22;
	[tilespmem:v2+s3+$0x0] =	vst.idx.add.f32.msk $0xffff, v1;
	s22 =	smov.u32 s23  }
0x52: {  	v2 =	vld [tilespmem:s24+$0x0];
	s24 =	sor.u32 s25, s26  }
0x53: {  	v1 =	vld [tilespmem:s24+$0xC900];
	_ =	sdelay $0x6  }
0x54: {  	[tilespmem:v2+s3+$0x0] =	vst.idx.add.f32.msk $0xffff, v1  }
0x55: {  	v3 =	vadd.s32 $0x2800, v2;
	v1 =	vld [tilespmem:s24+$0xC980];
	_ =	sdelay $0x4  }
0x56: {  	[tilespmem:v3+s3+$0x0] =	vst.idx.add.f32.msk $0xffff, v1  }
0x57: {  	v3 =	vadd.s32 $0x5000, v2;
	v1 =	vld [tilespmem:s24+$0xCA00];
	_ =	sdelay $0x4  }
.Ltmp1:
0x58: {  	[tilespmem:v3+s3+$0x0] =	vst.idx.add.f32.msk $0xffff, v1;
	(pc) =	sbr.rel @p0 .LBB2_5-.Ltmp1, $2  }
0x59: {  	v2 =	vadd.s32 $0x7800, v2;
	v1 =	vld [tilespmem:s24+$0xCA80];
	_ =	sdelay $0x2  }
0x5a: {  	s21 =	sadd.s32 $0x40, s21;
	s23 =	sadd.s32 $0x10, s23;
	s24 =	sand.u32 $0x80, s22  }
0x5b: {  	_ =	sdelay $0x2  }
0x5c: {  	s22 =	sand.u32 $0x70, s22;
	s20 =	sadd.s32 s24, s20  }
0x5d: {  	s20 =	sadd.s32 s22, s20;
	[tilespmem:v2+s3+$0x0] =	vst.idx.add.f32.msk $0xffff, v1  }
0x5e: {  	v1 =	vld [tilespmem:s20+$0x0]  }
0x5f: {  	s26 =	sand.u32 $0x200, s21  }
0x60: {  	s20 =	sor.u32 s22, s26  }
0x61: {  	v2 =	vld [tilespmem:s20+$0xC900];
	_ =	sdelay $0x4  }
0x62: {  	[tilespmem:v1+s3+$0x0] =	vst.idx.add.f32.msk $0xffff, v2  }
0x63: {  	v3 =	vadd.s32 $0x2800, v1;
	v2 =	vld [tilespmem:s20+$0xC980];
	_ =	sdelay $0x4  }
0x64: {  	[tilespmem:v3+s3+$0x0] =	vst.idx.add.f32.msk $0xffff, v2  }
0x65: {  	v3 =	vadd.s32 $0x5000, v1;
	v2 =	vld [tilespmem:s20+$0xCA00];
	_ =	sdelay $0x4  }
0x66: {  	s19 =	sadd.s32 $0x1, s19;
	[tilespmem:v3+s3+$0x0] =	vst.idx.add.f32.msk $0xffff, v2  }
0x67: {  	p0 =	sne.s32 s19, $0x29;
	v1 =	vadd.s32 $0x7800, v1;
	v2 =	vld [tilespmem:s20+$0xCA80]  }
.Ltmp2:
0x68: {  	_ = 	snop;
	(pc) =	sbr.rel @p0 .LBB2_4-.Ltmp2, $2  }
0x69: {  	_ =	sdelay $0x2  }
0x6a: {  	[tilespmem:v1+s3+$0x0] =	vst.idx.add.f32.msk $0xffff, v2  }
0x6b: {  	s18 =	simm.s32 $0x0;
	s19 =	rddreg [dreg:$0x4]  }
0x6c: {  	[spmem:s19] =	stream.strided.scatter [tilespmem:s18], [sflag:$0x1], $0xA000, s14, s13, $0x38;
	[tilespmem:$0x18100] =	vst v63  }
0x6d: {  	_ =	swait.ge [sflag:s30], $0xA000  }
0x6e: {  	[sflag:s30] =	ssyncset.done $0x0  }
0x6f: {  	[sflag:s30] =	ssyncadd.s32 $0xFFFF6000  }
0x70: {  	[bflag:$0x0] =	sbarrier.arrive $0xFFFF  }
0x71: {  	[tilespmem:s15], [sflag:$0x1] =	stream.strided.gather [spmem:s9], $0xA00, s14, s13, $0x38;
	[tilespmem:$0x18100] =	vst v63  }
0x72: {  	_ =	swait.ge [sflag:s30], $0xA00  }
0x73: {  	[sflag:s30] =	ssyncset.done $0x0  }
0x74: {  	s26 =	rddreg [dreg:$0x5];
	[sflag:s30] =	ssyncadd.s32 $0xFFFFF600  }
0x75: {  	[tilespmem:s16], [sflag:$0x1] =	stream.strided.gather [spmem:s26], $0xA00, s14, s13, $0x38;
	[tilespmem:$0x18100] =	vst v63  }
0x76: {  	_ =	swait.ge [sflag:s30], $0xA00  }
0x77: {  	[sflag:s30] =	ssyncset.done $0x0  }
0x78: {  	s18 =	simm.s32 $0x0;
	[sflag:s30] =	ssyncadd.s32 $0xFFFFF600  }
0x79: {  	s19 =	simm.s32 $0x40;
	v1 =	vld [tilespmem:s18+$0xD700]  }
.LBB2_8:
0x7a: {  	p0 =	sne.s32 s19, $0x27C0;
	v2 =	vld [tilespmem:s18+$0xCD00];
	_ =	sdelay $0x2  }
.Ltmp3:
0x7b: {  	(pc) =	sbr.rel @p0 .LBB2_8-.Ltmp3, $4  }
0x7c: {  	_ = 	snop  }
0x7d: {  	v2 =	vadd.f32 v1, v2  }
0x7e: {  	s20 =	sshra.s32 s19, $0x2  }
0x7f: {  	s19 =	sadd.s32 $0x40, s19;
	v1 =	vld [tilespmem:s20+$0xD700];
	[tilespmem:s18+$0xCD00] =	vst v2;
	s18 =	smov.u32 s20  }
0x80: {  	v2 =	vld [tilespmem:s18+$0xCD00];
	_ =	sdelay $0x4  }
0x81: {  	v1 =	vadd.f32 v1, v2;
	_ =	sdelay $0x1  }
0x82: {  	s26 =	rddreg [dreg:$0x6];
	[tilespmem:s18+$0xCD00] =	vst v1  }
0x83: {  	[tilespmem:s16], [sflag:$0x1] =	stream.strided.gather [spmem:s26], $0xA00, s14, s13, $0x38;
	[tilespmem:$0x18100] =	vst v63  }
0x84: {  	_ =	swait.ge [sflag:s30], $0xA00  }
0x85: {  	[sflag:s30] =	ssyncset.done $0x0  }
0x86: {  	s18 =	simm.s32 $0x0;
	[sflag:s30] =	ssyncadd.s32 $0xFFFFF600  }
0x87: {  	s19 =	simm.s32 $0x40;
	v1 =	vld [tilespmem:s18+$0xD700]  }
.LBB2_10:
0x88: {  	p0 =	sne.s32 s19, $0x27C0;
	v2 =	vld [tilespmem:s18+$0xCD00];
	_ =	sdelay $0x2  }
.Ltmp4:
0x89: {  	(pc) =	sbr.rel @p0 .LBB2_10-.Ltmp4, $4  }
0x8a: {  	_ = 	snop  }
0x8b: {  	v2 =	vadd.f32 v1, v2  }
0x8c: {  	s20 =	sshra.s32 s19, $0x2  }
0x8d: {  	s19 =	sadd.s32 $0x40, s19;
	v1 =	vld [tilespmem:s20+$0xD700];
	[tilespmem:s18+$0xCD00] =	vst v2;
	s18 =	smov.u32 s20  }
0x8e: {  	v2 =	vld [tilespmem:s18+$0xCD00];
	_ =	sdelay $0x4  }
0x8f: {  	v1 =	vadd.f32 v1, v2;
	_ =	sdelay $0x1  }
0x90: {  	s26 =	rddreg [dreg:$0x7];
	[tilespmem:s18+$0xCD00] =	vst v1  }
0x91: {  	[tilespmem:s16], [sflag:$0x1] =	stream.strided.gather [spmem:s26], $0xA00, s14, s13, $0x38;
	[tilespmem:$0x18100] =	vst v63  }
0x92: {  	_ =	swait.ge [sflag:s30], $0xA00  }
0x93: {  	[sflag:s30] =	ssyncset.done $0x0  }
0x94: {  	s18 =	simm.s32 $0x0;
	[sflag:s30] =	ssyncadd.s32 $0xFFFFF600  }
0x95: {  	s19 =	simm.s32 $0x40;
	v1 =	vld [tilespmem:s18+$0xD700]  }
.LBB2_12:
0x96: {  	p0 =	sne.s32 s19, $0x27C0;
	v2 =	vld [tilespmem:s18+$0xCD00];
	_ =	sdelay $0x2  }
.Ltmp5:
0x97: {  	(pc) =	sbr.rel @p0 .LBB2_12-.Ltmp5, $4  }
0x98: {  	_ = 	snop  }
0x99: {  	v2 =	vadd.f32 v1, v2  }
0x9a: {  	s20 =	sshra.s32 s19, $0x2  }
0x9b: {  	s19 =	sadd.s32 $0x40, s19;
	v1 =	vld [tilespmem:s20+$0xD700];
	[tilespmem:s18+$0xCD00] =	vst v2;
	s18 =	smov.u32 s20  }
0x9c: {  	v2 =	vld [tilespmem:s18+$0xCD00];
	_ =	sdelay $0x4  }
0x9d: {  	v1 =	vadd.f32 v1, v2;
	_ =	sdelay $0x1  }
0x9e: {  	s26 =	rddreg [dreg:$0x8];
	[tilespmem:s18+$0xCD00] =	vst v1  }
0x9f: {  	[tilespmem:s16], [sflag:$0x1] =	stream.strided.gather [spmem:s26], $0xA00, s14, s13, $0x38;
	[tilespmem:$0x18100] =	vst v63  }
0xa0: {  	_ =	swait.ge [sflag:s30], $0xA00  }
0xa1: {  	[sflag:s30] =	ssyncset.done $0x0  }
0xa2: {  	s18 =	simm.s32 $0x0;
	[sflag:s30] =	ssyncadd.s32 $0xFFFFF600  }
0xa3: {  	s19 =	simm.s32 $0x40;
	v1 =	vld [tilespmem:s18+$0xD700]  }
.LBB2_14:
0xa4: {  	p0 =	sne.s32 s19, $0x27C0;
	v2 =	vld [tilespmem:s18+$0xCD00];
	_ =	sdelay $0x2  }
.Ltmp6:
0xa5: {  	(pc) =	sbr.rel @p0 .LBB2_14-.Ltmp6, $4  }
0xa6: {  	_ = 	snop  }
0xa7: {  	v2 =	vadd.f32 v1, v2  }
0xa8: {  	s20 =	sshra.s32 s19, $0x2  }
0xa9: {  	s19 =	sadd.s32 $0x40, s19;
	v1 =	vld [tilespmem:s20+$0xD700];
	[tilespmem:s18+$0xCD00] =	vst v2;
	s18 =	smov.u32 s20  }
0xaa: {  	v2 =	vld [tilespmem:s18+$0xCD00];
	_ =	sdelay $0x4  }
0xab: {  	v1 =	vadd.f32 v1, v2;
	_ =	sdelay $0x1  }
0xac: {  	s26 =	rddreg [dreg:$0x9];
	[tilespmem:s18+$0xCD00] =	vst v1  }
0xad: {  	[tilespmem:s16], [sflag:$0x1] =	stream.strided.gather [spmem:s26], $0xA00, s14, s13, $0x38;
	[tilespmem:$0x18100] =	vst v63  }
0xae: {  	_ =	swait.ge [sflag:s30], $0xA00  }
0xaf: {  	[sflag:s30] =	ssyncset.done $0x0  }
0xb0: {  	s18 =	simm.s32 $0x0;
	[sflag:s30] =	ssyncadd.s32 $0xFFFFF600  }
0xb1: {  	s19 =	simm.s32 $0x40;
	v1 =	vld [tilespmem:s18+$0xD700]  }
.LBB2_16:
0xb2: {  	p0 =	sne.s32 s19, $0x27C0;
	v2 =	vld [tilespmem:s18+$0xCD00];
	_ =	sdelay $0x2  }
.Ltmp7:
0xb3: {  	(pc) =	sbr.rel @p0 .LBB2_16-.Ltmp7, $4  }
0xb4: {  	_ = 	snop  }
0xb5: {  	v2 =	vadd.f32 v1, v2  }
0xb6: {  	s20 =	sshra.s32 s19, $0x2  }
0xb7: {  	s19 =	sadd.s32 $0x40, s19;
	v1 =	vld [tilespmem:s20+$0xD700];
	[tilespmem:s18+$0xCD00] =	vst v2;
	s18 =	smov.u32 s20  }
0xb8: {  	v2 =	vld [tilespmem:s18+$0xCD00];
	_ =	sdelay $0x4  }
0xb9: {  	v1 =	vadd.f32 v1, v2;
	_ =	sdelay $0x1  }
0xba: {  	s26 =	rddreg [dreg:$0xa];
	[tilespmem:s18+$0xCD00] =	vst v1  }
0xbb: {  	[tilespmem:s16], [sflag:$0x1] =	stream.strided.gather [spmem:s26], $0xA00, s14, s13, $0x38;
	[tilespmem:$0x18100] =	vst v63  }
0xbc: {  	_ =	swait.ge [sflag:s30], $0xA00  }
0xbd: {  	[sflag:s30] =	ssyncset.done $0x0  }
0xbe: {  	s18 =	simm.s32 $0x0;
	[sflag:s30] =	ssyncadd.s32 $0xFFFFF600  }
0xbf: {  	s19 =	simm.s32 $0x40;
	v1 =	vld [tilespmem:s18+$0xD700]  }
.LBB2_18:
0xc0: {  	p0 =	sne.s32 s19, $0x27C0;
	v2 =	vld [tilespmem:s18+$0xCD00];
	_ =	sdelay $0x2  }
.Ltmp8:
0xc1: {  	(pc) =	sbr.rel @p0 .LBB2_18-.Ltmp8, $4  }
0xc2: {  	_ = 	snop  }
0xc3: {  	v2 =	vadd.f32 v1, v2  }
0xc4: {  	s20 =	sshra.s32 s19, $0x2  }
0xc5: {  	s19 =	sadd.s32 $0x40, s19;
	v1 =	vld [tilespmem:s20+$0xD700];
	[tilespmem:s18+$0xCD00] =	vst v2;
	s18 =	smov.u32 s20  }
0xc6: {  	v2 =	vld [tilespmem:s18+$0xCD00];
	_ =	sdelay $0x4  }
0xc7: {  	v1 =	vadd.f32 v1, v2;
	_ =	sdelay $0x1  }
0xc8: {  	s26 =	rddreg [dreg:$0xb];
	[tilespmem:s18+$0xCD00] =	vst v1  }
0xc9: {  	[tilespmem:s16], [sflag:$0x1] =	stream.strided.gather [spmem:s26], $0xA00, s14, s13, $0x38;
	[tilespmem:$0x18100] =	vst v63  }
0xca: {  	_ =	swait.ge [sflag:s30], $0xA00  }
0xcb: {  	[sflag:s30] =	ssyncset.done $0x0  }
0xcc: {  	s18 =	simm.s32 $0x0;
	[sflag:s30] =	ssyncadd.s32 $0xFFFFF600  }
0xcd: {  	s19 =	simm.s32 $0x40;
	v1 =	vld [tilespmem:s18+$0xD700]  }
.LBB2_20:
0xce: {  	p0 =	sne.s32 s19, $0x27C0;
	v2 =	vld [tilespmem:s18+$0xCD00];
	_ =	sdelay $0x2  }
.Ltmp9:
0xcf: {  	(pc) =	sbr.rel @p0 .LBB2_20-.Ltmp9, $4  }
0xd0: {  	_ = 	snop  }
0xd1: {  	v2 =	vadd.f32 v1, v2  }
0xd2: {  	s20 =	sshra.s32 s19, $0x2  }
0xd3: {  	s19 =	sadd.s32 $0x40, s19;
	v1 =	vld [tilespmem:s20+$0xD700];
	[tilespmem:s18+$0xCD00] =	vst v2;
	s18 =	smov.u32 s20  }
0xd4: {  	v2 =	vld [tilespmem:s18+$0xCD00];
	_ =	sdelay $0x4  }
0xd5: {  	v1 =	vadd.f32 v1, v2;
	_ =	sdelay $0x1  }
0xd6: {  	s26 =	rddreg [dreg:$0xc];
	[tilespmem:s18+$0xCD00] =	vst v1  }
0xd7: {  	[tilespmem:s16], [sflag:$0x1] =	stream.strided.gather [spmem:s26], $0xA00, s14, s13, $0x38;
	[tilespmem:$0x18100] =	vst v63  }
0xd8: {  	_ =	swait.ge [sflag:s30], $0xA00  }
0xd9: {  	[sflag:s30] =	ssyncset.done $0x0  }
0xda: {  	s18 =	simm.s32 $0x0;
	[sflag:s30] =	ssyncadd.s32 $0xFFFFF600  }
0xdb: {  	s19 =	simm.s32 $0x40;
	v1 =	vld [tilespmem:s18+$0xD700]  }
.LBB2_22:
0xdc: {  	p0 =	sne.s32 s19, $0x27C0;
	v2 =	vld [tilespmem:s18+$0xCD00];
	_ =	sdelay $0x2  }
.Ltmp10:
0xdd: {  	(pc) =	sbr.rel @p0 .LBB2_22-.Ltmp10, $4  }
0xde: {  	_ = 	snop  }
0xdf: {  	v2 =	vadd.f32 v1, v2  }
0xe0: {  	s20 =	sshra.s32 s19, $0x2  }
0xe1: {  	s19 =	sadd.s32 $0x40, s19;
	v1 =	vld [tilespmem:s20+$0xD700];
	[tilespmem:s18+$0xCD00] =	vst v2;
	s18 =	smov.u32 s20  }
0xe2: {  	v2 =	vld [tilespmem:s18+$0xCD00];
	_ =	sdelay $0x4  }
0xe3: {  	v1 =	vadd.f32 v1, v2;
	_ =	sdelay $0x1  }
0xe4: {  	s26 =	rddreg [dreg:$0xd];
	[tilespmem:s18+$0xCD00] =	vst v1  }
0xe5: {  	[tilespmem:s16], [sflag:$0x1] =	stream.strided.gather [spmem:s26], $0xA00, s14, s13, $0x38;
	[tilespmem:$0x18100] =	vst v63  }
0xe6: {  	_ =	swait.ge [sflag:s30], $0xA00  }
0xe7: {  	[sflag:s30] =	ssyncset.done $0x0  }
0xe8: {  	s18 =	simm.s32 $0x0;
	[sflag:s30] =	ssyncadd.s32 $0xFFFFF600  }
0xe9: {  	s19 =	simm.s32 $0x40;
	v1 =	vld [tilespmem:s18+$0xD700]  }
.LBB2_24:
0xea: {  	p0 =	sne.s32 s19, $0x27C0;
	v2 =	vld [tilespmem:s18+$0xCD00];
	_ =	sdelay $0x2  }
.Ltmp11:
0xeb: {  	(pc) =	sbr.rel @p0 .LBB2_24-.Ltmp11, $4  }
0xec: {  	_ = 	snop  }
0xed: {  	v2 =	vadd.f32 v1, v2  }
0xee: {  	s20 =	sshra.s32 s19, $0x2  }
0xef: {  	s19 =	sadd.s32 $0x40, s19;
	v1 =	vld [tilespmem:s20+$0xD700];
	[tilespmem:s18+$0xCD00] =	vst v2;
	s18 =	smov.u32 s20  }
0xf0: {  	v2 =	vld [tilespmem:s18+$0xCD00];
	_ =	sdelay $0x4  }
0xf1: {  	v1 =	vadd.f32 v1, v2;
	_ =	sdelay $0x1  }
0xf2: {  	s26 =	rddreg [dreg:$0xe];
	[tilespmem:s18+$0xCD00] =	vst v1  }
0xf3: {  	[tilespmem:s16], [sflag:$0x1] =	stream.strided.gather [spmem:s26], $0xA00, s14, s13, $0x38;
	[tilespmem:$0x18100] =	vst v63  }
0xf4: {  	_ =	swait.ge [sflag:s30], $0xA00  }
0xf5: {  	[sflag:s30] =	ssyncset.done $0x0  }
0xf6: {  	s18 =	simm.s32 $0x0;
	[sflag:s30] =	ssyncadd.s32 $0xFFFFF600  }
0xf7: {  	s19 =	simm.s32 $0x40;
	v1 =	vld [tilespmem:s18+$0xD700]  }
.LBB2_26:
0xf8: {  	p0 =	sne.s32 s19, $0x27C0;
	v2 =	vld [tilespmem:s18+$0xCD00];
	_ =	sdelay $0x2  }
.Ltmp12:
0xf9: {  	(pc) =	sbr.rel @p0 .LBB2_26-.Ltmp12, $4  }
0xfa: {  	_ = 	snop  }
0xfb: {  	v2 =	vadd.f32 v1, v2  }
0xfc: {  	s20 =	sshra.s32 s19, $0x2  }
0xfd: {  	s19 =	sadd.s32 $0x40, s19;
	v1 =	vld [tilespmem:s20+$0xD700];
	[tilespmem:s18+$0xCD00] =	vst v2;
	s18 =	smov.u32 s20  }
0xfe: {  	v2 =	vld [tilespmem:s18+$0xCD00];
	_ =	sdelay $0x4  }
0xff: {  	v1 =	vadd.f32 v1, v2;
	_ =	sdelay $0x1  }
0x100: {  	s26 =	rddreg [dreg:$0xf];
	[tilespmem:s18+$0xCD00] =	vst v1  }
0x101: {  	[tilespmem:s16], [sflag:$0x1] =	stream.strided.gather [spmem:s26], $0xA00, s14, s13, $0x38;
	[tilespmem:$0x18100] =	vst v63  }
0x102: {  	_ =	swait.ge [sflag:s30], $0xA00  }
0x103: {  	[sflag:s30] =	ssyncset.done $0x0  }
0x104: {  	s18 =	simm.s32 $0x0;
	[sflag:s30] =	ssyncadd.s32 $0xFFFFF600  }
0x105: {  	s19 =	simm.s32 $0x40;
	v1 =	vld [tilespmem:s18+$0xD700]  }
.LBB2_28:
0x106: {  	p0 =	sne.s32 s19, $0x27C0;
	v2 =	vld [tilespmem:s18+$0xCD00];
	_ =	sdelay $0x2  }
.Ltmp13:
0x107: {  	(pc) =	sbr.rel @p0 .LBB2_28-.Ltmp13, $4  }
0x108: {  	_ = 	snop  }
0x109: {  	v2 =	vadd.f32 v1, v2  }
0x10a: {  	s20 =	sshra.s32 s19, $0x2  }
0x10b: {  	s19 =	sadd.s32 $0x40, s19;
	v1 =	vld [tilespmem:s20+$0xD700];
	[tilespmem:s18+$0xCD00] =	vst v2;
	s18 =	smov.u32 s20  }
0x10c: {  	v2 =	vld [tilespmem:s18+$0xCD00];
	_ =	sdelay $0x4  }
0x10d: {  	v1 =	vadd.f32 v1, v2;
	_ =	sdelay $0x1  }
0x10e: {  	s26 =	rddreg [dreg:$0x10];
	[tilespmem:s18+$0xCD00] =	vst v1  }
0x10f: {  	[tilespmem:s16], [sflag:$0x1] =	stream.strided.gather [spmem:s26], $0xA00, s14, s13, $0x38;
	[tilespmem:$0x18100] =	vst v63  }
0x110: {  	_ =	swait.ge [sflag:s30], $0xA00  }
0x111: {  	[sflag:s30] =	ssyncset.done $0x0  }
0x112: {  	s18 =	simm.s32 $0x0;
	[sflag:s30] =	ssyncadd.s32 $0xFFFFF600  }
0x113: {  	s19 =	simm.s32 $0x40;
	v1 =	vld [tilespmem:s18+$0xD700]  }
.LBB2_30:
0x114: {  	p0 =	sne.s32 s19, $0x27C0;
	v2 =	vld [tilespmem:s18+$0xCD00];
	_ =	sdelay $0x2  }
.Ltmp14:
0x115: {  	(pc) =	sbr.rel @p0 .LBB2_30-.Ltmp14, $4  }
0x116: {  	_ = 	snop  }
0x117: {  	v2 =	vadd.f32 v1, v2  }
0x118: {  	s20 =	sshra.s32 s19, $0x2  }
0x119: {  	s19 =	sadd.s32 $0x40, s19;
	v1 =	vld [tilespmem:s20+$0xD700];
	[tilespmem:s18+$0xCD00] =	vst v2;
	s18 =	smov.u32 s20  }
0x11a: {  	v2 =	vld [tilespmem:s18+$0xCD00];
	_ =	sdelay $0x4  }
0x11b: {  	v1 =	vadd.f32 v1, v2;
	_ =	sdelay $0x1  }
0x11c: {  	s26 =	rddreg [dreg:$0x11];
	[tilespmem:s18+$0xCD00] =	vst v1  }
0x11d: {  	[tilespmem:s16], [sflag:$0x1] =	stream.strided.gather [spmem:s26], $0xA00, s14, s13, $0x38;
	[tilespmem:$0x18100] =	vst v63  }
0x11e: {  	_ =	swait.ge [sflag:s30], $0xA00  }
0x11f: {  	[sflag:s30] =	ssyncset.done $0x0  }
0x120: {  	s18 =	simm.s32 $0x0;
	[sflag:s30] =	ssyncadd.s32 $0xFFFFF600  }
0x121: {  	s19 =	simm.s32 $0x40;
	v1 =	vld [tilespmem:s18+$0xD700]  }
.LBB2_32:
0x122: {  	p0 =	sne.s32 s19, $0x27C0;
	v2 =	vld [tilespmem:s18+$0xCD00];
	_ =	sdelay $0x2  }
.Ltmp15:
0x123: {  	(pc) =	sbr.rel @p0 .LBB2_32-.Ltmp15, $4  }
0x124: {  	_ = 	snop  }
0x125: {  	v2 =	vadd.f32 v1, v2  }
0x126: {  	s20 =	sshra.s32 s19, $0x2  }
0x127: {  	s19 =	sadd.s32 $0x40, s19;
	v1 =	vld [tilespmem:s20+$0xD700];
	[tilespmem:s18+$0xCD00] =	vst v2;
	s18 =	smov.u32 s20  }
0x128: {  	v2 =	vld [tilespmem:s18+$0xCD00];
	_ =	sdelay $0x4  }
0x129: {  	v1 =	vadd.f32 v1, v2;
	_ =	sdelay $0x1  }
0x12a: {  	s26 =	rddreg [dreg:$0x14];
	[tilespmem:s18+$0xCD00] =	vst v1  }
0x12b: {  	[tilespmem:s16], [sflag:$0x1] =	stream.strided.gather [spmem:s26], $0xA00, s14, s13, $0x38;
	[tilespmem:$0x18100] =	vst v63  }
0x12c: {  	_ =	swait.ge [sflag:s30], $0xA00  }
0x12d: {  	[sflag:s30] =	ssyncset.done $0x0  }
0x12e: {  	s18 =	simm.s32 $0x0;
	[sflag:s30] =	ssyncadd.s32 $0xFFFFF600  }
0x12f: {  	s19 =	simm.s32 $0x40;
	v1 =	vld [tilespmem:s18+$0xD700]  }
.LBB2_34:
0x130: {  	p0 =	sne.s32 s19, $0x27C0;
	v2 =	vld [tilespmem:s18+$0xCD00];
	_ =	sdelay $0x2  }
.Ltmp16:
0x131: {  	(pc) =	sbr.rel @p0 .LBB2_34-.Ltmp16, $4  }
0x132: {  	_ = 	snop  }
0x133: {  	v2 =	vadd.f32 v1, v2  }
0x134: {  	s20 =	sshra.s32 s19, $0x2  }
0x135: {  	s19 =	sadd.s32 $0x40, s19;
	v1 =	vld [tilespmem:s20+$0xD700];
	[tilespmem:s18+$0xCD00] =	vst v2;
	s18 =	smov.u32 s20  }
0x136: {  	v2 =	vld [tilespmem:s18+$0xCD00];
	_ =	sdelay $0x4  }
0x137: {  	v1 =	vadd.f32 v1, v2;
	_ =	sdelay $0x1  }
0x138: {  	[tilespmem:s18+$0xCD00] =	vst v1  }
0x139: {  	[tilespmem:s16], [sflag:$0x1] =	stream.strided.gather [spmem:s28], $0xA00, s14, s13, $0x38;
	[tilespmem:$0x18100] =	vst v63  }
0x13a: {  	_ =	swait.ge [sflag:s30], $0xA00  }
0x13b: {  	[sflag:s30] =	ssyncset.done $0x0  }
0x13c: {  	s18 =	simm.s32 $0x0;
	[sflag:s30] =	ssyncadd.s32 $0xFFFFF600  }
0x13d: {  	s19 =	simm.s32 $0x40;
	v1 =	vld [tilespmem:s18+$0xD700]  }
.LBB2_36:
0x13e: {  	p0 =	sne.s32 s19, $0x27C0;
	v2 =	vld [tilespmem:s18+$0xCD00];
	_ =	sdelay $0x2  }
.Ltmp17:
0x13f: {  	(pc) =	sbr.rel @p0 .LBB2_36-.Ltmp17, $4  }
0x140: {  	_ = 	snop  }
0x141: {  	v2 =	vadd.f32 v1, v2  }
0x142: {  	s20 =	sshra.s32 s19, $0x2  }
0x143: {  	s19 =	sadd.s32 $0x40, s19;
	v1 =	vld [tilespmem:s20+$0xD700];
	[tilespmem:s18+$0xCD00] =	vst v2;
	s18 =	smov.u32 s20  }
0x144: {  	v2 =	vld [tilespmem:s18+$0xCD00];
	_ =	sdelay $0x4  }
0x145: {  	v1 =	vadd.f32 v1, v2;
	_ =	sdelay $0x1  }
0x146: {  	s25 =	rddreg [dreg:$0x12];
	[tilespmem:s18+$0xCD00] =	vst v1  }
0x147: {  	[hbm4b:s25+s3] =	stream.linear.scatter [tilespmem:s15], [sflag:$0x1], $0xA00, $0x38;
	[tilespmem:$0x18100] =	vst v63  }
0x148: {  	_ =	swait.ge [sflag:s30], $0xA00  }
0x149: {  	s17 =	sadd.s32 $0x1, s17;
	s26 =	rddreg [dreg:$0x13]  }
0x14a: {  	p0 =	sne.s32 s17, s26  }
.Ltmp18:
0x14b: {  	_ = 	snop;
	(pc) =	sbr.rel @p0 .LBB2_1-.Ltmp18, $3  }
0x14c: {  	_ =	sdelay $0x1  }
0x14d: {  	[sflag:s30] =	ssyncset.done $0x0  }
0x14e: {  	[sflag:s30] =	ssyncadd.s32 $0xFFFFF600  }
0x14f: {  	_ =	sfence.sel $0x180000  }
0x150: {  	[bflag:$0x0] =	sbarrier.arrive $0xFFFF  }
0x151: {  	_ =	strace $0x9000004A  }
0x152: {  	s0 =	stileid.u32;
	[bflag:$0x2] =	sbarrier.arrive $0xFFFF  }
0x153: {  	p0 =	sne.s32 s0, $0x0;
	s0 =	rddreg [dreg:$0x2]  }
0x154: {  	s0 =	sadd.s32 @!p0 $0x100000, s0  }
0x155: {  	[sflag:s0] =	ssyncadd.tile.s32 @!p0 $0x1;
	_ =	shalt  }
.Lfunc_end2:
_tile_overlayer_lowered:
.L_overlay_start_2:
0x156: {  	(tag) =	ssettag $0x2  }
0x157: {  	s0 =	rddreg [dreg:$0x0];
	s2 =	stileid.u32  }
0x158: {  	s1 =	rddreg [dreg:$0x1];
	p0 =	sne.s32 s2, $0x0  }
0x159: {  	s3 =	rddreg [dreg:$0x2];
	[bflag:$0x3] =	sbarrier.arrive $0xFFFF;
	s2 =	simm.s32 @!p0 $0x1C01  }
0x15a: {  	[timem:s3], [sflag:s2] =	dma.local @!p0 [hbm:s0], s1  }
0x15b: {  	s0 =	simm.s32 @!p0 $0x1  }
0x15c: {  	_ =	swait.ge @!p0 [sflag:s0], s1  }
0x15d: {  	s1 =	ssub.s32 @!p0 $0x0, s1;
	[sflag:s0] =	ssyncset.done @!p0 $0x0  }
0x15e: {  	[sflag:s0] =	ssyncadd.s32 @!p0 s1  }
0x15f: {  	[bflag:$0x3] =	sbarrier.arrive $0xFFFF  }
0x160: {  	_ =	shalt  }

// kernel: kernel.15.cloned.1.call-start
scs
__scs_entry_jumppad:
0x0: {  	(pc) =	sbr.rel $0x88, $3  }
0x1: {  	(tag) =	ssettag $0x0;
	lr =	simm.s32 $0x1  }
0x2: {  	[smem:$0x3F8D] =	sst lr;
	_ =	strace $0xD0000000  }
0x3: {  	_ = 	snop  }
0x4: {  	_ = 	snop  }
0x5: {  	_ = 	snop  }
0x6: {  	_ = 	snop  }
0x7: {  	_ = 	snop  }
__scs_overlays_trampoline_lowered:
0x8: {  	[smem:$0x3F9C] =	sst s0  }
0x9: {  	[smem:$0x3F9D] =	sst s1  }
0xa: {  	[smem:$0x3F9E] =	sst s2  }
0xb: {  	[smem:$0x3F9F] =	sst s3  }
0xc: {  	[smem:$0x3FA0] =	sst s4  }
0xd: {  	[smem:$0x3FA1] =	sst s5  }
0xe: {  	[smem:$0x3FA2] =	sst s6  }
0xf: {  	[smem:$0x3FA3] =	sst s7  }
0x10: {  	[smem:$0x3FA4] =	sst s8  }
0x11: {  	[smem:$0x3FA5] =	sst s9;
	s0 =	simm.s32 @!p0 $0x0  }
0x12: {  	s1 =	sld [smem:$0x3F8B];
	s0 =	simm.s32 @p0 $0x1  }
0x13: {  	[smem:$0x3FA6] =	sst s0;
	s0 =	simm.s32 @!p1 $0x0  }
0x14: {  	s2 =	sld [smem:$0x3F8A];
	s0 =	simm.s32 @p1 $0x1  }
0x15: {  	[smem:$0x3FA7] =	sst s0;
	s0 =	simm.s32 @!p2 $0x0  }
0x16: {  	s3 =	sld [smem:$0x3FDB];
	s0 =	simm.s32 @p2 $0x1  }
0x17: {  	s4 =	simm.s32 $0x1BF5;
	[smem:$0x3FA9] =	sst s0  }
0x18: {  	s0 =	sld [smem:$0x3F8C];
	_ =	swait.ge [sflag:s4], $0x0  }
0x19: {  	s7 =	sld [smem:$0x3F8D]  }
0x1a: {  	s8 =	sadd.s32 $0xFFFFE003, lr  }
0x1b: {  	s9 =	sadd.s32 $0xFFFFFEF7, lr;
	s5 =	simm.s32 $0xFFFFFFFF;
	p2 =	slt.u32 s8, $0xFFFFF086  }
0x1c: {  	p1 =	slt.u32 s9, $0xF7A;
	s5 =	simm.s32 @!p2 $0x0  }
0x1d: {  	s5 =	simm.s32 @p1 $0x1;
	p0 =	seq.s32 s7, s2  }
0x1e: {  	s7 =	smul.u32 @!p0 $0xF7A, s2;
	p2 =	seq.s32 @!p0 s5, $0x0  }
0x1f: {  	s9 =	smul.u32 $0xF7A, s1;
	s8 =	simm.s32 @!p0 $0x1BF5;
	p2 =	por !p2, p0  }
0x20: {  	[sflag:s8] =	ssyncset.s32 @!p0 $0xFFFFF086;
	s6 =	sadd.s32 @!p0 s3, s7;
	s7 =	simm.s32 @!p0 $0x108  }
0x21: {  	s3 =	sadd.s32 s3, s9;
	s6 =	sadd.s32 @!p0 $0x88, s6;
	s7 =	simm.s32 @p2 $0x1082  }
0x22: {  	[simem:s7], [sflag:s8] =	dma.local @!p0 [hbm:s6], $0xF7A  }
0x23: {  	s9 =	sor.u32 $0xD0000000, s2;
	s6 =	simm.s32 $0x108;
	_ =	swait.ge @!p0 [sflag:s8], $0x0  }
0x24: {  	s3 =	sadd.s32 $0x88, s3;
	s6 =	simm.s32 @!p1 $0x1082;
	[sflag:s4] =	ssyncset.s32 $0xFFFFF086  }
0x25: {  	[simem:s6], [sflag:s4] =	dma.local [hbm:s3], $0xF7A  }
0x26: {  	[smem:$0x3F8D] =	sst s1;
	(tag) =	ssettag s2;
	_ =	strace s9  }
0x27: {  	s1 =	sld [smem:$0x3F9D]  }
0x28: {  	s2 =	sld [smem:$0x3F9E]  }
0x29: {  	s4 =	sld [smem:$0x3FA0]  }
0x2a: {  	p0 =	seq.s32 s5, $0x0;
	s5 =	sld [smem:$0x3FA1]  }
0x2b: {  	s6 =	sld [smem:$0x3FA2]  }
0x2c: {  	s7 =	sld [smem:$0x3FA3]  }
0x2d: {  	s3 =	simm.s32 $0x108;
	s8 =	sld [smem:$0x3FA4]  }
0x2e: {  	s3 =	simm.s32 @!p0 $0x1082;
	s9 =	sld [smem:$0x3FA5]  }
0x2f: {  	lr =	sadd.s32 s0, s3;
	s0 =	sld [smem:$0x3F9C]  }
0x30: {  	s3 =	sld [smem:$0x3F9F]  }
0x31: {  	[smem:$0x3FA8] =	sst s10  }
0x32: {  	s10 =	sld [smem:$0x3FA6];
	_ =	sdelay $0x3  }
0x33: {  	p0 =	seq.s32 s10, $0x1;
	s10 =	sld [smem:$0x3FA8];
	_ =	sdelay $0x3  }
0x34: {  	[smem:$0x3FA8] =	sst s10  }
0x35: {  	s10 =	sld [smem:$0x3FA7];
	_ =	sdelay $0x3  }
0x36: {  	p1 =	seq.s32 s10, $0x1;
	s10 =	sld [smem:$0x3FA8];
	_ =	sdelay $0x3  }
0x37: {  	[smem:$0x3FA8] =	sst s10  }
0x38: {  	s10 =	sld [smem:$0x3FA9]  }
0x39: {  	_ = 	snop;
	(pc) =	sbr.ind lr, $3  }
0x3a: {  	_ = 	snop  }
0x3b: {  	_ = 	snop  }
0x3c: {  	p2 =	seq.s32 s10, $0x1;
	s10 =	sld [smem:$0x3FA8]  }
0x3d: {  	_ =	shalt  }
0x3e: {  	_ =	shalt  }
0x3f: {  	_ =	shalt  }
0x40: {  	_ =	shalt  }
0x41: {  	_ =	shalt  }
0x42: {  	_ =	shalt  }
0x43: {  	_ =	shalt  }
0x44: {  	_ =	shalt  }
0x45: {  	_ =	shalt  }
0x46: {  	_ =	shalt  }
0x47: {  	_ =	shalt  }
0x48: {  	_ =	shalt  }
0x49: {  	_ =	shalt  }
0x4a: {  	_ =	shalt  }
0x4b: {  	_ =	shalt  }
0x4c: {  	_ =	shalt  }
0x4d: {  	_ =	shalt  }
0x4e: {  	_ =	shalt  }
0x4f: {  	_ =	shalt  }
0x50: {  	_ =	shalt  }
0x51: {  	_ =	shalt  }
0x52: {  	_ =	shalt  }
0x53: {  	_ =	shalt  }
0x54: {  	_ =	shalt  }
0x55: {  	_ =	shalt  }
0x56: {  	_ =	shalt  }
0x57: {  	_ =	shalt  }
0x58: {  	_ =	shalt  }
0x59: {  	_ =	shalt  }
0x5a: {  	_ =	shalt  }
0x5b: {  	_ =	shalt  }
0x5c: {  	_ =	shalt  }
0x5d: {  	_ =	shalt  }
0x5e: {  	_ =	shalt  }
0x5f: {  	_ =	shalt  }
0x60: {  	_ =	shalt  }
0x61: {  	_ =	shalt  }
0x62: {  	_ =	shalt  }
0x63: {  	_ =	shalt  }
0x64: {  	_ =	shalt  }
0x65: {  	_ =	shalt  }
0x66: {  	_ =	shalt  }
0x67: {  	_ =	shalt  }
0x68: {  	_ =	shalt  }
0x69: {  	_ =	shalt  }
0x6a: {  	_ =	shalt  }
0x6b: {  	_ =	shalt  }
0x6c: {  	_ =	shalt  }
0x6d: {  	_ =	shalt  }
0x6e: {  	_ =	shalt  }
0x6f: {  	_ =	shalt  }
0x70: {  	_ =	shalt  }
0x71: {  	_ =	shalt  }
0x72: {  	_ =	shalt  }
0x73: {  	_ =	shalt  }
0x74: {  	_ =	shalt  }
0x75: {  	_ =	shalt  }
0x76: {  	_ =	shalt  }
0x77: {  	_ =	shalt  }
0x78: {  	_ =	shalt  }
0x79: {  	_ =	shalt  }
0x7a: {  	_ =	shalt  }
0x7b: {  	_ =	shalt  }
0x7c: {  	_ =	shalt  }
0x7d: {  	_ =	shalt  }
0x7e: {  	_ =	shalt  }
0x7f: {  	_ =	shalt  }
0x80: {  	_ =	shalt  }
0x81: {  	_ =	shalt  }
0x82: {  	_ =	shalt  }
0x83: {  	_ =	shalt  }
0x84: {  	_ =	shalt  }
0x85: {  	_ =	shalt  }
0x86: {  	_ =	shalt  }
0x87: {  	_ =	shalt  }
.Lfunc_end0:
.L_simem_size_0:
called_computation.2_lowered:
.L_overlay_start_0:
0x88: {  	s2 =	sld [smem:$0x3FD9]  }
0x89: {  	s3 =	sld [smem:$0x3FFE];
	_ =	sdelay $0x1  }
0x8a: {  	s1 =	srdreg.scid  }
0x8b: {  	s0 =	sand.u32 $0x1, s1  }
0x8c: {  	s16 =	sshll.u32 s0, $0xA;
	s2 =	sadd.s32 s3, s2  }
0x8d: {  	s2 =	sadd.s32 s2, s16  }
0x8e: {  	[smem:$0x3FB4] =	sst s2  }
0x8f: {  	_ = 	snop  }
0x90: {  	(tm) =	ssettm $0x1  }
0x91: {  	s17 =	sld [smem:$0x3FFB];
	_ =	sdelay $0x3  }
0x92: {  	_ =	strace s17  }
0x93: {  	s2 =	sld [smem:$0x3FFC];
	_ =	sdelay $0x3  }
0x94: {  	_ =	strace s2  }
0x95: {  	s2 =	sld [smem:$0x3FFD];
	_ =	sdelay $0x3  }
0x96: {  	_ =	strace s2  }
0x97: {  	_ =	strace $0x8FFFFFFF  }
0x98: {  	s18 =	sld [smem:$0x3FDB];
	_ =	sdelay $0x1  }
0x99: {  	s19 =	simm.s32 $_scs_section_size  }
0x9a: {  	s4 =	simm.s32 $_size__tile_overlayer_lowered;
	s5 =	simm.s32 $_tile_overlayer_lowered  }
0x9b: {  	s22 =	simm.s32 $0x1BFF;
	s21 =	sshll.u32 s5, $0x1;
	s2 =	sadd.s32 s19, s18  }
0x9c: {  	s6 =	simm.s32 $0x0;
	s20 =	sshll.u32 s4, $0x1;
	s4 =	sadd.s32 s21, s2  }
0x9d: {  	[timem:s6], [sflag:s22] =	dma.local [hbm:s4], s20  }
0x9e: {  	_ =	swait.ge [sflag:s22], s20  }
0x9f: {  	s3 =	ssub.s32 $0x0, s20;
	[sflag:s22] =	ssyncset.done $0x0  }
0xa0: {  	[sflag:s22] =	ssyncadd.s32 s3;
	_ =	sdelay $0x1  }
0xa1: {  	s23 =	simm.s32 $0x1B8B  }
0xa2: {  	_ =	swait.ge [sflag:s23], $0x1  }
0xa3: {  	[sflag:s23] =	ssyncset.done $0x0  }
0xa4: {  	s25 =	simm.s32 $0x1B8E;
	s24 =	sld [smem:$0x3FFE];
	[sflag:s23] =	ssyncadd.s32 $0xFFFFFFFF  }
0xa5: {  	s26 =	simm.s32 $execute0_lowered;
	[smem:$0x3FD2] =	sst s25  }
0xa6: {  	s4 =	sshll.u32 s26, $0x1;
	_ =	strace $0x8000004C;
	[dreg:$0x1] =	wrdreg $0xFFFFFFFF  }
0xa7: {  	s28 =	simm.s32 $_size_execute0_lowered;
	s2 =	sadd.s32 s2, s4;
	[dreg:$0x0] =	wrdreg $0x0  }
0xa8: {  	s4 =	sshll.u32 s28, $0x1;
	[dreg:$0x2] =	wrdreg s2  }
0xa9: {  	[dreg:$0x3] =	wrdreg s4  }
0xaa: {  	[dreg:$0x4] =	wrdreg $0xC0  }
0xab: {  	_ =	task [dreg:s6], $0x5FFFF  }
0xac: {  	[dreg:$0x1] =	wrdreg $0xFFFFFFFF  }
0xad: {  	[dreg:$0x0] =	wrdreg $0x60  }
0xae: {  	[dreg:$0x2] =	wrdreg s24  }
0xaf: {  	[dreg:$0x3] =	wrdreg $0x9A000  }
0xb0: {  	[dreg:$0x4] =	wrdreg $0x9  }
0xb1: {  	_ =	task.clear_ibuf [dreg:s6], $0x5FFFF;
	_ =	strace $0x9000004C  }
0xb2: {  	s29 =	simm.s32 $0x9;
	_ =	strace $0x8000004E  }
0xb3: {  	_ =	swait.ge [sflag:s29], $0x1  }
0xb4: {  	[sflag:s29] =	ssyncadd.s32 $0xFFFFFFFF  }
0xb5: {  	_ =	strace $0x9000004E  }
0xb6: {  	_ =	sfence  }
0xb7: {  	s30 =	sld [smem:$0x0];
	_ =	sdelay $0x2  }
0xb8: {  	s31 =	sshll.u32 s1, $0xD;
	s1 =	sshrl.u32 s1, $0x2  }
0xb9: {  	s3 =	sand.u32 $0x4000, s31;
	s1 =	sadd.s32 s1, s30  }
0xba: {  	s0 =	sor.u32 s3, s0;
	s1 =	sshll.u32 s1, $0x11  }
0xbb: {  	s0 =	sor.u32 s1, s0  }
0xbc: {  	s0 =	sadd.s32 $0x8F2B, s0  }
0xbd: {  	[sflag:s0] =	ssyncadd.remote.s32 $0x1  }
0xbe: {  	_ =	sfence.sel $0xFFFF  }
0xbf: {  	[dreg:$0x0] =	wrdreg $0xFFFFFFFF;
	(pc) =	sbr.abs _section_cstart, $3  }
0xc0: {  	[dreg:$0x1] =	wrdreg $0xFFFFFFFF  }
0xc1: {  	_ =	task.clear_ibuf [dreg:s6], $0x2FFFF;
	_ =	strace $0x9FFFFFFF  }
0xc2: {  	(tm) =	ssettm $0x7FFFFFFF  }
0xc3: {  	_ =	shalt  }
tec
execute0_lowered:
.L_overlay_start_1:
0x0: {  	(tag) =	ssettag $0x1  }
0x1: {  	s0 =	rddreg [dreg:$0x0]  }
0x2: {  	s1 =	rddreg [dreg:$0x1]  }
0x3: {  	s2 =	simm.s32 $0x0;
	s15 =	srdreg.scid;
	s19 =	stileid.u32  }
0x4: {  	s28 =	simm.s32 $0x5A00;
	s29 =	simm.s32 $0x400;
	s30 =	simm.s32 $0x80  }
0x5: {  	s31 =	simm.s32 $0x40;
	[smem:$0x7FF] =	sst s2;
	s3 =	sadd.s32 $0x95E00, s0  }
0x6: {  	s4 =	sadd.s32 $0x6CE00, s0;
	s2 =	sand.u32 $0x1, s15;
	s9 =	smul.u32 $0x280, s19  }
0x7: {  	s5 =	sadd.s32 $0x81600, s0;
	s6 =	sadd.s32 $0x18600, s0;
	s12 =	smul.u32 $0x50000, s19  }
0x8: {  	s10 =	sadd.s32 $0x6A600, s0;
	s0 =	sadd.s32 $0x132200, s0;
	s14 =	smul.u32 $0x29000, s19  }
0x9: {  	_ =	strace $0x8000004D;
	s7 =	smul.u32 $0x5000, s2;
	s15 =	sshllo.u32 s2, $0x1  }
0xa: {  	s8 =	ssub.s32 $0x2, s2;
	s22 =	sshll.u32 s2, $0x8;
	s21 =	smul.u32 $0x2800, s15  }
0xb: {  	s11 =	sshrl.u32 s8, $0x1;
	s16 =	sshrl.u32 s12, $0x2;
	s24 =	smul.u32 $0x27100, s15  }
0xc: {  	s12 =	sadd.s32 $0x80, s9;
	s26 =	smul.u32 $0x28000, s15;
	s7 =	sshrl.u32 s7, $0x3  }
0xd: {  	s13 =	sshll.u32 s12, $0x7;
	s20 =	sadd.s32 s10, s7;
	s7 =	sadd.s32 s16, s1  }
0xe: {  	s8 =	ssub.s32 s8, s11;
	s18 =	sadd.s32 s13, s1;
	[dreg:$0x4] =	wrdreg s7  }
0xf: {  	s11 =	sor.u32 $0x40, s9;
	s13 =	sor.u32 s22, s14;
	[dreg:$0x6] =	wrdreg s18  }
0x10: {  	s17 =	sshll.u32 s11, $0x7;
	s11 =	sshll.u32 s11, $0x4;
	[dreg:$0x7] =	wrdreg s13  }
0x11: {  	s23 =	sshll.u32 s15, $0x7;
	s16 =	smul.u32 $0x4E200, s2;
	[dreg:$0x13] =	wrdreg s11  }
0x12: {  	s2 =	smul.u32 $0x50000, s2;
	s7 =	sadd.s32 s17, s1;
	[dreg:$0x3] =	wrdreg s20  }
0x13: {  	s17 =	sadd.s32 $0xC0, s9;
	[dreg:$0x5] =	wrdreg s7;
	s7 =	sshrl.u32 s21, $0x3  }
0x14: {  	s25 =	sshll.u32 s17, $0x7;
	s15 =	sadd.s32 s3, s16;
	s2 =	sadd.s32 s0, s2  }
0x15: {  	s16 =	sadd.s32 s3, s24;
	s0 =	sadd.s32 s0, s26;
	[dreg:$0xb] =	wrdreg s2  }
0x16: {  	s3 =	sadd.s32 $0x100, s9;
	s17 =	sshll.u32 s17, $0x4;
	[dreg:$0xc] =	wrdreg s0  }
0x17: {  	s13 =	sadd.s32 s10, s7;
	s7 =	sor.u32 s23, s14;
	[dreg:$0x15] =	wrdreg s17  }
0x18: {  	s10 =	sshll.u32 s3, $0x7;
	s3 =	sshll.u32 s3, $0x4;
	[dreg:$0x9] =	wrdreg s7  }
0x19: {  	s22 =	sadd.s32 $0x1C0, s9;
	s11 =	simm.s32 $0x0;
	[dreg:$0x16] =	wrdreg s3  }
0x1a: {  	s24 =	sshll.u32 s22, $0x7;
	s7 =	sadd.s32 s25, s1;
	[dreg:$0x8] =	wrdreg s13  }
0x1b: {  	s2 =	sadd.s32 $0x140, s9;
	s0 =	sadd.s32 s10, s1;
	[dreg:$0xa] =	wrdreg s7  }
0x1c: {  	s14 =	sshll.u32 s2, $0x7;
	s2 =	sshll.u32 s2, $0x4;
	[dreg:$0xd] =	wrdreg s0  }
0x1d: {  	s23 =	sadd.s32 $0x200, s9;
	s0 =	sadd.s32 s14, s1;
	[dreg:$0x17] =	wrdreg s2  }
0x1e: {  	s25 =	sshll.u32 s23, $0x7;
	s14 =	sadd.s32 s24, s1;
	[dreg:$0xe] =	wrdreg s0  }
0x1f: {  	s3 =	simm.s32 $0x1;
	s24 =	sadd.s32 $0x1400, s20;
	[dreg:$0x10] =	wrdreg s14  }
0x20: {  	s7 =	sadd.s32 $0x180, s9;
	s14 =	sadd.s32 s25, s1;
	[dreg:$0x1d] =	wrdreg s24  }
0x21: {  	s9 =	sadd.s32 $0x240, s9;
	s0 =	sshll.u32 s22, $0x4;
	[dreg:$0x11] =	wrdreg s14  }
0x22: {  	s18 =	sshll.u32 s7, $0x7;
	s22 =	sshll.u32 s9, $0x4;
	[dreg:$0x19] =	wrdreg s0  }
0x23: {  	s2 =	simm.s32 $0x800;
	s21 =	sadd.s32 s18, s1;
	[dreg:$0x1b] =	wrdreg s22  }
0x24: {  	s25 =	smul.u32 $0x2800, s19;
	s14 =	sshll.u32 s12, $0x4;
	[dreg:$0xf] =	wrdreg s21  }
0x25: {  	s18 =	sshll.u32 s9, $0x7;
	s0 =	simm.s32 $0x7A00;
	[dreg:$0x14] =	wrdreg s14  }
0x26: {  	s12 =	simm.s32 $0x2;
	s26 =	sadd.s32 s18, s1;
	[dreg:$0x1e] =	wrdreg s25  }
.Ltmp0:
0x27: {  	s18 =	sshll.u32 s7, $0x4;
	[dreg:$0x12] =	wrdreg s26;
	(pc) =	sbr.rel .LBB2_1-.Ltmp0, $4  }
0x28: {  	s9 =	simm.s32 $0x4;
	s21 =	sshll.u32 s23, $0x4;
	[dreg:$0x18] =	wrdreg s18  }
0x29: {  	s7 =	smul.u32 $0x29, s19;
	s23 =	smax.u32 s8, $0x1;
	[dreg:$0x1a] =	wrdreg s21  }
0x2a: {  	s25 =	simm.s32 $0xA00;
	[dreg:$0x1c] =	wrdreg s23;
	s26 =	sadd.s32 $0x1400, s13  }
0x2b: {  	v0 =	vimm.f32 $0.0e+00;
	s8 =	simm.s32 $0x3;
	[dreg:$0x1f] =	wrdreg s26;
	s26 =	simm.s32 $0x5  }
.LBB2_31:
0x2c: {  	[bflag:$0x0] =	sbarrier.arrive $0xFFFF  }
0x2d: {  	s11 =	rddreg [dreg:$0xc]  }
0x2e: {  	s13 =	sld [smem:$0x7F3]  }
0x2f: {  	s10 =	rddreg [dreg:$0x1e]  }
0x30: {  	s10 =	sadd.s32 s10, s11  }
0x31: {  	[hbm:s10], [sflag:s14] =	dma.local [spmem:s13], $0x400  }
0x32: {  	_ =	swait.ge [sflag:s26], $0x400  }
0x33: {  	s22 =	sld [smem:$0x7F4]  }
0x34: {  	[sflag:s26] =	ssyncset.done $0x0;
	s21 =	rddreg [dreg:$0x13]  }
0x35: {  	[sflag:s26] =	ssyncadd.s32 $0xFFFFFC00;
	s10 =	sadd.s32 s21, s11  }
0x36: {  	[hbm:s10], [sflag:s14] =	dma.local [spmem:s22], $0x400  }
0x37: {  	_ =	swait.ge [sflag:s26], $0x400  }
0x38: {  	s24 =	sld [smem:$0x7F5]  }
0x39: {  	[sflag:s26] =	ssyncset.done $0x0;
	s23 =	rddreg [dreg:$0x14]  }
0x3a: {  	[sflag:s26] =	ssyncadd.s32 $0xFFFFFC00;
	s10 =	sadd.s32 s23, s11  }
0x3b: {  	[hbm:s10], [sflag:s14] =	dma.local [spmem:s24], $0x400  }
0x3c: {  	_ =	swait.ge [sflag:s26], $0x400  }
0x3d: {  	s18 =	sld [smem:$0x7F6]  }
0x3e: {  	[sflag:s26] =	ssyncset.done $0x0;
	s17 =	rddreg [dreg:$0x15]  }
0x3f: {  	[sflag:s26] =	ssyncadd.s32 $0xFFFFFC00;
	s10 =	sadd.s32 s17, s11  }
0x40: {  	[hbm:s10], [sflag:s14] =	dma.local [spmem:s18], $0x400  }
0x41: {  	_ =	swait.ge [sflag:s26], $0x400  }
0x42: {  	s20 =	sld [smem:$0x7F7]  }
0x43: {  	[sflag:s26] =	ssyncset.done $0x0;
	s19 =	rddreg [dreg:$0x16]  }
0x44: {  	[sflag:s26] =	ssyncadd.s32 $0xFFFFFC00;
	s10 =	sadd.s32 s19, s11  }
0x45: {  	[hbm:s10], [sflag:s14] =	dma.local [spmem:s20], $0x400  }
0x46: {  	_ =	swait.ge [sflag:s26], $0x400  }
0x47: {  	s22 =	sld [smem:$0x7F8]  }
0x48: {  	[sflag:s26] =	ssyncset.done $0x0;
	s21 =	rddreg [dreg:$0x17]  }
0x49: {  	[sflag:s26] =	ssyncadd.s32 $0xFFFFFC00;
	s10 =	sadd.s32 s21, s11  }
0x4a: {  	[hbm:s10], [sflag:s14] =	dma.local [spmem:s22], $0x400  }
0x4b: {  	_ =	swait.ge [sflag:s26], $0x400  }
0x4c: {  	s24 =	sld [smem:$0x7F9]  }
0x4d: {  	[sflag:s26] =	ssyncset.done $0x0;
	s23 =	rddreg [dreg:$0x18]  }
0x4e: {  	[sflag:s26] =	ssyncadd.s32 $0xFFFFFC00;
	s10 =	sadd.s32 s23, s11  }
0x4f: {  	[hbm:s10], [sflag:s14] =	dma.local [spmem:s24], $0x400  }
0x50: {  	_ =	swait.ge [sflag:s26], $0x400  }
0x51: {  	s18 =	sld [smem:$0x7FA]  }
0x52: {  	[sflag:s26] =	ssyncset.done $0x0;
	s17 =	rddreg [dreg:$0x19]  }
0x53: {  	[sflag:s26] =	ssyncadd.s32 $0xFFFFFC00;
	s10 =	sadd.s32 s17, s11  }
0x54: {  	[hbm:s10], [sflag:s14] =	dma.local [spmem:s18], $0x400  }
0x55: {  	_ =	swait.ge [sflag:s26], $0x400  }
0x56: {  	s20 =	sld [smem:$0x7FB]  }
0x57: {  	[sflag:s26] =	ssyncset.done $0x0;
	s19 =	rddreg [dreg:$0x1a]  }
0x58: {  	[sflag:s26] =	ssyncadd.s32 $0xFFFFFC00;
	s10 =	sadd.s32 s19, s11  }
0x59: {  	[hbm:s10], [sflag:s14] =	dma.local [spmem:s20], $0x400  }
0x5a: {  	_ =	swait.ge [sflag:s26], $0x400  }
0x5b: {  	s22 =	sld [smem:$0x7FC]  }
0x5c: {  	[sflag:s26] =	ssyncset.done $0x0;
	s21 =	rddreg [dreg:$0x1b]  }
0x5d: {  	[sflag:s26] =	ssyncadd.s32 $0xFFFFFC00;
	s10 =	sadd.s32 s21, s11  }
0x5e: {  	[hbm:s10], [sflag:s14] =	dma.local [spmem:s22], $0x400  }
0x5f: {  	_ =	swait.ge [sflag:s26], $0x400  }
0x60: {  	s23 =	sld [smem:$0x7FD];
	_ =	sdelay $0x2  }
0x61: {  	s24 =	rddreg [dreg:$0x1c];
	s11 =	sadd.s32 $0x1, s23  }
0x62: {  	p0 =	sne.s32 s11, s24  }
.Ltmp1:
0x63: {  	_ = 	snop;
	(pc) =	sbr.rel @!p0 .LBB2_32-.Ltmp1, $3  }
0x64: {  	[sflag:s26] =	ssyncset.done $0x0  }
0x65: {  	[sflag:s26] =	ssyncadd.s32 $0xFFFFFC00  }
0x66: {  	[bflag:$0x0] =	sbarrier.arrive $0xFFFF;
	_ =	sdelay $0x1  }
.LBB2_1:
0x67: {  	[smem:$0x7FD] =	sst s11  }
0x68: {  	s10 =	simm.s32 $0x0;
	s23 =	rddreg [dreg:$0x3]  }
0x69: {  	[tilespmem:s25], [sflag:$0x5] =	stream.linear.gather [hbm4b:s23+s10], $0x2800, $0x38;
	[tilespmem:$0x1DA00] =	vst v63  }
0x6a: {  	_ =	swait.ge [sflag:s26], $0x2800  }
0x6b: {  	[sflag:s26] =	ssyncset.done $0x0  }
0x6c: {  	s13 =	simm.s32 $0x3200;
	s24 =	rddreg [dreg:$0x1d];
	[sflag:s26] =	ssyncadd.s32 $0xFFFFD800  }
0x6d: {  	[tilespmem:s13], [sflag:$0x5] =	stream.linear.gather [hbm4b:s24+s10], $0x2800, $0x38;
	[tilespmem:$0x1DA00] =	vst v63  }
0x6e: {  	_ =	swait.ge [sflag:s26], $0x2800  }
0x6f: {  	[sflag:s26] =	ssyncset.done $0x0  }
0x70: {  	s10 =	simm.s32 $0x0;
	[sflag:s26] =	ssyncadd.s32 $0xFFFFD800  }
0x71: {  	s11 =	simm.s32 $0x40;
	v1 =	vld [tilespmem:s10+$0x3200]  }
.LBB2_2:
0x72: {  	p0 =	sne.s32 s11, $0x9FC0;
	v2 =	vld [tilespmem:s10+$0xA00];
	_ =	sdelay $0x4  }
.Ltmp2:
0x73: {  	v1 =	vadd.f32 v1, v2;
	(pc) =	sbr.rel @p0 .LBB2_2-.Ltmp2, $4  }
0x74: {  	_ = 	snop  }
0x75: {  	v2 =	vadd.f32 $1.000000020e-16, v1  }
0x76: {  	s14 =	sshra.s32 s11, $0x2  }
0x77: {  	s11 =	sadd.s32 $0x40, s11;
	v1 =	vld [tilespmem:s14+$0x3200];
	[tilespmem:s10+$0xA00] =	vst v2;
	s10 =	smov.u32 s14  }
0x78: {  	v2 =	vld [tilespmem:s10+$0xA00];
	_ =	sdelay $0x4  }
0x79: {  	v1 =	vadd.f32 v1, v2;
	_ =	sdelay $0x1  }
0x7a: {  	v1 =	vadd.f32 $1.000000020e-16, v1;
	_ =	sdelay $0x1  }
0x7b: {  	s11 =	simm.s32 $0x200;
	[tilespmem:s10+$0xA00] =	vst v1;
	s10 =	simm.s32 $0x0  }
.LBB2_4:
0x7c: {  	p0 =	sne.s32 s11, $0x7E00;
	[tilespmem:s10+$0x5A70] =	vst v0  }
0x7d: {  	[tilespmem:s10+$0x5A00] =	vst v0  }
0x7e: {  	[tilespmem:s10+$0x5A10] =	vst v0  }
.Ltmp3:
0x7f: {  	[tilespmem:s10+$0x5A20] =	vst v0;
	(pc) =	sbr.rel @p0 .LBB2_4-.Ltmp3, $4  }
0x80: {  	[tilespmem:s10+$0x5A30] =	vst v0  }
0x81: {  	[tilespmem:s10+$0x5A40] =	vst v0  }
0x82: {  	[tilespmem:s10+$0x5A50] =	vst v0  }
0x83: {  	[tilespmem:s10+$0x5A60] =	vst v0;
	s10 =	sshra.s32 s11, $0x2;
	s11 =	sadd.s32 $0x200, s11  }
0x84: {  	[tilespmem:s10+$0x5A70] =	vst v0  }
0x85: {  	[tilespmem:s10+$0x5A00] =	vst v0  }
0x86: {  	[tilespmem:s10+$0x5A10] =	vst v0  }
0x87: {  	[tilespmem:s10+$0x5A20] =	vst v0  }
0x88: {  	[tilespmem:s10+$0x5A30] =	vst v0  }
0x89: {  	[tilespmem:s10+$0x5A40] =	vst v0  }
0x8a: {  	[tilespmem:s10+$0x5A50] =	vst v0  }
0x8b: {  	[tilespmem:s10+$0x5A60] =	vst v0;
	s13 =	rddreg [dreg:$0x4]  }
0x8c: {  	[spmem:s13] =	stream.linear.scatter [tilespmem:s28], [sflag:$0x5], $0x2000, $0x38;
	[tilespmem:$0x1DA00] =	vst v63  }
0x8d: {  	_ =	swait.ge [sflag:s26], $0x2000  }
0x8e: {  	[sflag:s26] =	ssyncset.done $0x0  }
0x8f: {  	s14 =	rddreg [dreg:$0x5];
	[sflag:s26] =	ssyncadd.s32 $0xFFFFE000  }
0x90: {  	[spmem:s14] =	stream.linear.scatter [tilespmem:s28], [sflag:$0x5], $0x2000, $0x38;
	[tilespmem:$0x1DA00] =	vst v63  }
0x91: {  	_ =	swait.ge [sflag:s26], $0x2000  }
0x92: {  	[sflag:s26] =	ssyncset.done $0x0  }
0x93: {  	s17 =	rddreg [dreg:$0x6];
	[sflag:s26] =	ssyncadd.s32 $0xFFFFE000  }
0x94: {  	[spmem:s17] =	stream.linear.scatter [tilespmem:s28], [sflag:$0x5], $0x2000, $0x38;
	[tilespmem:$0x1DA00] =	vst v63  }
0x95: {  	_ =	swait.ge [sflag:s26], $0x2000  }
0x96: {  	[sflag:s26] =	ssyncset.done $0x0  }
0x97: {  	s18 =	rddreg [dreg:$0xa];
	[sflag:s26] =	ssyncadd.s32 $0xFFFFE000  }
0x98: {  	[spmem:s18] =	stream.linear.scatter [tilespmem:s28], [sflag:$0x5], $0x2000, $0x38;
	[tilespmem:$0x1DA00] =	vst v63  }
0x99: {  	_ =	swait.ge [sflag:s26], $0x2000  }
0x9a: {  	[sflag:s26] =	ssyncset.done $0x0  }
0x9b: {  	s19 =	rddreg [dreg:$0xd];
	[sflag:s26] =	ssyncadd.s32 $0xFFFFE000  }
0x9c: {  	[spmem:s19] =	stream.linear.scatter [tilespmem:s28], [sflag:$0x5], $0x2000, $0x38;
	[tilespmem:$0x1DA00] =	vst v63  }
0x9d: {  	_ =	swait.ge [sflag:s26], $0x2000  }
0x9e: {  	[sflag:s26] =	ssyncset.done $0x0  }
0x9f: {  	s20 =	rddreg [dreg:$0xe];
	[sflag:s26] =	ssyncadd.s32 $0xFFFFE000  }
0xa0: {  	[spmem:s20] =	stream.linear.scatter [tilespmem:s28], [sflag:$0x5], $0x2000, $0x38;
	[tilespmem:$0x1DA00] =	vst v63  }
0xa1: {  	_ =	swait.ge [sflag:s26], $0x2000  }
0xa2: {  	[sflag:s26] =	ssyncset.done $0x0  }
0xa3: {  	s21 =	rddreg [dreg:$0xf];
	[sflag:s26] =	ssyncadd.s32 $0xFFFFE000  }
0xa4: {  	[spmem:s21] =	stream.linear.scatter [tilespmem:s28], [sflag:$0x5], $0x2000, $0x38;
	[tilespmem:$0x1DA00] =	vst v63  }
0xa5: {  	_ =	swait.ge [sflag:s26], $0x2000  }
0xa6: {  	[sflag:s26] =	ssyncset.done $0x0  }
0xa7: {  	s22 =	rddreg [dreg:$0x10];
	[sflag:s26] =	ssyncadd.s32 $0xFFFFE000  }
0xa8: {  	[spmem:s22] =	stream.linear.scatter [tilespmem:s28], [sflag:$0x5], $0x2000, $0x38;
	[tilespmem:$0x1DA00] =	vst v63  }
0xa9: {  	_ =	swait.ge [sflag:s26], $0x2000  }
0xaa: {  	[sflag:s26] =	ssyncset.done $0x0  }
0xab: {  	s23 =	rddreg [dreg:$0x11];
	[sflag:s26] =	ssyncadd.s32 $0xFFFFE000  }
0xac: {  	[spmem:s23] =	stream.linear.scatter [tilespmem:s28], [sflag:$0x5], $0x2000, $0x38;
	[tilespmem:$0x1DA00] =	vst v63  }
0xad: {  	_ =	swait.ge [sflag:s26], $0x2000  }
0xae: {  	[sflag:s26] =	ssyncset.done $0x0  }
0xaf: {  	s24 =	rddreg [dreg:$0x12];
	[sflag:s26] =	ssyncadd.s32 $0xFFFFE000  }
0xb0: {  	[spmem:s24] =	stream.linear.scatter [tilespmem:s28], [sflag:$0x5], $0x2000, $0x38;
	[tilespmem:$0x1DA00] =	vst v63  }
.Ltmp4:
0xb1: {  	_ =	swait.ge [sflag:s26], $0x2000;
	(pc) =	sbr.rel .LBB2_6-.Ltmp4, $4  }
0xb2: {  	[sflag:s26] =	ssyncset.done $0x0  }
0xb3: {  	[sflag:s26] =	ssyncadd.s32 $0xFFFFE000  }
0xb4: {  	[bflag:$0x0] =	sbarrier.arrive $0xFFFF  }
0xb5: {  	s14 =	simm.s32 $0x0;
	s19 =	simm.s32 $0x0  }
.LBB2_15:
0xb6: {  	s19 =	sadd.s32 $0x1, s19  }
0xb7: {  	p0 =	sne.s32 s19, $0x29  }
.Ltmp5:
0xb8: {  	_ = 	snop;
	(pc) =	sbr.rel @!p0 .LBB2_16-.Ltmp5, $4  }
0xb9: {  	_ = 	snop  }
0xba: {  	_ =	swait.ge [sflag:s9], $0x2000  }
0xbb: {  	[sflag:s9] =	ssyncset.done $0x0  }
0xbc: {  	[sflag:s9] =	ssyncadd.s32 $0xFFFFE000  }
.LBB2_6:
0xbd: {  	s10 =	sadd.s32 s7, s19  }
0xbe: {  	s10 =	sshll.u32 s10, $0x7  }
0xbf: {  	s11 =	sadd.s32 s4, s10  }
0xc0: {  	[tilespmem:s14], [sflag:$0x5] =	stream.linear.gather [hbm4b:s11+s14], $0x400, $0x38;
	[tilespmem:$0x1DA00] =	vst v63  }
0xc1: {  	_ =	swait.ge [sflag:s26], $0x400  }
0xc2: {  	[sflag:s26] =	ssyncset.done $0x0  }
0xc3: {  	s10 =	sadd.s32 s5, s10;
	[sflag:s26] =	ssyncadd.s32 $0xFFFFFC00  }
0xc4: {  	[tilespmem:s29], [sflag:$0x5] =	stream.linear.gather [hbm4b:s10+s14], $0x400, $0x38;
	[tilespmem:$0x1DA00] =	vst v63  }
0xc5: {  	_ =	swait.ge [sflag:s26], $0x400  }
0xc6: {  	s20 =	sshll.u32 s19, $0xC;
	s21 =	rddreg [dreg:$0x7]  }
0xc7: {  	s10 =	sadd.s32 s21, s20  }
0xc8: {  	[sflag:s26] =	ssyncset.done $0x0;
	s10 =	sshrl.u32 s10, $0x3  }
0xc9: {  	[sflag:s26] =	ssyncadd.s32 $0xFFFFFC00;
	s22 =	sadd.s32 s6, s10;
	s10 =	simm.s32 $0x800  }
0xca: {  	[tilespmem:s10], [sflag:$0x5] =	stream.strided.gather [hbm4b:s22+s30], $0x200, s29, s30, $0x38;
	[tilespmem:$0x1DA00] =	vst v63  }
0xcb: {  	s23 =	sand.u32 $0xE00, s14;
	_ =	swait.ge [sflag:s26], $0x200  }
0xcc: {  	s17 =	sand.u32 $0x30, s14;
	s11 =	sshrl.u32 s23, $0x2;
	[sflag:s26] =	ssyncset.done $0x0  }
0xcd: {  	s11 =	sor.u32 s17, s11;
	[sflag:s26] =	ssyncadd.s32 $0xFFFFFE00  }
0xce: {  	v1 =	vld [tilespmem:s11+$0x400];
	_ =	sdelay $0x7  }
0xcf: {  	v1 =	vld.idx.msk [tilespmem:v1+s25+$0x0], $0xffff;
	_ =	sdelay $0x4  }
0xd0: {  	(erf) = vrcp.f32 v1;
	_ =	sdelay $0x4  }
0xd1: {  	v1 =	vld [tilespmem:s10+$0x0];
	_ =	sdelay $0x3  }
0xd2: {  	s24 =	simm.s32 $0x80;
	v2 =	vpop (erf)  }
0xd3: {  	s18 =	sand.u32 $0xE00, s24;
	s17 =	simm.s32 $0x10;
	s11 =	simm.s32 $0x100;
	v1 =	vmul.f32 v2, v1  }
.LBB2_7:
0xd4: {  	p0 =	sne.s32 s11, $0xF80;
	s20 =	sand.u32 $0x30, s17;
	s18 =	sshrl.u32 s18, $0x2  }
0xd5: {  	s18 =	sor.u32 s20, s18;
	[tilespmem:s10+$0x0] =	vst v1  }
0xd6: {  	v1 =	vld [tilespmem:s18+$0x400];
	_ =	sdelay $0x7  }
0xd7: {  	v1 =	vld.idx.msk [tilespmem:v1+s25+$0x0], $0xffff;
	_ =	sdelay $0x5  }
0xd8: {  	(erf) = vrcp.f32 v1;
	_ =	sdelay $0x3  }
0xd9: {  	s10 =	sadd.s32 $0x10, s10  }
0xda: {  	v1 =	vld [tilespmem:s10+$0x0]  }
.Ltmp6:
0xdb: {  	(pc) =	sbr.rel @p0 .LBB2_7-.Ltmp6, $3  }
0xdc: {  	_ =	sdelay $0x1  }
0xdd: {  	v2 =	vpop (erf)  }
0xde: {  	s17 =	sadd.s32 $0x10, s17;
	s18 =	sand.u32 $0xE00, s11;
	s11 =	sadd.s32 $0x80, s11;
	v1 =	vmul.f32 v2, v1  }
0xdf: {  	s11 =	sand.u32 $0x30, s17;
	s23 =	sshrl.u32 s18, $0x2  }
0xe0: {  	s11 =	sor.u32 s11, s23;
	[tilespmem:s10+$0x0] =	vst v1  }
0xe1: {  	v1 =	vld [tilespmem:s11+$0x400];
	_ =	sdelay $0x7  }
0xe2: {  	v1 =	vld.idx.msk [tilespmem:v1+s25+$0x0], $0xffff;
	_ =	sdelay $0x4  }
0xe3: {  	(erf) = vrcp.f32 v1;
	_ =	sdelay $0x3  }
0xe4: {  	s24 =	sadd.s32 $0x10, s10  }
0xe5: {  	v1 =	vld [tilespmem:s24+$0x0];
	_ =	sdelay $0x3  }
0xe6: {  	v2 =	vpop (erf)  }
0xe7: {  	v1 =	vmul.f32 v2, v1;
	_ =	sdelay $0x1  }
0xe8: {  	s20 =	simm.s32 $0x40;
	s21 =	simm.s32 $0x0;
	s22 =	simm.s32 $0x0;
	[tilespmem:s24+$0x0] =	vst v1  }
0xe9: {  	[tilespmem:s28], [sflag:$0x1] =	stream.indirect.gather [hbm4b:s15+s20], $0x80, s21, s20, $0xb8;
	[tilespmem:$0x1DA00] =	vst v63  }
.LBB2_9:
0xea: {  	p0 =	seq.s32 s22, $0x0  }
0xeb: {  	s10 =	simm.s32 @!p0 $0x4  }
0xec: {  	_ =	swait.ge @!p0 [sflag:s10], $0x2000  }
0xed: {  	s11 =	sshll.u32 s22, $0x8;
	[sflag:s10] =	ssyncset.done @!p0 $0x0  }
0xee: {  	s23 =	sor.u32 $0x80, s11;
	[sflag:s10] =	ssyncadd.s32 @!p0 $0xFFFFE000  }
0xef: {  	[tilespmem:s0], [sflag:$0x2] =	stream.indirect.gather [hbm4b:s15+s31], $0x80, s23, s31, $0xb8;
	[tilespmem:$0x1DA00] =	vst v63  }
0xf0: {  	s24 =	sadd.s32 $0x0, s21;
	_ =	swait.ge [sflag:s3], $0x2000  }
0xf1: {  	v1 =	vmov s24;
	[sflag:s3] =	ssyncset.done $0x0  }
0xf2: {  	s10 =	simm.s32 $0x5A40;
	[sflag:s3] =	ssyncadd.s32 $0xFFFFE000  }
0xf3: {  	v5 =	vld [tilespmem:s10+$0x30]  }
0xf4: {  	v8 =	vld [tilespmem:s10+$0x10]  }
0xf5: {  	v6 =	vld [tilespmem:s10+$0xFFFFFFC0]  }
0xf6: {  	v2 =	vld.idx.msk [tilespmem:v1+s2+$0x0], $0xffff  }
0xf7: {  	v10 =	vld [tilespmem:s10+$0xFFFFFFE0]  }
0xf8: {  	v1 =	vld [tilespmem:s10+$0xFFFFFFF0]  }
0xf9: {  	v3 =	vld [tilespmem:s10+$0x20]  }
0xfa: {  	v4 =	vld [tilespmem:s10+$0xFFFFFFD0]  }
0xfb: {  	v9 =	vmul.f32 v5, v2;
	v5 =	vld [tilespmem:s10+$0x0]  }
0xfc: {  	v7 =	vmul.f32 v6, v2  }
0xfd: {  	s17 =	simm.s32 $0x1;
	s18 =	simm.s32 $0x5A40;
	v6 =	vmul.f32 v10, v2;
	v8 =	vmul.f32 v8, v2  }
.LBB2_10:
0xfe: {  	p0 =	sne.s32 s17, $0x3F  }
0xff: {  	v4 =	vmul.f32 v4, v2;
	v3 =	vmul.f32 v3, v2;
	[tilespmem:s10+$0x30] =	vst v9;
	s18 =	sadd.s32 $0x80, s18;
	s11 =	smov.u32 s17;
	s17 =	sadd.s32 $0x1, s17  }
0x100: {  	[tilespmem:s10+$0xFFFFFFC0] =	vst v7;
	v7 =	vmul.f32 v1, v2;
	v2 =	vmul.f32 v5, v2  }
0x101: {  	s11 =	sadd.s32 s11, s21;
	[tilespmem:s10+$0x10] =	vst v8  }
0x102: {  	v5 =	vmov s11;
	[tilespmem:s10+$0xFFFFFFE0] =	vst v6  }
0x103: {  	v1 =	vld [tilespmem:s18+$0xFFFFFFF0];
	[tilespmem:s10+$0xFFFFFFF0] =	vst v7  }
0x104: {  	v6 =	vld [tilespmem:s18+$0x30];
	[tilespmem:s10+$0x0] =	vst v2  }
0x105: {  	v8 =	vld [tilespmem:s18+$0x10];
	[tilespmem:s10+$0x20] =	vst v3  }
0x106: {  	v7 =	vld [tilespmem:s18+$0xFFFFFFC0];
	[tilespmem:s10+$0xFFFFFFD0] =	vst v4;
	s10 =	smov.u32 s18  }
0x107: {  	v2 =	vld.idx.msk [tilespmem:v5+s2+$0x0], $0xffff  }
0x108: {  	v10 =	vld [tilespmem:s18+$0xFFFFFFE0]  }
0x109: {  	v3 =	vld [tilespmem:s18+$0x20]  }
.Ltmp7:
0x10a: {  	v4 =	vld [tilespmem:s18+$0xFFFFFFD0];
	(pc) =	sbr.rel @p0 .LBB2_10-.Ltmp7, $3  }
0x10b: {  	v5 =	vld [tilespmem:s18+$0x0];
	_ =	sdelay $0x1  }
0x10c: {  	v7 =	vmul.f32 v7, v2;
	v9 =	vmul.f32 v6, v2  }
0x10d: {  	v8 =	vmul.f32 v8, v2;
	v6 =	vmul.f32 v10, v2  }
0x10e: {  	[tilespmem:s10+$0x30] =	vst v9  }
0x10f: {  	[tilespmem:s10+$0xFFFFFFC0] =	vst v7  }
0x110: {  	v1 =	vmul.f32 v1, v2;
	[tilespmem:s10+$0x10] =	vst v8  }
0x111: {  	v3 =	vmul.f32 v3, v2;
	[tilespmem:s10+$0xFFFFFFE0] =	vst v6  }
0x112: {  	v5 =	vmul.f32 v5, v2;
	[tilespmem:s10+$0xFFFFFFF0] =	vst v1  }
0x113: {  	s11 =	sshll.u32 s22, $0xA;
	v1 =	vmul.f32 v4, v2;
	[tilespmem:s10+$0x20] =	vst v3  }
0x114: {  	s24 =	sshrl.u32 s11, $0x2;
	[tilespmem:s10+$0x0] =	vst v5  }
0x115: {  	s17 =	sadd.s32 $0x400, s24;
	[tilespmem:s10+$0xFFFFFFD0] =	vst v1  }
0x116: {  	[spmem:s1] =	stream.indirect.scatter.add.f32 [tilespmem:s28], [sflag:$0x3], $0x80, s17, s31, $0xb8;
	[tilespmem:$0x1DA00] =	vst v63  }
0x117: {  	s18 =	sadd.s32 $0x0, s20;
	_ =	swait.ge [sflag:s12], $0x2000  }
0x118: {  	v1 =	vmov s18;
	[sflag:s12] =	ssyncset.done $0x0  }
0x119: {  	s10 =	simm.s32 $0x7A40;
	[sflag:s12] =	ssyncadd.s32 $0xFFFFE000  }
0x11a: {  	v5 =	vld [tilespmem:s10+$0x30]  }
0x11b: {  	v8 =	vld [tilespmem:s10+$0x10]  }
0x11c: {  	v6 =	vld [tilespmem:s10+$0xFFFFFFC0]  }
0x11d: {  	v2 =	vld.idx.msk [tilespmem:v1+s2+$0x0], $0xffff  }
0x11e: {  	v10 =	vld [tilespmem:s10+$0xFFFFFFE0]  }
0x11f: {  	v1 =	vld [tilespmem:s10+$0xFFFFFFF0]  }
0x120: {  	v3 =	vld [tilespmem:s10+$0x20]  }
0x121: {  	v4 =	vld [tilespmem:s10+$0xFFFFFFD0]  }
0x122: {  	v9 =	vmul.f32 v5, v2;
	v5 =	vld [tilespmem:s10+$0x0]  }
0x123: {  	v7 =	vmul.f32 v6, v2  }
0x124: {  	s18 =	simm.s32 $0x7A40;
	s17 =	simm.s32 $0x1;
	v6 =	vmul.f32 v10, v2;
	v8 =	vmul.f32 v8, v2  }
.LBB2_12:
0x125: {  	p0 =	sne.s32 s17, $0x3F  }
0x126: {  	v4 =	vmul.f32 v4, v2;
	v3 =	vmul.f32 v3, v2;
	[tilespmem:s10+$0x30] =	vst v9;
	s18 =	sadd.s32 $0x80, s18;
	s11 =	smov.u32 s17;
	s17 =	sadd.s32 $0x1, s17  }
0x127: {  	[tilespmem:s10+$0xFFFFFFC0] =	vst v7;
	v7 =	vmul.f32 v1, v2;
	v2 =	vmul.f32 v5, v2  }
0x128: {  	s11 =	sadd.s32 s11, s20;
	[tilespmem:s10+$0x10] =	vst v8  }
0x129: {  	v5 =	vmov s11;
	[tilespmem:s10+$0xFFFFFFE0] =	vst v6  }
0x12a: {  	v1 =	vld [tilespmem:s18+$0xFFFFFFF0];
	[tilespmem:s10+$0xFFFFFFF0] =	vst v7  }
0x12b: {  	v6 =	vld [tilespmem:s18+$0x30];
	[tilespmem:s10+$0x0] =	vst v2  }
0x12c: {  	v8 =	vld [tilespmem:s18+$0x10];
	[tilespmem:s10+$0x20] =	vst v3  }
0x12d: {  	v7 =	vld [tilespmem:s18+$0xFFFFFFC0];
	[tilespmem:s10+$0xFFFFFFD0] =	vst v4;
	s10 =	smov.u32 s18  }
0x12e: {  	v2 =	vld.idx.msk [tilespmem:v5+s2+$0x0], $0xffff  }
0x12f: {  	v10 =	vld [tilespmem:s18+$0xFFFFFFE0]  }
0x130: {  	v3 =	vld [tilespmem:s18+$0x20]  }
.Ltmp8:
0x131: {  	v4 =	vld [tilespmem:s18+$0xFFFFFFD0];
	(pc) =	sbr.rel @p0 .LBB2_12-.Ltmp8, $3  }
0x132: {  	v5 =	vld [tilespmem:s18+$0x0];
	_ =	sdelay $0x1  }
0x133: {  	v7 =	vmul.f32 v7, v2;
	v9 =	vmul.f32 v6, v2  }
0x134: {  	v8 =	vmul.f32 v8, v2;
	v6 =	vmul.f32 v10, v2  }
0x135: {  	[tilespmem:s10+$0x30] =	vst v9  }
0x136: {  	[tilespmem:s10+$0xFFFFFFC0] =	vst v7  }
0x137: {  	v1 =	vmul.f32 v1, v2;
	[tilespmem:s10+$0x10] =	vst v8  }
0x138: {  	v3 =	vmul.f32 v3, v2;
	[tilespmem:s10+$0xFFFFFFE0] =	vst v6  }
0x139: {  	v5 =	vmul.f32 v5, v2;
	[tilespmem:s10+$0xFFFFFFF0] =	vst v1  }
0x13a: {  	v1 =	vmul.f32 v4, v2;
	[tilespmem:s10+$0x20] =	vst v3  }
0x13b: {  	p0 =	seq.s32 s22, $0x3;
	[tilespmem:s10+$0x0] =	vst v5  }
.Ltmp9:
0x13c: {  	s23 =	sadd.s32 $0x400, s23;
	[tilespmem:s10+$0xFFFFFFD0] =	vst v1;
	(pc) =	sbr.rel @p0 .LBB2_15-.Ltmp9, $4  }
0x13d: {  	[spmem:s1] =	stream.indirect.scatter.add.f32 [tilespmem:s0], [sflag:$0x4], $0x80, s23, s31, $0xb8;
	[tilespmem:$0x1DA00] =	vst v63  }
0x13e: {  	_ =	swait.ge [sflag:s8], $0x2000  }
0x13f: {  	[sflag:s8] =	ssyncset.done $0x0  }
0x140: {  	[sflag:s8] =	ssyncadd.s32 $0xFFFFE000  }
.Ltmp10:
0x141: {  	(pc) =	sbr.rel .LBB2_9-.Ltmp10, $4  }
0x142: {  	_ = 	snop  }
0x143: {  	s10 =	sadd.s32 $0x100, s24  }
0x144: {  	s22 =	sadd.s32 $0x1, s22;
	s21 =	sadd.s32 $0x80, s21;
	s20 =	sadd.s32 $0x80, s20  }
0x145: {  	[tilespmem:s28], [sflag:$0x1] =	stream.indirect.gather [hbm4b:s15+s31], $0x80, s10, s31, $0xb8;
	[tilespmem:$0x1DA00] =	vst v63  }
.LBB2_16:
0x146: {  	[bflag:$0x0] =	sbarrier.arrive $0xFFFF  }
0x147: {  	s10 =	stileid.u32;
	s13 =	rddreg [dreg:$0xb]  }
0x148: {  	s10 =	sshll.u32 s10, $0x6;
	s18 =	rddreg [dreg:$0x4]  }
0x149: {  	s11 =	rddreg [dreg:$0x1e];
	s14 =	sor.u32 $0x1C05, s10;
	s10 =	sshrl.u32 s18, $0x3  }
0x14a: {  	s11 =	sadd.s32 s11, s13;
	[smem:$0x7F3] =	sst s10  }
0x14b: {  	[hbm:s11], [sflag:s14] =	dma.local [spmem:s10], $0x400  }
0x14c: {  	_ =	swait.ge [sflag:s26], $0x400  }
0x14d: {  	s20 =	rddreg [dreg:$0x5]  }
0x14e: {  	[sflag:s26] =	ssyncset.done $0x0;
	s19 =	rddreg [dreg:$0x13];
	s11 =	sshrl.u32 s20, $0x3  }
0x14f: {  	[sflag:s26] =	ssyncadd.s32 $0xFFFFFC00;
	s10 =	sadd.s32 s19, s13;
	[smem:$0x7F4] =	sst s11  }
0x150: {  	[hbm:s10], [sflag:s14] =	dma.local [spmem:s11], $0x400  }
0x151: {  	_ =	swait.ge [sflag:s26], $0x400  }
0x152: {  	s22 =	rddreg [dreg:$0x6]  }
0x153: {  	[sflag:s26] =	ssyncset.done $0x0;
	s21 =	rddreg [dreg:$0x14];
	s11 =	sshrl.u32 s22, $0x3  }
0x154: {  	[sflag:s26] =	ssyncadd.s32 $0xFFFFFC00;
	s10 =	sadd.s32 s21, s13;
	[smem:$0x7F5] =	sst s11  }
0x155: {  	[hbm:s10], [sflag:s14] =	dma.local [spmem:s11], $0x400  }
0x156: {  	_ =	swait.ge [sflag:s26], $0x400  }
0x157: {  	s24 =	rddreg [dreg:$0xa]  }
0x158: {  	[sflag:s26] =	ssyncset.done $0x0;
	s23 =	rddreg [dreg:$0x15];
	s11 =	sshrl.u32 s24, $0x3  }
0x159: {  	[sflag:s26] =	ssyncadd.s32 $0xFFFFFC00;
	s10 =	sadd.s32 s23, s13;
	[smem:$0x7F6] =	sst s11  }
0x15a: {  	[hbm:s10], [sflag:s14] =	dma.local [spmem:s11], $0x400  }
0x15b: {  	_ =	swait.ge [sflag:s26], $0x400  }
0x15c: {  	s18 =	rddreg [dreg:$0xd]  }
0x15d: {  	[sflag:s26] =	ssyncset.done $0x0;
	s17 =	rddreg [dreg:$0x16];
	s11 =	sshrl.u32 s18, $0x3  }
0x15e: {  	[sflag:s26] =	ssyncadd.s32 $0xFFFFFC00;
	s10 =	sadd.s32 s17, s13;
	[smem:$0x7F7] =	sst s11  }
0x15f: {  	[hbm:s10], [sflag:s14] =	dma.local [spmem:s11], $0x400  }
0x160: {  	_ =	swait.ge [sflag:s26], $0x400  }
0x161: {  	s20 =	rddreg [dreg:$0xe]  }
0x162: {  	[sflag:s26] =	ssyncset.done $0x0;
	s19 =	rddreg [dreg:$0x17];
	s11 =	sshrl.u32 s20, $0x3  }
0x163: {  	[sflag:s26] =	ssyncadd.s32 $0xFFFFFC00;
	s10 =	sadd.s32 s19, s13;
	[smem:$0x7F8] =	sst s11  }
0x164: {  	[hbm:s10], [sflag:s14] =	dma.local [spmem:s11], $0x400  }
0x165: {  	_ =	swait.ge [sflag:s26], $0x400  }
0x166: {  	s22 =	rddreg [dreg:$0xf]  }
0x167: {  	[sflag:s26] =	ssyncset.done $0x0;
	s21 =	rddreg [dreg:$0x18];
	s11 =	sshrl.u32 s22, $0x3  }
0x168: {  	[sflag:s26] =	ssyncadd.s32 $0xFFFFFC00;
	s10 =	sadd.s32 s21, s13;
	[smem:$0x7F9] =	sst s11  }
0x169: {  	[hbm:s10], [sflag:s14] =	dma.local [spmem:s11], $0x400  }
0x16a: {  	_ =	swait.ge [sflag:s26], $0x400  }
0x16b: {  	s24 =	rddreg [dreg:$0x10]  }
0x16c: {  	[sflag:s26] =	ssyncset.done $0x0;
	s23 =	rddreg [dreg:$0x19];
	s11 =	sshrl.u32 s24, $0x3  }
0x16d: {  	[sflag:s26] =	ssyncadd.s32 $0xFFFFFC00;
	s10 =	sadd.s32 s23, s13;
	[smem:$0x7FA] =	sst s11  }
0x16e: {  	[hbm:s10], [sflag:s14] =	dma.local [spmem:s11], $0x400  }
0x16f: {  	_ =	swait.ge [sflag:s26], $0x400  }
0x170: {  	s18 =	rddreg [dreg:$0x11]  }
0x171: {  	[sflag:s26] =	ssyncset.done $0x0;
	s17 =	rddreg [dreg:$0x1a];
	s11 =	sshrl.u32 s18, $0x3  }
0x172: {  	[sflag:s26] =	ssyncadd.s32 $0xFFFFFC00;
	s10 =	sadd.s32 s17, s13;
	[smem:$0x7FB] =	sst s11  }
0x173: {  	[hbm:s10], [sflag:s14] =	dma.local [spmem:s11], $0x400  }
0x174: {  	_ =	swait.ge [sflag:s26], $0x400  }
0x175: {  	s20 =	rddreg [dreg:$0x12]  }
0x176: {  	[sflag:s26] =	ssyncset.done $0x0;
	s19 =	rddreg [dreg:$0x1b];
	s11 =	sshrl.u32 s20, $0x3  }
0x177: {  	[sflag:s26] =	ssyncadd.s32 $0xFFFFFC00;
	s10 =	sadd.s32 s19, s13;
	[smem:$0x7FC] =	sst s11  }
0x178: {  	[hbm:s10], [sflag:s14] =	dma.local [spmem:s11], $0x400  }
0x179: {  	_ =	swait.ge [sflag:s26], $0x400  }
0x17a: {  	[sflag:s26] =	ssyncset.done $0x0  }
0x17b: {  	[sflag:s26] =	ssyncadd.s32 $0xFFFFFC00  }
0x17c: {  	[bflag:$0x0] =	sbarrier.arrive $0xFFFF  }
0x17d: {  	s21 =	simm.s32 $0x0;
	s22 =	rddreg [dreg:$0x8]  }
0x17e: {  	[tilespmem:s25], [sflag:$0x5] =	stream.linear.gather [hbm4b:s22+s21], $0x2800, $0x38;
	[tilespmem:$0x1DA00] =	vst v63  }
0x17f: {  	_ =	swait.ge [sflag:s26], $0x2800  }
0x180: {  	[sflag:s26] =	ssyncset.done $0x0  }
0x181: {  	s24 =	simm.s32 $0x3200;
	s23 =	rddreg [dreg:$0x1f];
	[sflag:s26] =	ssyncadd.s32 $0xFFFFD800  }
0x182: {  	[tilespmem:s24], [sflag:$0x5] =	stream.linear.gather [hbm4b:s23+s21], $0x2800, $0x38;
	[tilespmem:$0x1DA00] =	vst v63  }
0x183: {  	_ =	swait.ge [sflag:s26], $0x2800  }
0x184: {  	[sflag:s26] =	ssyncset.done $0x0  }
0x185: {  	s10 =	simm.s32 $0x0;
	[sflag:s26] =	ssyncadd.s32 $0xFFFFD800  }
0x186: {  	s17 =	simm.s32 $0x40;
	s11 =	simm.s32 $0x0;
	v1 =	vld [tilespmem:s10+$0x3200]  }
.LBB2_17:
0x187: {  	p0 =	sne.s32 s17, $0x9FC0;
	v2 =	vld [tilespmem:s11+$0xA00];
	_ =	sdelay $0x4  }
.Ltmp11:
0x188: {  	v1 =	vadd.f32 v1, v2;
	(pc) =	sbr.rel @p0 .LBB2_17-.Ltmp11, $4  }
0x189: {  	_ = 	snop  }
0x18a: {  	v2 =	vadd.f32 $1.000000020e-16, v1  }
0x18b: {  	s18 =	sshra.s32 s17, $0x2  }
0x18c: {  	s17 =	sadd.s32 $0x40, s17;
	v1 =	vld [tilespmem:s18+$0x3200];
	[tilespmem:s11+$0xA00] =	vst v2;
	s11 =	smov.u32 s18  }
0x18d: {  	v2 =	vld [tilespmem:s11+$0xA00];
	_ =	sdelay $0x4  }
0x18e: {  	v1 =	vadd.f32 v1, v2;
	_ =	sdelay $0x1  }
0x18f: {  	v1 =	vadd.f32 $1.000000020e-16, v1;
	_ =	sdelay $0x1  }
0x190: {  	[tilespmem:s11+$0xA00] =	vst v1;
	s11 =	simm.s32 $0x200  }
.LBB2_19:
0x191: {  	p0 =	sne.s32 s11, $0x7E00;
	[tilespmem:s10+$0x5A70] =	vst v0  }
0x192: {  	[tilespmem:s10+$0x5A00] =	vst v0  }
0x193: {  	[tilespmem:s10+$0x5A10] =	vst v0  }
.Ltmp12:
0x194: {  	[tilespmem:s10+$0x5A20] =	vst v0;
	(pc) =	sbr.rel @p0 .LBB2_19-.Ltmp12, $4  }
0x195: {  	[tilespmem:s10+$0x5A30] =	vst v0  }
0x196: {  	[tilespmem:s10+$0x5A40] =	vst v0  }
0x197: {  	[tilespmem:s10+$0x5A50] =	vst v0  }
0x198: {  	[tilespmem:s10+$0x5A60] =	vst v0;
	s10 =	sshra.s32 s11, $0x2;
	s11 =	sadd.s32 $0x200, s11  }
0x199: {  	[tilespmem:s10+$0x5A70] =	vst v0  }
0x19a: {  	[tilespmem:s10+$0x5A00] =	vst v0  }
0x19b: {  	[tilespmem:s10+$0x5A10] =	vst v0  }
0x19c: {  	[tilespmem:s10+$0x5A20] =	vst v0  }
0x19d: {  	[tilespmem:s10+$0x5A30] =	vst v0  }
0x19e: {  	[tilespmem:s10+$0x5A40] =	vst v0  }
0x19f: {  	[tilespmem:s10+$0x5A50] =	vst v0  }
0x1a0: {  	[tilespmem:s10+$0x5A60] =	vst v0;
	s11 =	rddreg [dreg:$0x4]  }
0x1a1: {  	[spmem:s11] =	stream.linear.scatter [tilespmem:s28], [sflag:$0x5], $0x2000, $0x38;
	[tilespmem:$0x1DA00] =	vst v63  }
0x1a2: {  	_ =	swait.ge [sflag:s26], $0x2000  }
0x1a3: {  	[sflag:s26] =	ssyncset.done $0x0  }
0x1a4: {  	s13 =	rddreg [dreg:$0x5];
	[sflag:s26] =	ssyncadd.s32 $0xFFFFE000  }
0x1a5: {  	[spmem:s13] =	stream.linear.scatter [tilespmem:s28], [sflag:$0x5], $0x2000, $0x38;
	[tilespmem:$0x1DA00] =	vst v63  }
0x1a6: {  	_ =	swait.ge [sflag:s26], $0x2000  }
0x1a7: {  	[sflag:s26] =	ssyncset.done $0x0  }
0x1a8: {  	s17 =	rddreg [dreg:$0x6];
	[sflag:s26] =	ssyncadd.s32 $0xFFFFE000  }
0x1a9: {  	[spmem:s17] =	stream.linear.scatter [tilespmem:s28], [sflag:$0x5], $0x2000, $0x38;
	[tilespmem:$0x1DA00] =	vst v63  }
0x1aa: {  	_ =	swait.ge [sflag:s26], $0x2000  }
0x1ab: {  	[sflag:s26] =	ssyncset.done $0x0  }
0x1ac: {  	s18 =	rddreg [dreg:$0xa];
	[sflag:s26] =	ssyncadd.s32 $0xFFFFE000  }
0x1ad: {  	[spmem:s18] =	stream.linear.scatter [tilespmem:s28], [sflag:$0x5], $0x2000, $0x38;
	[tilespmem:$0x1DA00] =	vst v63  }
0x1ae: {  	_ =	swait.ge [sflag:s26], $0x2000  }
0x1af: {  	[sflag:s26] =	ssyncset.done $0x0  }
0x1b0: {  	s19 =	rddreg [dreg:$0xd];
	[sflag:s26] =	ssyncadd.s32 $0xFFFFE000  }
0x1b1: {  	[spmem:s19] =	stream.linear.scatter [tilespmem:s28], [sflag:$0x5], $0x2000, $0x38;
	[tilespmem:$0x1DA00] =	vst v63  }
0x1b2: {  	_ =	swait.ge [sflag:s26], $0x2000  }
0x1b3: {  	[sflag:s26] =	ssyncset.done $0x0  }
0x1b4: {  	s20 =	rddreg [dreg:$0xe];
	[sflag:s26] =	ssyncadd.s32 $0xFFFFE000  }
0x1b5: {  	[spmem:s20] =	stream.linear.scatter [tilespmem:s28], [sflag:$0x5], $0x2000, $0x38;
	[tilespmem:$0x1DA00] =	vst v63  }
0x1b6: {  	_ =	swait.ge [sflag:s26], $0x2000  }
0x1b7: {  	[sflag:s26] =	ssyncset.done $0x0  }
0x1b8: {  	s21 =	rddreg [dreg:$0xf];
	[sflag:s26] =	ssyncadd.s32 $0xFFFFE000  }
0x1b9: {  	[spmem:s21] =	stream.linear.scatter [tilespmem:s28], [sflag:$0x5], $0x2000, $0x38;
	[tilespmem:$0x1DA00] =	vst v63  }
0x1ba: {  	_ =	swait.ge [sflag:s26], $0x2000  }
0x1bb: {  	[sflag:s26] =	ssyncset.done $0x0  }
0x1bc: {  	s22 =	rddreg [dreg:$0x10];
	[sflag:s26] =	ssyncadd.s32 $0xFFFFE000  }
0x1bd: {  	[spmem:s22] =	stream.linear.scatter [tilespmem:s28], [sflag:$0x5], $0x2000, $0x38;
	[tilespmem:$0x1DA00] =	vst v63  }
0x1be: {  	_ =	swait.ge [sflag:s26], $0x2000  }
0x1bf: {  	[sflag:s26] =	ssyncset.done $0x0  }
0x1c0: {  	s23 =	rddreg [dreg:$0x11];
	[sflag:s26] =	ssyncadd.s32 $0xFFFFE000  }
0x1c1: {  	[spmem:s23] =	stream.linear.scatter [tilespmem:s28], [sflag:$0x5], $0x2000, $0x38;
	[tilespmem:$0x1DA00] =	vst v63  }
0x1c2: {  	_ =	swait.ge [sflag:s26], $0x2000  }
0x1c3: {  	[sflag:s26] =	ssyncset.done $0x0  }
0x1c4: {  	s24 =	rddreg [dreg:$0x12];
	[sflag:s26] =	ssyncadd.s32 $0xFFFFE000  }
0x1c5: {  	[spmem:s24] =	stream.linear.scatter [tilespmem:s28], [sflag:$0x5], $0x2000, $0x38;
	[tilespmem:$0x1DA00] =	vst v63  }
.Ltmp13:
0x1c6: {  	_ =	swait.ge [sflag:s26], $0x2000;
	(pc) =	sbr.rel .LBB2_21-.Ltmp13, $4  }
0x1c7: {  	[sflag:s26] =	ssyncset.done $0x0  }
0x1c8: {  	[sflag:s26] =	ssyncadd.s32 $0xFFFFE000  }
0x1c9: {  	[bflag:$0x0] =	sbarrier.arrive $0xFFFF  }
0x1ca: {  	s23 =	simm.s32 $0x0;
	s24 =	simm.s32 $0x0  }
.LBB2_30:
0x1cb: {  	s24 =	sadd.s32 $0x1, s24  }
0x1cc: {  	p0 =	sne.s32 s24, $0x29  }
.Ltmp14:
0x1cd: {  	_ = 	snop;
	(pc) =	sbr.rel @!p0 .LBB2_31-.Ltmp14, $4  }
0x1ce: {  	_ = 	snop  }
0x1cf: {  	_ =	swait.ge [sflag:s9], $0x2000  }
0x1d0: {  	[sflag:s9] =	ssyncset.done $0x0  }
0x1d1: {  	[sflag:s9] =	ssyncadd.s32 $0xFFFFE000  }
.LBB2_21:
0x1d2: {  	s10 =	sadd.s32 s7, s24  }
0x1d3: {  	s10 =	sshll.u32 s10, $0x7  }
0x1d4: {  	s11 =	sadd.s32 s4, s10  }
0x1d5: {  	[tilespmem:s23], [sflag:$0x5] =	stream.linear.gather [hbm4b:s11+s23], $0x400, $0x38;
	[tilespmem:$0x1DA00] =	vst v63  }
0x1d6: {  	_ =	swait.ge [sflag:s26], $0x400  }
0x1d7: {  	[sflag:s26] =	ssyncset.done $0x0  }
0x1d8: {  	s10 =	sadd.s32 s5, s10;
	[sflag:s26] =	ssyncadd.s32 $0xFFFFFC00  }
0x1d9: {  	[tilespmem:s29], [sflag:$0x5] =	stream.linear.gather [hbm4b:s10+s23], $0x400, $0x38;
	[tilespmem:$0x1DA00] =	vst v63  }
0x1da: {  	_ =	swait.ge [sflag:s26], $0x400  }
0x1db: {  	s18 =	sshll.u32 s24, $0xC;
	s19 =	rddreg [dreg:$0x9]  }
0x1dc: {  	s10 =	sadd.s32 s19, s18  }
0x1dd: {  	[sflag:s26] =	ssyncset.done $0x0;
	s10 =	sshrl.u32 s10, $0x3  }
0x1de: {  	[sflag:s26] =	ssyncadd.s32 $0xFFFFFC00;
	s20 =	sadd.s32 s6, s10;
	s10 =	simm.s32 $0x800  }
0x1df: {  	[tilespmem:s10], [sflag:$0x5] =	stream.strided.gather [hbm4b:s20+s30], $0x200, s29, s30, $0x38;
	[tilespmem:$0x1DA00] =	vst v63  }
0x1e0: {  	s21 =	sand.u32 $0xE00, s23;
	_ =	swait.ge [sflag:s26], $0x200  }
0x1e1: {  	s17 =	sand.u32 $0x30, s23;
	s11 =	sshrl.u32 s21, $0x2;
	[sflag:s26] =	ssyncset.done $0x0  }
0x1e2: {  	s11 =	sor.u32 s17, s11;
	[sflag:s26] =	ssyncadd.s32 $0xFFFFFE00  }
0x1e3: {  	v1 =	vld [tilespmem:s11+$0x400];
	_ =	sdelay $0x7  }
0x1e4: {  	v1 =	vld.idx.msk [tilespmem:v1+s25+$0x0], $0xffff;
	_ =	sdelay $0x4  }
0x1e5: {  	(erf) = vrcp.f32 v1;
	_ =	sdelay $0x4  }
0x1e6: {  	v1 =	vld [tilespmem:s10+$0x0];
	_ =	sdelay $0x3  }
0x1e7: {  	s22 =	simm.s32 $0x80;
	v2 =	vpop (erf)  }
0x1e8: {  	s17 =	simm.s32 $0x10;
	s18 =	sand.u32 $0xE00, s22;
	s11 =	simm.s32 $0x100;
	v1 =	vmul.f32 v2, v1  }
.LBB2_22:
0x1e9: {  	p0 =	sne.s32 s11, $0xF80;
	s19 =	sand.u32 $0x30, s17;
	s18 =	sshrl.u32 s18, $0x2  }
0x1ea: {  	s18 =	sor.u32 s19, s18;
	[tilespmem:s10+$0x0] =	vst v1  }
0x1eb: {  	v1 =	vld [tilespmem:s18+$0x400];
	_ =	sdelay $0x7  }
0x1ec: {  	v1 =	vld.idx.msk [tilespmem:v1+s25+$0x0], $0xffff;
	_ =	sdelay $0x5  }
0x1ed: {  	(erf) = vrcp.f32 v1;
	_ =	sdelay $0x3  }
0x1ee: {  	s10 =	sadd.s32 $0x10, s10  }
0x1ef: {  	v1 =	vld [tilespmem:s10+$0x0]  }
.Ltmp15:
0x1f0: {  	(pc) =	sbr.rel @p0 .LBB2_22-.Ltmp15, $3  }
0x1f1: {  	_ =	sdelay $0x1  }
0x1f2: {  	v2 =	vpop (erf)  }
0x1f3: {  	s17 =	sadd.s32 $0x10, s17;
	s18 =	sand.u32 $0xE00, s11;
	s11 =	sadd.s32 $0x80, s11;
	v1 =	vmul.f32 v2, v1  }
0x1f4: {  	s11 =	sand.u32 $0x30, s17;
	s21 =	sshrl.u32 s18, $0x2  }
0x1f5: {  	s11 =	sor.u32 s11, s21;
	[tilespmem:s10+$0x0] =	vst v1  }
0x1f6: {  	v1 =	vld [tilespmem:s11+$0x400];
	_ =	sdelay $0x7  }
0x1f7: {  	v1 =	vld.idx.msk [tilespmem:v1+s25+$0x0], $0xffff;
	_ =	sdelay $0x4  }
0x1f8: {  	(erf) = vrcp.f32 v1;
	_ =	sdelay $0x3  }
0x1f9: {  	s22 =	sadd.s32 $0x10, s10  }
0x1fa: {  	v1 =	vld [tilespmem:s22+$0x0];
	_ =	sdelay $0x3  }
0x1fb: {  	v2 =	vpop (erf)  }
0x1fc: {  	v1 =	vmul.f32 v2, v1;
	_ =	sdelay $0x1  }
0x1fd: {  	s19 =	simm.s32 $0x40;
	s20 =	simm.s32 $0x0;
	s21 =	simm.s32 $0x0;
	[tilespmem:s22+$0x0] =	vst v1  }
0x1fe: {  	[tilespmem:s28], [sflag:$0x1] =	stream.indirect.gather [hbm4b:s16+s19], $0x80, s20, s19, $0xb8;
	[tilespmem:$0x1DA00] =	vst v63  }
.LBB2_24:
0x1ff: {  	p0 =	seq.s32 s21, $0x0  }
0x200: {  	s10 =	simm.s32 @!p0 $0x4  }
0x201: {  	_ =	swait.ge @!p0 [sflag:s10], $0x2000  }
0x202: {  	s11 =	sshll.u32 s21, $0x8;
	[sflag:s10] =	ssyncset.done @!p0 $0x0  }
0x203: {  	s22 =	sor.u32 $0x80, s11;
	[sflag:s10] =	ssyncadd.s32 @!p0 $0xFFFFE000  }
0x204: {  	[tilespmem:s0], [sflag:$0x2] =	stream.indirect.gather [hbm4b:s16+s31], $0x80, s22, s31, $0xb8;
	[tilespmem:$0x1DA00] =	vst v63  }
0x205: {  	s18 =	sadd.s32 $0x0, s20;
	_ =	swait.ge [sflag:s3], $0x2000  }
0x206: {  	v1 =	vmov s18;
	[sflag:s3] =	ssyncset.done $0x0  }
0x207: {  	s17 =	simm.s32 $0x5A40;
	[sflag:s3] =	ssyncadd.s32 $0xFFFFE000  }
0x208: {  	v5 =	vld [tilespmem:s17+$0x30]  }
0x209: {  	v8 =	vld [tilespmem:s17+$0x10]  }
0x20a: {  	v6 =	vld [tilespmem:s17+$0xFFFFFFC0]  }
0x20b: {  	v2 =	vld.idx.msk [tilespmem:v1+s2+$0x0], $0xffff  }
0x20c: {  	v10 =	vld [tilespmem:s17+$0xFFFFFFE0]  }
0x20d: {  	v1 =	vld [tilespmem:s17+$0xFFFFFFF0]  }
0x20e: {  	v3 =	vld [tilespmem:s17+$0x20]  }
0x20f: {  	v4 =	vld [tilespmem:s17+$0xFFFFFFD0]  }
0x210: {  	v9 =	vmul.f32 v5, v2;
	v5 =	vld [tilespmem:s17+$0x0]  }
0x211: {  	v7 =	vmul.f32 v6, v2  }
0x212: {  	s18 =	simm.s32 $0x5A40;
	s10 =	simm.s32 $0x1;
	v6 =	vmul.f32 v10, v2;
	v8 =	vmul.f32 v8, v2  }
.LBB2_25:
0x213: {  	p0 =	sne.s32 s10, $0x3F  }
0x214: {  	v4 =	vmul.f32 v4, v2;
	v3 =	vmul.f32 v3, v2;
	[tilespmem:s17+$0x30] =	vst v9;
	s18 =	sadd.s32 $0x80, s18;
	s11 =	smov.u32 s10;
	s10 =	sadd.s32 $0x1, s10  }
0x215: {  	[tilespmem:s17+$0xFFFFFFC0] =	vst v7;
	v7 =	vmul.f32 v1, v2;
	v2 =	vmul.f32 v5, v2  }
0x216: {  	s11 =	sadd.s32 s11, s20;
	[tilespmem:s17+$0x10] =	vst v8  }
0x217: {  	v5 =	vmov s11;
	[tilespmem:s17+$0xFFFFFFE0] =	vst v6  }
0x218: {  	v1 =	vld [tilespmem:s18+$0xFFFFFFF0];
	[tilespmem:s17+$0xFFFFFFF0] =	vst v7  }
0x219: {  	v6 =	vld [tilespmem:s18+$0x30];
	[tilespmem:s17+$0x0] =	vst v2  }
0x21a: {  	v8 =	vld [tilespmem:s18+$0x10];
	[tilespmem:s17+$0x20] =	vst v3  }
0x21b: {  	v7 =	vld [tilespmem:s18+$0xFFFFFFC0];
	[tilespmem:s17+$0xFFFFFFD0] =	vst v4;
	s17 =	smov.u32 s18  }
0x21c: {  	v2 =	vld.idx.msk [tilespmem:v5+s2+$0x0], $0xffff  }
0x21d: {  	v10 =	vld [tilespmem:s18+$0xFFFFFFE0]  }
0x21e: {  	v3 =	vld [tilespmem:s18+$0x20]  }
.Ltmp16:
0x21f: {  	v4 =	vld [tilespmem:s18+$0xFFFFFFD0];
	(pc) =	sbr.rel @p0 .LBB2_25-.Ltmp16, $3  }
0x220: {  	v5 =	vld [tilespmem:s18+$0x0];
	_ =	sdelay $0x1  }
0x221: {  	v7 =	vmul.f32 v7, v2;
	v9 =	vmul.f32 v6, v2  }
0x222: {  	v8 =	vmul.f32 v8, v2;
	v6 =	vmul.f32 v10, v2  }
0x223: {  	[tilespmem:s17+$0x30] =	vst v9  }
0x224: {  	[tilespmem:s17+$0xFFFFFFC0] =	vst v7  }
0x225: {  	v1 =	vmul.f32 v1, v2;
	[tilespmem:s17+$0x10] =	vst v8  }
0x226: {  	v3 =	vmul.f32 v3, v2;
	[tilespmem:s17+$0xFFFFFFE0] =	vst v6  }
0x227: {  	v5 =	vmul.f32 v5, v2;
	[tilespmem:s17+$0xFFFFFFF0] =	vst v1  }
0x228: {  	s10 =	sshll.u32 s21, $0xA;
	v1 =	vmul.f32 v4, v2;
	[tilespmem:s17+$0x20] =	vst v3  }
0x229: {  	s10 =	sshrl.u32 s10, $0x2;
	[tilespmem:s17+$0x0] =	vst v5  }
0x22a: {  	s11 =	sadd.s32 $0x400, s10;
	[tilespmem:s17+$0xFFFFFFD0] =	vst v1  }
0x22b: {  	[spmem:s1] =	stream.indirect.scatter.add.f32 [tilespmem:s28], [sflag:$0x3], $0x80, s11, s31, $0xb8;
	[tilespmem:$0x1DA00] =	vst v63  }
0x22c: {  	s18 =	sadd.s32 $0x0, s19;
	_ =	swait.ge [sflag:s12], $0x2000  }
0x22d: {  	v1 =	vmov s18;
	[sflag:s12] =	ssyncset.done $0x0  }
0x22e: {  	s17 =	simm.s32 $0x7A40;
	[sflag:s12] =	ssyncadd.s32 $0xFFFFE000  }
0x22f: {  	v5 =	vld [tilespmem:s17+$0x30]  }
0x230: {  	v8 =	vld [tilespmem:s17+$0x10]  }
0x231: {  	v6 =	vld [tilespmem:s17+$0xFFFFFFC0]  }
0x232: {  	v2 =	vld.idx.msk [tilespmem:v1+s2+$0x0], $0xffff  }
0x233: {  	v10 =	vld [tilespmem:s17+$0xFFFFFFE0]  }
0x234: {  	v1 =	vld [tilespmem:s17+$0xFFFFFFF0]  }
0x235: {  	v3 =	vld [tilespmem:s17+$0x20]  }
0x236: {  	v4 =	vld [tilespmem:s17+$0xFFFFFFD0]  }
0x237: {  	v9 =	vmul.f32 v5, v2;
	v5 =	vld [tilespmem:s17+$0x0]  }
0x238: {  	v7 =	vmul.f32 v6, v2  }
0x239: {  	s18 =	simm.s32 $0x1;
	s11 =	simm.s32 $0x7A40;
	v6 =	vmul.f32 v10, v2;
	v8 =	vmul.f32 v8, v2  }
.LBB2_27:
0x23a: {  	p0 =	sne.s32 s18, $0x3F  }
0x23b: {  	v4 =	vmul.f32 v4, v2;
	v3 =	vmul.f32 v3, v2;
	[tilespmem:s17+$0x30] =	vst v9;
	s11 =	sadd.s32 $0x80, s11;
	s13 =	smov.u32 s18;
	s18 =	sadd.s32 $0x1, s18  }
0x23c: {  	[tilespmem:s17+$0xFFFFFFC0] =	vst v7;
	v7 =	vmul.f32 v1, v2;
	v2 =	vmul.f32 v5, v2  }
0x23d: {  	s13 =	sadd.s32 s13, s19;
	[tilespmem:s17+$0x10] =	vst v8  }
0x23e: {  	v5 =	vmov s13;
	[tilespmem:s17+$0xFFFFFFE0] =	vst v6  }
0x23f: {  	v1 =	vld [tilespmem:s11+$0xFFFFFFF0];
	[tilespmem:s17+$0xFFFFFFF0] =	vst v7  }
0x240: {  	v6 =	vld [tilespmem:s11+$0x30];
	[tilespmem:s17+$0x0] =	vst v2  }
0x241: {  	v8 =	vld [tilespmem:s11+$0x10];
	[tilespmem:s17+$0x20] =	vst v3  }
0x242: {  	v7 =	vld [tilespmem:s11+$0xFFFFFFC0];
	[tilespmem:s17+$0xFFFFFFD0] =	vst v4;
	s17 =	smov.u32 s11  }
0x243: {  	v2 =	vld.idx.msk [tilespmem:v5+s2+$0x0], $0xffff  }
0x244: {  	v10 =	vld [tilespmem:s11+$0xFFFFFFE0]  }
0x245: {  	v3 =	vld [tilespmem:s11+$0x20]  }
.Ltmp17:
0x246: {  	v4 =	vld [tilespmem:s11+$0xFFFFFFD0];
	(pc) =	sbr.rel @p0 .LBB2_27-.Ltmp17, $3  }
0x247: {  	v5 =	vld [tilespmem:s11+$0x0];
	_ =	sdelay $0x1  }
0x248: {  	v7 =	vmul.f32 v7, v2;
	v9 =	vmul.f32 v6, v2  }
0x249: {  	v8 =	vmul.f32 v8, v2;
	v6 =	vmul.f32 v10, v2  }
0x24a: {  	[tilespmem:s17+$0x30] =	vst v9  }
0x24b: {  	[tilespmem:s17+$0xFFFFFFC0] =	vst v7  }
0x24c: {  	v1 =	vmul.f32 v1, v2;
	[tilespmem:s17+$0x10] =	vst v8  }
0x24d: {  	v3 =	vmul.f32 v3, v2;
	[tilespmem:s17+$0xFFFFFFE0] =	vst v6  }
0x24e: {  	v5 =	vmul.f32 v5, v2;
	[tilespmem:s17+$0xFFFFFFF0] =	vst v1  }
0x24f: {  	v1 =	vmul.f32 v4, v2;
	[tilespmem:s17+$0x20] =	vst v3  }
0x250: {  	p0 =	seq.s32 s21, $0x3;
	[tilespmem:s17+$0x0] =	vst v5  }
.Ltmp18:
0x251: {  	s11 =	sadd.s32 $0x400, s22;
	[tilespmem:s17+$0xFFFFFFD0] =	vst v1;
	(pc) =	sbr.rel @p0 .LBB2_30-.Ltmp18, $4  }
0x252: {  	[spmem:s1] =	stream.indirect.scatter.add.f32 [tilespmem:s0], [sflag:$0x4], $0x80, s11, s31, $0xb8;
	[tilespmem:$0x1DA00] =	vst v63  }
0x253: {  	_ =	swait.ge [sflag:s8], $0x2000  }
0x254: {  	[sflag:s8] =	ssyncset.done $0x0  }
0x255: {  	[sflag:s8] =	ssyncadd.s32 $0xFFFFE000  }
.Ltmp19:
0x256: {  	(pc) =	sbr.rel .LBB2_24-.Ltmp19, $4  }
0x257: {  	_ = 	snop  }
0x258: {  	s10 =	sadd.s32 $0x100, s10  }
0x259: {  	s21 =	sadd.s32 $0x1, s21;
	s20 =	sadd.s32 $0x80, s20;
	s19 =	sadd.s32 $0x80, s19  }
0x25a: {  	[tilespmem:s28], [sflag:$0x1] =	stream.indirect.gather [hbm4b:s16+s31], $0x80, s10, s31, $0xb8;
	[tilespmem:$0x1DA00] =	vst v63  }
.LBB2_32:
0x25b: {  	_ =	sfence.sel $0x180000  }
0x25c: {  	[bflag:$0x0] =	sbarrier.arrive $0xFFFF  }
0x25d: {  	_ =	strace $0x9000004D  }
0x25e: {  	s0 =	stileid.u32;
	[bflag:$0x2] =	sbarrier.arrive $0xFFFF  }
0x25f: {  	p0 =	sne.s32 s0, $0x0;
	s0 =	rddreg [dreg:$0x2]  }
0x260: {  	s0 =	sadd.s32 @!p0 $0x100000, s0  }
0x261: {  	[sflag:s0] =	ssyncadd.tile.s32 @!p0 $0x1;
	_ =	shalt  }
.Lfunc_end2:
_tile_overlayer_lowered:
.L_overlay_start_2:
0x262: {  	(tag) =	ssettag $0x2  }
0x263: {  	s0 =	rddreg [dreg:$0x0];
	s2 =	stileid.u32  }
0x264: {  	s1 =	rddreg [dreg:$0x1];
	p0 =	sne.s32 s2, $0x0  }
0x265: {  	s3 =	rddreg [dreg:$0x2];
	[bflag:$0x3] =	sbarrier.arrive $0xFFFF;
	s2 =	simm.s32 @!p0 $0x1C05  }
0x266: {  	[timem:s3], [sflag:s2] =	dma.local @!p0 [hbm:s0], s1  }
0x267: {  	s0 =	simm.s32 @!p0 $0x5  }
0x268: {  	_ =	swait.ge @!p0 [sflag:s0], s1  }
0x269: {  	s1 =	ssub.s32 @!p0 $0x0, s1;
	[sflag:s0] =	ssyncset.done @!p0 $0x0  }
0x26a: {  	[sflag:s0] =	ssyncadd.s32 @!p0 s1  }
0x26b: {  	[bflag:$0x3] =	sbarrier.arrive $0xFFFF  }
0x26c: {  	_ =	shalt  }

// kernel: kernel.9.cloned.1.call-start
scs
__scs_entry_jumppad:
0x0: {  	(pc) =	sbr.rel $0x88, $3  }
0x1: {  	(tag) =	ssettag $0x0;
	lr =	simm.s32 $0x1  }
0x2: {  	[smem:$0x3F8D] =	sst lr;
	_ =	strace $0xD0000000  }
0x3: {  	_ = 	snop  }
0x4: {  	_ = 	snop  }
0x5: {  	_ = 	snop  }
0x6: {  	_ = 	snop  }
0x7: {  	_ = 	snop  }
__scs_overlays_trampoline_lowered:
0x8: {  	[smem:$0x3F9C] =	sst s0  }
0x9: {  	[smem:$0x3F9D] =	sst s1  }
0xa: {  	[smem:$0x3F9E] =	sst s2  }
0xb: {  	[smem:$0x3F9F] =	sst s3  }
0xc: {  	[smem:$0x3FA0] =	sst s4  }
0xd: {  	[smem:$0x3FA1] =	sst s5  }
0xe: {  	[smem:$0x3FA2] =	sst s6  }
0xf: {  	[smem:$0x3FA3] =	sst s7  }
0x10: {  	[smem:$0x3FA4] =	sst s8  }
0x11: {  	[smem:$0x3FA5] =	sst s9;
	s0 =	simm.s32 @!p0 $0x0  }
0x12: {  	s1 =	sld [smem:$0x3F8B];
	s0 =	simm.s32 @p0 $0x1  }
0x13: {  	[smem:$0x3FA6] =	sst s0;
	s0 =	simm.s32 @!p1 $0x0  }
0x14: {  	s2 =	sld [smem:$0x3F8A];
	s0 =	simm.s32 @p1 $0x1  }
0x15: {  	[smem:$0x3FA7] =	sst s0;
	s0 =	simm.s32 @!p2 $0x0  }
0x16: {  	s3 =	sld [smem:$0x3FDB];
	s0 =	simm.s32 @p2 $0x1  }
0x17: {  	s4 =	simm.s32 $0x1BF5;
	[smem:$0x3FA9] =	sst s0  }
0x18: {  	s0 =	sld [smem:$0x3F8C];
	_ =	swait.ge [sflag:s4], $0x0  }
0x19: {  	s7 =	sld [smem:$0x3F8D]  }
0x1a: {  	s8 =	sadd.s32 $0xFFFFE003, lr  }
0x1b: {  	s9 =	sadd.s32 $0xFFFFFEF7, lr;
	s5 =	simm.s32 $0xFFFFFFFF;
	p2 =	slt.u32 s8, $0xFFFFF086  }
0x1c: {  	p1 =	slt.u32 s9, $0xF7A;
	s5 =	simm.s32 @!p2 $0x0  }
0x1d: {  	s5 =	simm.s32 @p1 $0x1;
	p0 =	seq.s32 s7, s2  }
0x1e: {  	s7 =	smul.u32 @!p0 $0xF7A, s2;
	p2 =	seq.s32 @!p0 s5, $0x0  }
0x1f: {  	s9 =	smul.u32 $0xF7A, s1;
	s8 =	simm.s32 @!p0 $0x1BF5;
	p2 =	por !p2, p0  }
0x20: {  	[sflag:s8] =	ssyncset.s32 @!p0 $0xFFFFF086;
	s6 =	sadd.s32 @!p0 s3, s7;
	s7 =	simm.s32 @!p0 $0x108  }
0x21: {  	s3 =	sadd.s32 s3, s9;
	s6 =	sadd.s32 @!p0 $0x88, s6;
	s7 =	simm.s32 @p2 $0x1082  }
0x22: {  	[simem:s7], [sflag:s8] =	dma.local @!p0 [hbm:s6], $0xF7A  }
0x23: {  	s9 =	sor.u32 $0xD0000000, s2;
	s6 =	simm.s32 $0x108;
	_ =	swait.ge @!p0 [sflag:s8], $0x0  }
0x24: {  	s3 =	sadd.s32 $0x88, s3;
	s6 =	simm.s32 @!p1 $0x1082;
	[sflag:s4] =	ssyncset.s32 $0xFFFFF086  }
0x25: {  	[simem:s6], [sflag:s4] =	dma.local [hbm:s3], $0xF7A  }
0x26: {  	[smem:$0x3F8D] =	sst s1;
	(tag) =	ssettag s2;
	_ =	strace s9  }
0x27: {  	s1 =	sld [smem:$0x3F9D]  }
0x28: {  	s2 =	sld [smem:$0x3F9E]  }
0x29: {  	s4 =	sld [smem:$0x3FA0]  }
0x2a: {  	p0 =	seq.s32 s5, $0x0;
	s5 =	sld [smem:$0x3FA1]  }
0x2b: {  	s6 =	sld [smem:$0x3FA2]  }
0x2c: {  	s7 =	sld [smem:$0x3FA3]  }
0x2d: {  	s3 =	simm.s32 $0x108;
	s8 =	sld [smem:$0x3FA4]  }
0x2e: {  	s3 =	simm.s32 @!p0 $0x1082;
	s9 =	sld [smem:$0x3FA5]  }
0x2f: {  	lr =	sadd.s32 s0, s3;
	s0 =	sld [smem:$0x3F9C]  }
0x30: {  	s3 =	sld [smem:$0x3F9F]  }
0x31: {  	[smem:$0x3FA8] =	sst s10  }
0x32: {  	s10 =	sld [smem:$0x3FA6];
	_ =	sdelay $0x3  }
0x33: {  	p0 =	seq.s32 s10, $0x1;
	s10 =	sld [smem:$0x3FA8];
	_ =	sdelay $0x3  }
0x34: {  	[smem:$0x3FA8] =	sst s10  }
0x35: {  	s10 =	sld [smem:$0x3FA7];
	_ =	sdelay $0x3  }
0x36: {  	p1 =	seq.s32 s10, $0x1;
	s10 =	sld [smem:$0x3FA8];
	_ =	sdelay $0x3  }
0x37: {  	[smem:$0x3FA8] =	sst s10  }
0x38: {  	s10 =	sld [smem:$0x3FA9]  }
0x39: {  	_ = 	snop;
	(pc) =	sbr.ind lr, $3  }
0x3a: {  	_ = 	snop  }
0x3b: {  	_ = 	snop  }
0x3c: {  	p2 =	seq.s32 s10, $0x1;
	s10 =	sld [smem:$0x3FA8]  }
0x3d: {  	_ =	shalt  }
0x3e: {  	_ =	shalt  }
0x3f: {  	_ =	shalt  }
0x40: {  	_ =	shalt  }
0x41: {  	_ =	shalt  }
0x42: {  	_ =	shalt  }
0x43: {  	_ =	shalt  }
0x44: {  	_ =	shalt  }
0x45: {  	_ =	shalt  }
0x46: {  	_ =	shalt  }
0x47: {  	_ =	shalt  }
0x48: {  	_ =	shalt  }
0x49: {  	_ =	shalt  }
0x4a: {  	_ =	shalt  }
0x4b: {  	_ =	shalt  }
0x4c: {  	_ =	shalt  }
0x4d: {  	_ =	shalt  }
0x4e: {  	_ =	shalt  }
0x4f: {  	_ =	shalt  }
0x50: {  	_ =	shalt  }
0x51: {  	_ =	shalt  }
0x52: {  	_ =	shalt  }
0x53: {  	_ =	shalt  }
0x54: {  	_ =	shalt  }
0x55: {  	_ =	shalt  }
0x56: {  	_ =	shalt  }
0x57: {  	_ =	shalt  }
0x58: {  	_ =	shalt  }
0x59: {  	_ =	shalt  }
0x5a: {  	_ =	shalt  }
0x5b: {  	_ =	shalt  }
0x5c: {  	_ =	shalt  }
0x5d: {  	_ =	shalt  }
0x5e: {  	_ =	shalt  }
0x5f: {  	_ =	shalt  }
0x60: {  	_ =	shalt  }
0x61: {  	_ =	shalt  }
0x62: {  	_ =	shalt  }
0x63: {  	_ =	shalt  }
0x64: {  	_ =	shalt  }
0x65: {  	_ =	shalt  }
0x66: {  	_ =	shalt  }
0x67: {  	_ =	shalt  }
0x68: {  	_ =	shalt  }
0x69: {  	_ =	shalt  }
0x6a: {  	_ =	shalt  }
0x6b: {  	_ =	shalt  }
0x6c: {  	_ =	shalt  }
0x6d: {  	_ =	shalt  }
0x6e: {  	_ =	shalt  }
0x6f: {  	_ =	shalt  }
0x70: {  	_ =	shalt  }
0x71: {  	_ =	shalt  }
0x72: {  	_ =	shalt  }
0x73: {  	_ =	shalt  }
0x74: {  	_ =	shalt  }
0x75: {  	_ =	shalt  }
0x76: {  	_ =	shalt  }
0x77: {  	_ =	shalt  }
0x78: {  	_ =	shalt  }
0x79: {  	_ =	shalt  }
0x7a: {  	_ =	shalt  }
0x7b: {  	_ =	shalt  }
0x7c: {  	_ =	shalt  }
0x7d: {  	_ =	shalt  }
0x7e: {  	_ =	shalt  }
0x7f: {  	_ =	shalt  }
0x80: {  	_ =	shalt  }
0x81: {  	_ =	shalt  }
0x82: {  	_ =	shalt  }
0x83: {  	_ =	shalt  }
0x84: {  	_ =	shalt  }
0x85: {  	_ =	shalt  }
0x86: {  	_ =	shalt  }
0x87: {  	_ =	shalt  }
.Lfunc_end0:
.L_simem_size_0:
called_computation_lowered:
.L_overlay_start_0:
0x88: {  	s2 =	sld [smem:$0x3FD9]  }
0x89: {  	s3 =	sld [smem:$0x3FFE];
	_ =	sdelay $0x1  }
0x8a: {  	s1 =	srdreg.scid  }
0x8b: {  	s0 =	sand.u32 $0x1, s1  }
0x8c: {  	s16 =	sshll.u32 s0, $0xA;
	s2 =	sadd.s32 s3, s2  }
0x8d: {  	s2 =	sadd.s32 s2, s16  }
0x8e: {  	[smem:$0x3FB4] =	sst s2  }
0x8f: {  	_ = 	snop  }
0x90: {  	(tm) =	ssettm $0x1  }
0x91: {  	s17 =	sld [smem:$0x3FFB];
	_ =	sdelay $0x3  }
0x92: {  	_ =	strace s17  }
0x93: {  	s2 =	sld [smem:$0x3FFC];
	_ =	sdelay $0x3  }
0x94: {  	_ =	strace s2  }
0x95: {  	s2 =	sld [smem:$0x3FFD];
	_ =	sdelay $0x3  }
0x96: {  	_ =	strace s2  }
0x97: {  	_ =	strace $0x8FFFFFFF  }
0x98: {  	s18 =	sld [smem:$0x3FDB];
	_ =	sdelay $0x1  }
0x99: {  	s19 =	simm.s32 $_scs_section_size  }
0x9a: {  	s4 =	simm.s32 $_size__tile_overlayer_lowered;
	s5 =	simm.s32 $_tile_overlayer_lowered  }
0x9b: {  	s22 =	simm.s32 $0x1BFF;
	s21 =	sshll.u32 s5, $0x1;
	s2 =	sadd.s32 s19, s18  }
0x9c: {  	s6 =	simm.s32 $0x0;
	s20 =	sshll.u32 s4, $0x1;
	s4 =	sadd.s32 s21, s2  }
0x9d: {  	[timem:s6], [sflag:s22] =	dma.local [hbm:s4], s20  }
0x9e: {  	_ =	swait.ge [sflag:s22], s20  }
0x9f: {  	s3 =	ssub.s32 $0x0, s20;
	[sflag:s22] =	ssyncset.done $0x0  }
0xa0: {  	[sflag:s22] =	ssyncadd.s32 s3;
	_ =	sdelay $0x1  }
0xa1: {  	s23 =	simm.s32 $0x1B8B  }
0xa2: {  	_ =	swait.ge [sflag:s23], $0x1  }
0xa3: {  	[sflag:s23] =	ssyncset.done $0x0  }
0xa4: {  	s25 =	simm.s32 $0x1B8E;
	s24 =	sld [smem:$0x3FFE];
	[sflag:s23] =	ssyncadd.s32 $0xFFFFFFFF  }
0xa5: {  	s26 =	simm.s32 $execute0_lowered;
	[smem:$0x3FD2] =	sst s25  }
0xa6: {  	s4 =	sshll.u32 s26, $0x1;
	_ =	strace $0x80000046;
	[dreg:$0x1] =	wrdreg $0xFFFFFFFF  }
0xa7: {  	s28 =	simm.s32 $_size_execute0_lowered;
	s2 =	sadd.s32 s2, s4;
	[dreg:$0x0] =	wrdreg $0x0  }
0xa8: {  	s4 =	sshll.u32 s28, $0x1;
	[dreg:$0x2] =	wrdreg s2  }
0xa9: {  	[dreg:$0x3] =	wrdreg s4  }
0xaa: {  	[dreg:$0x4] =	wrdreg $0xC0  }
0xab: {  	_ =	task [dreg:s6], $0x5FFFF  }
0xac: {  	[dreg:$0x1] =	wrdreg $0xFFFFFFFF  }
0xad: {  	[dreg:$0x0] =	wrdreg $0x60  }
0xae: {  	[dreg:$0x2] =	wrdreg s24  }
0xaf: {  	[dreg:$0x3] =	wrdreg $0x9  }
0xb0: {  	_ =	task.clear_ibuf [dreg:s6], $0x4FFFF;
	_ =	strace $0x90000046  }
0xb1: {  	s29 =	simm.s32 $0x9;
	_ =	strace $0x80000048  }
0xb2: {  	_ =	swait.ge [sflag:s29], $0x1  }
0xb3: {  	[sflag:s29] =	ssyncadd.s32 $0xFFFFFFFF  }
0xb4: {  	_ =	strace $0x90000048  }
0xb5: {  	_ =	sfence  }
0xb6: {  	s30 =	sld [smem:$0x0];
	_ =	sdelay $0x2  }
0xb7: {  	s31 =	sshll.u32 s1, $0xD;
	s1 =	sshrl.u32 s1, $0x2  }
0xb8: {  	s3 =	sand.u32 $0x4000, s31;
	s1 =	sadd.s32 s1, s30  }
0xb9: {  	s0 =	sor.u32 s3, s0;
	s1 =	sshll.u32 s1, $0x11  }
0xba: {  	s0 =	sor.u32 s1, s0  }
0xbb: {  	s0 =	sadd.s32 $0x8F2B, s0  }
0xbc: {  	[sflag:s0] =	ssyncadd.remote.s32 $0x1  }
0xbd: {  	_ =	sfence.sel $0xFFFF  }
0xbe: {  	[dreg:$0x0] =	wrdreg $0xFFFFFFFF;
	(pc) =	sbr.abs _section_cstart, $3  }
0xbf: {  	[dreg:$0x1] =	wrdreg $0xFFFFFFFF  }
0xc0: {  	_ =	task.clear_ibuf [dreg:s6], $0x2FFFF;
	_ =	strace $0x9FFFFFFF  }
0xc1: {  	(tm) =	ssettm $0x7FFFFFFF  }
tec
execute0_lowered:
.L_overlay_start_1:
0x0: {  	(tag) =	ssettag $0x1  }
0x1: {  	s0 =	srdreg.scid;
	s2 =	stileid.u32  }
0x2: {  	s1 =	rddreg [dreg:$0x0];
	s10 =	simm.s32 $0x3;
	s12 =	simm.s32 $0x5200  }
0x3: {  	s13 =	simm.s32 $0x5A00;
	s14 =	simm.s32 $0x6200;
	s15 =	simm.s32 $0x6A00  }
0x4: {  	s16 =	simm.s32 $0x7200;
	s17 =	simm.s32 $0x7A00;
	s18 =	simm.s32 $0x8200  }
0x5: {  	s19 =	simm.s32 $0x8A00;
	s20 =	simm.s32 $0x9200;
	s21 =	simm.s32 $0x9A00  }
0x6: {  	s22 =	simm.s32 $0xA200;
	s23 =	simm.s32 $0xAA00;
	s24 =	simm.s32 $0xB200  }
0x7: {  	s25 =	simm.s32 $0xBA00;
	s0 =	sand.u32 $0x1, s0;
	s3 =	sshll.u32 s2, $0x1  }
0x8: {  	s28 =	simm.s32 $0xCA00;
	s29 =	simm.s32 $0x1;
	s3 =	sor.u32 s0, s3  }
0x9: {  	s30 =	simm.s32 $0x2;
	s0 =	ssub.s32 $0x2, s0;
	s3 =	smul.u32 $0x2900, s3  }
0xa: {  	s2 =	simm.s32 $0x0;
	s4 =	sadd.s32 $0x18600, s1;
	s7 =	sshrl.u32 s0, $0x1  }
0xb: {  	s5 =	sadd.s32 $0xB4A00, s1;
	s0 =	ssub.s32 s0, s7;
	s6 =	sshrl.u32 s3, $0x3  }
0xc: {  	[smem:$0x7FF] =	sst s2;
	s0 =	smax.u32 s0, $0x1;
	s8 =	sadd.s32 s6, s1  }
0xd: {  	v2 =	vlaneseq.u32;
	_ =	strace $0x80000047;
	[dreg:$0x4] =	wrdreg s0;
	s26 =	sadd.s32 $0xE200, s8  }
0xe: {  	vm0 =	vmmov $0xffff;
	v1 =	vshrl.u32 v2, $0x3;
	s6 =	sadd.s32 $0x19F000, s1;
	s31 =	sadd.s32 $0x3E00, s8;
	[dreg:$0x2] =	wrdreg s26  }
0xf: {  	v0 =	vand.u32 $0x7, v2;
	v2 =	vor.u32 $0x8, v2;
	v1 =	vmul.u32 $0x8, v1;
	s1 =	simm.s32 $0x0;
	[dreg:$0x3] =	wrdreg s31;
	s26 =	simm.s32 $0xC200  }
.LBB2_1:
0x10: {  	[dreg:$0x5] =	wrdreg s1  }
0x11: {  	s0 =	rddreg [dreg:$0x2]  }
0x12: {  	[tilespmem:s2], [sflag:$0x3] =	stream.linear.gather [hbm4b:s0+s2], $0x2900, $0x38;
	[tilespmem:$0xD200] =	vst v63  }
0x13: {  	_ =	swait.ge [sflag:s10], $0x2900  }
0x14: {  	[sflag:s10] =	ssyncset.done $0x0  }
0x15: {  	s31 =	simm.s32 $0x2900;
	s11 =	rddreg [dreg:$0x3];
	[sflag:s10] =	ssyncadd.s32 $0xFFFFD700  }
0x16: {  	[tilespmem:s31], [sflag:$0x3] =	stream.linear.gather [hbm4b:s11+s2], $0x2900, $0x38;
	[tilespmem:$0xD200] =	vst v63  }
0x17: {  	_ =	swait.ge [sflag:s10], $0x2900  }
0x18: {  	[sflag:s10] =	ssyncset.done $0x0  }
0x19: {  	s1 =	simm.s32 $0x0;
	[sflag:s10] =	ssyncadd.s32 $0xFFFFD700  }
.LBB2_2:
0x1a: {  	s0 =	sshll.u32 s1, $0x6  }
0x1b: {  	v3 =	vld [tilespmem:s0+$0x0];
	_ =	sdelay $0x4  }
0x1c: {  	v4 =	vshll.u32 v3, $0x1  }
0x1d: {  	v3 =	vand.u32 $0x7, v3;
	v4 =	vand.u32 $0xFFFFFFF0, v4  }
0x1e: {  	v3 =	vor.u32 v3, v4  }
0x1f: {  	v4 =	vperm.xlane v3, v0;
	_ =	sdelay $0x1  }
0x20: {  	v3 =	vperm.xlane v3, v2;
	v4 =	vadd.s32 v1, v4;
	_ =	sdelay $0x1  }
0x21: {  	v3 =	vadd.s32 v1, v3;
	_ =	sdelay $0x1  }
0x22: {  	s7 =	simm.s32 $0x0  }
0x23: {  	[tilespmem:s12], [sflag:$0x1] =	stream.indirect_vreg.gather [hbm4b:s4+s7], $0x80, v4, vm0, $0xb8;
	[tilespmem:$0xD200] =	vst v63  }
0x24: {  	_ = 	snop  }
0x25: {  	[tilespmem:s13], [sflag:$0x1] =	stream.indirect_vreg.gather [hbm4b:s4+s7], $0x80, v3, vm0, $0xb8;
	[tilespmem:$0xD200] =	vst v63  }
0x26: {  	v3 =	vld [tilespmem:s0+$0x10];
	_ =	sdelay $0x4  }
0x27: {  	v4 =	vshll.u32 v3, $0x1  }
0x28: {  	v3 =	vand.u32 $0x7, v3;
	v4 =	vand.u32 $0xFFFFFFF0, v4  }
0x29: {  	v3 =	vor.u32 v3, v4  }
0x2a: {  	v4 =	vperm.xlane v3, v0;
	_ =	sdelay $0x1  }
0x2b: {  	v3 =	vperm.xlane v3, v2;
	v4 =	vadd.s32 v1, v4;
	_ =	sdelay $0x1  }
0x2c: {  	v3 =	vadd.s32 v1, v3;
	_ =	sdelay $0x2  }
0x2d: {  	[tilespmem:s14], [sflag:$0x1] =	stream.indirect_vreg.gather [hbm4b:s4+s7], $0x80, v4, vm0, $0xb8;
	[tilespmem:$0xD200] =	vst v63  }
0x2e: {  	_ = 	snop  }
0x2f: {  	[tilespmem:s15], [sflag:$0x1] =	stream.indirect_vreg.gather [hbm4b:s4+s7], $0x80, v3, vm0, $0xb8;
	[tilespmem:$0xD200] =	vst v63  }
0x30: {  	v3 =	vld [tilespmem:s0+$0x20];
	_ =	sdelay $0x4  }
0x31: {  	v4 =	vshll.u32 v3, $0x1  }
0x32: {  	v3 =	vand.u32 $0x7, v3;
	v4 =	vand.u32 $0xFFFFFFF0, v4  }
0x33: {  	v3 =	vor.u32 v3, v4  }
0x34: {  	v4 =	vperm.xlane v3, v0;
	_ =	sdelay $0x1  }
0x35: {  	v3 =	vperm.xlane v3, v2;
	v4 =	vadd.s32 v1, v4;
	_ =	sdelay $0x1  }
0x36: {  	v3 =	vadd.s32 v1, v3;
	_ =	sdelay $0x2  }
0x37: {  	[tilespmem:s16], [sflag:$0x1] =	stream.indirect_vreg.gather [hbm4b:s4+s7], $0x80, v4, vm0, $0xb8;
	[tilespmem:$0xD200] =	vst v63  }
0x38: {  	_ = 	snop  }
0x39: {  	[tilespmem:s17], [sflag:$0x1] =	stream.indirect_vreg.gather [hbm4b:s4+s7], $0x80, v3, vm0, $0xb8;
	[tilespmem:$0xD200] =	vst v63  }
0x3a: {  	v3 =	vld [tilespmem:s0+$0x30];
	_ =	sdelay $0x4  }
0x3b: {  	v4 =	vshll.u32 v3, $0x1  }
0x3c: {  	v3 =	vand.u32 $0x7, v3;
	v4 =	vand.u32 $0xFFFFFFF0, v4  }
0x3d: {  	v3 =	vor.u32 v3, v4  }
0x3e: {  	v4 =	vperm.xlane v3, v0;
	_ =	sdelay $0x1  }
0x3f: {  	v3 =	vperm.xlane v3, v2;
	v4 =	vadd.s32 v1, v4;
	_ =	sdelay $0x1  }
0x40: {  	v3 =	vadd.s32 v1, v3;
	_ =	sdelay $0x2  }
0x41: {  	[tilespmem:s18], [sflag:$0x1] =	stream.indirect_vreg.gather [hbm4b:s4+s7], $0x80, v4, vm0, $0xb8;
	[tilespmem:$0xD200] =	vst v63  }
0x42: {  	_ = 	snop  }
0x43: {  	[tilespmem:s19], [sflag:$0x1] =	stream.indirect_vreg.gather [hbm4b:s4+s7], $0x80, v3, vm0, $0xb8;
	[tilespmem:$0xD200] =	vst v63  }
0x44: {  	v3 =	vld [tilespmem:s0+$0x2900];
	_ =	sdelay $0x4  }
0x45: {  	v4 =	vshll.u32 v3, $0x1  }
0x46: {  	v3 =	vand.u32 $0x7, v3;
	v4 =	vand.u32 $0xFFFFFFF0, v4  }
0x47: {  	v3 =	vor.u32 v3, v4  }
0x48: {  	v4 =	vperm.xlane v3, v0;
	_ =	sdelay $0x1  }
0x49: {  	v3 =	vperm.xlane v3, v2;
	v4 =	vadd.s32 v1, v4;
	_ =	sdelay $0x1  }
0x4a: {  	v3 =	vadd.s32 v1, v3;
	_ =	sdelay $0x2  }
0x4b: {  	[tilespmem:s20], [sflag:$0x2] =	stream.indirect_vreg.gather [hbm4b:s5+s7], $0x80, v4, vm0, $0xb8;
	[tilespmem:$0xD200] =	vst v63  }
0x4c: {  	_ = 	snop  }
0x4d: {  	[tilespmem:s21], [sflag:$0x2] =	stream.indirect_vreg.gather [hbm4b:s5+s7], $0x80, v3, vm0, $0xb8;
	[tilespmem:$0xD200] =	vst v63  }
0x4e: {  	v3 =	vld [tilespmem:s0+$0x2910];
	_ =	sdelay $0x4  }
0x4f: {  	v4 =	vshll.u32 v3, $0x1  }
0x50: {  	v3 =	vand.u32 $0x7, v3;
	v4 =	vand.u32 $0xFFFFFFF0, v4  }
0x51: {  	v3 =	vor.u32 v3, v4  }
0x52: {  	v4 =	vperm.xlane v3, v0;
	_ =	sdelay $0x1  }
0x53: {  	v3 =	vperm.xlane v3, v2;
	v4 =	vadd.s32 v1, v4;
	_ =	sdelay $0x1  }
0x54: {  	v3 =	vadd.s32 v1, v3;
	_ =	sdelay $0x2  }
0x55: {  	[tilespmem:s22], [sflag:$0x2] =	stream.indirect_vreg.gather [hbm4b:s5+s7], $0x80, v4, vm0, $0xb8;
	[tilespmem:$0xD200] =	vst v63  }
0x56: {  	_ = 	snop  }
0x57: {  	[tilespmem:s23], [sflag:$0x2] =	stream.indirect_vreg.gather [hbm4b:s5+s7], $0x80, v3, vm0, $0xb8;
	[tilespmem:$0xD200] =	vst v63  }
0x58: {  	v3 =	vld [tilespmem:s0+$0x2920];
	_ =	sdelay $0x4  }
0x59: {  	v4 =	vshll.u32 v3, $0x1  }
0x5a: {  	v3 =	vand.u32 $0x7, v3;
	v4 =	vand.u32 $0xFFFFFFF0, v4  }
0x5b: {  	v3 =	vor.u32 v3, v4  }
0x5c: {  	v4 =	vperm.xlane v3, v0;
	_ =	sdelay $0x1  }
0x5d: {  	v3 =	vperm.xlane v3, v2;
	v4 =	vadd.s32 v1, v4;
	_ =	sdelay $0x1  }
0x5e: {  	v3 =	vadd.s32 v1, v3;
	_ =	sdelay $0x2  }
0x5f: {  	[tilespmem:s24], [sflag:$0x2] =	stream.indirect_vreg.gather [hbm4b:s5+s7], $0x80, v4, vm0, $0xb8;
	[tilespmem:$0xD200] =	vst v63  }
0x60: {  	_ = 	snop  }
0x61: {  	[tilespmem:s25], [sflag:$0x2] =	stream.indirect_vreg.gather [hbm4b:s5+s7], $0x80, v3, vm0, $0xb8;
	[tilespmem:$0xD200] =	vst v63  }
0x62: {  	v3 =	vld [tilespmem:s0+$0x2930];
	_ =	sdelay $0x4  }
0x63: {  	v4 =	vshll.u32 v3, $0x1  }
0x64: {  	v3 =	vand.u32 $0x7, v3;
	v4 =	vand.u32 $0xFFFFFFF0, v4  }
0x65: {  	v3 =	vor.u32 v3, v4  }
0x66: {  	v4 =	vperm.xlane v3, v0;
	_ =	sdelay $0x1  }
0x67: {  	v3 =	vperm.xlane v3, v2;
	v4 =	vadd.s32 v1, v4;
	_ =	sdelay $0x1  }
0x68: {  	v3 =	vadd.s32 v1, v3;
	_ =	sdelay $0x2  }
0x69: {  	[tilespmem:s26], [sflag:$0x2] =	stream.indirect_vreg.gather [hbm4b:s5+s7], $0x80, v4, vm0, $0xb8;
	[tilespmem:$0xD200] =	vst v63  }
0x6a: {  	_ = 	snop  }
0x6b: {  	[tilespmem:s28], [sflag:$0x2] =	stream.indirect_vreg.gather [hbm4b:s5+s7], $0x80, v3, vm0, $0xb8;
	[tilespmem:$0xD200] =	vst v63  }
0x6c: {  	_ =	swait.ge [sflag:s29], $0x4000  }
0x6d: {  	[sflag:s29] =	ssyncset.done $0x0  }
0x6e: {  	[sflag:s29] =	ssyncadd.s32 $0xFFFFC000  }
0x6f: {  	_ =	swait.ge [sflag:s30], $0x4000  }
0x70: {  	s8 =	sand.u32 $0x3800, s7;
	s7 =	sand.u32 $0x380, s7;
	[sflag:s30] =	ssyncset.done $0x0  }
0x71: {  	s11 =	sor.u32 s7, s8;
	[sflag:s30] =	ssyncadd.s32 $0xFFFFC000  }
0x72: {  	v10 =	vld [tilespmem:s11+$0x9200]  }
0x73: {  	v11 =	vld [tilespmem:s11+$0x9210]  }
0x74: {  	v12 =	vld [tilespmem:s11+$0x9220]  }
0x75: {  	v13 =	vld [tilespmem:s11+$0x9230]  }
0x76: {  	v14 =	vld [tilespmem:s11+$0x9240]  }
0x77: {  	v15 =	vld [tilespmem:s11+$0x9250]  }
0x78: {  	v16 =	vld [tilespmem:s11+$0x9260]  }
0x79: {  	v17 =	vld [tilespmem:s11+$0x9270]  }
0x7a: {  	v18 =	vld [tilespmem:s11+$0x9600]  }
0x7b: {  	v9 =	vld [tilespmem:s11+$0x9610]  }
0x7c: {  	v8 =	vld [tilespmem:s11+$0x9620]  }
0x7d: {  	v7 =	vld [tilespmem:s11+$0x9630]  }
0x7e: {  	v6 =	vld [tilespmem:s11+$0x9640]  }
0x7f: {  	v5 =	vld [tilespmem:s11+$0x9650]  }
0x80: {  	v4 =	vld [tilespmem:s11+$0x9660]  }
0x81: {  	v3 =	vld [tilespmem:s11+$0x9670]  }
0x82: {  	v19 =	vld [tilespmem:s11+$0x5200]  }
0x83: {  	v20 =	vld [tilespmem:s11+$0x5210]  }
0x84: {  	v21 =	vld [tilespmem:s11+$0x5220]  }
0x85: {  	v22 =	vld [tilespmem:s11+$0x5230]  }
0x86: {  	v23 =	vld [tilespmem:s11+$0x5240]  }
0x87: {  	v10 =	vadd.bf16 v10, v19;
	v19 =	vld [tilespmem:s11+$0x5250]  }
0x88: {  	v61 =	vld [tilespmem:s11+$0x5260];
	v11 =	vadd.bf16 v11, v20  }
0x89: {  	v62 =	vld [tilespmem:s11+$0x5270];
	[tilespmem:s11+$0x5200] =	vst v10;
	v10 =	vadd.bf16 v12, v21  }
0x8a: {  	v63 =	vld [tilespmem:s11+$0x5600];
	[tilespmem:s11+$0x5210] =	vst v11;
	v11 =	vadd.bf16 v13, v22  }
0x8b: {  	v13 =	vld [tilespmem:s11+$0x5610];
	[tilespmem:s11+$0x5220] =	vst v10;
	v10 =	vadd.bf16 v14, v23  }
0x8c: {  	v12 =	vld [tilespmem:s11+$0x5620];
	[tilespmem:s11+$0x5230] =	vst v11;
	v11 =	vadd.bf16 v15, v19  }
0x8d: {  	v14 =	vadd.bf16 v16, v61;
	[tilespmem:s11+$0x5240] =	vst v10;
	v10 =	vld [tilespmem:s11+$0x5630]  }
0x8e: {  	v16 =	vadd.bf16 v17, v62;
	[tilespmem:s11+$0x5250] =	vst v11;
	v11 =	vld [tilespmem:s11+$0x5640]  }
0x8f: {  	s7 =	simm.s32 $0x80;
	s8 =	simm.s32 $0x100;
	v15 =	vadd.bf16 v18, v63;
	[tilespmem:s11+$0x5260] =	vst v14;
	v14 =	vld [tilespmem:s11+$0x5650]  }
.LBB2_3:
0x90: {  	s9 =	sand.u32 $0x3800, s8;
	s31 =	sand.u32 $0x380, s7;
	p0 =	sne.s32 s8, $0x3F00;
	[tilespmem:s11+$0x5270] =	vst v16;
	v9 =	vadd.bf16 v9, v13;
	v13 =	vld [tilespmem:s11+$0x5660]  }
0x91: {  	s9 =	sor.u32 s31, s9;
	[tilespmem:s11+$0x5600] =	vst v15;
	v8 =	vadd.bf16 v8, v12;
	v12 =	vld [tilespmem:s11+$0x5670]  }
0x92: {  	v15 =	vld [tilespmem:s9+$0x9200];
	[tilespmem:s11+$0x5610] =	vst v9;
	v7 =	vadd.bf16 v7, v10  }
0x93: {  	v10 =	vld [tilespmem:s9+$0x9210];
	[tilespmem:s11+$0x5620] =	vst v8;
	v6 =	vadd.bf16 v6, v11  }
0x94: {  	v11 =	vld [tilespmem:s9+$0x9220];
	[tilespmem:s11+$0x5630] =	vst v7;
	v5 =	vadd.bf16 v5, v14  }
0x95: {  	v14 =	vld [tilespmem:s9+$0x9230];
	[tilespmem:s11+$0x5640] =	vst v6;
	v4 =	vadd.bf16 v4, v13  }
0x96: {  	v13 =	vld [tilespmem:s9+$0x9240];
	[tilespmem:s11+$0x5650] =	vst v5;
	v3 =	vadd.bf16 v3, v12  }
0x97: {  	v12 =	vld [tilespmem:s9+$0x9250];
	[tilespmem:s11+$0x5660] =	vst v4  }
0x98: {  	v16 =	vld [tilespmem:s9+$0x9260];
	[tilespmem:s11+$0x5670] =	vst v3;
	s11 =	smov.u32 s9  }
0x99: {  	v17 =	vld [tilespmem:s11+$0x9270]  }
0x9a: {  	v18 =	vld [tilespmem:s11+$0x9600]  }
0x9b: {  	v9 =	vld [tilespmem:s11+$0x9610]  }
0x9c: {  	v8 =	vld [tilespmem:s11+$0x9620]  }
0x9d: {  	v7 =	vld [tilespmem:s11+$0x9630]  }
0x9e: {  	v6 =	vld [tilespmem:s11+$0x9640]  }
0x9f: {  	v5 =	vld [tilespmem:s11+$0x9650]  }
0xa0: {  	v4 =	vld [tilespmem:s11+$0x9660]  }
0xa1: {  	v3 =	vld [tilespmem:s11+$0x9670]  }
0xa2: {  	v19 =	vld [tilespmem:s11+$0x5200]  }
0xa3: {  	v20 =	vld [tilespmem:s11+$0x5210]  }
0xa4: {  	v21 =	vld [tilespmem:s11+$0x5220]  }
0xa5: {  	v22 =	vld [tilespmem:s11+$0x5230]  }
0xa6: {  	v23 =	vld [tilespmem:s11+$0x5240]  }
0xa7: {  	v15 =	vadd.bf16 v15, v19;
	v19 =	vld [tilespmem:s11+$0x5250]  }
0xa8: {  	v10 =	vadd.bf16 v10, v20;
	v20 =	vld [tilespmem:s11+$0x5260]  }
0xa9: {  	[tilespmem:s11+$0x5200] =	vst v15;
	v11 =	vadd.bf16 v11, v21;
	v15 =	vld [tilespmem:s11+$0x5270]  }
0xaa: {  	[tilespmem:s11+$0x5210] =	vst v10;
	v10 =	vadd.bf16 v14, v22;
	v14 =	vld [tilespmem:s11+$0x5600]  }
.Ltmp0:
0xab: {  	[tilespmem:s11+$0x5220] =	vst v11;
	v11 =	vadd.bf16 v13, v23;
	v13 =	vld [tilespmem:s11+$0x5610];
	(pc) =	sbr.rel @p0 .LBB2_3-.Ltmp0, $4  }
0xac: {  	[tilespmem:s11+$0x5230] =	vst v10;
	v19 =	vadd.bf16 v12, v19;
	v12 =	vld [tilespmem:s11+$0x5620]  }
0xad: {  	[tilespmem:s11+$0x5240] =	vst v11;
	v20 =	vadd.bf16 v16, v20;
	v10 =	vld [tilespmem:s11+$0x5630]  }
0xae: {  	[tilespmem:s11+$0x5250] =	vst v19;
	v16 =	vadd.bf16 v17, v15;
	v11 =	vld [tilespmem:s11+$0x5640]  }
0xaf: {  	s7 =	sadd.s32 $0x80, s7;
	s8 =	sadd.s32 $0x100, s8;
	[tilespmem:s11+$0x5260] =	vst v20;
	v15 =	vadd.bf16 v18, v14;
	v14 =	vld [tilespmem:s11+$0x5650]  }
0xb0: {  	[tilespmem:s11+$0x5270] =	vst v16;
	v9 =	vadd.bf16 v9, v13;
	v62 =	vld [tilespmem:s11+$0x5660]  }
0xb1: {  	v63 =	vld [tilespmem:s11+$0x5670];
	[tilespmem:s11+$0x5600] =	vst v15;
	v8 =	vadd.bf16 v8, v12  }
0xb2: {  	[tilespmem:s11+$0x5610] =	vst v9;
	v7 =	vadd.bf16 v7, v10  }
0xb3: {  	[tilespmem:s11+$0x5620] =	vst v8;
	v6 =	vadd.bf16 v6, v11  }
0xb4: {  	[tilespmem:s11+$0x5630] =	vst v7;
	v5 =	vadd.bf16 v5, v14  }
0xb5: {  	[tilespmem:s11+$0x5640] =	vst v6;
	v4 =	vadd.bf16 v4, v62  }
0xb6: {  	s0 =	sadd.s32 s3, s0;
	s1 =	sadd.s32 $0x1, s1;
	v3 =	vadd.bf16 v3, v63;
	[tilespmem:s11+$0x5650] =	vst v5  }
0xb7: {  	s0 =	sshll.u32 s0, $0x5;
	p0 =	sne.s32 s1, $0xA4;
	[tilespmem:s11+$0x5660] =	vst v4  }
.Ltmp1:
0xb8: {  	s0 =	sadd.s32 s6, s0;
	[tilespmem:s11+$0x5670] =	vst v3;
	(pc) =	sbr.rel @p0 .LBB2_2-.Ltmp1, $4  }
0xb9: {  	[hbm4b:s0+s2] =	stream.linear.scatter [tilespmem:s12], [sflag:$0x3], $0x4000, $0x38;
	[tilespmem:$0xD200] =	vst v63  }
0xba: {  	_ =	swait.ge [sflag:s10], $0x4000  }
0xbb: {  	[sflag:s10] =	ssyncset.done $0x0  }
0xbc: {  	[sflag:s10] =	ssyncadd.s32 $0xFFFFC000  }
0xbd: {  	s1 =	rddreg [dreg:$0x5]  }
0xbe: {  	s0 =	rddreg [dreg:$0x4];
	s1 =	sadd.s32 $0x1, s1  }
0xbf: {  	p0 =	sne.s32 s1, s0  }
.Ltmp2:
0xc0: {  	_ = 	snop;
	(pc) =	sbr.rel @p0 .LBB2_1-.Ltmp2, $1  }
0xc1: {  	_ =	sdelay $0x3  }
0xc2: {  	_ =	sfence.sel $0x180000  }
0xc3: {  	[bflag:$0x0] =	sbarrier.arrive $0xFFFF  }
0xc4: {  	_ =	strace $0x90000047  }
0xc5: {  	s0 =	stileid.u32;
	[bflag:$0x2] =	sbarrier.arrive $0xFFFF  }
0xc6: {  	p0 =	sne.s32 s0, $0x0;
	s0 =	rddreg [dreg:$0x1]  }
0xc7: {  	s0 =	sadd.s32 @!p0 $0x100000, s0  }
0xc8: {  	[sflag:s0] =	ssyncadd.tile.s32 @!p0 $0x1;
	_ =	shalt  }
.Lfunc_end2:
_tile_overlayer_lowered:
.L_overlay_start_2:
0xc9: {  	(tag) =	ssettag $0x2  }
0xca: {  	s0 =	rddreg [dreg:$0x0];
	s2 =	stileid.u32  }
0xcb: {  	s1 =	rddreg [dreg:$0x1];
	p0 =	sne.s32 s2, $0x0  }
0xcc: {  	s3 =	rddreg [dreg:$0x2];
	[bflag:$0x3] =	sbarrier.arrive $0xFFFF;
	s2 =	simm.s32 @!p0 $0x1C03  }
0xcd: {  	[timem:s3], [sflag:s2] =	dma.local @!p0 [hbm:s0], s1  }
0xce: {  	s0 =	simm.s32 @!p0 $0x3  }
0xcf: {  	_ =	swait.ge @!p0 [sflag:s0], s1  }
0xd0: {  	s1 =	ssub.s32 @!p0 $0x0, s1;
	[sflag:s0] =	ssyncset.done @!p0 $0x0  }
0xd1: {  	[sflag:s0] =	ssyncadd.s32 @!p0 s1  }
0xd2: {  	[bflag:$0x3] =	sbarrier.arrive $0xFFFF  }
0xd3: {  	_ =	shalt  }

</sc_bundles>
